<compile_context>
chip_gen: v7x
topology: tpu7x:2x2x1
jax: 0.10.2.dev20260603
libtpu: 0.0.44.dev20260713+nightly
codegen_flags: <defaults>
</compile_context>

<pallas_src>
import functools
import math

import jax
import jax.numpy as jnp
from jax import lax
from jax.experimental import pallas as pl
from jax.experimental.pallas import tpu as pltpu
from jax.experimental.pallas import tpu_sc as plsc

N = 10000
E = 320000
EMB = 128
NB = 2
NG = 50
NF = 128
CUT = 10.0
NC = 119

SC_CORES = 2
SC_SUBCORES = 16
NW = SC_CORES * SC_SUBCORES
EW = E // NW
CH = 80
NCH = EW // CH
RSTEP = 624
RSLAB = 640

TE = 3200
NTE = E // TE
RT = 1000
NRT = N // RT

KPAD = 56
_LOG2 = math.log(2.0)
_DELTA = CUT / (NG - 1)
_COEFF = -0.5 / _DELTA ** 2


def _ssp(v):
    return (jnp.log(1.0 + jnp.exp(jnp.minimum(v, 60.0)))
            + jnp.maximum(v - 60.0, 0.0) - _LOG2)


def _sc_mesh():
    return plsc.VectorSubcoreMesh(
        core_axis_name="c", subcore_axis_name="s",
        num_cores=SC_CORES, num_subcores=SC_SUBCORES)



def _sc_d2_body(px_h, py_h, pz_h, row_h, col_h, d2_h,
                px_v, py_v, pz_v, row_v, col_v, d2_v):
    cid = lax.axis_index("c")
    sid = lax.axis_index("s")
    wid = cid * SC_SUBCORES + sid
    pltpu.sync_copy(px_h, px_v)
    pltpu.sync_copy(py_h, py_v)
    pltpu.sync_copy(pz_h, pz_v)
    base = wid * EW
    pltpu.sync_copy(row_h.at[pl.ds(base, EW)], row_v)
    pltpu.sync_copy(col_h.at[pl.ds(base, EW)], col_v)

    def body(i, carry):
        s = pl.ds(i * 16, 16)
        r = row_v[s]
        c = col_v[s]
        dx = plsc.load_gather(px_v, [r]) - plsc.load_gather(px_v, [c])
        dy = plsc.load_gather(py_v, [r]) - plsc.load_gather(py_v, [c])
        dz = plsc.load_gather(pz_v, [r]) - plsc.load_gather(pz_v, [c])
        d2_v[s] = dx * dx + dy * dy + dz * dz
        return carry

    lax.fori_loop(0, EW // 16, body, 0)
    pltpu.sync_copy(d2_v, d2_h.at[pl.ds(base, EW)])


def _sc_d2(px, py, pz, row, col):
    f = pl.kernel(
        _sc_d2_body,
        out_type=jax.ShapeDtypeStruct((E,), jnp.float32),
        mesh=_sc_mesh(),
        compiler_params=pltpu.CompilerParams(needs_layout_passes=False, use_tc_tiling_on_sc=False),
        scratch_types=[
            pltpu.VMEM((N,), jnp.float32),
            pltpu.VMEM((N,), jnp.float32),
            pltpu.VMEM((N,), jnp.float32),
            pltpu.VMEM((EW,), jnp.int32),
            pltpu.VMEM((EW,), jnp.int32),
            pltpu.VMEM((EW,), jnp.float32),
        ],
    )
    return f(px, py, pz, row, col)



def _sc_msg_body(wc_h, hx_h, row_h, col_h, aggp_h,
                 agg_sh, hxg_v, wc_v, row_v, col_v, sem_idx, sem_wc, sem_g):
    cid = lax.axis_index("c")
    sid = lax.axis_index("s")
    wid = cid * SC_SUBCORES + sid
    wbase = wid * EW

    @plsc.parallel_loop(0, CH, 1, unroll=4)
    def _(r):
        for j in range(EMB // 16):
            hxg_v[0, r, pl.ds(j * 16, 16)] = jnp.zeros((16,), jnp.float32)

    def zcopy(i, carry):
        pltpu.sync_copy(hxg_v.at[0], agg_sh.at[pl.ds(sid * RSTEP + i * CH, CH)])
        return carry

    lax.fori_loop(0, RSLAB // CH, zcopy, 0)
    plsc.subcore_barrier()

    def issue_idx(k, p):
        base = wbase + k * CH
        pltpu.async_copy(row_h.at[pl.ds(base, CH)], row_v.at[p], sem_idx.at[p])
        pltpu.async_copy(col_h.at[pl.ds(base, CH)], col_v.at[p], sem_idx.at[p])
        pltpu.async_copy(wc_h.at[pl.ds(base, CH)], wc_v.at[p], sem_wc.at[p])

    def wait_idx(p):
        pltpu.make_async_copy(row_h.at[pl.ds(0, CH)], row_v.at[p],
                              sem_idx.at[p]).wait()
        pltpu.make_async_copy(col_h.at[pl.ds(0, CH)], col_v.at[p],
                              sem_idx.at[p]).wait()

    def issue_gather(p):
        pltpu.async_copy(hx_h.at[row_v.at[p]], hxg_v.at[p], sem_g.at[p])

    def process(p, np_, last):
        if not last:
            wait_idx(np_)
            issue_gather(np_)
        pltpu.make_async_copy(hx_h.at[row_v.at[p]], hxg_v.at[p],
                              sem_g.at[p]).wait()
        pltpu.make_async_copy(wc_h.at[pl.ds(0, CH)], wc_v.at[p],
                              sem_wc.at[p]).wait()

        @plsc.parallel_loop(0, CH, 1, unroll=4)
        def _(r):
            for j in range(EMB // 16):
                s = pl.ds(j * 16, 16)
                hxg_v[p, r, s] = hxg_v[p, r, s] * wc_v[p, r, s]

        pltpu.sync_copy(hxg_v.at[p], agg_sh.at[col_v.at[p]], add=True)

    issue_idx(0, 0)
    issue_idx(1, 1)
    wait_idx(0)
    issue_gather(0)

    def pair(g, carry):
        k0 = g * 2
        process(0, 1, False)
        issue_idx(k0 + 2, 0)
        process(1, 0, False)

        @pl.when(k0 + 3 < NCH)
        def _():
            issue_idx(k0 + 3, 1)

        return carry

    lax.fori_loop(0, NCH // 2, pair, 0)
    process(0, 1, True)

    plsc.subcore_barrier()
    pltpu.sync_copy(agg_sh.at[pl.ds(sid * RSTEP, RSLAB)],
                    aggp_h.at[cid, pl.ds(sid * RSTEP, RSLAB)])


def _sc_msg(wc, hx, row, col):
    f = pl.kernel(
        _sc_msg_body,
        out_type=jax.ShapeDtypeStruct((SC_CORES, N, EMB), jnp.float32),
        mesh=_sc_mesh(),
        compiler_params=pltpu.CompilerParams(needs_layout_passes=False, use_tc_tiling_on_sc=False),
        scratch_types=[
            pltpu.VMEM_SHARED((N, EMB), jnp.float32),
            pltpu.VMEM((2, CH, EMB), jnp.float32),
            pltpu.VMEM((2, CH, EMB), jnp.float32),
            pltpu.VMEM((2, CH), jnp.int32),
            pltpu.VMEM((2, CH), jnp.int32),
            pltpu.SemaphoreType.DMA((2,)),
            pltpu.SemaphoreType.DMA((2,)),
            pltpu.SemaphoreType.DMA((2,)),
        ],
    )
    return f(wc, hx, row, col)



def _tc_wc_body(d2_ref, w1_ref, b1_ref, w2_ref, b2_ref, out_ref):
    d2 = d2_ref[0, 0, :]
    dist = jnp.sqrt(d2 + 1e-12)
    ki = lax.broadcasted_iota(jnp.int32, (1, KPAD), 1)
    offs = jnp.where(ki < NG, ki.astype(jnp.float32) * _DELTA, 0.0)
    dd = dist.reshape(TE, 1) - offs
    ea = jnp.exp(_COEFF * (dd * dd))
    t = jnp.dot(ea, w1_ref[...], preferred_element_type=jnp.float32) + b1_ref[...]
    t = _ssp(t)
    w = jnp.dot(t, w2_ref[...], preferred_element_type=jnp.float32) + b2_ref[...]
    cfac = 0.5 * (jnp.cos(dist * (math.pi / CUT)) + 1.0)
    out_ref[0] = w * cfac.reshape(TE, 1)


def _tc_wc(d2, w1p, b1, w2, b2):
    return pl.pallas_call(
        _tc_wc_body,
        grid=(NTE,),
        in_specs=[
            pl.BlockSpec((1, 1, TE), lambda e: (e, 0, 0)),
            pl.BlockSpec((KPAD, NF), lambda e: (0, 0)),
            pl.BlockSpec((1, NF), lambda e: (0, 0)),
            pl.BlockSpec((NF, NF), lambda e: (0, 0)),
            pl.BlockSpec((1, NF), lambda e: (0, 0)),
        ],
        out_specs=pl.BlockSpec((1, TE, EMB), lambda e: (e, 0, 0)),
        out_shape=jax.ShapeDtypeStruct((NTE, TE, EMB), jnp.float32),
    )(d2, w1p, b1, w2, b2)



def _tc_embed_body(x_ref, emb_ref, l1_ref, h_ref, hx_ref):
    xv = x_ref[0, 0, :]
    oh = (xv.reshape(RT, 1)
          == lax.broadcasted_iota(jnp.int32, (RT, 128), 1)).astype(jnp.float32)
    h = jnp.dot(oh, emb_ref[...], preferred_element_type=jnp.float32)
    h_ref[...] = h
    hx_ref[...] = jnp.dot(h, l1_ref[...], preferred_element_type=jnp.float32)


def _tc_embed(x3, embp, l1):
    return pl.pallas_call(
        _tc_embed_body,
        grid=(NRT,),
        in_specs=[
            pl.BlockSpec((1, 1, RT), lambda i: (i, 0, 0)),
            pl.BlockSpec((128, EMB), lambda i: (0, 0)),
            pl.BlockSpec((EMB, NF), lambda i: (0, 0)),
        ],
        out_specs=[
            pl.BlockSpec((RT, EMB), lambda i: (i, 0)),
            pl.BlockSpec((RT, NF), lambda i: (i, 0)),
        ],
        out_shape=[
            jax.ShapeDtypeStruct((N, EMB), jnp.float32),
            jax.ShapeDtypeStruct((N, NF), jnp.float32),
        ],
    )(x3, embp, l1)



def _tc_nodemlp_body(aggp_ref, w2l_ref, b2l_ref, wl_ref, bl_ref, y_ref, st_ref):
    a = aggp_ref[0] + aggp_ref[1]
    t = _ssp(jnp.dot(a, w2l_ref[...], preferred_element_type=jnp.float32)
             + b2l_ref[...])
    y = jnp.dot(t, wl_ref[...], preferred_element_type=jnp.float32) + bl_ref[...]
    y_ref[...] = y

    @pl.when(pl.program_id(0) == 0)
    def _():
        st_ref[...] = jnp.zeros((8, 128), jnp.float32)

    st_ref[0:1, :] += jnp.sum(y, axis=0, keepdims=True)
    st_ref[1:2, :] += jnp.sum(y * y, axis=0, keepdims=True)


def _tc_nodemlp(aggp, w2l, b2l, wl, bl):
    return pl.pallas_call(
        _tc_nodemlp_body,
        grid=(NRT,),
        in_specs=[
            pl.BlockSpec((SC_CORES, RT, EMB), lambda i: (0, i, 0)),
            pl.BlockSpec((NF, NF), lambda i: (0, 0)),
            pl.BlockSpec((1, NF), lambda i: (0, 0)),
            pl.BlockSpec((NF, EMB), lambda i: (0, 0)),
            pl.BlockSpec((1, EMB), lambda i: (0, 0)),
        ],
        out_specs=[
            pl.BlockSpec((RT, EMB), lambda i: (i, 0)),
            pl.BlockSpec((8, 128), lambda i: (0, 0)),
        ],
        out_shape=[
            jax.ShapeDtypeStruct((N, EMB), jnp.float32),
            jax.ShapeDtypeStruct((8, 128), jnp.float32),
        ],
    )(aggp, w2l, b2l, wl, bl)



def _tc_norm_body(with_hx, y_ref, st_ref, h0_ref, l1_ref, h_ref, hx_ref=None):
    mean = st_ref[0:1, :] * (1.0 / N)
    ex2 = st_ref[1:2, :] * (1.0 / N)
    var = ex2 - mean * mean
    inv = lax.rsqrt(var + 1e-5)
    hn = (y_ref[...] - mean) * inv + h0_ref[...]
    h_ref[...] = hn
    if with_hx:
        hx_ref[...] = jnp.dot(hn, l1_ref[...], preferred_element_type=jnp.float32)


def _tc_norm(y, st, h0, l1, with_hx):
    out_specs = [pl.BlockSpec((RT, EMB), lambda i: (i, 0))]
    out_shape = [jax.ShapeDtypeStruct((N, EMB), jnp.float32)]
    if with_hx:
        out_specs.append(pl.BlockSpec((RT, NF), lambda i: (i, 0)))
        out_shape.append(jax.ShapeDtypeStruct((N, NF), jnp.float32))
    res = pl.pallas_call(
        functools.partial(_tc_norm_body, with_hx),
        grid=(NRT,),
        in_specs=[
            pl.BlockSpec((RT, EMB), lambda i: (i, 0)),
            pl.BlockSpec((8, 128), lambda i: (0, 0)),
            pl.BlockSpec((RT, EMB), lambda i: (i, 0)),
            pl.BlockSpec((EMB, NF), lambda i: (0, 0)),
        ],
        out_specs=out_specs,
        out_shape=out_shape,
    )(y, st, h0, l1)
    return res



def kernel(x, positions, batch, edge_index, emb_table, mlp_w1, mlp_b1,
           mlp_w2, mlp_b2, lin1_w, lin2_w, lin2_b, lin_w, lin_b):
    row = edge_index[0]
    col = edge_index[1]
    px = positions[:, 0]
    py = positions[:, 1]
    pz = positions[:, 2]

    d2 = _sc_d2(px, py, pz, row, col)

    d2r = d2.reshape(NTE, 1, TE)
    w1p = jnp.zeros((NB, KPAD, NF), jnp.float32).at[:, :NG, :].set(mlp_w1)

    wc0 = _tc_wc(d2r, w1p[0], mlp_b1[0].reshape(1, NF),
                 mlp_w2[0], mlp_b2[0].reshape(1, NF)).reshape(E, EMB)

    embp = jnp.zeros((128, EMB), jnp.float32).at[:NC].set(emb_table)
    h0, hx0 = _tc_embed(x.reshape(NRT, 1, RT), embp, lin1_w[0])

    aggp0 = _sc_msg(wc0, hx0, row, col)
    wc1 = _tc_wc(d2r, w1p[1], mlp_b1[1].reshape(1, NF),
                 mlp_w2[1], mlp_b2[1].reshape(1, NF)).reshape(E, EMB)
    y0, st0 = _tc_nodemlp(aggp0, lin2_w[0], lin2_b[0].reshape(1, NF),
                          lin_w[0], lin_b[0].reshape(1, EMB))
    h1, hx1 = _tc_norm(y0, st0, h0, lin1_w[1], with_hx=True)

    aggp1 = _sc_msg(wc1, hx1, row, col)
    y1, st1 = _tc_nodemlp(aggp1, lin2_w[1], lin2_b[1].reshape(1, NF),
                          lin_w[1], lin_b[1].reshape(1, EMB))
    (h2,) = _tc_norm(y1, st1, h0, lin1_w[1], with_hx=False)
    return h2

# --- scband reference (transcript-rebuilt; emitter-appended) ---
"""Pipeline reference for scband-interactor-79559974191287 (READ-ONLY COPY).

The authoritative reference and input builder live on the scoring server;
editing this copy changes nothing except your own understanding.
"""

import jax, jax.numpy as jnp
import numpy as np

N = 10000
E = 320000
EMB = 128
NB = 2
NG = 50
NF = 128
CUT = 10.0
NC = 119

def ssp(x):
    return jax.nn.softplus(x) - jnp.log(2.0)

def setup_inputs(seed: int = 0):
    key = jax.random.key(seed)
    ks = jax.random.split(key, 16)
    x = jax.random.randint(ks[0], (N,), 0, NC, dtype=jnp.int32)
    positions = jax.random.normal(ks[1], (N, 3), dtype=jnp.float32) * 3.0
    batch = jnp.zeros((N,), dtype=jnp.int32)
    edge_index = jax.random.randint(ks[2], (2, E), 0, N, dtype=jnp.int32)
    s = 1.0 / np.sqrt(EMB)
    emb_table = jax.random.normal(ks[3], (NC, EMB), dtype=jnp.float32) * s
    mlp_w1 = jax.random.normal(ks[4], (NB, NG, NF), dtype=jnp.float32) * (1.0 / np.sqrt(NG))
    mlp_b1 = jnp.zeros((NB, NF), dtype=jnp.float32)
    mlp_w2 = jax.random.normal(ks[5], (NB, NF, NF), dtype=jnp.float32) * (1.0 / np.sqrt(NF))
    mlp_b2 = jnp.zeros((NB, NF), dtype=jnp.float32)
    lin1_w = jax.random.normal(ks[6], (NB, EMB, NF), dtype=jnp.float32) * s
    lin2_w = jax.random.normal(ks[7], (NB, NF, EMB), dtype=jnp.float32) * (1.0 / np.sqrt(NF))
    lin2_b = jnp.zeros((NB, EMB), dtype=jnp.float32)
    lin_w = jax.random.normal(ks[8], (NB, EMB, EMB), dtype=jnp.float32) * s
    lin_b = jnp.zeros((NB, EMB), dtype=jnp.float32)
    return {"x": x, "positions": positions, "batch": batch, "edge_index": edge_index,
            "emb_table": emb_table, "mlp_w1": mlp_w1, "mlp_b1": mlp_b1,
            "mlp_w2": mlp_w2, "mlp_b2": mlp_b2, "lin1_w": lin1_w,
            "lin2_w": lin2_w, "lin2_b": lin2_b, "lin_w": lin_w, "lin_b": lin_b}

def _forward(positions, emb_table, mlp_w1, mlp_b1, mlp_w2, mlp_b2, lin1_w, lin2_w, lin2_b, lin_w, lin_b, x, batch, edge_index):
    row = edge_index[0]
    col = edge_index[1]
    diff = positions[row] - positions[col]
    dist = jnp.sqrt(jnp.sum(diff * diff, axis=-1) + 1e-12)
    offset = jnp.linspace(0.0, CUT, NG)
    coeff = -0.5 / (offset[1] - offset[0]) ** 2
    edge_attr = jnp.exp(coeff * (dist[:, None] - offset[None, :]) ** 2)
    C = 0.5 * (jnp.cos(dist * jnp.pi / CUT) + 1.0)
    h = emb_table[x]
    prev = h
    for i in range(NB):
        W = ssp(edge_attr @ mlp_w1[i] + mlp_b1[i]) @ mlp_w2[i] + mlp_b2[i]
        W = W * C[:, None]
        hx = h @ lin1_w[i]
        msg = hx[row] * W
        agg = jax.ops.segment_sum(msg, col, num_segments=N)
        out = agg @ lin2_w[i] + lin2_b[i]
        out = ssp(out)
        out = out @ lin_w[i] + lin_b[i]
        mean = jnp.mean(out, axis=0, keepdims=True)
        var = jnp.var(out, axis=0, keepdims=True)
        out = (out - mean) / jnp.sqrt(var + 1e-5)
        h = out + prev
    return h

def reference(x, positions, batch, edge_index, emb_table, mlp_w1, mlp_b1, mlp_w2, mlp_b2, lin1_w, lin2_w, lin2_b, lin_w, lin_b):
    return _forward(positions, emb_table, mlp_w1, mlp_b1, mlp_w2, mlp_b2, lin1_w, lin2_w, lin2_b, lin_w, lin_b, x, batch, edge_index)

if __name__ == "__main__":
    import jax
    _d = setup_inputs()
    print(jax.jit(kernel)(*tuple(_d.values())))

</pallas_src>

<mosaic_0001>
#map = affine_map<(d0, d1) -> (0, 0)>
#map1 = affine_map<(d0, d1) -> (0)>
#map2 = affine_map<(d0, d1) -> (0, 0, 0)>
module attributes {stable_mosaic.version = 14 : i64} {
  func.func @_sc_msg_body(%arg0: i32, %arg1: i32, %arg2: memref<320000x128xf32, #tpu.memory_space<hbm>>, %arg3: memref<10000x128xf32, #tpu.memory_space<hbm>>, %arg4: memref<320000xi32, #tpu.memory_space<hbm>>, %arg5: memref<320000xi32, #tpu.memory_space<hbm>>, %arg6: memref<2x10000x128xf32, #tpu.memory_space<hbm>>, %arg7: memref<10000x128xf32, #tpu.memory_space<vmem_shared>>, %arg8: memref<2x80x128xf32, #tpu.memory_space<vmem>>, %arg9: memref<2x80x128xf32, #tpu.memory_space<vmem>>, %arg10: memref<2x80xi32, #tpu.memory_space<vmem>>, %arg11: memref<2x80xi32, #tpu.memory_space<vmem>>, %arg12: memref<2x!tpu.dma_semaphore, #tpu.memory_space<semaphore_mem>>, %arg13: memref<2x!tpu.dma_semaphore, #tpu.memory_space<semaphore_mem>>, %arg14: memref<2x!tpu.dma_semaphore, #tpu.memory_space<semaphore_mem>>) attributes {dimension_semantics = [#tpu.dimension_semantics<core_parallel>, #tpu.dimension_semantics<subcore_parallel>], iteration_bounds = array<i64: 2, 16>, scalar_prefetch = 0 : i64, scratch_operands = 8 : i64, tpu.core_type = #tpu.core_type<sc_vector_subcore>, window_params = [{transform_indices = #map}, {transform_indices = #map}, {transform_indices = #map1}, {transform_indices = #map1}, {transform_indices = #map2}]} {
    %mul3A = arith.constant 16 : i32
    %mul3A_0 = arith.muli %arg0, %mul3A : i32
    %add3A = arith.addi %mul3A_0, %arg1 : i32
    %mul3A_1 = arith.constant 10000 : i32
    %mul3A_2 = arith.muli %add3A, %mul3A_1 : i32
    %parallel_loop3A = arith.constant 0 : i32
    %parallel_loop3A_3 = arith.constant 80 : i32
    %parallel_loop3A_4 = arith.constant 1 : i32
    scf.for %parallel_loop3A_183 = %parallel_loop3A to %parallel_loop3A_3 step %parallel_loop3A_4  : i32 {
      %parallel_loop3A_184 = arith.constant 0.000000e+00 : f32
      %parallel_loop3A_185 = vector.broadcast %parallel_loop3A_184 : f32 to vector<16xf32>
      %parallel_loop3A_186 = arith.constant 0 : i32
      %parallel_loop3A_187 = arith.index_cast %parallel_loop3A_186 : i32 to index
      %parallel_loop3A_188 = arith.index_cast %parallel_loop3A_183 : i32 to index
      %parallel_loop3A_189 = arith.constant 0 : index
      %parallel_loop3A_190 = tpu.vector_load %arg8[%parallel_loop3A_187, %parallel_loop3A_188, %parallel_loop3A_189] {strides = array<i32>} : memref<2x80x128xf32, #tpu.memory_space<vmem>>, vector<16xf32>,
      tpu.vector_store %arg8[%parallel_loop3A_187, %parallel_loop3A_188, %parallel_loop3A_189], %parallel_loop3A_185 {strides = array<i32>} : memref<2x80x128xf32, #tpu.memory_space<vmem>>, vector<16xf32>,
      %parallel_loop3A_191 = arith.constant 0.000000e+00 : f32
      %parallel_loop3A_192 = vector.broadcast %parallel_loop3A_191 : f32 to vector<16xf32>
      %parallel_loop3A_193 = arith.constant 0 : i32
      %parallel_loop3A_194 = arith.index_cast %parallel_loop3A_193 : i32 to index
      %parallel_loop3A_195 = arith.index_cast %parallel_loop3A_183 : i32 to index
      %parallel_loop3A_196 = arith.constant 16 : index
      %parallel_loop3A_197 = tpu.vector_load %arg8[%parallel_loop3A_194, %parallel_loop3A_195, %parallel_loop3A_196] {strides = array<i32>} : memref<2x80x128xf32, #tpu.memory_space<vmem>>, vector<16xf32>,
      tpu.vector_store %arg8[%parallel_loop3A_194, %parallel_loop3A_195, %parallel_loop3A_196], %parallel_loop3A_192 {strides = array<i32>} : memref<2x80x128xf32, #tpu.memory_space<vmem>>, vector<16xf32>,
      %parallel_loop3A_198 = arith.constant 0.000000e+00 : f32
      %parallel_loop3A_199 = vector.broadcast %parallel_loop3A_198 : f32 to vector<16xf32>
      %parallel_loop3A_200 = arith.constant 0 : i32
      %parallel_loop3A_201 = arith.index_cast %parallel_loop3A_200 : i32 to index
      %parallel_loop3A_202 = arith.index_cast %parallel_loop3A_183 : i32 to index
      %parallel_loop3A_203 = arith.constant 32 : index
      %parallel_loop3A_204 = tpu.vector_load %arg8[%parallel_loop3A_201, %parallel_loop3A_202, %parallel_loop3A_203] {strides = array<i32>} : memref<2x80x128xf32, #tpu.memory_space<vmem>>, vector<16xf32>,
      tpu.vector_store %arg8[%parallel_loop3A_201, %parallel_loop3A_202, %parallel_loop3A_203], %parallel_loop3A_199 {strides = array<i32>} : memref<2x80x128xf32, #tpu.memory_space<vmem>>, vector<16xf32>,
      %parallel_loop3A_205 = arith.constant 0.000000e+00 : f32
      %parallel_loop3A_206 = vector.broadcast %parallel_loop3A_205 : f32 to vector<16xf32>
      %parallel_loop3A_207 = arith.constant 0 : i32
      %parallel_loop3A_208 = arith.index_cast %parallel_loop3A_207 : i32 to index
      %parallel_loop3A_209 = arith.index_cast %parallel_loop3A_183 : i32 to index
      %parallel_loop3A_210 = arith.constant 48 : index
      %parallel_loop3A_211 = tpu.vector_load %arg8[%parallel_loop3A_208, %parallel_loop3A_209, %parallel_loop3A_210] {strides = array<i32>} : memref<2x80x128xf32, #tpu.memory_space<vmem>>, vector<16xf32>,
      tpu.vector_store %arg8[%parallel_loop3A_208, %parallel_loop3A_209, %parallel_loop3A_210], %parallel_loop3A_206 {strides = array<i32>} : memref<2x80x128xf32, #tpu.memory_space<vmem>>, vector<16xf32>,
      %parallel_loop3A_212 = arith.constant 0.000000e+00 : f32
      %parallel_loop3A_213 = vector.broadcast %parallel_loop3A_212 : f32 to vector<16xf32>
      %parallel_loop3A_214 = arith.constant 0 : i32
      %parallel_loop3A_215 = arith.index_cast %parallel_loop3A_214 : i32 to index
      %parallel_loop3A_216 = arith.index_cast %parallel_loop3A_183 : i32 to index
      %parallel_loop3A_217 = arith.constant 64 : index
      %parallel_loop3A_218 = tpu.vector_load %arg8[%parallel_loop3A_215, %parallel_loop3A_216, %parallel_loop3A_217] {strides = array<i32>} : memref<2x80x128xf32, #tpu.memory_space<vmem>>, vector<16xf32>,
      tpu.vector_store %arg8[%parallel_loop3A_215, %parallel_loop3A_216, %parallel_loop3A_217], %parallel_loop3A_213 {strides = array<i32>} : memref<2x80x128xf32, #tpu.memory_space<vmem>>, vector<16xf32>,
      %parallel_loop3A_219 = arith.constant 0.000000e+00 : f32
      %parallel_loop3A_220 = vector.broadcast %parallel_loop3A_219 : f32 to vector<16xf32>
      %parallel_loop3A_221 = arith.constant 0 : i32
      %parallel_loop3A_222 = arith.index_cast %parallel_loop3A_221 : i32 to index
      %parallel_loop3A_223 = arith.index_cast %parallel_loop3A_183 : i32 to index
      %parallel_loop3A_224 = arith.constant 80 : index
      %parallel_loop3A_225 = tpu.vector_load %arg8[%parallel_loop3A_222, %parallel_loop3A_223, %parallel_loop3A_224] {strides = array<i32>} : memref<2x80x128xf32, #tpu.memory_space<vmem>>, vector<16xf32>,
      tpu.vector_store %arg8[%parallel_loop3A_222, %parallel_loop3A_223, %parallel_loop3A_224], %parallel_loop3A_220 {strides = array<i32>} : memref<2x80x128xf32, #tpu.memory_space<vmem>>, vector<16xf32>,
      %parallel_loop3A_226 = arith.constant 0.000000e+00 : f32
      %parallel_loop3A_227 = vector.broadcast %parallel_loop3A_226 : f32 to vector<16xf32>
      %parallel_loop3A_228 = arith.constant 0 : i32
      %parallel_loop3A_229 = arith.index_cast %parallel_loop3A_228 : i32 to index
      %parallel_loop3A_230 = arith.index_cast %parallel_loop3A_183 : i32 to index
      %parallel_loop3A_231 = arith.constant 96 : index
      %parallel_loop3A_232 = tpu.vector_load %arg8[%parallel_loop3A_229, %parallel_loop3A_230, %parallel_loop3A_231] {strides = array<i32>} : memref<2x80x128xf32, #tpu.memory_space<vmem>>, vector<16xf32>,
      tpu.vector_store %arg8[%parallel_loop3A_229, %parallel_loop3A_230, %parallel_loop3A_231], %parallel_loop3A_227 {strides = array<i32>} : memref<2x80x128xf32, #tpu.memory_space<vmem>>, vector<16xf32>,
      %parallel_loop3A_233 = arith.constant 0.000000e+00 : f32
      %parallel_loop3A_234 = vector.broadcast %parallel_loop3A_233 : f32 to vector<16xf32>
      %parallel_loop3A_235 = arith.constant 0 : i32
      %parallel_loop3A_236 = arith.index_cast %parallel_loop3A_235 : i32 to index
      %parallel_loop3A_237 = arith.index_cast %parallel_loop3A_183 : i32 to index
      %parallel_loop3A_238 = arith.constant 112 : index
      %parallel_loop3A_239 = tpu.vector_load %arg8[%parallel_loop3A_236, %parallel_loop3A_237, %parallel_loop3A_238] {strides = array<i32>} : memref<2x80x128xf32, #tpu.memory_space<vmem>>, vector<16xf32>,
      tpu.vector_store %arg8[%parallel_loop3A_236, %parallel_loop3A_237, %parallel_loop3A_238], %parallel_loop3A_234 {strides = array<i32>} : memref<2x80x128xf32, #tpu.memory_space<vmem>>, vector<16xf32>,
    } {sc.loop_unroll_factor = 4 : i64, sc.parallel_access}
    %scan3A = arith.constant 0 : i32
    %scan3A_5 = arith.constant 0 : i32
    %scan3A_6 = arith.constant 8 : i32
    %scan3A_7 = arith.addi %scan3A_5, %scan3A_6 : i32
    %scan3A_8 = arith.constant 1 : i32
    scf.for %scan3A_183 = %scan3A_5 to %scan3A_7 step %scan3A_8  : i32 {
      %mul3A_184 = arith.constant 624 : i32
      %mul3A_185 = arith.muli %arg1, %mul3A_184 : i32
      %mul3A_186 = arith.constant 80 : i32
      %mul3A_187 = arith.muli %scan3A_183, %mul3A_186 : i32
      %add3A_188 = arith.addi %mul3A_185, %mul3A_187 : i32
      %run_scoped3A_189 = arith.constant 0 : i32
      "tpu.region"() ({
        %run_scoped3A_190 = tpu.sem_alloc : memref<!tpu.dma_semaphore, #tpu.memory_space<semaphore_mem>>
        %dma_start3A_191 = arith.constant 0 : i32
        %dma_start3A_192 = arith.constant 0 : i32
        %dma_start3A_193 = tpu.memref_slice %arg8[%run_scoped3A_189, %dma_start3A_191, %dma_start3A_192] : memref<2x80x128xf32, #tpu.memory_space<vmem>> -> memref<1x80x128xf32, #tpu.memory_space<vmem>>
        %dma_start3A_194 = tpu.memref_squeeze %dma_start3A_193 : memref<1x80x128xf32, #tpu.memory_space<vmem>> -> memref<80x128xf32, #tpu.memory_space<vmem>>
        %dma_start3A_195 = arith.constant 0 : i32
        %dma_start3A_196 = tpu.memref_slice %arg7[%add3A_188, %dma_start3A_195] : memref<10000x128xf32, #tpu.memory_space<vmem_shared>> -> memref<80x128xf32, #tpu.memory_space<vmem_shared>>
        %dma_start3A_197 = arith.constant 0 : i32
        %dma_start3A_198 = tpu.memref_slice %arg7[%add3A_188, %dma_start3A_197] : memref<10000x128xf32, #tpu.memory_space<vmem_shared>> -> memref<80x128xf32, #tpu.memory_space<vmem_shared>>
        %dma_start3A_199 = arith.constant 0 : i32
        %dma_start3A_200 = arith.constant 0 : i32
        %dma_start3A_201 = tpu.memref_slice %arg8[%run_scoped3A_189, %dma_start3A_199, %dma_start3A_200] : memref<2x80x128xf32, #tpu.memory_space<vmem>> -> memref<1x80x128xf32, #tpu.memory_space<vmem>>
        %dma_start3A_202 = tpu.memref_squeeze %dma_start3A_201 : memref<1x80x128xf32, #tpu.memory_space<vmem>> -> memref<80x128xf32, #tpu.memory_space<vmem>>
        tpu.enqueue_dma source(%dma_start3A_202 : memref<80x128xf32, #tpu.memory_space<vmem>>) target(%dma_start3A_198 : memref<80x128xf32, #tpu.memory_space<vmem_shared>>) target_semaphore(%run_scoped3A_190 : memref<!tpu.dma_semaphore, #tpu.memory_space<semaphore_mem>>)
        %dma_wait3A_203 = arith.constant 0 : i32
        %dma_wait3A_204 = arith.constant 0 : i32
        %dma_wait3A_205 = tpu.memref_slice %arg8[%run_scoped3A_189, %dma_wait3A_203, %dma_wait3A_204] : memref<2x80x128xf32, #tpu.memory_space<vmem>> -> memref<1x80x128xf32, #tpu.memory_space<vmem>>
        %dma_wait3A_206 = tpu.memref_squeeze %dma_wait3A_205 : memref<1x80x128xf32, #tpu.memory_space<vmem>> -> memref<80x128xf32, #tpu.memory_space<vmem>>
        %dma_wait3A_207 = arith.constant 0 : i32
        %dma_wait3A_208 = tpu.memref_slice %arg7[%add3A_188, %dma_wait3A_207] : memref<10000x128xf32, #tpu.memory_space<vmem_shared>> -> memref<80x128xf32, #tpu.memory_space<vmem_shared>>
        %dma_wait3A_209 = arith.constant 0 : i32
        %dma_wait3A_210 = tpu.memref_slice %arg7[%add3A_188, %dma_wait3A_209] : memref<10000x128xf32, #tpu.memory_space<vmem_shared>> -> memref<80x128xf32, #tpu.memory_space<vmem_shared>>
        %dma_wait3A_211 = arith.constant 0 : i32
        %dma_wait3A_212 = arith.constant 0 : i32
        %dma_wait3A_213 = tpu.memref_slice %arg8[%run_scoped3A_189, %dma_wait3A_211, %dma_wait3A_212] : memref<2x80x128xf32, #tpu.memory_space<vmem>> -> memref<1x80x128xf32, #tpu.memory_space<vmem>>
        %dma_wait3A_214 = tpu.memref_squeeze %dma_wait3A_213 : memref<1x80x128xf32, #tpu.memory_space<vmem>> -> memref<80x128xf32, #tpu.memory_space<vmem>>
        tpu.wait_dma2 semaphore(%run_scoped3A_190 : memref<!tpu.dma_semaphore, #tpu.memory_space<semaphore_mem>>) src(%dma_wait3A_214 : memref<80x128xf32, #tpu.memory_space<vmem>>) dst(%dma_wait3A_210 : memref<80x128xf32, #tpu.memory_space<vmem_shared>>)
        tpu.yield
      }) : () -> ()
    }
    %scan3A_9 = arith.constant 8 : i32
    %barrier3A = arith.constant 0 : index
    tpu.barrier barrier_id(%barrier3A)
    %add3A_10 = arith.constant 0 : i32
    %add3A_11 = arith.addi %mul3A_2, %add3A_10 : i32
    %dma_start3A = arith.constant 0 : i32
    %dma_start3A_12 = arith.constant 0 : i32
    %dma_start3A_13 = arith.constant 0 : i32
    %dma_start3A_14 = tpu.memref_slice %arg10[%dma_start3A, %dma_start3A_13] : memref<2x80xi32, #tpu.memory_space<vmem>> -> memref<1x80xi32, #tpu.memory_space<vmem>>
    %dma_start3A_15 = tpu.memref_squeeze %dma_start3A_14 : memref<1x80xi32, #tpu.memory_space<vmem>> -> memref<80xi32, #tpu.memory_space<vmem>>
    %dma_start3A_16 = tpu.memref_slice %arg4[%add3A_11] : memref<320000xi32, #tpu.memory_space<hbm>> -> memref<80xi32, #tpu.memory_space<hbm>>
    %dma_start3A_17 = tpu.memref_slice %arg12[%dma_start3A_12] : memref<2x!tpu.dma_semaphore, #tpu.memory_space<semaphore_mem>> -> memref<1x!tpu.dma_semaphore, #tpu.memory_space<semaphore_mem>>
    %dma_start3A_18 = tpu.memref_squeeze %dma_start3A_17 : memref<1x!tpu.dma_semaphore, #tpu.memory_space<semaphore_mem>> -> memref<!tpu.dma_semaphore, #tpu.memory_space<semaphore_mem>>
    %dma_start3A_19 = arith.constant 0 : i32
    %dma_start3A_20 = tpu.memref_slice %arg10[%dma_start3A, %dma_start3A_19] : memref<2x80xi32, #tpu.memory_space<vmem>> -> memref<1x80xi32, #tpu.memory_space<vmem>>
    %dma_start3A_21 = tpu.memref_squeeze %dma_start3A_20 : memref<1x80xi32, #tpu.memory_space<vmem>> -> memref<80xi32, #tpu.memory_space<vmem>>
    %dma_start3A_22 = tpu.memref_slice %arg4[%add3A_11] : memref<320000xi32, #tpu.memory_space<hbm>> -> memref<80xi32, #tpu.memory_space<hbm>>
    tpu.enqueue_dma source(%dma_start3A_22 : memref<80xi32, #tpu.memory_space<hbm>>) target(%dma_start3A_21 : memref<80xi32, #tpu.memory_space<vmem>>) target_semaphore(%dma_start3A_18 : memref<!tpu.dma_semaphore, #tpu.memory_space<semaphore_mem>>)
    %dma_start3A_23 = arith.constant 0 : i32
    %dma_start3A_24 = arith.constant 0 : i32
    %dma_start3A_25 = arith.constant 0 : i32
    %dma_start3A_26 = tpu.memref_slice %arg11[%dma_start3A_23, %dma_start3A_25] : memref<2x80xi32, #tpu.memory_space<vmem>> -> memref<1x80xi32, #tpu.memory_space<vmem>>
    %dma_start3A_27 = tpu.memref_squeeze %dma_start3A_26 : memref<1x80xi32, #tpu.memory_space<vmem>> -> memref<80xi32, #tpu.memory_space<vmem>>
    %dma_start3A_28 = tpu.memref_slice %arg5[%add3A_11] : memref<320000xi32, #tpu.memory_space<hbm>> -> memref<80xi32, #tpu.memory_space<hbm>>
    %dma_start3A_29 = tpu.memref_slice %arg12[%dma_start3A_24] : memref<2x!tpu.dma_semaphore, #tpu.memory_space<semaphore_mem>> -> memref<1x!tpu.dma_semaphore, #tpu.memory_space<semaphore_mem>>
    %dma_start3A_30 = tpu.memref_squeeze %dma_start3A_29 : memref<1x!tpu.dma_semaphore, #tpu.memory_space<semaphore_mem>> -> memref<!tpu.dma_semaphore, #tpu.memory_space<semaphore_mem>>
    %dma_start3A_31 = arith.constant 0 : i32
    %dma_start3A_32 = tpu.memref_slice %arg11[%dma_start3A_23, %dma_start3A_31] : memref<2x80xi32, #tpu.memory_space<vmem>> -> memref<1x80xi32, #tpu.memory_space<vmem>>
    %dma_start3A_33 = tpu.memref_squeeze %dma_start3A_32 : memref<1x80xi32, #tpu.memory_space<vmem>> -> memref<80xi32, #tpu.memory_space<vmem>>
    %dma_start3A_34 = tpu.memref_slice %arg5[%add3A_11] : memref<320000xi32, #tpu.memory_space<hbm>> -> memref<80xi32, #tpu.memory_space<hbm>>
    tpu.enqueue_dma source(%dma_start3A_34 : memref<80xi32, #tpu.memory_space<hbm>>) target(%dma_start3A_33 : memref<80xi32, #tpu.memory_space<vmem>>) target_semaphore(%dma_start3A_30 : memref<!tpu.dma_semaphore, #tpu.memory_space<semaphore_mem>>)
    %dma_start3A_35 = arith.constant 0 : i32
    %dma_start3A_36 = arith.constant 0 : i32
    %dma_start3A_37 = arith.constant 0 : i32
    %dma_start3A_38 = arith.constant 0 : i32
    %dma_start3A_39 = tpu.memref_slice %arg9[%dma_start3A_35, %dma_start3A_37, %dma_start3A_38] : memref<2x80x128xf32, #tpu.memory_space<vmem>> -> memref<1x80x128xf32, #tpu.memory_space<vmem>>
    %dma_start3A_40 = tpu.memref_squeeze %dma_start3A_39 : memref<1x80x128xf32, #tpu.memory_space<vmem>> -> memref<80x128xf32, #tpu.memory_space<vmem>>
    %dma_start3A_41 = arith.constant 0 : i32
    %dma_start3A_42 = tpu.memref_slice %arg2[%add3A_11, %dma_start3A_41] : memref<320000x128xf32, #tpu.memory_space<hbm>> -> memref<80x128xf32, #tpu.memory_space<hbm>>
    %dma_start3A_43 = tpu.memref_slice %arg13[%dma_start3A_36] : memref<2x!tpu.dma_semaphore, #tpu.memory_space<semaphore_mem>> -> memref<1x!tpu.dma_semaphore, #tpu.memory_space<semaphore_mem>>
    %dma_start3A_44 = tpu.memref_squeeze %dma_start3A_43 : memref<1x!tpu.dma_semaphore, #tpu.memory_space<semaphore_mem>> -> memref<!tpu.dma_semaphore, #tpu.memory_space<semaphore_mem>>
    %dma_start3A_45 = arith.constant 0 : i32
    %dma_start3A_46 = arith.constant 0 : i32
    %dma_start3A_47 = tpu.memref_slice %arg9[%dma_start3A_35, %dma_start3A_45, %dma_start3A_46] : memref<2x80x128xf32, #tpu.memory_space<vmem>> -> memref<1x80x128xf32, #tpu.memory_space<vmem>>
    %dma_start3A_48 = tpu.memref_squeeze %dma_start3A_47 : memref<1x80x128xf32, #tpu.memory_space<vmem>> -> memref<80x128xf32, #tpu.memory_space<vmem>>
    %dma_start3A_49 = arith.constant 0 : i32
    %dma_start3A_50 = tpu.memref_slice %arg2[%add3A_11, %dma_start3A_49] : memref<320000x128xf32, #tpu.memory_space<hbm>> -> memref<80x128xf32, #tpu.memory_space<hbm>>
    tpu.enqueue_dma source(%dma_start3A_50 : memref<80x128xf32, #tpu.memory_space<hbm>>) target(%dma_start3A_48 : memref<80x128xf32, #tpu.memory_space<vmem>>) target_semaphore(%dma_start3A_44 : memref<!tpu.dma_semaphore, #tpu.memory_space<semaphore_mem>>)
    %add3A_51 = arith.constant 80 : i32
    %add3A_52 = arith.addi %mul3A_2, %add3A_51 : i32
    %dma_start3A_53 = arith.constant 1 : i32
    %dma_start3A_54 = arith.constant 1 : i32
    %dma_start3A_55 = arith.constant 0 : i32
    %dma_start3A_56 = tpu.memref_slice %arg10[%dma_start3A_53, %dma_start3A_55] : memref<2x80xi32, #tpu.memory_space<vmem>> -> memref<1x80xi32, #tpu.memory_space<vmem>>
    %dma_start3A_57 = tpu.memref_squeeze %dma_start3A_56 : memref<1x80xi32, #tpu.memory_space<vmem>> -> memref<80xi32, #tpu.memory_space<vmem>>
    %dma_start3A_58 = tpu.memref_slice %arg4[%add3A_52] : memref<320000xi32, #tpu.memory_space<hbm>> -> memref<80xi32, #tpu.memory_space<hbm>>
    %dma_start3A_59 = tpu.memref_slice %arg12[%dma_start3A_54] : memref<2x!tpu.dma_semaphore, #tpu.memory_space<semaphore_mem>> -> memref<1x!tpu.dma_semaphore, #tpu.memory_space<semaphore_mem>>
    %dma_start3A_60 = tpu.memref_squeeze %dma_start3A_59 : memref<1x!tpu.dma_semaphore, #tpu.memory_space<semaphore_mem>> -> memref<!tpu.dma_semaphore, #tpu.memory_space<semaphore_mem>>
    %dma_start3A_61 = arith.constant 0 : i32
    %dma_start3A_62 = tpu.memref_slice %arg10[%dma_start3A_53, %dma_start3A_61] : memref<2x80xi32, #tpu.memory_space<vmem>> -> memref<1x80xi32, #tpu.memory_space<vmem>>
    %dma_start3A_63 = tpu.memref_squeeze %dma_start3A_62 : memref<1x80xi32, #tpu.memory_space<vmem>> -> memref<80xi32, #tpu.memory_space<vmem>>
    %dma_start3A_64 = tpu.memref_slice %arg4[%add3A_52] : memref<320000xi32, #tpu.memory_space<hbm>> -> memref<80xi32, #tpu.memory_space<hbm>>
    tpu.enqueue_dma source(%dma_start3A_64 : memref<80xi32, #tpu.memory_space<hbm>>) target(%dma_start3A_63 : memref<80xi32, #tpu.memory_space<vmem>>) target_semaphore(%dma_start3A_60 : memref<!tpu.dma_semaphore, #tpu.memory_space<semaphore_mem>>)
    %dma_start3A_65 = arith.constant 1 : i32
    %dma_start3A_66 = arith.constant 1 : i32
    %dma_start3A_67 = arith.constant 0 : i32
    %dma_start3A_68 = tpu.memref_slice %arg11[%dma_start3A_65, %dma_start3A_67] : memref<2x80xi32, #tpu.memory_space<vmem>> -> memref<1x80xi32, #tpu.memory_space<vmem>>
    %dma_start3A_69 = tpu.memref_squeeze %dma_start3A_68 : memref<1x80xi32, #tpu.memory_space<vmem>> -> memref<80xi32, #tpu.memory_space<vmem>>
    %dma_start3A_70 = tpu.memref_slice %arg5[%add3A_52] : memref<320000xi32, #tpu.memory_space<hbm>> -> memref<80xi32, #tpu.memory_space<hbm>>
    %dma_start3A_71 = tpu.memref_slice %arg12[%dma_start3A_66] : memref<2x!tpu.dma_semaphore, #tpu.memory_space<semaphore_mem>> -> memref<1x!tpu.dma_semaphore, #tpu.memory_space<semaphore_mem>>
    %dma_start3A_72 = tpu.memref_squeeze %dma_start3A_71 : memref<1x!tpu.dma_semaphore, #tpu.memory_space<semaphore_mem>> -> memref<!tpu.dma_semaphore, #tpu.memory_space<semaphore_mem>>
    %dma_start3A_73 = arith.constant 0 : i32
    %dma_start3A_74 = tpu.memref_slice %arg11[%dma_start3A_65, %dma_start3A_73] : memref<2x80xi32, #tpu.memory_space<vmem>> -> memref<1x80xi32, #tpu.memory_space<vmem>>
    %dma_start3A_75 = tpu.memref_squeeze %dma_start3A_74 : memref<1x80xi32, #tpu.memory_space<vmem>> -> memref<80xi32, #tpu.memory_space<vmem>>
    %dma_start3A_76 = tpu.memref_slice %arg5[%add3A_52] : memref<320000xi32, #tpu.memory_space<hbm>> -> memref<80xi32, #tpu.memory_space<hbm>>
    tpu.enqueue_dma source(%dma_start3A_76 : memref<80xi32, #tpu.memory_space<hbm>>) target(%dma_start3A_75 : memref<80xi32, #tpu.memory_space<vmem>>) target_semaphore(%dma_start3A_72 : memref<!tpu.dma_semaphore, #tpu.memory_space<semaphore_mem>>)
    %dma_start3A_77 = arith.constant 1 : i32
    %dma_start3A_78 = arith.constant 1 : i32
    %dma_start3A_79 = arith.constant 0 : i32
    %dma_start3A_80 = arith.constant 0 : i32
    %dma_start3A_81 = tpu.memref_slice %arg9[%dma_start3A_77, %dma_start3A_79, %dma_start3A_80] : memref<2x80x128xf32, #tpu.memory_space<vmem>> -> memref<1x80x128xf32, #tpu.memory_space<vmem>>
    %dma_start3A_82 = tpu.memref_squeeze %dma_start3A_81 : memref<1x80x128xf32, #tpu.memory_space<vmem>> -> memref<80x128xf32, #tpu.memory_space<vmem>>
    %dma_start3A_83 = arith.constant 0 : i32
    %dma_start3A_84 = tpu.memref_slice %arg2[%add3A_52, %dma_start3A_83] : memref<320000x128xf32, #tpu.memory_space<hbm>> -> memref<80x128xf32, #tpu.memory_space<hbm>>
    %dma_start3A_85 = tpu.memref_slice %arg13[%dma_start3A_78] : memref<2x!tpu.dma_semaphore, #tpu.memory_space<semaphore_mem>> -> memref<1x!tpu.dma_semaphore, #tpu.memory_space<semaphore_mem>>
    %dma_start3A_86 = tpu.memref_squeeze %dma_start3A_85 : memref<1x!tpu.dma_semaphore, #tpu.memory_space<semaphore_mem>> -> memref<!tpu.dma_semaphore, #tpu.memory_space<semaphore_mem>>
    %dma_start3A_87 = arith.constant 0 : i32
    %dma_start3A_88 = arith.constant 0 : i32
    %dma_start3A_89 = tpu.memref_slice %arg9[%dma_start3A_77, %dma_start3A_87, %dma_start3A_88] : memref<2x80x128xf32, #tpu.memory_space<vmem>> -> memref<1x80x128xf32, #tpu.memory_space<vmem>>
    %dma_start3A_90 = tpu.memref_squeeze %dma_start3A_89 : memref<1x80x128xf32, #tpu.memory_space<vmem>> -> memref<80x128xf32, #tpu.memory_space<vmem>>
    %dma_start3A_91 = arith.constant 0 : i32
    %dma_start3A_92 = tpu.memref_slice %arg2[%add3A_52, %dma_start3A_91] : memref<320000x128xf32, #tpu.memory_space<hbm>> -> memref<80x128xf32, #tpu.memory_space<hbm>>
    tpu.enqueue_dma source(%dma_start3A_92 : memref<80x128xf32, #tpu.memory_space<hbm>>) target(%dma_start3A_90 : memref<80x128xf32, #tpu.memory_space<vmem>>) target_semaphore(%dma_start3A_86 : memref<!tpu.dma_semaphore, #tpu.memory_space<semaphore_mem>>)
    %dma_wait3A = arith.constant 0 : i32
    %dma_wait3A_93 = arith.constant 0 : i32
    %dma_wait3A_94 = arith.constant 0 : i32
    %dma_wait3A_95 = tpu.memref_slice %arg10[%dma_wait3A, %dma_wait3A_94] : memref<2x80xi32, #tpu.memory_space<vmem>> -> memref<1x80xi32, #tpu.memory_space<vmem>>
    %dma_wait3A_96 = tpu.memref_squeeze %dma_wait3A_95 : memref<1x80xi32, #tpu.memory_space<vmem>> -> memref<80xi32, #tpu.memory_space<vmem>>
    %dma_wait3A_97 = arith.constant 0 : i32
    %dma_wait3A_98 = tpu.memref_slice %arg4[%dma_wait3A_97] : memref<320000xi32, #tpu.memory_space<hbm>> -> memref<80xi32, #tpu.memory_space<hbm>>
    %dma_wait3A_99 = tpu.memref_slice %arg12[%dma_wait3A_93] : memref<2x!tpu.dma_semaphore, #tpu.memory_space<semaphore_mem>> -> memref<1x!tpu.dma_semaphore, #tpu.memory_space<semaphore_mem>>
    %dma_wait3A_100 = tpu.memref_squeeze %dma_wait3A_99 : memref<1x!tpu.dma_semaphore, #tpu.memory_space<semaphore_mem>> -> memref<!tpu.dma_semaphore, #tpu.memory_space<semaphore_mem>>
    %dma_wait3A_101 = arith.constant 0 : i32
    %dma_wait3A_102 = tpu.memref_slice %arg10[%dma_wait3A, %dma_wait3A_101] : memref<2x80xi32, #tpu.memory_space<vmem>> -> memref<1x80xi32, #tpu.memory_space<vmem>>
    %dma_wait3A_103 = tpu.memref_squeeze %dma_wait3A_102 : memref<1x80xi32, #tpu.memory_space<vmem>> -> memref<80xi32, #tpu.memory_space<vmem>>
    %dma_wait3A_104 = arith.constant 0 : i32
    %dma_wait3A_105 = tpu.memref_slice %arg4[%dma_wait3A_104] : memref<320000xi32, #tpu.memory_space<hbm>> -> memref<80xi32, #tpu.memory_space<hbm>>
    tpu.wait_dma2 semaphore(%dma_wait3A_100 : memref<!tpu.dma_semaphore, #tpu.memory_space<semaphore_mem>>) src(%dma_wait3A_105 : memref<80xi32, #tpu.memory_space<hbm>>) dst(%dma_wait3A_103 : memref<80xi32, #tpu.memory_space<vmem>>)
    %dma_wait3A_106 = arith.constant 0 : i32
    %dma_wait3A_107 = arith.constant 0 : i32
    %dma_wait3A_108 = arith.constant 0 : i32
    %dma_wait3A_109 = tpu.memref_slice %arg11[%dma_wait3A_106, %dma_wait3A_108] : memref<2x80xi32, #tpu.memory_space<vmem>> -> memref<1x80xi32, #tpu.memory_space<vmem>>
    %dma_wait3A_110 = tpu.memref_squeeze %dma_wait3A_109 : memref<1x80xi32, #tpu.memory_space<vmem>> -> memref<80xi32, #tpu.memory_space<vmem>>
    %dma_wait3A_111 = arith.constant 0 : i32
    %dma_wait3A_112 = tpu.memref_slice %arg5[%dma_wait3A_111] : memref<320000xi32, #tpu.memory_space<hbm>> -> memref<80xi32, #tpu.memory_space<hbm>>
    %dma_wait3A_113 = tpu.memref_slice %arg12[%dma_wait3A_107] : memref<2x!tpu.dma_semaphore, #tpu.memory_space<semaphore_mem>> -> memref<1x!tpu.dma_semaphore, #tpu.memory_space<semaphore_mem>>
    %dma_wait3A_114 = tpu.memref_squeeze %dma_wait3A_113 : memref<1x!tpu.dma_semaphore, #tpu.memory_space<semaphore_mem>> -> memref<!tpu.dma_semaphore, #tpu.memory_space<semaphore_mem>>
    %dma_wait3A_115 = arith.constant 0 : i32
    %dma_wait3A_116 = tpu.memref_slice %arg11[%dma_wait3A_106, %dma_wait3A_115] : memref<2x80xi32, #tpu.memory_space<vmem>> -> memref<1x80xi32, #tpu.memory_space<vmem>>
    %dma_wait3A_117 = tpu.memref_squeeze %dma_wait3A_116 : memref<1x80xi32, #tpu.memory_space<vmem>> -> memref<80xi32, #tpu.memory_space<vmem>>
    %dma_wait3A_118 = arith.constant 0 : i32
    %dma_wait3A_119 = tpu.memref_slice %arg5[%dma_wait3A_118] : memref<320000xi32, #tpu.memory_space<hbm>> -> memref<80xi32, #tpu.memory_space<hbm>>
    tpu.wait_dma2 semaphore(%dma_wait3A_114 : memref<!tpu.dma_semaphore, #tpu.memory_space<semaphore_mem>>) src(%dma_wait3A_119 : memref<80xi32, #tpu.memory_space<hbm>>) dst(%dma_wait3A_117 : memref<80xi32, #tpu.memory_space<vmem>>)
    %dma_start3A_120 = arith.constant 0 : i32
    %dma_start3A_121 = arith.constant 0 : i32
    %dma_start3A_122 = arith.constant 0 : i32
    %dma_start3A_123 = arith.constant 0 : i32
    %dma_start3A_124 = arith.constant 0 : i32
    %dma_start3A_125 = tpu.memref_slice %arg8[%dma_start3A_121, %dma_start3A_123, %dma_start3A_124] : memref<2x80x128xf32, #tpu.memory_space<vmem>> -> memref<1x80x128xf32, #tpu.memory_space<vmem>>
    %dma_start3A_126 = tpu.memref_squeeze %dma_start3A_125 : memref<1x80x128xf32, #tpu.memory_space<vmem>> -> memref<80x128xf32, #tpu.memory_space<vmem>>
    %dma_start3A_127 = arith.constant 0 : i32
    %dma_start3A_128 = tpu.memref_slice %arg10[%dma_start3A_120, %dma_start3A_127] : memref<2x80xi32, #tpu.memory_space<vmem>> -> memref<1x80xi32, #tpu.memory_space<vmem>>
    %dma_start3A_129 = tpu.memref_squeeze %dma_start3A_128 : memref<1x80xi32, #tpu.memory_space<vmem>> -> memref<80xi32, #tpu.memory_space<vmem>>
    %dma_start3A_130 = arith.constant 0 : i32
    %dma_start3A_131 = arith.constant 0 : i32
    %dma_start3A_132 = tpu.memref_slice %arg3[%dma_start3A_130, %dma_start3A_131] : memref<10000x128xf32, #tpu.memory_space<hbm>> -> memref<10000x128xf32, #tpu.memory_space<hbm>>
    %dma_start3A_133 = tpu.memref_slice %arg14[%dma_start3A_122] : memref<2x!tpu.dma_semaphore, #tpu.memory_space<semaphore_mem>> -> memref<1x!tpu.dma_semaphore, #tpu.memory_space<semaphore_mem>>
    %dma_start3A_134 = tpu.memref_squeeze %dma_start3A_133 : memref<1x!tpu.dma_semaphore, #tpu.memory_space<semaphore_mem>> -> memref<!tpu.dma_semaphore, #tpu.memory_space<semaphore_mem>>
    tpu.enqueue_indirect_dma source(%dma_start3A_132 : memref<10000x128xf32, #tpu.memory_space<hbm>>) target(%dma_start3A_126 : memref<80x128xf32, #tpu.memory_space<vmem>>) offsets(%dma_start3A_129 : memref<80xi32, #tpu.memory_space<vmem>>) semaphore(%dma_start3A_134 : memref<!tpu.dma_semaphore, #tpu.memory_space<semaphore_mem>>)
    %scan3A_135 = arith.constant 0 : i32
    %scan3A_136 = arith.constant 0 : i32
    %scan3A_137 = arith.constant 62 : i32
    %scan3A_138 = arith.addi %scan3A_136, %scan3A_137 : i32
    %scan3A_139 = arith.constant 1 : i32
    scf.for %scan3A_183 = %scan3A_136 to %scan3A_138 step %scan3A_139  : i32 {
      %mul3A_184 = arith.constant 2 : i32
      %mul3A_185 = arith.muli %scan3A_183, %mul3A_184 : i32
      %dma_wait3A_186 = arith.constant 1 : i32
      %dma_wait3A_187 = arith.constant 1 : i32
      %dma_wait3A_188 = arith.constant 0 : i32
      %dma_wait3A_189 = tpu.memref_slice %arg10[%dma_wait3A_186, %dma_wait3A_188] : memref<2x80xi32, #tpu.memory_space<vmem>> -> memref<1x80xi32, #tpu.memory_space<vmem>>
      %dma_wait3A_190 = tpu.memref_squeeze %dma_wait3A_189 : memref<1x80xi32, #tpu.memory_space<vmem>> -> memref<80xi32, #tpu.memory_space<vmem>>
      %dma_wait3A_191 = arith.constant 0 : i32
      %dma_wait3A_192 = tpu.memref_slice %arg4[%dma_wait3A_191] : memref<320000xi32, #tpu.memory_space<hbm>> -> memref<80xi32, #tpu.memory_space<hbm>>
      %dma_wait3A_193 = tpu.memref_slice %arg12[%dma_wait3A_187] : memref<2x!tpu.dma_semaphore, #tpu.memory_space<semaphore_mem>> -> memref<1x!tpu.dma_semaphore, #tpu.memory_space<semaphore_mem>>
      %dma_wait3A_194 = tpu.memref_squeeze %dma_wait3A_193 : memref<1x!tpu.dma_semaphore, #tpu.memory_space<semaphore_mem>> -> memref<!tpu.dma_semaphore, #tpu.memory_space<semaphore_mem>>
      %dma_wait3A_195 = arith.constant 0 : i32
      %dma_wait3A_196 = tpu.memref_slice %arg10[%dma_wait3A_186, %dma_wait3A_195] : memref<2x80xi32, #tpu.memory_space<vmem>> -> memref<1x80xi32, #tpu.memory_space<vmem>>
      %dma_wait3A_197 = tpu.memref_squeeze %dma_wait3A_196 : memref<1x80xi32, #tpu.memory_space<vmem>> -> memref<80xi32, #tpu.memory_space<vmem>>
      %dma_wait3A_198 = arith.constant 0 : i32
      %dma_wait3A_199 = tpu.memref_slice %arg4[%dma_wait3A_198] : memref<320000xi32, #tpu.memory_space<hbm>> -> memref<80xi32, #tpu.memory_space<hbm>>
      tpu.wait_dma2 semaphore(%dma_wait3A_194 : memref<!tpu.dma_semaphore, #tpu.memory_space<semaphore_mem>>) src(%dma_wait3A_199 : memref<80xi32, #tpu.memory_space<hbm>>) dst(%dma_wait3A_197 : memref<80xi32, #tpu.memory_space<vmem>>)
      %dma_wait3A_200 = arith.constant 1 : i32
      %dma_wait3A_201 = arith.constant 1 : i32
      %dma_wait3A_202 = arith.constant 0 : i32
      %dma_wait3A_203 = tpu.memref_slice %arg11[%dma_wait3A_200, %dma_wait3A_202] : memref<2x80xi32, #tpu.memory_space<vmem>> -> memref<1x80xi32, #tpu.memory_space<vmem>>
      %dma_wait3A_204 = tpu.memref_squeeze %dma_wait3A_203 : memref<1x80xi32, #tpu.memory_space<vmem>> -> memref<80xi32, #tpu.memory_space<vmem>>
      %dma_wait3A_205 = arith.constant 0 : i32
      %dma_wait3A_206 = tpu.memref_slice %arg5[%dma_wait3A_205] : memref<320000xi32, #tpu.memory_space<hbm>> -> memref<80xi32, #tpu.memory_space<hbm>>
      %dma_wait3A_207 = tpu.memref_slice %arg12[%dma_wait3A_201] : memref<2x!tpu.dma_semaphore, #tpu.memory_space<semaphore_mem>> -> memref<1x!tpu.dma_semaphore, #tpu.memory_space<semaphore_mem>>
      %dma_wait3A_208 = tpu.memref_squeeze %dma_wait3A_207 : memref<1x!tpu.dma_semaphore, #tpu.memory_space<semaphore_mem>> -> memref<!tpu.dma_semaphore, #tpu.memory_space<semaphore_mem>>
      %dma_wait3A_209 = arith.constant 0 : i32
      %dma_wait3A_210 = tpu.memref_slice %arg11[%dma_wait3A_200, %dma_wait3A_209] : memref<2x80xi32, #tpu.memory_space<vmem>> -> memref<1x80xi32, #tpu.memory_space<vmem>>
      %dma_wait3A_211 = tpu.memref_squeeze %dma_wait3A_210 : memref<1x80xi32, #tpu.memory_space<vmem>> -> memref<80xi32, #tpu.memory_space<vmem>>
      %dma_wait3A_212 = arith.constant 0 : i32
      %dma_wait3A_213 = tpu.memref_slice %arg5[%dma_wait3A_212] : memref<320000xi32, #tpu.memory_space<hbm>> -> memref<80xi32, #tpu.memory_space<hbm>>
      tpu.wait_dma2 semaphore(%dma_wait3A_208 : memref<!tpu.dma_semaphore, #tpu.memory_space<semaphore_mem>>) src(%dma_wait3A_213 : memref<80xi32, #tpu.memory_space<hbm>>) dst(%dma_wait3A_211 : memref<80xi32, #tpu.memory_space<vmem>>)
      %dma_start3A_214 = arith.constant 1 : i32
      %dma_start3A_215 = arith.constant 1 : i32
      %dma_start3A_216 = arith.constant 1 : i32
      %dma_start3A_217 = arith.constant 0 : i32
      %dma_start3A_218 = arith.constant 0 : i32
      %dma_start3A_219 = tpu.memref_slice %arg8[%dma_start3A_215, %dma_start3A_217, %dma_start3A_218] : memref<2x80x128xf32, #tpu.memory_space<vmem>> -> memref<1x80x128xf32, #tpu.memory_space<vmem>>
      %dma_start3A_220 = tpu.memref_squeeze %dma_start3A_219 : memref<1x80x128xf32, #tpu.memory_space<vmem>> -> memref<80x128xf32, #tpu.memory_space<vmem>>
      %dma_start3A_221 = arith.constant 0 : i32
      %dma_start3A_222 = tpu.memref_slice %arg10[%dma_start3A_214, %dma_start3A_221] : memref<2x80xi32, #tpu.memory_space<vmem>> -> memref<1x80xi32, #tpu.memory_space<vmem>>
      %dma_start3A_223 = tpu.memref_squeeze %dma_start3A_222 : memref<1x80xi32, #tpu.memory_space<vmem>> -> memref<80xi32, #tpu.memory_space<vmem>>
      %dma_start3A_224 = arith.constant 0 : i32
      %dma_start3A_225 = arith.constant 0 : i32
      %dma_start3A_226 = tpu.memref_slice %arg3[%dma_start3A_224, %dma_start3A_225] : memref<10000x128xf32, #tpu.memory_space<hbm>> -> memref<10000x128xf32, #tpu.memory_space<hbm>>
      %dma_start3A_227 = tpu.memref_slice %arg14[%dma_start3A_216] : memref<2x!tpu.dma_semaphore, #tpu.memory_space<semaphore_mem>> -> memref<1x!tpu.dma_semaphore, #tpu.memory_space<semaphore_mem>>
      %dma_start3A_228 = tpu.memref_squeeze %dma_start3A_227 : memref<1x!tpu.dma_semaphore, #tpu.memory_space<semaphore_mem>> -> memref<!tpu.dma_semaphore, #tpu.memory_space<semaphore_mem>>
      tpu.enqueue_indirect_dma source(%dma_start3A_226 : memref<10000x128xf32, #tpu.memory_space<hbm>>) target(%dma_start3A_220 : memref<80x128xf32, #tpu.memory_space<vmem>>) offsets(%dma_start3A_223 : memref<80xi32, #tpu.memory_space<vmem>>) semaphore(%dma_start3A_228 : memref<!tpu.dma_semaphore, #tpu.memory_space<semaphore_mem>>)
      %dma_wait3A_229 = arith.constant 0 : i32
      %dma_wait3A_230 = arith.constant 0 : i32
      %dma_wait3A_231 = arith.constant 0 : i32
      %dma_wait3A_232 = arith.constant 0 : i32
      %dma_wait3A_233 = arith.constant 0 : i32
      %dma_wait3A_234 = tpu.memref_slice %arg8[%dma_wait3A_230, %dma_wait3A_232, %dma_wait3A_233] : memref<2x80x128xf32, #tpu.memory_space<vmem>> -> memref<1x80x128xf32, #tpu.memory_space<vmem>>
      %dma_wait3A_235 = tpu.memref_squeeze %dma_wait3A_234 : memref<1x80x128xf32, #tpu.memory_space<vmem>> -> memref<80x128xf32, #tpu.memory_space<vmem>>
      %dma_wait3A_236 = arith.constant 0 : i32
      %dma_wait3A_237 = tpu.memref_slice %arg10[%dma_wait3A_229, %dma_wait3A_236] : memref<2x80xi32, #tpu.memory_space<vmem>> -> memref<1x80xi32, #tpu.memory_space<vmem>>
      %dma_wait3A_238 = tpu.memref_squeeze %dma_wait3A_237 : memref<1x80xi32, #tpu.memory_space<vmem>> -> memref<80xi32, #tpu.memory_space<vmem>>
      %dma_wait3A_239 = arith.constant 0 : i32
      %dma_wait3A_240 = arith.constant 0 : i32
      %dma_wait3A_241 = tpu.memref_slice %arg3[%dma_wait3A_239, %dma_wait3A_240] : memref<10000x128xf32, #tpu.memory_space<hbm>> -> memref<10000x128xf32, #tpu.memory_space<hbm>>
      %dma_wait3A_242 = tpu.memref_slice %arg14[%dma_wait3A_231] : memref<2x!tpu.dma_semaphore, #tpu.memory_space<semaphore_mem>> -> memref<1x!tpu.dma_semaphore, #tpu.memory_space<semaphore_mem>>
      %dma_wait3A_243 = tpu.memref_squeeze %dma_wait3A_242 : memref<1x!tpu.dma_semaphore, #tpu.memory_space<semaphore_mem>> -> memref<!tpu.dma_semaphore, #tpu.memory_space<semaphore_mem>>
      tpu.wait_indirect_dma semaphore(%dma_wait3A_243 : memref<!tpu.dma_semaphore, #tpu.memory_space<semaphore_mem>>) src(%dma_wait3A_241 : memref<10000x128xf32, #tpu.memory_space<hbm>>) dst(%dma_wait3A_235 : memref<80x128xf32, #tpu.memory_space<vmem>>)
      %dma_wait3A_244 = arith.constant 0 : i32
      %dma_wait3A_245 = arith.constant 0 : i32
      %dma_wait3A_246 = arith.constant 0 : i32
      %dma_wait3A_247 = arith.constant 0 : i32
      %dma_wait3A_248 = tpu.memref_slice %arg9[%dma_wait3A_244, %dma_wait3A_246, %dma_wait3A_247] : memref<2x80x128xf32, #tpu.memory_space<vmem>> -> memref<1x80x128xf32, #tpu.memory_space<vmem>>
      %dma_wait3A_249 = tpu.memref_squeeze %dma_wait3A_248 : memref<1x80x128xf32, #tpu.memory_space<vmem>> -> memref<80x128xf32, #tpu.memory_space<vmem>>
      %dma_wait3A_250 = arith.constant 0 : i32
      %dma_wait3A_251 = arith.constant 0 : i32
      %dma_wait3A_252 = tpu.memref_slice %arg2[%dma_wait3A_250, %dma_wait3A_251] : memref<320000x128xf32, #tpu.memory_space<hbm>> -> memref<80x128xf32, #tpu.memory_space<hbm>>
      %dma_wait3A_253 = tpu.memref_slice %arg13[%dma_wait3A_245] : memref<2x!tpu.dma_semaphore, #tpu.memory_space<semaphore_mem>> -> memref<1x!tpu.dma_semaphore, #tpu.memory_space<semaphore_mem>>
      %dma_wait3A_254 = tpu.memref_squeeze %dma_wait3A_253 : memref<1x!tpu.dma_semaphore, #tpu.memory_space<semaphore_mem>> -> memref<!tpu.dma_semaphore, #tpu.memory_space<semaphore_mem>>
      %dma_wait3A_255 = arith.constant 0 : i32
      %dma_wait3A_256 = arith.constant 0 : i32
      %dma_wait3A_257 = tpu.memref_slice %arg9[%dma_wait3A_244, %dma_wait3A_255, %dma_wait3A_256] : memref<2x80x128xf32, #tpu.memory_space<vmem>> -> memref<1x80x128xf32, #tpu.memory_space<vmem>>
      %dma_wait3A_258 = tpu.memref_squeeze %dma_wait3A_257 : memref<1x80x128xf32, #tpu.memory_space<vmem>> -> memref<80x128xf32, #tpu.memory_space<vmem>>
      %dma_wait3A_259 = arith.constant 0 : i32
      %dma_wait3A_260 = arith.constant 0 : i32
      %dma_wait3A_261 = tpu.memref_slice %arg2[%dma_wait3A_259, %dma_wait3A_260] : memref<320000x128xf32, #tpu.memory_space<hbm>> -> memref<80x128xf32, #tpu.memory_space<hbm>>
      tpu.wait_dma2 semaphore(%dma_wait3A_254 : memref<!tpu.dma_semaphore, #tpu.memory_space<semaphore_mem>>) src(%dma_wait3A_261 : memref<80x128xf32, #tpu.memory_space<hbm>>) dst(%dma_wait3A_258 : memref<80x128xf32, #tpu.memory_space<vmem>>)
      %parallel_loop3A_262 = arith.constant 0 : i32
      %parallel_loop3A_263 = arith.constant 80 : i32
      %parallel_loop3A_264 = arith.constant 1 : i32
      scf.for %parallel_loop3A_397 = %parallel_loop3A_262 to %parallel_loop3A_263 step %parallel_loop3A_264  : i32 {
        %parallel_loop3A_398 = arith.constant 0 : i32
        %parallel_loop3A_399 = arith.index_cast %parallel_loop3A_398 : i32 to index
        %parallel_loop3A_400 = arith.index_cast %parallel_loop3A_397 : i32 to index
        %parallel_loop3A_401 = arith.constant 0 : index
        %parallel_loop3A_402 = tpu.vector_load %arg8[%parallel_loop3A_399, %parallel_loop3A_400, %parallel_loop3A_401] {strides = array<i32>} : memref<2x80x128xf32, #tpu.memory_space<vmem>>, vector<16xf32>,
        %parallel_loop3A_403 = arith.constant 0 : i32
        %parallel_loop3A_404 = arith.index_cast %parallel_loop3A_403 : i32 to index
        %parallel_loop3A_405 = arith.index_cast %parallel_loop3A_397 : i32 to index
        %parallel_loop3A_406 = arith.constant 0 : index
        %parallel_loop3A_407 = tpu.vector_load %arg9[%parallel_loop3A_404, %parallel_loop3A_405, %parallel_loop3A_406] {strides = array<i32>} : memref<2x80x128xf32, #tpu.memory_space<vmem>>, vector<16xf32>,
        %parallel_loop3A_408 = arith.mulf %parallel_loop3A_402, %parallel_loop3A_407 : vector<16xf32>
        %parallel_loop3A_409 = arith.constant 0 : i32
        %parallel_loop3A_410 = arith.index_cast %parallel_loop3A_409 : i32 to index
        %parallel_loop3A_411 = arith.index_cast %parallel_loop3A_397 : i32 to index
        %parallel_loop3A_412 = arith.constant 0 : index
        %parallel_loop3A_413 = tpu.vector_load %arg8[%parallel_loop3A_410, %parallel_loop3A_411, %parallel_loop3A_412] {strides = array<i32>} : memref<2x80x128xf32, #tpu.memory_space<vmem>>, vector<16xf32>,
        tpu.vector_store %arg8[%parallel_loop3A_410, %parallel_loop3A_411, %parallel_loop3A_412], %parallel_loop3A_408 {strides = array<i32>} : memref<2x80x128xf32, #tpu.memory_space<vmem>>, vector<16xf32>,
        %parallel_loop3A_414 = arith.constant 0 : i32
        %parallel_loop3A_415 = arith.index_cast %parallel_loop3A_414 : i32 to index
        %parallel_loop3A_416 = arith.index_cast %parallel_loop3A_397 : i32 to index
        %parallel_loop3A_417 = arith.constant 16 : index
        %parallel_loop3A_418 = tpu.vector_load %arg8[%parallel_loop3A_415, %parallel_loop3A_416, %parallel_loop3A_417] {strides = array<i32>} : memref<2x80x128xf32, #tpu.memory_space<vmem>>, vector<16xf32>,
        %parallel_loop3A_419 = arith.constant 0 : i32
        %parallel_loop3A_420 = arith.index_cast %parallel_loop3A_419 : i32 to index
        %parallel_loop3A_421 = arith.index_cast %parallel_loop3A_397 : i32 to index
        %parallel_loop3A_422 = arith.constant 16 : index
        %parallel_loop3A_423 = tpu.vector_load %arg9[%parallel_loop3A_420, %parallel_loop3A_421, %parallel_loop3A_422] {strides = array<i32>} : memref<2x80x128xf32, #tpu.memory_space<vmem>>, vector<16xf32>,
        %parallel_loop3A_424 = arith.mulf %parallel_loop3A_418, %parallel_loop3A_423 : vector<16xf32>
        %parallel_loop3A_425 = arith.constant 0 : i32
        %parallel_loop3A_426 = arith.index_cast %parallel_loop3A_425 : i32 to index
        %parallel_loop3A_427 = arith.index_cast %parallel_loop3A_397 : i32 to index
        %parallel_loop3A_428 = arith.constant 16 : index
        %parallel_loop3A_429 = tpu.vector_load %arg8[%parallel_loop3A_426, %parallel_loop3A_427, %parallel_loop3A_428] {strides = array<i32>} : memref<2x80x128xf32, #tpu.memory_space<vmem>>, vector<16xf32>,
        tpu.vector_store %arg8[%parallel_loop3A_426, %parallel_loop3A_427, %parallel_loop3A_428], %parallel_loop3A_424 {strides = array<i32>} : memref<2x80x128xf32, #tpu.memory_space<vmem>>, vector<16xf32>,
        %parallel_loop3A_430 = arith.constant 0 : i32
        %parallel_loop3A_431 = arith.index_cast %parallel_loop3A_430 : i32 to index
        %parallel_loop3A_432 = arith.index_cast %parallel_loop3A_397 : i32 to index
        %parallel_loop3A_433 = arith.constant 32 : index
        %parallel_loop3A_434 = tpu.vector_load %arg8[%parallel_loop3A_431, %parallel_loop3A_432, %parallel_loop3A_433] {strides = array<i32>} : memref<2x80x128xf32, #tpu.memory_space<vmem>>, vector<16xf32>,
        %parallel_loop3A_435 = arith.constant 0 : i32
        %parallel_loop3A_436 = arith.index_cast %parallel_loop3A_435 : i32 to index
        %parallel_loop3A_437 = arith.index_cast %parallel_loop3A_397 : i32 to index
        %parallel_loop3A_438 = arith.constant 32 : index
        %parallel_loop3A_439 = tpu.vector_load %arg9[%parallel_loop3A_436, %parallel_loop3A_437, %parallel_loop3A_438] {strides = array<i32>} : memref<2x80x128xf32, #tpu.memory_space<vmem>>, vector<16xf32>,
        %parallel_loop3A_440 = arith.mulf %parallel_loop3A_434, %parallel_loop3A_439 : vector<16xf32>
        %parallel_loop3A_441 = arith.constant 0 : i32
        %parallel_loop3A_442 = arith.index_cast %parallel_loop3A_441 : i32 to index
        %parallel_loop3A_443 = arith.index_cast %parallel_loop3A_397 : i32 to index
        %parallel_loop3A_444 = arith.constant 32 : index
        %parallel_loop3A_445 = tpu.vector_load %arg8[%parallel_loop3A_442, %parallel_loop3A_443, %parallel_loop3A_444] {strides = array<i32>} : memref<2x80x128xf32, #tpu.memory_space<vmem>>, vector<16xf32>,
        tpu.vector_store %arg8[%parallel_loop3A_442, %parallel_loop3A_443, %parallel_loop3A_444], %parallel_loop3A_440 {strides = array<i32>} : memref<2x80x128xf32, #tpu.memory_space<vmem>>, vector<16xf32>,
        %parallel_loop3A_446 = arith.constant 0 : i32
        %parallel_loop3A_447 = arith.index_cast %parallel_loop3A_446 : i32 to index
        %parallel_loop3A_448 = arith.index_cast %parallel_loop3A_397 : i32 to index
        %parallel_loop3A_449 = arith.constant 48 : index
        %parallel_loop3A_450 = tpu.vector_load %arg8[%parallel_loop3A_447, %parallel_loop3A_448, %parallel_loop3A_449] {strides = array<i32>} : memref<2x80x128xf32, #tpu.memory_space<vmem>>, vector<16xf32>,
        %parallel_loop3A_451 = arith.constant 0 : i32
        %parallel_loop3A_452 = arith.index_cast %parallel_loop3A_451 : i32 to index
        %parallel_loop3A_453 = arith.index_cast %parallel_loop3A_397 : i32 to index
        %parallel_loop3A_454 = arith.constant 48 : index
        %parallel_loop3A_455 = tpu.vector_load %arg9[%parallel_loop3A_452, %parallel_loop3A_453, %parallel_loop3A_454] {strides = array<i32>} : memref<2x80x128xf32, #tpu.memory_space<vmem>>, vector<16xf32>,
        %parallel_loop3A_456 = arith.mulf %parallel_loop3A_450, %parallel_loop3A_455 : vector<16xf32>
        %parallel_loop3A_457 = arith.constant 0 : i32
        %parallel_loop3A_458 = arith.index_cast %parallel_loop3A_457 : i32 to index
        %parallel_loop3A_459 = arith.index_cast %parallel_loop3A_397 : i32 to index
        %parallel_loop3A_460 = arith.constant 48 : index
        %parallel_loop3A_461 = tpu.vector_load %arg8[%parallel_loop3A_458, %parallel_loop3A_459, %parallel_loop3A_460] {strides = array<i32>} : memref<2x80x128xf32, #tpu.memory_space<vmem>>, vector<16xf32>,
        tpu.vector_store %arg8[%parallel_loop3A_458, %parallel_loop3A_459, %parallel_loop3A_460], %parallel_loop3A_456 {strides = array<i32>} : memref<2x80x128xf32, #tpu.memory_space<vmem>>, vector<16xf32>,
        %parallel_loop3A_462 = arith.constant 0 : i32
        %parallel_loop3A_463 = arith.index_cast %parallel_loop3A_462 : i32 to index
        %parallel_loop3A_464 = arith.index_cast %parallel_loop3A_397 : i32 to index
        %parallel_loop3A_465 = arith.constant 64 : index
        %parallel_loop3A_466 = tpu.vector_load %arg8[%parallel_loop3A_463, %parallel_loop3A_464, %parallel_loop3A_465] {strides = array<i32>} : memref<2x80x128xf32, #tpu.memory_space<vmem>>, vector<16xf32>,
        %parallel_loop3A_467 = arith.constant 0 : i32
        %parallel_loop3A_468 = arith.index_cast %parallel_loop3A_467 : i32 to index
        %parallel_loop3A_469 = arith.index_cast %parallel_loop3A_397 : i32 to index
        %parallel_loop3A_470 = arith.constant 64 : index
        %parallel_loop3A_471 = tpu.vector_load %arg9[%parallel_loop3A_468, %parallel_loop3A_469, %parallel_loop3A_470] {strides = array<i32>} : memref<2x80x128xf32, #tpu.memory_space<vmem>>, vector<16xf32>,
        %parallel_loop3A_472 = arith.mulf %parallel_loop3A_466, %parallel_loop3A_471 : vector<16xf32>
        %parallel_loop3A_473 = arith.constant 0 : i32
        %parallel_loop3A_474 = arith.index_cast %parallel_loop3A_473 : i32 to index
        %parallel_loop3A_475 = arith.index_cast %parallel_loop3A_397 : i32 to index
        %parallel_loop3A_476 = arith.constant 64 : index
        %parallel_loop3A_477 = tpu.vector_load %arg8[%parallel_loop3A_474, %parallel_loop3A_475, %parallel_loop3A_476] {strides = array<i32>} : memref<2x80x128xf32, #tpu.memory_space<vmem>>, vector<16xf32>,
        tpu.vector_store %arg8[%parallel_loop3A_474, %parallel_loop3A_475, %parallel_loop3A_476], %parallel_loop3A_472 {strides = array<i32>} : memref<2x80x128xf32, #tpu.memory_space<vmem>>, vector<16xf32>,
        %parallel_loop3A_478 = arith.constant 0 : i32
        %parallel_loop3A_479 = arith.index_cast %parallel_loop3A_478 : i32 to index
        %parallel_loop3A_480 = arith.index_cast %parallel_loop3A_397 : i32 to index
        %parallel_loop3A_481 = arith.constant 80 : index
        %parallel_loop3A_482 = tpu.vector_load %arg8[%parallel_loop3A_479, %parallel_loop3A_480, %parallel_loop3A_481] {strides = array<i32>} : memref<2x80x128xf32, #tpu.memory_space<vmem>>, vector<16xf32>,
        %parallel_loop3A_483 = arith.constant 0 : i32
        %parallel_loop3A_484 = arith.index_cast %parallel_loop3A_483 : i32 to index
        %parallel_loop3A_485 = arith.index_cast %parallel_loop3A_397 : i32 to index
        %parallel_loop3A_486 = arith.constant 80 : index
        %parallel_loop3A_487 = tpu.vector_load %arg9[%parallel_loop3A_484, %parallel_loop3A_485, %parallel_loop3A_486] {strides = array<i32>} : memref<2x80x128xf32, #tpu.memory_space<vmem>>, vector<16xf32>,
        %parallel_loop3A_488 = arith.mulf %parallel_loop3A_482, %parallel_loop3A_487 : vector<16xf32>
        %parallel_loop3A_489 = arith.constant 0 : i32
        %parallel_loop3A_490 = arith.index_cast %parallel_loop3A_489 : i32 to index
        %parallel_loop3A_491 = arith.index_cast %parallel_loop3A_397 : i32 to index
        %parallel_loop3A_492 = arith.constant 80 : index
        %parallel_loop3A_493 = tpu.vector_load %arg8[%parallel_loop3A_490, %parallel_loop3A_491, %parallel_loop3A_492] {strides = array<i32>} : memref<2x80x128xf32, #tpu.memory_space<vmem>>, vector<16xf32>,
        tpu.vector_store %arg8[%parallel_loop3A_490, %parallel_loop3A_491, %parallel_loop3A_492], %parallel_loop3A_488 {strides = array<i32>} : memref<2x80x128xf32, #tpu.memory_space<vmem>>, vector<16xf32>,
        %parallel_loop3A_494 = arith.constant 0 : i32
        %parallel_loop3A_495 = arith.index_cast %parallel_loop3A_494 : i32 to index
        %parallel_loop3A_496 = arith.index_cast %parallel_loop3A_397 : i32 to index
        %parallel_loop3A_497 = arith.constant 96 : index
        %parallel_loop3A_498 = tpu.vector_load %arg8[%parallel_loop3A_495, %parallel_loop3A_496, %parallel_loop3A_497] {strides = array<i32>} : memref<2x80x128xf32, #tpu.memory_space<vmem>>, vector<16xf32>,
        %parallel_loop3A_499 = arith.constant 0 : i32
        %parallel_loop3A_500 = arith.index_cast %parallel_loop3A_499 : i32 to index
        %parallel_loop3A_501 = arith.index_cast %parallel_loop3A_397 : i32 to index
        %parallel_loop3A_502 = arith.constant 96 : index
        %parallel_loop3A_503 = tpu.vector_load %arg9[%parallel_loop3A_500, %parallel_loop3A_501, %parallel_loop3A_502] {strides = array<i32>} : memref<2x80x128xf32, #tpu.memory_space<vmem>>, vector<16xf32>,
        %parallel_loop3A_504 = arith.mulf %parallel_loop3A_498, %parallel_loop3A_503 : vector<16xf32>
        %parallel_loop3A_505 = arith.constant 0 : i32
        %parallel_loop3A_506 = arith.index_cast %parallel_loop3A_505 : i32 to index
        %parallel_loop3A_507 = arith.index_cast %parallel_loop3A_397 : i32 to index
        %parallel_loop3A_508 = arith.constant 96 : index
        %parallel_loop3A_509 = tpu.vector_load %arg8[%parallel_loop3A_506, %parallel_loop3A_507, %parallel_loop3A_508] {strides = array<i32>} : memref<2x80x128xf32, #tpu.memory_space<vmem>>, vector<16xf32>,
        tpu.vector_store %arg8[%parallel_loop3A_506, %parallel_loop3A_507, %parallel_loop3A_508], %parallel_loop3A_504 {strides = array<i32>} : memref<2x80x128xf32, #tpu.memory_space<vmem>>, vector<16xf32>,
        %parallel_loop3A_510 = arith.constant 0 : i32
        %parallel_loop3A_511 = arith.index_cast %parallel_loop3A_510 : i32 to index
        %parallel_loop3A_512 = arith.index_cast %parallel_loop3A_397 : i32 to index
        %parallel_loop3A_513 = arith.constant 112 : index
        %parallel_loop3A_514 = tpu.vector_load %arg8[%parallel_loop3A_511, %parallel_loop3A_512, %parallel_loop3A_513] {strides = array<i32>} : memref<2x80x128xf32, #tpu.memory_space<vmem>>, vector<16xf32>,
        %parallel_loop3A_515 = arith.constant 0 : i32
        %parallel_loop3A_516 = arith.index_cast %parallel_loop3A_515 : i32 to index
        %parallel_loop3A_517 = arith.index_cast %parallel_loop3A_397 : i32 to index
        %parallel_loop3A_518 = arith.constant 112 : index
        %parallel_loop3A_519 = tpu.vector_load %arg9[%parallel_loop3A_516, %parallel_loop3A_517, %parallel_loop3A_518] {strides = array<i32>} : memref<2x80x128xf32, #tpu.memory_space<vmem>>, vector<16xf32>,
        %parallel_loop3A_520 = arith.mulf %parallel_loop3A_514, %parallel_loop3A_519 : vector<16xf32>
        %parallel_loop3A_521 = arith.constant 0 : i32
        %parallel_loop3A_522 = arith.index_cast %parallel_loop3A_521 : i32 to index
        %parallel_loop3A_523 = arith.index_cast %parallel_loop3A_397 : i32 to index
        %parallel_loop3A_524 = arith.constant 112 : index
        %parallel_loop3A_525 = tpu.vector_load %arg8[%parallel_loop3A_522, %parallel_loop3A_523, %parallel_loop3A_524] {strides = array<i32>} : memref<2x80x128xf32, #tpu.memory_space<vmem>>, vector<16xf32>,
        tpu.vector_store %arg8[%parallel_loop3A_522, %parallel_loop3A_523, %parallel_loop3A_524], %parallel_loop3A_520 {strides = array<i32>} : memref<2x80x128xf32, #tpu.memory_space<vmem>>, vector<16xf32>,
      } {sc.loop_unroll_factor = 4 : i64, sc.parallel_access}
      %run_scoped3A_265 = arith.constant 0 : i32
      %run_scoped3A_266 = arith.constant 0 : i32
      "tpu.region"() ({
        %run_scoped3A_397 = tpu.sem_alloc : memref<!tpu.dma_semaphore, #tpu.memory_space<semaphore_mem>>
        %dma_start3A_398 = arith.constant 0 : i32
        %dma_start3A_399 = arith.constant 0 : i32
        %dma_start3A_400 = tpu.memref_slice %arg8[%run_scoped3A_265, %dma_start3A_398, %dma_start3A_399] : memref<2x80x128xf32, #tpu.memory_space<vmem>> -> memref<1x80x128xf32, #tpu.memory_space<vmem>>
        %dma_start3A_401 = tpu.memref_squeeze %dma_start3A_400 : memref<1x80x128xf32, #tpu.memory_space<vmem>> -> memref<80x128xf32, #tpu.memory_space<vmem>>
        %dma_start3A_402 = arith.constant 0 : i32
        %dma_start3A_403 = tpu.memref_slice %arg11[%run_scoped3A_266, %dma_start3A_402] : memref<2x80xi32, #tpu.memory_space<vmem>> -> memref<1x80xi32, #tpu.memory_space<vmem>>
        %dma_start3A_404 = tpu.memref_squeeze %dma_start3A_403 : memref<1x80xi32, #tpu.memory_space<vmem>> -> memref<80xi32, #tpu.memory_space<vmem>>
        %dma_start3A_405 = arith.constant 0 : i32
        %dma_start3A_406 = arith.constant 0 : i32
        %dma_start3A_407 = tpu.memref_slice %arg7[%dma_start3A_405, %dma_start3A_406] : memref<10000x128xf32, #tpu.memory_space<vmem_shared>> -> memref<10000x128xf32, #tpu.memory_space<vmem_shared>>
        tpu.enqueue_indirect_dma source(%dma_start3A_401 : memref<80x128xf32, #tpu.memory_space<vmem>>) target(%dma_start3A_407 : memref<10000x128xf32, #tpu.memory_space<vmem_shared>>) offsets(%dma_start3A_404 : memref<80xi32, #tpu.memory_space<vmem>>) semaphore(%run_scoped3A_397 : memref<!tpu.dma_semaphore, #tpu.memory_space<semaphore_mem>>) {add = true}
        %dma_wait3A_408 = arith.constant 0 : i32
        %dma_wait3A_409 = arith.constant 0 : i32
        %dma_wait3A_410 = tpu.memref_slice %arg8[%run_scoped3A_265, %dma_wait3A_408, %dma_wait3A_409] : memref<2x80x128xf32, #tpu.memory_space<vmem>> -> memref<1x80x128xf32, #tpu.memory_space<vmem>>
        %dma_wait3A_411 = tpu.memref_squeeze %dma_wait3A_410 : memref<1x80x128xf32, #tpu.memory_space<vmem>> -> memref<80x128xf32, #tpu.memory_space<vmem>>
        %dma_wait3A_412 = arith.constant 0 : i32
        %dma_wait3A_413 = tpu.memref_slice %arg11[%run_scoped3A_266, %dma_wait3A_412] : memref<2x80xi32, #tpu.memory_space<vmem>> -> memref<1x80xi32, #tpu.memory_space<vmem>>
        %dma_wait3A_414 = tpu.memref_squeeze %dma_wait3A_413 : memref<1x80xi32, #tpu.memory_space<vmem>> -> memref<80xi32, #tpu.memory_space<vmem>>
        %dma_wait3A_415 = arith.constant 0 : i32
        %dma_wait3A_416 = arith.constant 0 : i32
        %dma_wait3A_417 = tpu.memref_slice %arg7[%dma_wait3A_415, %dma_wait3A_416] : memref<10000x128xf32, #tpu.memory_space<vmem_shared>> -> memref<10000x128xf32, #tpu.memory_space<vmem_shared>>
        tpu.wait_indirect_dma semaphore(%run_scoped3A_397 : memref<!tpu.dma_semaphore, #tpu.memory_space<semaphore_mem>>) src(%dma_wait3A_411 : memref<80x128xf32, #tpu.memory_space<vmem>>) dst(%dma_wait3A_417 : memref<10000x128xf32, #tpu.memory_space<vmem_shared>>)
        tpu.yield
      }) : () -> ()
      %add3A_267 = arith.constant 2 : i32
      %add3A_268 = arith.addi %mul3A_185, %add3A_267 : i32
      %mul3A_269 = arith.constant 80 : i32
      %mul3A_270 = arith.muli %add3A_268, %mul3A_269 : i32
      %add3A_271 = arith.addi %mul3A_2, %mul3A_270 : i32
      %dma_start3A_272 = arith.constant 0 : i32
      %dma_start3A_273 = arith.constant 0 : i32
      %dma_start3A_274 = arith.constant 0 : i32
      %dma_start3A_275 = tpu.memref_slice %arg10[%dma_start3A_272, %dma_start3A_274] : memref<2x80xi32, #tpu.memory_space<vmem>> -> memref<1x80xi32, #tpu.memory_space<vmem>>
      %dma_start3A_276 = tpu.memref_squeeze %dma_start3A_275 : memref<1x80xi32, #tpu.memory_space<vmem>> -> memref<80xi32, #tpu.memory_space<vmem>>
      %dma_start3A_277 = tpu.memref_slice %arg4[%add3A_271] : memref<320000xi32, #tpu.memory_space<hbm>> -> memref<80xi32, #tpu.memory_space<hbm>>
      %dma_start3A_278 = tpu.memref_slice %arg12[%dma_start3A_273] : memref<2x!tpu.dma_semaphore, #tpu.memory_space<semaphore_mem>> -> memref<1x!tpu.dma_semaphore, #tpu.memory_space<semaphore_mem>>
      %dma_start3A_279 = tpu.memref_squeeze %dma_start3A_278 : memref<1x!tpu.dma_semaphore, #tpu.memory_space<semaphore_mem>> -> memref<!tpu.dma_semaphore, #tpu.memory_space<semaphore_mem>>
      %dma_start3A_280 = arith.constant 0 : i32
      %dma_start3A_281 = tpu.memref_slice %arg10[%dma_start3A_272, %dma_start3A_280] : memref<2x80xi32, #tpu.memory_space<vmem>> -> memref<1x80xi32, #tpu.memory_space<vmem>>
      %dma_start3A_282 = tpu.memref_squeeze %dma_start3A_281 : memref<1x80xi32, #tpu.memory_space<vmem>> -> memref<80xi32, #tpu.memory_space<vmem>>
      %dma_start3A_283 = tpu.memref_slice %arg4[%add3A_271] : memref<320000xi32, #tpu.memory_space<hbm>> -> memref<80xi32, #tpu.memory_space<hbm>>
      tpu.enqueue_dma source(%dma_start3A_283 : memref<80xi32, #tpu.memory_space<hbm>>) target(%dma_start3A_282 : memref<80xi32, #tpu.memory_space<vmem>>) target_semaphore(%dma_start3A_279 : memref<!tpu.dma_semaphore, #tpu.memory_space<semaphore_mem>>)
      %dma_start3A_284 = arith.constant 0 : i32
      %dma_start3A_285 = arith.constant 0 : i32
      %dma_start3A_286 = arith.constant 0 : i32
      %dma_start3A_287 = tpu.memref_slice %arg11[%dma_start3A_284, %dma_start3A_286] : memref<2x80xi32, #tpu.memory_space<vmem>> -> memref<1x80xi32, #tpu.memory_space<vmem>>
      %dma_start3A_288 = tpu.memref_squeeze %dma_start3A_287 : memref<1x80xi32, #tpu.memory_space<vmem>> -> memref<80xi32, #tpu.memory_space<vmem>>
      %dma_start3A_289 = tpu.memref_slice %arg5[%add3A_271] : memref<320000xi32, #tpu.memory_space<hbm>> -> memref<80xi32, #tpu.memory_space<hbm>>
      %dma_start3A_290 = tpu.memref_slice %arg12[%dma_start3A_285] : memref<2x!tpu.dma_semaphore, #tpu.memory_space<semaphore_mem>> -> memref<1x!tpu.dma_semaphore, #tpu.memory_space<semaphore_mem>>
      %dma_start3A_291 = tpu.memref_squeeze %dma_start3A_290 : memref<1x!tpu.dma_semaphore, #tpu.memory_space<semaphore_mem>> -> memref<!tpu.dma_semaphore, #tpu.memory_space<semaphore_mem>>
      %dma_start3A_292 = arith.constant 0 : i32
      %dma_start3A_293 = tpu.memref_slice %arg11[%dma_start3A_284, %dma_start3A_292] : memref<2x80xi32, #tpu.memory_space<vmem>> -> memref<1x80xi32, #tpu.memory_space<vmem>>
      %dma_start3A_294 = tpu.memref_squeeze %dma_start3A_293 : memref<1x80xi32, #tpu.memory_space<vmem>> -> memref<80xi32, #tpu.memory_space<vmem>>
      %dma_start3A_295 = tpu.memref_slice %arg5[%add3A_271] : memref<320000xi32, #tpu.memory_space<hbm>> -> memref<80xi32, #tpu.memory_space<hbm>>
      tpu.enqueue_dma source(%dma_start3A_295 : memref<80xi32, #tpu.memory_space<hbm>>) target(%dma_start3A_294 : memref<80xi32, #tpu.memory_space<vmem>>) target_semaphore(%dma_start3A_291 : memref<!tpu.dma_semaphore, #tpu.memory_space<semaphore_mem>>)
      %dma_start3A_296 = arith.constant 0 : i32
      %dma_start3A_297 = arith.constant 0 : i32
      %dma_start3A_298 = arith.constant 0 : i32
      %dma_start3A_299 = arith.constant 0 : i32
      %dma_start3A_300 = tpu.memref_slice %arg9[%dma_start3A_296, %dma_start3A_298, %dma_start3A_299] : memref<2x80x128xf32, #tpu.memory_space<vmem>> -> memref<1x80x128xf32, #tpu.memory_space<vmem>>
      %dma_start3A_301 = tpu.memref_squeeze %dma_start3A_300 : memref<1x80x128xf32, #tpu.memory_space<vmem>> -> memref<80x128xf32, #tpu.memory_space<vmem>>
      %dma_start3A_302 = arith.constant 0 : i32
      %dma_start3A_303 = tpu.memref_slice %arg2[%add3A_271, %dma_start3A_302] : memref<320000x128xf32, #tpu.memory_space<hbm>> -> memref<80x128xf32, #tpu.memory_space<hbm>>
      %dma_start3A_304 = tpu.memref_slice %arg13[%dma_start3A_297] : memref<2x!tpu.dma_semaphore, #tpu.memory_space<semaphore_mem>> -> memref<1x!tpu.dma_semaphore, #tpu.memory_space<semaphore_mem>>
      %dma_start3A_305 = tpu.memref_squeeze %dma_start3A_304 : memref<1x!tpu.dma_semaphore, #tpu.memory_space<semaphore_mem>> -> memref<!tpu.dma_semaphore, #tpu.memory_space<semaphore_mem>>
      %dma_start3A_306 = arith.constant 0 : i32
      %dma_start3A_307 = arith.constant 0 : i32
      %dma_start3A_308 = tpu.memref_slice %arg9[%dma_start3A_296, %dma_start3A_306, %dma_start3A_307] : memref<2x80x128xf32, #tpu.memory_space<vmem>> -> memref<1x80x128xf32, #tpu.memory_space<vmem>>
      %dma_start3A_309 = tpu.memref_squeeze %dma_start3A_308 : memref<1x80x128xf32, #tpu.memory_space<vmem>> -> memref<80x128xf32, #tpu.memory_space<vmem>>
      %dma_start3A_310 = arith.constant 0 : i32
      %dma_start3A_311 = tpu.memref_slice %arg2[%add3A_271, %dma_start3A_310] : memref<320000x128xf32, #tpu.memory_space<hbm>> -> memref<80x128xf32, #tpu.memory_space<hbm>>
      tpu.enqueue_dma source(%dma_start3A_311 : memref<80x128xf32, #tpu.memory_space<hbm>>) target(%dma_start3A_309 : memref<80x128xf32, #tpu.memory_space<vmem>>) target_semaphore(%dma_start3A_305 : memref<!tpu.dma_semaphore, #tpu.memory_space<semaphore_mem>>)
      %dma_wait3A_312 = arith.constant 0 : i32
      %dma_wait3A_313 = arith.constant 0 : i32
      %dma_wait3A_314 = arith.constant 0 : i32
      %dma_wait3A_315 = tpu.memref_slice %arg10[%dma_wait3A_312, %dma_wait3A_314] : memref<2x80xi32, #tpu.memory_space<vmem>> -> memref<1x80xi32, #tpu.memory_space<vmem>>
      %dma_wait3A_316 = tpu.memref_squeeze %dma_wait3A_315 : memref<1x80xi32, #tpu.memory_space<vmem>> -> memref<80xi32, #tpu.memory_space<vmem>>
      %dma_wait3A_317 = arith.constant 0 : i32
      %dma_wait3A_318 = tpu.memref_slice %arg4[%dma_wait3A_317] : memref<320000xi32, #tpu.memory_space<hbm>> -> memref<80xi32, #tpu.memory_space<hbm>>
      %dma_wait3A_319 = tpu.memref_slice %arg12[%dma_wait3A_313] : memref<2x!tpu.dma_semaphore, #tpu.memory_space<semaphore_mem>> -> memref<1x!tpu.dma_semaphore, #tpu.memory_space<semaphore_mem>>
      %dma_wait3A_320 = tpu.memref_squeeze %dma_wait3A_319 : memref<1x!tpu.dma_semaphore, #tpu.memory_space<semaphore_mem>> -> memref<!tpu.dma_semaphore, #tpu.memory_space<semaphore_mem>>
      %dma_wait3A_321 = arith.constant 0 : i32
      %dma_wait3A_322 = tpu.memref_slice %arg10[%dma_wait3A_312, %dma_wait3A_321] : memref<2x80xi32, #tpu.memory_space<vmem>> -> memref<1x80xi32, #tpu.memory_space<vmem>>
      %dma_wait3A_323 = tpu.memref_squeeze %dma_wait3A_322 : memref<1x80xi32, #tpu.memory_space<vmem>> -> memref<80xi32, #tpu.memory_space<vmem>>
      %dma_wait3A_324 = arith.constant 0 : i32
      %dma_wait3A_325 = tpu.memref_slice %arg4[%dma_wait3A_324] : memref<320000xi32, #tpu.memory_space<hbm>> -> memref<80xi32, #tpu.memory_space<hbm>>
      tpu.wait_dma2 semaphore(%dma_wait3A_320 : memref<!tpu.dma_semaphore, #tpu.memory_space<semaphore_mem>>) src(%dma_wait3A_325 : memref<80xi32, #tpu.memory_space<hbm>>) dst(%dma_wait3A_323 : memref<80xi32, #tpu.memory_space<vmem>>)
      %dma_wait3A_326 = arith.constant 0 : i32
      %dma_wait3A_327 = arith.constant 0 : i32
      %dma_wait3A_328 = arith.constant 0 : i32
      %dma_wait3A_329 = tpu.memref_slice %arg11[%dma_wait3A_326, %dma_wait3A_328] : memref<2x80xi32, #tpu.memory_space<vmem>> -> memref<1x80xi32, #tpu.memory_space<vmem>>
      %dma_wait3A_330 = tpu.memref_squeeze %dma_wait3A_329 : memref<1x80xi32, #tpu.memory_space<vmem>> -> memref<80xi32, #tpu.memory_space<vmem>>
      %dma_wait3A_331 = arith.constant 0 : i32
      %dma_wait3A_332 = tpu.memref_slice %arg5[%dma_wait3A_331] : memref<320000xi32, #tpu.memory_space<hbm>> -> memref<80xi32, #tpu.memory_space<hbm>>
      %dma_wait3A_333 = tpu.memref_slice %arg12[%dma_wait3A_327] : memref<2x!tpu.dma_semaphore, #tpu.memory_space<semaphore_mem>> -> memref<1x!tpu.dma_semaphore, #tpu.memory_space<semaphore_mem>>
      %dma_wait3A_334 = tpu.memref_squeeze %dma_wait3A_333 : memref<1x!tpu.dma_semaphore, #tpu.memory_space<semaphore_mem>> -> memref<!tpu.dma_semaphore, #tpu.memory_space<semaphore_mem>>
      %dma_wait3A_335 = arith.constant 0 : i32
      %dma_wait3A_336 = tpu.memref_slice %arg11[%dma_wait3A_326, %dma_wait3A_335] : memref<2x80xi32, #tpu.memory_space<vmem>> -> memref<1x80xi32, #tpu.memory_space<vmem>>
      %dma_wait3A_337 = tpu.memref_squeeze %dma_wait3A_336 : memref<1x80xi32, #tpu.memory_space<vmem>> -> memref<80xi32, #tpu.memory_space<vmem>>
      %dma_wait3A_338 = arith.constant 0 : i32
      %dma_wait3A_339 = tpu.memref_slice %arg5[%dma_wait3A_338] : memref<320000xi32, #tpu.memory_space<hbm>> -> memref<80xi32, #tpu.memory_space<hbm>>
      tpu.wait_dma2 semaphore(%dma_wait3A_334 : memref<!tpu.dma_semaphore, #tpu.memory_space<semaphore_mem>>) src(%dma_wait3A_339 : memref<80xi32, #tpu.memory_space<hbm>>) dst(%dma_wait3A_337 : memref<80xi32, #tpu.memory_space<vmem>>)
      %dma_start3A_340 = arith.constant 0 : i32
      %dma_start3A_341 = arith.constant 0 : i32
      %dma_start3A_342 = arith.constant 0 : i32
      %dma_start3A_343 = arith.constant 0 : i32
      %dma_start3A_344 = arith.constant 0 : i32
      %dma_start3A_345 = tpu.memref_slice %arg8[%dma_start3A_341, %dma_start3A_343, %dma_start3A_344] : memref<2x80x128xf32, #tpu.memory_space<vmem>> -> memref<1x80x128xf32, #tpu.memory_space<vmem>>
      %dma_start3A_346 = tpu.memref_squeeze %dma_start3A_345 : memref<1x80x128xf32, #tpu.memory_space<vmem>> -> memref<80x128xf32, #tpu.memory_space<vmem>>
      %dma_start3A_347 = arith.constant 0 : i32
      %dma_start3A_348 = tpu.memref_slice %arg10[%dma_start3A_340, %dma_start3A_347] : memref<2x80xi32, #tpu.memory_space<vmem>> -> memref<1x80xi32, #tpu.memory_space<vmem>>
      %dma_start3A_349 = tpu.memref_squeeze %dma_start3A_348 : memref<1x80xi32, #tpu.memory_space<vmem>> -> memref<80xi32, #tpu.memory_space<vmem>>
      %dma_start3A_350 = arith.constant 0 : i32
      %dma_start3A_351 = arith.constant 0 : i32
      %dma_start3A_352 = tpu.memref_slice %arg3[%dma_start3A_350, %dma_start3A_351] : memref<10000x128xf32, #tpu.memory_space<hbm>> -> memref<10000x128xf32, #tpu.memory_space<hbm>>
      %dma_start3A_353 = tpu.memref_slice %arg14[%dma_start3A_342] : memref<2x!tpu.dma_semaphore, #tpu.memory_space<semaphore_mem>> -> memref<1x!tpu.dma_semaphore, #tpu.memory_space<semaphore_mem>>
      %dma_start3A_354 = tpu.memref_squeeze %dma_start3A_353 : memref<1x!tpu.dma_semaphore, #tpu.memory_space<semaphore_mem>> -> memref<!tpu.dma_semaphore, #tpu.memory_space<semaphore_mem>>
      tpu.enqueue_indirect_dma source(%dma_start3A_352 : memref<10000x128xf32, #tpu.memory_space<hbm>>) target(%dma_start3A_346 : memref<80x128xf32, #tpu.memory_space<vmem>>) offsets(%dma_start3A_349 : memref<80xi32, #tpu.memory_space<vmem>>) semaphore(%dma_start3A_354 : memref<!tpu.dma_semaphore, #tpu.memory_space<semaphore_mem>>)
      %dma_wait3A_355 = arith.constant 1 : i32
      %dma_wait3A_356 = arith.constant 1 : i32
      %dma_wait3A_357 = arith.constant 1 : i32
      %dma_wait3A_358 = arith.constant 0 : i32
      %dma_wait3A_359 = arith.constant 0 : i32
      %dma_wait3A_360 = tpu.memref_slice %arg8[%dma_wait3A_356, %dma_wait3A_358, %dma_wait3A_359] : memref<2x80x128xf32, #tpu.memory_space<vmem>> -> memref<1x80x128xf32, #tpu.memory_space<vmem>>
      %dma_wait3A_361 = tpu.memref_squeeze %dma_wait3A_360 : memref<1x80x128xf32, #tpu.memory_space<vmem>> -> memref<80x128xf32, #tpu.memory_space<vmem>>
      %dma_wait3A_362 = arith.constant 0 : i32
      %dma_wait3A_363 = tpu.memref_slice %arg10[%dma_wait3A_355, %dma_wait3A_362] : memref<2x80xi32, #tpu.memory_space<vmem>> -> memref<1x80xi32, #tpu.memory_space<vmem>>
      %dma_wait3A_364 = tpu.memref_squeeze %dma_wait3A_363 : memref<1x80xi32, #tpu.memory_space<vmem>> -> memref<80xi32, #tpu.memory_space<vmem>>
      %dma_wait3A_365 = arith.constant 0 : i32
      %dma_wait3A_366 = arith.constant 0 : i32
      %dma_wait3A_367 = tpu.memref_slice %arg3[%dma_wait3A_365, %dma_wait3A_366] : memref<10000x128xf32, #tpu.memory_space<hbm>> -> memref<10000x128xf32, #tpu.memory_space<hbm>>
      %dma_wait3A_368 = tpu.memref_slice %arg14[%dma_wait3A_357] : memref<2x!tpu.dma_semaphore, #tpu.memory_space<semaphore_mem>> -> memref<1x!tpu.dma_semaphore, #tpu.memory_space<semaphore_mem>>
      %dma_wait3A_369 = tpu.memref_squeeze %dma_wait3A_368 : memref<1x!tpu.dma_semaphore, #tpu.memory_space<semaphore_mem>> -> memref<!tpu.dma_semaphore, #tpu.memory_space<semaphore_mem>>
      tpu.wait_indirect_dma semaphore(%dma_wait3A_369 : memref<!tpu.dma_semaphore, #tpu.memory_space<semaphore_mem>>) src(%dma_wait3A_367 : memref<10000x128xf32, #tpu.memory_space<hbm>>) dst(%dma_wait3A_361 : memref<80x128xf32, #tpu.memory_space<vmem>>)
      %dma_wait3A_370 = arith.constant 1 : i32
      %dma_wait3A_371 = arith.constant 1 : i32
      %dma_wait3A_372 = arith.constant 0 : i32
      %dma_wait3A_373 = arith.constant 0 : i32
      %dma_wait3A_374 = tpu.memref_slice %arg9[%dma_wait3A_370, %dma_wait3A_372, %dma_wait3A_373] : memref<2x80x128xf32, #tpu.memory_space<vmem>> -> memref<1x80x128xf32, #tpu.memory_space<vmem>>
      %dma_wait3A_375 = tpu.memref_squeeze %dma_wait3A_374 : memref<1x80x128xf32, #tpu.memory_space<vmem>> -> memref<80x128xf32, #tpu.memory_space<vmem>>
      %dma_wait3A_376 = arith.constant 0 : i32
      %dma_wait3A_377 = arith.constant 0 : i32
      %dma_wait3A_378 = tpu.memref_slice %arg2[%dma_wait3A_376, %dma_wait3A_377] : memref<320000x128xf32, #tpu.memory_space<hbm>> -> memref<80x128xf32, #tpu.memory_space<hbm>>
      %dma_wait3A_379 = tpu.memref_slice %arg13[%dma_wait3A_371] : memref<2x!tpu.dma_semaphore, #tpu.memory_space<semaphore_mem>> -> memref<1x!tpu.dma_semaphore, #tpu.memory_space<semaphore_mem>>
      %dma_wait3A_380 = tpu.memref_squeeze %dma_wait3A_379 : memref<1x!tpu.dma_semaphore, #tpu.memory_space<semaphore_mem>> -> memref<!tpu.dma_semaphore, #tpu.memory_space<semaphore_mem>>
      %dma_wait3A_381 = arith.constant 0 : i32
      %dma_wait3A_382 = arith.constant 0 : i32
      %dma_wait3A_383 = tpu.memref_slice %arg9[%dma_wait3A_370, %dma_wait3A_381, %dma_wait3A_382] : memref<2x80x128xf32, #tpu.memory_space<vmem>> -> memref<1x80x128xf32, #tpu.memory_space<vmem>>
      %dma_wait3A_384 = tpu.memref_squeeze %dma_wait3A_383 : memref<1x80x128xf32, #tpu.memory_space<vmem>> -> memref<80x128xf32, #tpu.memory_space<vmem>>
      %dma_wait3A_385 = arith.constant 0 : i32
      %dma_wait3A_386 = arith.constant 0 : i32
      %dma_wait3A_387 = tpu.memref_slice %arg2[%dma_wait3A_385, %dma_wait3A_386] : memref<320000x128xf32, #tpu.memory_space<hbm>> -> memref<80x128xf32, #tpu.memory_space<hbm>>
      tpu.wait_dma2 semaphore(%dma_wait3A_380 : memref<!tpu.dma_semaphore, #tpu.memory_space<semaphore_mem>>) src(%dma_wait3A_387 : memref<80x128xf32, #tpu.memory_space<hbm>>) dst(%dma_wait3A_384 : memref<80x128xf32, #tpu.memory_space<vmem>>)
      %parallel_loop3A_388 = arith.constant 0 : i32
      %parallel_loop3A_389 = arith.constant 80 : i32
      %parallel_loop3A_390 = arith.constant 1 : i32
      scf.for %parallel_loop3A_397 = %parallel_loop3A_388 to %parallel_loop3A_389 step %parallel_loop3A_390  : i32 {
        %parallel_loop3A_398 = arith.constant 1 : i32
        %parallel_loop3A_399 = arith.index_cast %parallel_loop3A_398 : i32 to index
        %parallel_loop3A_400 = arith.index_cast %parallel_loop3A_397 : i32 to index
        %parallel_loop3A_401 = arith.constant 0 : index
        %parallel_loop3A_402 = tpu.vector_load %arg8[%parallel_loop3A_399, %parallel_loop3A_400, %parallel_loop3A_401] {strides = array<i32>} : memref<2x80x128xf32, #tpu.memory_space<vmem>>, vector<16xf32>,
        %parallel_loop3A_403 = arith.constant 1 : i32
        %parallel_loop3A_404 = arith.index_cast %parallel_loop3A_403 : i32 to index
        %parallel_loop3A_405 = arith.index_cast %parallel_loop3A_397 : i32 to index
        %parallel_loop3A_406 = arith.constant 0 : index
        %parallel_loop3A_407 = tpu.vector_load %arg9[%parallel_loop3A_404, %parallel_loop3A_405, %parallel_loop3A_406] {strides = array<i32>} : memref<2x80x128xf32, #tpu.memory_space<vmem>>, vector<16xf32>,
        %parallel_loop3A_408 = arith.mulf %parallel_loop3A_402, %parallel_loop3A_407 : vector<16xf32>
        %parallel_loop3A_409 = arith.constant 1 : i32
        %parallel_loop3A_410 = arith.index_cast %parallel_loop3A_409 : i32 to index
        %parallel_loop3A_411 = arith.index_cast %parallel_loop3A_397 : i32 to index
        %parallel_loop3A_412 = arith.constant 0 : index
        %parallel_loop3A_413 = tpu.vector_load %arg8[%parallel_loop3A_410, %parallel_loop3A_411, %parallel_loop3A_412] {strides = array<i32>} : memref<2x80x128xf32, #tpu.memory_space<vmem>>, vector<16xf32>,
        tpu.vector_store %arg8[%parallel_loop3A_410, %parallel_loop3A_411, %parallel_loop3A_412], %parallel_loop3A_408 {strides = array<i32>} : memref<2x80x128xf32, #tpu.memory_space<vmem>>, vector<16xf32>,
        %parallel_loop3A_414 = arith.constant 1 : i32
        %parallel_loop3A_415 = arith.index_cast %parallel_loop3A_414 : i32 to index
        %parallel_loop3A_416 = arith.index_cast %parallel_loop3A_397 : i32 to index
        %parallel_loop3A_417 = arith.constant 16 : index
        %parallel_loop3A_418 = tpu.vector_load %arg8[%parallel_loop3A_415, %parallel_loop3A_416, %parallel_loop3A_417] {strides = array<i32>} : memref<2x80x128xf32, #tpu.memory_space<vmem>>, vector<16xf32>,
        %parallel_loop3A_419 = arith.constant 1 : i32
        %parallel_loop3A_420 = arith.index_cast %parallel_loop3A_419 : i32 to index
        %parallel_loop3A_421 = arith.index_cast %parallel_loop3A_397 : i32 to index
        %parallel_loop3A_422 = arith.constant 16 : index
        %parallel_loop3A_423 = tpu.vector_load %arg9[%parallel_loop3A_420, %parallel_loop3A_421, %parallel_loop3A_422] {strides = array<i32>} : memref<2x80x128xf32, #tpu.memory_space<vmem>>, vector<16xf32>,
        %parallel_loop3A_424 = arith.mulf %parallel_loop3A_418, %parallel_loop3A_423 : vector<16xf32>
        %parallel_loop3A_425 = arith.constant 1 : i32
        %parallel_loop3A_426 = arith.index_cast %parallel_loop3A_425 : i32 to index
        %parallel_loop3A_427 = arith.index_cast %parallel_loop3A_397 : i32 to index
        %parallel_loop3A_428 = arith.constant 16 : index
        %parallel_loop3A_429 = tpu.vector_load %arg8[%parallel_loop3A_426, %parallel_loop3A_427, %parallel_loop3A_428] {strides = array<i32>} : memref<2x80x128xf32, #tpu.memory_space<vmem>>, vector<16xf32>,
        tpu.vector_store %arg8[%parallel_loop3A_426, %parallel_loop3A_427, %parallel_loop3A_428], %parallel_loop3A_424 {strides = array<i32>} : memref<2x80x128xf32, #tpu.memory_space<vmem>>, vector<16xf32>,
        %parallel_loop3A_430 = arith.constant 1 : i32
        %parallel_loop3A_431 = arith.index_cast %parallel_loop3A_430 : i32 to index
        %parallel_loop3A_432 = arith.index_cast %parallel_loop3A_397 : i32 to index
        %parallel_loop3A_433 = arith.constant 32 : index
        %parallel_loop3A_434 = tpu.vector_load %arg8[%parallel_loop3A_431, %parallel_loop3A_432, %parallel_loop3A_433] {strides = array<i32>} : memref<2x80x128xf32, #tpu.memory_space<vmem>>, vector<16xf32>,
        %parallel_loop3A_435 = arith.constant 1 : i32
        %parallel_loop3A_436 = arith.index_cast %parallel_loop3A_435 : i32 to index
        %parallel_loop3A_437 = arith.index_cast %parallel_loop3A_397 : i32 to index
        %parallel_loop3A_438 = arith.constant 32 : index
        %parallel_loop3A_439 = tpu.vector_load %arg9[%parallel_loop3A_436, %parallel_loop3A_437, %parallel_loop3A_438] {strides = array<i32>} : memref<2x80x128xf32, #tpu.memory_space<vmem>>, vector<16xf32>,
        %parallel_loop3A_440 = arith.mulf %parallel_loop3A_434, %parallel_loop3A_439 : vector<16xf32>
        %parallel_loop3A_441 = arith.constant 1 : i32
        %parallel_loop3A_442 = arith.index_cast %parallel_loop3A_441 : i32 to index
        %parallel_loop3A_443 = arith.index_cast %parallel_loop3A_397 : i32 to index
        %parallel_loop3A_444 = arith.constant 32 : index
        %parallel_loop3A_445 = tpu.vector_load %arg8[%parallel_loop3A_442, %parallel_loop3A_443, %parallel_loop3A_444] {strides = array<i32>} : memref<2x80x128xf32, #tpu.memory_space<vmem>>, vector<16xf32>,
        tpu.vector_store %arg8[%parallel_loop3A_442, %parallel_loop3A_443, %parallel_loop3A_444], %parallel_loop3A_440 {strides = array<i32>} : memref<2x80x128xf32, #tpu.memory_space<vmem>>, vector<16xf32>,
        %parallel_loop3A_446 = arith.constant 1 : i32
        %parallel_loop3A_447 = arith.index_cast %parallel_loop3A_446 : i32 to index
        %parallel_loop3A_448 = arith.index_cast %parallel_loop3A_397 : i32 to index
        %parallel_loop3A_449 = arith.constant 48 : index
        %parallel_loop3A_450 = tpu.vector_load %arg8[%parallel_loop3A_447, %parallel_loop3A_448, %parallel_loop3A_449] {strides = array<i32>} : memref<2x80x128xf32, #tpu.memory_space<vmem>>, vector<16xf32>,
        %parallel_loop3A_451 = arith.constant 1 : i32
        %parallel_loop3A_452 = arith.index_cast %parallel_loop3A_451 : i32 to index
        %parallel_loop3A_453 = arith.index_cast %parallel_loop3A_397 : i32 to index
        %parallel_loop3A_454 = arith.constant 48 : index
        %parallel_loop3A_455 = tpu.vector_load %arg9[%parallel_loop3A_452, %parallel_loop3A_453, %parallel_loop3A_454] {strides = array<i32>} : memref<2x80x128xf32, #tpu.memory_space<vmem>>, vector<16xf32>,
        %parallel_loop3A_456 = arith.mulf %parallel_loop3A_450, %parallel_loop3A_455 : vector<16xf32>
        %parallel_loop3A_457 = arith.constant 1 : i32
        %parallel_loop3A_458 = arith.index_cast %parallel_loop3A_457 : i32 to index
        %parallel_loop3A_459 = arith.index_cast %parallel_loop3A_397 : i32 to index
        %parallel_loop3A_460 = arith.constant 48 : index
        %parallel_loop3A_461 = tpu.vector_load %arg8[%parallel_loop3A_458, %parallel_loop3A_459, %parallel_loop3A_460] {strides = array<i32>} : memref<2x80x128xf32, #tpu.memory_space<vmem>>, vector<16xf32>,
        tpu.vector_store %arg8[%parallel_loop3A_458, %parallel_loop3A_459, %parallel_loop3A_460], %parallel_loop3A_456 {strides = array<i32>} : memref<2x80x128xf32, #tpu.memory_space<vmem>>, vector<16xf32>,
        %parallel_loop3A_462 = arith.constant 1 : i32
        %parallel_loop3A_463 = arith.index_cast %parallel_loop3A_462 : i32 to index
        %parallel_loop3A_464 = arith.index_cast %parallel_loop3A_397 : i32 to index
        %parallel_loop3A_465 = arith.constant 64 : index
        %parallel_loop3A_466 = tpu.vector_load %arg8[%parallel_loop3A_463, %parallel_loop3A_464, %parallel_loop3A_465] {strides = array<i32>} : memref<2x80x128xf32, #tpu.memory_space<vmem>>, vector<16xf32>,
        %parallel_loop3A_467 = arith.constant 1 : i32
        %parallel_loop3A_468 = arith.index_cast %parallel_loop3A_467 : i32 to index
        %parallel_loop3A_469 = arith.index_cast %parallel_loop3A_397 : i32 to index
        %parallel_loop3A_470 = arith.constant 64 : index
        %parallel_loop3A_471 = tpu.vector_load %arg9[%parallel_loop3A_468, %parallel_loop3A_469, %parallel_loop3A_470] {strides = array<i32>} : memref<2x80x128xf32, #tpu.memory_space<vmem>>, vector<16xf32>,
        %parallel_loop3A_472 = arith.mulf %parallel_loop3A_466, %parallel_loop3A_471 : vector<16xf32>
        %parallel_loop3A_473 = arith.constant 1 : i32
        %parallel_loop3A_474 = arith.index_cast %parallel_loop3A_473 : i32 to index
        %parallel_loop3A_475 = arith.index_cast %parallel_loop3A_397 : i32 to index
        %parallel_loop3A_476 = arith.constant 64 : index
        %parallel_loop3A_477 = tpu.vector_load %arg8[%parallel_loop3A_474, %parallel_loop3A_475, %parallel_loop3A_476] {strides = array<i32>} : memref<2x80x128xf32, #tpu.memory_space<vmem>>, vector<16xf32>,
        tpu.vector_store %arg8[%parallel_loop3A_474, %parallel_loop3A_475, %parallel_loop3A_476], %parallel_loop3A_472 {strides = array<i32>} : memref<2x80x128xf32, #tpu.memory_space<vmem>>, vector<16xf32>,
        %parallel_loop3A_478 = arith.constant 1 : i32
        %parallel_loop3A_479 = arith.index_cast %parallel_loop3A_478 : i32 to index
        %parallel_loop3A_480 = arith.index_cast %parallel_loop3A_397 : i32 to index
        %parallel_loop3A_481 = arith.constant 80 : index
        %parallel_loop3A_482 = tpu.vector_load %arg8[%parallel_loop3A_479, %parallel_loop3A_480, %parallel_loop3A_481] {strides = array<i32>} : memref<2x80x128xf32, #tpu.memory_space<vmem>>, vector<16xf32>,
        %parallel_loop3A_483 = arith.constant 1 : i32
        %parallel_loop3A_484 = arith.index_cast %parallel_loop3A_483 : i32 to index
        %parallel_loop3A_485 = arith.index_cast %parallel_loop3A_397 : i32 to index
        %parallel_loop3A_486 = arith.constant 80 : index
        %parallel_loop3A_487 = tpu.vector_load %arg9[%parallel_loop3A_484, %parallel_loop3A_485, %parallel_loop3A_486] {strides = array<i32>} : memref<2x80x128xf32, #tpu.memory_space<vmem>>, vector<16xf32>,
        %parallel_loop3A_488 = arith.mulf %parallel_loop3A_482, %parallel_loop3A_487 : vector<16xf32>
        %parallel_loop3A_489 = arith.constant 1 : i32
        %parallel_loop3A_490 = arith.index_cast %parallel_loop3A_489 : i32 to index
        %parallel_loop3A_491 = arith.index_cast %parallel_loop3A_397 : i32 to index
        %parallel_loop3A_492 = arith.constant 80 : index
        %parallel_loop3A_493 = tpu.vector_load %arg8[%parallel_loop3A_490, %parallel_loop3A_491, %parallel_loop3A_492] {strides = array<i32>} : memref<2x80x128xf32, #tpu.memory_space<vmem>>, vector<16xf32>,
        tpu.vector_store %arg8[%parallel_loop3A_490, %parallel_loop3A_491, %parallel_loop3A_492], %parallel_loop3A_488 {strides = array<i32>} : memref<2x80x128xf32, #tpu.memory_space<vmem>>, vector<16xf32>,
        %parallel_loop3A_494 = arith.constant 1 : i32
        %parallel_loop3A_495 = arith.index_cast %parallel_loop3A_494 : i32 to index
        %parallel_loop3A_496 = arith.index_cast %parallel_loop3A_397 : i32 to index
        %parallel_loop3A_497 = arith.constant 96 : index
        %parallel_loop3A_498 = tpu.vector_load %arg8[%parallel_loop3A_495, %parallel_loop3A_496, %parallel_loop3A_497] {strides = array<i32>} : memref<2x80x128xf32, #tpu.memory_space<vmem>>, vector<16xf32>,
        %parallel_loop3A_499 = arith.constant 1 : i32
        %parallel_loop3A_500 = arith.index_cast %parallel_loop3A_499 : i32 to index
        %parallel_loop3A_501 = arith.index_cast %parallel_loop3A_397 : i32 to index
        %parallel_loop3A_502 = arith.constant 96 : index
        %parallel_loop3A_503 = tpu.vector_load %arg9[%parallel_loop3A_500, %parallel_loop3A_501, %parallel_loop3A_502] {strides = array<i32>} : memref<2x80x128xf32, #tpu.memory_space<vmem>>, vector<16xf32>,
        %parallel_loop3A_504 = arith.mulf %parallel_loop3A_498, %parallel_loop3A_503 : vector<16xf32>
        %parallel_loop3A_505 = arith.constant 1 : i32
        %parallel_loop3A_506 = arith.index_cast %parallel_loop3A_505 : i32 to index
        %parallel_loop3A_507 = arith.index_cast %parallel_loop3A_397 : i32 to index
        %parallel_loop3A_508 = arith.constant 96 : index
        %parallel_loop3A_509 = tpu.vector_load %arg8[%parallel_loop3A_506, %parallel_loop3A_507, %parallel_loop3A_508] {strides = array<i32>} : memref<2x80x128xf32, #tpu.memory_space<vmem>>, vector<16xf32>,
        tpu.vector_store %arg8[%parallel_loop3A_506, %parallel_loop3A_507, %parallel_loop3A_508], %parallel_loop3A_504 {strides = array<i32>} : memref<2x80x128xf32, #tpu.memory_space<vmem>>, vector<16xf32>,
        %parallel_loop3A_510 = arith.constant 1 : i32
        %parallel_loop3A_511 = arith.index_cast %parallel_loop3A_510 : i32 to index
        %parallel_loop3A_512 = arith.index_cast %parallel_loop3A_397 : i32 to index
        %parallel_loop3A_513 = arith.constant 112 : index
        %parallel_loop3A_514 = tpu.vector_load %arg8[%parallel_loop3A_511, %parallel_loop3A_512, %parallel_loop3A_513] {strides = array<i32>} : memref<2x80x128xf32, #tpu.memory_space<vmem>>, vector<16xf32>,
        %parallel_loop3A_515 = arith.constant 1 : i32
        %parallel_loop3A_516 = arith.index_cast %parallel_loop3A_515 : i32 to index
        %parallel_loop3A_517 = arith.index_cast %parallel_loop3A_397 : i32 to index
        %parallel_loop3A_518 = arith.constant 112 : index
        %parallel_loop3A_519 = tpu.vector_load %arg9[%parallel_loop3A_516, %parallel_loop3A_517, %parallel_loop3A_518] {strides = array<i32>} : memref<2x80x128xf32, #tpu.memory_space<vmem>>, vector<16xf32>,
        %parallel_loop3A_520 = arith.mulf %parallel_loop3A_514, %parallel_loop3A_519 : vector<16xf32>
        %parallel_loop3A_521 = arith.constant 1 : i32
        %parallel_loop3A_522 = arith.index_cast %parallel_loop3A_521 : i32 to index
        %parallel_loop3A_523 = arith.index_cast %parallel_loop3A_397 : i32 to index
        %parallel_loop3A_524 = arith.constant 112 : index
        %parallel_loop3A_525 = tpu.vector_load %arg8[%parallel_loop3A_522, %parallel_loop3A_523, %parallel_loop3A_524] {strides = array<i32>} : memref<2x80x128xf32, #tpu.memory_space<vmem>>, vector<16xf32>,
        tpu.vector_store %arg8[%parallel_loop3A_522, %parallel_loop3A_523, %parallel_loop3A_524], %parallel_loop3A_520 {strides = array<i32>} : memref<2x80x128xf32, #tpu.memory_space<vmem>>, vector<16xf32>,
      } {sc.loop_unroll_factor = 4 : i64, sc.parallel_access}
      %run_scoped3A_391 = arith.constant 1 : i32
      %run_scoped3A_392 = arith.constant 1 : i32
      "tpu.region"() ({
        %run_scoped3A_397 = tpu.sem_alloc : memref<!tpu.dma_semaphore, #tpu.memory_space<semaphore_mem>>
        %dma_start3A_398 = arith.constant 0 : i32
        %dma_start3A_399 = arith.constant 0 : i32
        %dma_start3A_400 = tpu.memref_slice %arg8[%run_scoped3A_391, %dma_start3A_398, %dma_start3A_399] : memref<2x80x128xf32, #tpu.memory_space<vmem>> -> memref<1x80x128xf32, #tpu.memory_space<vmem>>
        %dma_start3A_401 = tpu.memref_squeeze %dma_start3A_400 : memref<1x80x128xf32, #tpu.memory_space<vmem>> -> memref<80x128xf32, #tpu.memory_space<vmem>>
        %dma_start3A_402 = arith.constant 0 : i32
        %dma_start3A_403 = tpu.memref_slice %arg11[%run_scoped3A_392, %dma_start3A_402] : memref<2x80xi32, #tpu.memory_space<vmem>> -> memref<1x80xi32, #tpu.memory_space<vmem>>
        %dma_start3A_404 = tpu.memref_squeeze %dma_start3A_403 : memref<1x80xi32, #tpu.memory_space<vmem>> -> memref<80xi32, #tpu.memory_space<vmem>>
        %dma_start3A_405 = arith.constant 0 : i32
        %dma_start3A_406 = arith.constant 0 : i32
        %dma_start3A_407 = tpu.memref_slice %arg7[%dma_start3A_405, %dma_start3A_406] : memref<10000x128xf32, #tpu.memory_space<vmem_shared>> -> memref<10000x128xf32, #tpu.memory_space<vmem_shared>>
        tpu.enqueue_indirect_dma source(%dma_start3A_401 : memref<80x128xf32, #tpu.memory_space<vmem>>) target(%dma_start3A_407 : memref<10000x128xf32, #tpu.memory_space<vmem_shared>>) offsets(%dma_start3A_404 : memref<80xi32, #tpu.memory_space<vmem>>) semaphore(%run_scoped3A_397 : memref<!tpu.dma_semaphore, #tpu.memory_space<semaphore_mem>>) {add = true}
        %dma_wait3A_408 = arith.constant 0 : i32
        %dma_wait3A_409 = arith.constant 0 : i32
        %dma_wait3A_410 = tpu.memref_slice %arg8[%run_scoped3A_391, %dma_wait3A_408, %dma_wait3A_409] : memref<2x80x128xf32, #tpu.memory_space<vmem>> -> memref<1x80x128xf32, #tpu.memory_space<vmem>>
        %dma_wait3A_411 = tpu.memref_squeeze %dma_wait3A_410 : memref<1x80x128xf32, #tpu.memory_space<vmem>> -> memref<80x128xf32, #tpu.memory_space<vmem>>
        %dma_wait3A_412 = arith.constant 0 : i32
        %dma_wait3A_413 = tpu.memref_slice %arg11[%run_scoped3A_392, %dma_wait3A_412] : memref<2x80xi32, #tpu.memory_space<vmem>> -> memref<1x80xi32, #tpu.memory_space<vmem>>
        %dma_wait3A_414 = tpu.memref_squeeze %dma_wait3A_413 : memref<1x80xi32, #tpu.memory_space<vmem>> -> memref<80xi32, #tpu.memory_space<vmem>>
        %dma_wait3A_415 = arith.constant 0 : i32
        %dma_wait3A_416 = arith.constant 0 : i32
        %dma_wait3A_417 = tpu.memref_slice %arg7[%dma_wait3A_415, %dma_wait3A_416] : memref<10000x128xf32, #tpu.memory_space<vmem_shared>> -> memref<10000x128xf32, #tpu.memory_space<vmem_shared>>
        tpu.wait_indirect_dma semaphore(%run_scoped3A_397 : memref<!tpu.dma_semaphore, #tpu.memory_space<semaphore_mem>>) src(%dma_wait3A_411 : memref<80x128xf32, #tpu.memory_space<vmem>>) dst(%dma_wait3A_417 : memref<10000x128xf32, #tpu.memory_space<vmem_shared>>)
        tpu.yield
      }) : () -> ()
      %add3A_393 = arith.constant 3 : i32
      %add3A_394 = arith.addi %mul3A_185, %add3A_393 : i32
      %lt3A = arith.constant 125 : i32
      %lt3A_395 = arith.cmpi slt, %add3A_394, %lt3A : i32
      %convert_element_type3A = arith.extui %lt3A_395 : i1 to i32
      %cond3A = arith.constant 0 : i32
      %cond3A_396 = arith.cmpi ne, %convert_element_type3A, %cond3A : i32
      scf.if %cond3A_396 {
        %add3A_397 = arith.constant 3 : i32
        %add3A_398 = arith.addi %mul3A_185, %add3A_397 : i32
        %mul3A_399 = arith.constant 80 : i32
        %mul3A_400 = arith.muli %add3A_398, %mul3A_399 : i32
        %add3A_401 = arith.addi %mul3A_2, %mul3A_400 : i32
        %dma_start3A_402 = arith.constant 1 : i32
        %dma_start3A_403 = arith.constant 1 : i32
        %dma_start3A_404 = arith.constant 0 : i32
        %dma_start3A_405 = tpu.memref_slice %arg10[%dma_start3A_402, %dma_start3A_404] : memref<2x80xi32, #tpu.memory_space<vmem>> -> memref<1x80xi32, #tpu.memory_space<vmem>>
        %dma_start3A_406 = tpu.memref_squeeze %dma_start3A_405 : memref<1x80xi32, #tpu.memory_space<vmem>> -> memref<80xi32, #tpu.memory_space<vmem>>
        %dma_start3A_407 = tpu.memref_slice %arg4[%add3A_401] : memref<320000xi32, #tpu.memory_space<hbm>> -> memref<80xi32, #tpu.memory_space<hbm>>
        %dma_start3A_408 = tpu.memref_slice %arg12[%dma_start3A_403] : memref<2x!tpu.dma_semaphore, #tpu.memory_space<semaphore_mem>> -> memref<1x!tpu.dma_semaphore, #tpu.memory_space<semaphore_mem>>
        %dma_start3A_409 = tpu.memref_squeeze %dma_start3A_408 : memref<1x!tpu.dma_semaphore, #tpu.memory_space<semaphore_mem>> -> memref<!tpu.dma_semaphore, #tpu.memory_space<semaphore_mem>>
        %dma_start3A_410 = arith.constant 0 : i32
        %dma_start3A_411 = tpu.memref_slice %arg10[%dma_start3A_402, %dma_start3A_410] : memref<2x80xi32, #tpu.memory_space<vmem>> -> memref<1x80xi32, #tpu.memory_space<vmem>>
        %dma_start3A_412 = tpu.memref_squeeze %dma_start3A_411 : memref<1x80xi32, #tpu.memory_space<vmem>> -> memref<80xi32, #tpu.memory_space<vmem>>
        %dma_start3A_413 = tpu.memref_slice %arg4[%add3A_401] : memref<320000xi32, #tpu.memory_space<hbm>> -> memref<80xi32, #tpu.memory_space<hbm>>
        tpu.enqueue_dma source(%dma_start3A_413 : memref<80xi32, #tpu.memory_space<hbm>>) target(%dma_start3A_412 : memref<80xi32, #tpu.memory_space<vmem>>) target_semaphore(%dma_start3A_409 : memref<!tpu.dma_semaphore, #tpu.memory_space<semaphore_mem>>)
        %dma_start3A_414 = arith.constant 1 : i32
        %dma_start3A_415 = arith.constant 1 : i32
        %dma_start3A_416 = arith.constant 0 : i32
        %dma_start3A_417 = tpu.memref_slice %arg11[%dma_start3A_414, %dma_start3A_416] : memref<2x80xi32, #tpu.memory_space<vmem>> -> memref<1x80xi32, #tpu.memory_space<vmem>>
        %dma_start3A_418 = tpu.memref_squeeze %dma_start3A_417 : memref<1x80xi32, #tpu.memory_space<vmem>> -> memref<80xi32, #tpu.memory_space<vmem>>
        %dma_start3A_419 = tpu.memref_slice %arg5[%add3A_401] : memref<320000xi32, #tpu.memory_space<hbm>> -> memref<80xi32, #tpu.memory_space<hbm>>
        %dma_start3A_420 = tpu.memref_slice %arg12[%dma_start3A_415] : memref<2x!tpu.dma_semaphore, #tpu.memory_space<semaphore_mem>> -> memref<1x!tpu.dma_semaphore, #tpu.memory_space<semaphore_mem>>
        %dma_start3A_421 = tpu.memref_squeeze %dma_start3A_420 : memref<1x!tpu.dma_semaphore, #tpu.memory_space<semaphore_mem>> -> memref<!tpu.dma_semaphore, #tpu.memory_space<semaphore_mem>>
        %dma_start3A_422 = arith.constant 0 : i32
        %dma_start3A_423 = tpu.memref_slice %arg11[%dma_start3A_414, %dma_start3A_422] : memref<2x80xi32, #tpu.memory_space<vmem>> -> memref<1x80xi32, #tpu.memory_space<vmem>>
        %dma_start3A_424 = tpu.memref_squeeze %dma_start3A_423 : memref<1x80xi32, #tpu.memory_space<vmem>> -> memref<80xi32, #tpu.memory_space<vmem>>
        %dma_start3A_425 = tpu.memref_slice %arg5[%add3A_401] : memref<320000xi32, #tpu.memory_space<hbm>> -> memref<80xi32, #tpu.memory_space<hbm>>
        tpu.enqueue_dma source(%dma_start3A_425 : memref<80xi32, #tpu.memory_space<hbm>>) target(%dma_start3A_424 : memref<80xi32, #tpu.memory_space<vmem>>) target_semaphore(%dma_start3A_421 : memref<!tpu.dma_semaphore, #tpu.memory_space<semaphore_mem>>)
        %dma_start3A_426 = arith.constant 1 : i32
        %dma_start3A_427 = arith.constant 1 : i32
        %dma_start3A_428 = arith.constant 0 : i32
        %dma_start3A_429 = arith.constant 0 : i32
        %dma_start3A_430 = tpu.memref_slice %arg9[%dma_start3A_426, %dma_start3A_428, %dma_start3A_429] : memref<2x80x128xf32, #tpu.memory_space<vmem>> -> memref<1x80x128xf32, #tpu.memory_space<vmem>>
        %dma_start3A_431 = tpu.memref_squeeze %dma_start3A_430 : memref<1x80x128xf32, #tpu.memory_space<vmem>> -> memref<80x128xf32, #tpu.memory_space<vmem>>
        %dma_start3A_432 = arith.constant 0 : i32
        %dma_start3A_433 = tpu.memref_slice %arg2[%add3A_401, %dma_start3A_432] : memref<320000x128xf32, #tpu.memory_space<hbm>> -> memref<80x128xf32, #tpu.memory_space<hbm>>
        %dma_start3A_434 = tpu.memref_slice %arg13[%dma_start3A_427] : memref<2x!tpu.dma_semaphore, #tpu.memory_space<semaphore_mem>> -> memref<1x!tpu.dma_semaphore, #tpu.memory_space<semaphore_mem>>
        %dma_start3A_435 = tpu.memref_squeeze %dma_start3A_434 : memref<1x!tpu.dma_semaphore, #tpu.memory_space<semaphore_mem>> -> memref<!tpu.dma_semaphore, #tpu.memory_space<semaphore_mem>>
        %dma_start3A_436 = arith.constant 0 : i32
        %dma_start3A_437 = arith.constant 0 : i32
        %dma_start3A_438 = tpu.memref_slice %arg9[%dma_start3A_426, %dma_start3A_436, %dma_start3A_437] : memref<2x80x128xf32, #tpu.memory_space<vmem>> -> memref<1x80x128xf32, #tpu.memory_space<vmem>>
        %dma_start3A_439 = tpu.memref_squeeze %dma_start3A_438 : memref<1x80x128xf32, #tpu.memory_space<vmem>> -> memref<80x128xf32, #tpu.memory_space<vmem>>
        %dma_start3A_440 = arith.constant 0 : i32
        %dma_start3A_441 = tpu.memref_slice %arg2[%add3A_401, %dma_start3A_440] : memref<320000x128xf32, #tpu.memory_space<hbm>> -> memref<80x128xf32, #tpu.memory_space<hbm>>
        tpu.enqueue_dma source(%dma_start3A_441 : memref<80x128xf32, #tpu.memory_space<hbm>>) target(%dma_start3A_439 : memref<80x128xf32, #tpu.memory_space<vmem>>) target_semaphore(%dma_start3A_435 : memref<!tpu.dma_semaphore, #tpu.memory_space<semaphore_mem>>)
      } else {
      }
    }
    %scan3A_140 = arith.constant 62 : i32
    %dma_wait3A_141 = arith.constant 0 : i32
    %dma_wait3A_142 = arith.constant 0 : i32
    %dma_wait3A_143 = arith.constant 0 : i32
    %dma_wait3A_144 = arith.constant 0 : i32
    %dma_wait3A_145 = arith.constant 0 : i32
    %dma_wait3A_146 = tpu.memref_slice %arg8[%dma_wait3A_142, %dma_wait3A_144, %dma_wait3A_145] : memref<2x80x128xf32, #tpu.memory_space<vmem>> -> memref<1x80x128xf32, #tpu.memory_space<vmem>>
    %dma_wait3A_147 = tpu.memref_squeeze %dma_wait3A_146 : memref<1x80x128xf32, #tpu.memory_space<vmem>> -> memref<80x128xf32, #tpu.memory_space<vmem>>
    %dma_wait3A_148 = arith.constant 0 : i32
    %dma_wait3A_149 = tpu.memref_slice %arg10[%dma_wait3A_141, %dma_wait3A_148] : memref<2x80xi32, #tpu.memory_space<vmem>> -> memref<1x80xi32, #tpu.memory_space<vmem>>
    %dma_wait3A_150 = tpu.memref_squeeze %dma_wait3A_149 : memref<1x80xi32, #tpu.memory_space<vmem>> -> memref<80xi32, #tpu.memory_space<vmem>>
    %dma_wait3A_151 = arith.constant 0 : i32
    %dma_wait3A_152 = arith.constant 0 : i32
    %dma_wait3A_153 = tpu.memref_slice %arg3[%dma_wait3A_151, %dma_wait3A_152] : memref<10000x128xf32, #tpu.memory_space<hbm>> -> memref<10000x128xf32, #tpu.memory_space<hbm>>
    %dma_wait3A_154 = tpu.memref_slice %arg14[%dma_wait3A_143] : memref<2x!tpu.dma_semaphore, #tpu.memory_space<semaphore_mem>> -> memref<1x!tpu.dma_semaphore, #tpu.memory_space<semaphore_mem>>
    %dma_wait3A_155 = tpu.memref_squeeze %dma_wait3A_154 : memref<1x!tpu.dma_semaphore, #tpu.memory_space<semaphore_mem>> -> memref<!tpu.dma_semaphore, #tpu.memory_space<semaphore_mem>>
    tpu.wait_indirect_dma semaphore(%dma_wait3A_155 : memref<!tpu.dma_semaphore, #tpu.memory_space<semaphore_mem>>) src(%dma_wait3A_153 : memref<10000x128xf32, #tpu.memory_space<hbm>>) dst(%dma_wait3A_147 : memref<80x128xf32, #tpu.memory_space<vmem>>)
    %dma_wait3A_156 = arith.constant 0 : i32
    %dma_wait3A_157 = arith.constant 0 : i32
    %dma_wait3A_158 = arith.constant 0 : i32
    %dma_wait3A_159 = arith.constant 0 : i32
    %dma_wait3A_160 = tpu.memref_slice %arg9[%dma_wait3A_156, %dma_wait3A_158, %dma_wait3A_159] : memref<2x80x128xf32, #tpu.memory_space<vmem>> -> memref<1x80x128xf32, #tpu.memory_space<vmem>>
    %dma_wait3A_161 = tpu.memref_squeeze %dma_wait3A_160 : memref<1x80x128xf32, #tpu.memory_space<vmem>> -> memref<80x128xf32, #tpu.memory_space<vmem>>
    %dma_wait3A_162 = arith.constant 0 : i32
    %dma_wait3A_163 = arith.constant 0 : i32
    %dma_wait3A_164 = tpu.memref_slice %arg2[%dma_wait3A_162, %dma_wait3A_163] : memref<320000x128xf32, #tpu.memory_space<hbm>> -> memref<80x128xf32, #tpu.memory_space<hbm>>
    %dma_wait3A_165 = tpu.memref_slice %arg13[%dma_wait3A_157] : memref<2x!tpu.dma_semaphore, #tpu.memory_space<semaphore_mem>> -> memref<1x!tpu.dma_semaphore, #tpu.memory_space<semaphore_mem>>
    %dma_wait3A_166 = tpu.memref_squeeze %dma_wait3A_165 : memref<1x!tpu.dma_semaphore, #tpu.memory_space<semaphore_mem>> -> memref<!tpu.dma_semaphore, #tpu.memory_space<semaphore_mem>>
    %dma_wait3A_167 = arith.constant 0 : i32
    %dma_wait3A_168 = arith.constant 0 : i32
    %dma_wait3A_169 = tpu.memref_slice %arg9[%dma_wait3A_156, %dma_wait3A_167, %dma_wait3A_168] : memref<2x80x128xf32, #tpu.memory_space<vmem>> -> memref<1x80x128xf32, #tpu.memory_space<vmem>>
    %dma_wait3A_170 = tpu.memref_squeeze %dma_wait3A_169 : memref<1x80x128xf32, #tpu.memory_space<vmem>> -> memref<80x128xf32, #tpu.memory_space<vmem>>
    %dma_wait3A_171 = arith.constant 0 : i32
    %dma_wait3A_172 = arith.constant 0 : i32
    %dma_wait3A_173 = tpu.memref_slice %arg2[%dma_wait3A_171, %dma_wait3A_172] : memref<320000x128xf32, #tpu.memory_space<hbm>> -> memref<80x128xf32, #tpu.memory_space<hbm>>
    tpu.wait_dma2 semaphore(%dma_wait3A_166 : memref<!tpu.dma_semaphore, #tpu.memory_space<semaphore_mem>>) src(%dma_wait3A_173 : memref<80x128xf32, #tpu.memory_space<hbm>>) dst(%dma_wait3A_170 : memref<80x128xf32, #tpu.memory_space<vmem>>)
    %parallel_loop3A_174 = arith.constant 0 : i32
    %parallel_loop3A_175 = arith.constant 80 : i32
    %parallel_loop3A_176 = arith.constant 1 : i32
    scf.for %parallel_loop3A_183 = %parallel_loop3A_174 to %parallel_loop3A_175 step %parallel_loop3A_176  : i32 {
      %parallel_loop3A_184 = arith.constant 0 : i32
      %parallel_loop3A_185 = arith.index_cast %parallel_loop3A_184 : i32 to index
      %parallel_loop3A_186 = arith.index_cast %parallel_loop3A_183 : i32 to index
      %parallel_loop3A_187 = arith.constant 0 : index
      %parallel_loop3A_188 = tpu.vector_load %arg8[%parallel_loop3A_185, %parallel_loop3A_186, %parallel_loop3A_187] {strides = array<i32>} : memref<2x80x128xf32, #tpu.memory_space<vmem>>, vector<16xf32>,
      %parallel_loop3A_189 = arith.constant 0 : i32
      %parallel_loop3A_190 = arith.index_cast %parallel_loop3A_189 : i32 to index
      %parallel_loop3A_191 = arith.index_cast %parallel_loop3A_183 : i32 to index
      %parallel_loop3A_192 = arith.constant 0 : index
      %parallel_loop3A_193 = tpu.vector_load %arg9[%parallel_loop3A_190, %parallel_loop3A_191, %parallel_loop3A_192] {strides = array<i32>} : memref<2x80x128xf32, #tpu.memory_space<vmem>>, vector<16xf32>,
      %parallel_loop3A_194 = arith.mulf %parallel_loop3A_188, %parallel_loop3A_193 : vector<16xf32>
      %parallel_loop3A_195 = arith.constant 0 : i32
      %parallel_loop3A_196 = arith.index_cast %parallel_loop3A_195 : i32 to index
      %parallel_loop3A_197 = arith.index_cast %parallel_loop3A_183 : i32 to index
      %parallel_loop3A_198 = arith.constant 0 : index
      %parallel_loop3A_199 = tpu.vector_load %arg8[%parallel_loop3A_196, %parallel_loop3A_197, %parallel_loop3A_198] {strides = array<i32>} : memref<2x80x128xf32, #tpu.memory_space<vmem>>, vector<16xf32>,
      tpu.vector_store %arg8[%parallel_loop3A_196, %parallel_loop3A_197, %parallel_loop3A_198], %parallel_loop3A_194 {strides = array<i32>} : memref<2x80x128xf32, #tpu.memory_space<vmem>>, vector<16xf32>,
      %parallel_loop3A_200 = arith.constant 0 : i32
      %parallel_loop3A_201 = arith.index_cast %parallel_loop3A_200 : i32 to index
      %parallel_loop3A_202 = arith.index_cast %parallel_loop3A_183 : i32 to index
      %parallel_loop3A_203 = arith.constant 16 : index
      %parallel_loop3A_204 = tpu.vector_load %arg8[%parallel_loop3A_201, %parallel_loop3A_202, %parallel_loop3A_203] {strides = array<i32>} : memref<2x80x128xf32, #tpu.memory_space<vmem>>, vector<16xf32>,
      %parallel_loop3A_205 = arith.constant 0 : i32
      %parallel_loop3A_206 = arith.index_cast %parallel_loop3A_205 : i32 to index
      %parallel_loop3A_207 = arith.index_cast %parallel_loop3A_183 : i32 to index
      %parallel_loop3A_208 = arith.constant 16 : index
      %parallel_loop3A_209 = tpu.vector_load %arg9[%parallel_loop3A_206, %parallel_loop3A_207, %parallel_loop3A_208] {strides = array<i32>} : memref<2x80x128xf32, #tpu.memory_space<vmem>>, vector<16xf32>,
      %parallel_loop3A_210 = arith.mulf %parallel_loop3A_204, %parallel_loop3A_209 : vector<16xf32>
      %parallel_loop3A_211 = arith.constant 0 : i32
      %parallel_loop3A_212 = arith.index_cast %parallel_loop3A_211 : i32 to index
      %parallel_loop3A_213 = arith.index_cast %parallel_loop3A_183 : i32 to index
      %parallel_loop3A_214 = arith.constant 16 : index
      %parallel_loop3A_215 = tpu.vector_load %arg8[%parallel_loop3A_212, %parallel_loop3A_213, %parallel_loop3A_214] {strides = array<i32>} : memref<2x80x128xf32, #tpu.memory_space<vmem>>, vector<16xf32>,
      tpu.vector_store %arg8[%parallel_loop3A_212, %parallel_loop3A_213, %parallel_loop3A_214], %parallel_loop3A_210 {strides = array<i32>} : memref<2x80x128xf32, #tpu.memory_space<vmem>>, vector<16xf32>,
      %parallel_loop3A_216 = arith.constant 0 : i32
      %parallel_loop3A_217 = arith.index_cast %parallel_loop3A_216 : i32 to index
      %parallel_loop3A_218 = arith.index_cast %parallel_loop3A_183 : i32 to index
      %parallel_loop3A_219 = arith.constant 32 : index
      %parallel_loop3A_220 = tpu.vector_load %arg8[%parallel_loop3A_217, %parallel_loop3A_218, %parallel_loop3A_219] {strides = array<i32>} : memref<2x80x128xf32, #tpu.memory_space<vmem>>, vector<16xf32>,
      %parallel_loop3A_221 = arith.constant 0 : i32
      %parallel_loop3A_222 = arith.index_cast %parallel_loop3A_221 : i32 to index
      %parallel_loop3A_223 = arith.index_cast %parallel_loop3A_183 : i32 to index
      %parallel_loop3A_224 = arith.constant 32 : index
      %parallel_loop3A_225 = tpu.vector_load %arg9[%parallel_loop3A_222, %parallel_loop3A_223, %parallel_loop3A_224] {strides = array<i32>} : memref<2x80x128xf32, #tpu.memory_space<vmem>>, vector<16xf32>,
      %parallel_loop3A_226 = arith.mulf %parallel_loop3A_220, %parallel_loop3A_225 : vector<16xf32>
      %parallel_loop3A_227 = arith.constant 0 : i32
      %parallel_loop3A_228 = arith.index_cast %parallel_loop3A_227 : i32 to index
      %parallel_loop3A_229 = arith.index_cast %parallel_loop3A_183 : i32 to index
      %parallel_loop3A_230 = arith.constant 32 : index
      %parallel_loop3A_231 = tpu.vector_load %arg8[%parallel_loop3A_228, %parallel_loop3A_229, %parallel_loop3A_230] {strides = array<i32>} : memref<2x80x128xf32, #tpu.memory_space<vmem>>, vector<16xf32>,
      tpu.vector_store %arg8[%parallel_loop3A_228, %parallel_loop3A_229, %parallel_loop3A_230], %parallel_loop3A_226 {strides = array<i32>} : memref<2x80x128xf32, #tpu.memory_space<vmem>>, vector<16xf32>,
      %parallel_loop3A_232 = arith.constant 0 : i32
      %parallel_loop3A_233 = arith.index_cast %parallel_loop3A_232 : i32 to index
      %parallel_loop3A_234 = arith.index_cast %parallel_loop3A_183 : i32 to index
      %parallel_loop3A_235 = arith.constant 48 : index
      %parallel_loop3A_236 = tpu.vector_load %arg8[%parallel_loop3A_233, %parallel_loop3A_234, %parallel_loop3A_235] {strides = array<i32>} : memref<2x80x128xf32, #tpu.memory_space<vmem>>, vector<16xf32>,
      %parallel_loop3A_237 = arith.constant 0 : i32
      %parallel_loop3A_238 = arith.index_cast %parallel_loop3A_237 : i32 to index
      %parallel_loop3A_239 = arith.index_cast %parallel_loop3A_183 : i32 to index
      %parallel_loop3A_240 = arith.constant 48 : index
      %parallel_loop3A_241 = tpu.vector_load %arg9[%parallel_loop3A_238, %parallel_loop3A_239, %parallel_loop3A_240] {strides = array<i32>} : memref<2x80x128xf32, #tpu.memory_space<vmem>>, vector<16xf32>,
      %parallel_loop3A_242 = arith.mulf %parallel_loop3A_236, %parallel_loop3A_241 : vector<16xf32>
      %parallel_loop3A_243 = arith.constant 0 : i32
      %parallel_loop3A_244 = arith.index_cast %parallel_loop3A_243 : i32 to index
      %parallel_loop3A_245 = arith.index_cast %parallel_loop3A_183 : i32 to index
      %parallel_loop3A_246 = arith.constant 48 : index
      %parallel_loop3A_247 = tpu.vector_load %arg8[%parallel_loop3A_244, %parallel_loop3A_245, %parallel_loop3A_246] {strides = array<i32>} : memref<2x80x128xf32, #tpu.memory_space<vmem>>, vector<16xf32>,
      tpu.vector_store %arg8[%parallel_loop3A_244, %parallel_loop3A_245, %parallel_loop3A_246], %parallel_loop3A_242 {strides = array<i32>} : memref<2x80x128xf32, #tpu.memory_space<vmem>>, vector<16xf32>,
      %parallel_loop3A_248 = arith.constant 0 : i32
      %parallel_loop3A_249 = arith.index_cast %parallel_loop3A_248 : i32 to index
      %parallel_loop3A_250 = arith.index_cast %parallel_loop3A_183 : i32 to index
      %parallel_loop3A_251 = arith.constant 64 : index
      %parallel_loop3A_252 = tpu.vector_load %arg8[%parallel_loop3A_249, %parallel_loop3A_250, %parallel_loop3A_251] {strides = array<i32>} : memref<2x80x128xf32, #tpu.memory_space<vmem>>, vector<16xf32>,
      %parallel_loop3A_253 = arith.constant 0 : i32
      %parallel_loop3A_254 = arith.index_cast %parallel_loop3A_253 : i32 to index
      %parallel_loop3A_255 = arith.index_cast %parallel_loop3A_183 : i32 to index
      %parallel_loop3A_256 = arith.constant 64 : index
      %parallel_loop3A_257 = tpu.vector_load %arg9[%parallel_loop3A_254, %parallel_loop3A_255, %parallel_loop3A_256] {strides = array<i32>} : memref<2x80x128xf32, #tpu.memory_space<vmem>>, vector<16xf32>,
      %parallel_loop3A_258 = arith.mulf %parallel_loop3A_252, %parallel_loop3A_257 : vector<16xf32>
      %parallel_loop3A_259 = arith.constant 0 : i32
      %parallel_loop3A_260 = arith.index_cast %parallel_loop3A_259 : i32 to index
      %parallel_loop3A_261 = arith.index_cast %parallel_loop3A_183 : i32 to index
      %parallel_loop3A_262 = arith.constant 64 : index
      %parallel_loop3A_263 = tpu.vector_load %arg8[%parallel_loop3A_260, %parallel_loop3A_261, %parallel_loop3A_262] {strides = array<i32>} : memref<2x80x128xf32, #tpu.memory_space<vmem>>, vector<16xf32>,
      tpu.vector_store %arg8[%parallel_loop3A_260, %parallel_loop3A_261, %parallel_loop3A_262], %parallel_loop3A_258 {strides = array<i32>} : memref<2x80x128xf32, #tpu.memory_space<vmem>>, vector<16xf32>,
      %parallel_loop3A_264 = arith.constant 0 : i32
      %parallel_loop3A_265 = arith.index_cast %parallel_loop3A_264 : i32 to index
      %parallel_loop3A_266 = arith.index_cast %parallel_loop3A_183 : i32 to index
      %parallel_loop3A_267 = arith.constant 80 : index
      %parallel_loop3A_268 = tpu.vector_load %arg8[%parallel_loop3A_265, %parallel_loop3A_266, %parallel_loop3A_267] {strides = array<i32>} : memref<2x80x128xf32, #tpu.memory_space<vmem>>, vector<16xf32>,
      %parallel_loop3A_269 = arith.constant 0 : i32
      %parallel_loop3A_270 = arith.index_cast %parallel_loop3A_269 : i32 to index
      %parallel_loop3A_271 = arith.index_cast %parallel_loop3A_183 : i32 to index
      %parallel_loop3A_272 = arith.constant 80 : index
      %parallel_loop3A_273 = tpu.vector_load %arg9[%parallel_loop3A_270, %parallel_loop3A_271, %parallel_loop3A_272] {strides = array<i32>} : memref<2x80x128xf32, #tpu.memory_space<vmem>>, vector<16xf32>,
      %parallel_loop3A_274 = arith.mulf %parallel_loop3A_268, %parallel_loop3A_273 : vector<16xf32>
      %parallel_loop3A_275 = arith.constant 0 : i32
      %parallel_loop3A_276 = arith.index_cast %parallel_loop3A_275 : i32 to index
      %parallel_loop3A_277 = arith.index_cast %parallel_loop3A_183 : i32 to index
      %parallel_loop3A_278 = arith.constant 80 : index
      %parallel_loop3A_279 = tpu.vector_load %arg8[%parallel_loop3A_276, %parallel_loop3A_277, %parallel_loop3A_278] {strides = array<i32>} : memref<2x80x128xf32, #tpu.memory_space<vmem>>, vector<16xf32>,
      tpu.vector_store %arg8[%parallel_loop3A_276, %parallel_loop3A_277, %parallel_loop3A_278], %parallel_loop3A_274 {strides = array<i32>} : memref<2x80x128xf32, #tpu.memory_space<vmem>>, vector<16xf32>,
      %parallel_loop3A_280 = arith.constant 0 : i32
      %parallel_loop3A_281 = arith.index_cast %parallel_loop3A_280 : i32 to index
      %parallel_loop3A_282 = arith.index_cast %parallel_loop3A_183 : i32 to index
      %parallel_loop3A_283 = arith.constant 96 : index
      %parallel_loop3A_284 = tpu.vector_load %arg8[%parallel_loop3A_281, %parallel_loop3A_282, %parallel_loop3A_283] {strides = array<i32>} : memref<2x80x128xf32, #tpu.memory_space<vmem>>, vector<16xf32>,
      %parallel_loop3A_285 = arith.constant 0 : i32
      %parallel_loop3A_286 = arith.index_cast %parallel_loop3A_285 : i32 to index
      %parallel_loop3A_287 = arith.index_cast %parallel_loop3A_183 : i32 to index
      %parallel_loop3A_288 = arith.constant 96 : index
      %parallel_loop3A_289 = tpu.vector_load %arg9[%parallel_loop3A_286, %parallel_loop3A_287, %parallel_loop3A_288] {strides = array<i32>} : memref<2x80x128xf32, #tpu.memory_space<vmem>>, vector<16xf32>,
      %parallel_loop3A_290 = arith.mulf %parallel_loop3A_284, %parallel_loop3A_289 : vector<16xf32>
      %parallel_loop3A_291 = arith.constant 0 : i32
      %parallel_loop3A_292 = arith.index_cast %parallel_loop3A_291 : i32 to index
      %parallel_loop3A_293 = arith.index_cast %parallel_loop3A_183 : i32 to index
      %parallel_loop3A_294 = arith.constant 96 : index
      %parallel_loop3A_295 = tpu.vector_load %arg8[%parallel_loop3A_292, %parallel_loop3A_293, %parallel_loop3A_294] {strides = array<i32>} : memref<2x80x128xf32, #tpu.memory_space<vmem>>, vector<16xf32>,
      tpu.vector_store %arg8[%parallel_loop3A_292, %parallel_loop3A_293, %parallel_loop3A_294], %parallel_loop3A_290 {strides = array<i32>} : memref<2x80x128xf32, #tpu.memory_space<vmem>>, vector<16xf32>,
      %parallel_loop3A_296 = arith.constant 0 : i32
      %parallel_loop3A_297 = arith.index_cast %parallel_loop3A_296 : i32 to index
      %parallel_loop3A_298 = arith.index_cast %parallel_loop3A_183 : i32 to index
      %parallel_loop3A_299 = arith.constant 112 : index
      %parallel_loop3A_300 = tpu.vector_load %arg8[%parallel_loop3A_297, %parallel_loop3A_298, %parallel_loop3A_299] {strides = array<i32>} : memref<2x80x128xf32, #tpu.memory_space<vmem>>, vector<16xf32>,
      %parallel_loop3A_301 = arith.constant 0 : i32
      %parallel_loop3A_302 = arith.index_cast %parallel_loop3A_301 : i32 to index
      %parallel_loop3A_303 = arith.index_cast %parallel_loop3A_183 : i32 to index
      %parallel_loop3A_304 = arith.constant 112 : index
      %parallel_loop3A_305 = tpu.vector_load %arg9[%parallel_loop3A_302, %parallel_loop3A_303, %parallel_loop3A_304] {strides = array<i32>} : memref<2x80x128xf32, #tpu.memory_space<vmem>>, vector<16xf32>,
      %parallel_loop3A_306 = arith.mulf %parallel_loop3A_300, %parallel_loop3A_305 : vector<16xf32>
      %parallel_loop3A_307 = arith.constant 0 : i32
      %parallel_loop3A_308 = arith.index_cast %parallel_loop3A_307 : i32 to index
      %parallel_loop3A_309 = arith.index_cast %parallel_loop3A_183 : i32 to index
      %parallel_loop3A_310 = arith.constant 112 : index
      %parallel_loop3A_311 = tpu.vector_load %arg8[%parallel_loop3A_308, %parallel_loop3A_309, %parallel_loop3A_310] {strides = array<i32>} : memref<2x80x128xf32, #tpu.memory_space<vmem>>, vector<16xf32>,
      tpu.vector_store %arg8[%parallel_loop3A_308, %parallel_loop3A_309, %parallel_loop3A_310], %parallel_loop3A_306 {strides = array<i32>} : memref<2x80x128xf32, #tpu.memory_space<vmem>>, vector<16xf32>,
    } {sc.loop_unroll_factor = 4 : i64, sc.parallel_access}
    %run_scoped3A = arith.constant 0 : i32
    %run_scoped3A_177 = arith.constant 0 : i32
    "tpu.region"() ({
      %run_scoped3A_183 = tpu.sem_alloc : memref<!tpu.dma_semaphore, #tpu.memory_space<semaphore_mem>>
      %dma_start3A_184 = arith.constant 0 : i32
      %dma_start3A_185 = arith.constant 0 : i32
      %dma_start3A_186 = tpu.memref_slice %arg8[%run_scoped3A, %dma_start3A_184, %dma_start3A_185] : memref<2x80x128xf32, #tpu.memory_space<vmem>> -> memref<1x80x128xf32, #tpu.memory_space<vmem>>
      %dma_start3A_187 = tpu.memref_squeeze %dma_start3A_186 : memref<1x80x128xf32, #tpu.memory_space<vmem>> -> memref<80x128xf32, #tpu.memory_space<vmem>>
      %dma_start3A_188 = arith.constant 0 : i32
      %dma_start3A_189 = tpu.memref_slice %arg11[%run_scoped3A_177, %dma_start3A_188] : memref<2x80xi32, #tpu.memory_space<vmem>> -> memref<1x80xi32, #tpu.memory_space<vmem>>
      %dma_start3A_190 = tpu.memref_squeeze %dma_start3A_189 : memref<1x80xi32, #tpu.memory_space<vmem>> -> memref<80xi32, #tpu.memory_space<vmem>>
      %dma_start3A_191 = arith.constant 0 : i32
      %dma_start3A_192 = arith.constant 0 : i32
      %dma_start3A_193 = tpu.memref_slice %arg7[%dma_start3A_191, %dma_start3A_192] : memref<10000x128xf32, #tpu.memory_space<vmem_shared>> -> memref<10000x128xf32, #tpu.memory_space<vmem_shared>>
      tpu.enqueue_indirect_dma source(%dma_start3A_187 : memref<80x128xf32, #tpu.memory_space<vmem>>) target(%dma_start3A_193 : memref<10000x128xf32, #tpu.memory_space<vmem_shared>>) offsets(%dma_start3A_190 : memref<80xi32, #tpu.memory_space<vmem>>) semaphore(%run_scoped3A_183 : memref<!tpu.dma_semaphore, #tpu.memory_space<semaphore_mem>>) {add = true}
      %dma_wait3A_194 = arith.constant 0 : i32
      %dma_wait3A_195 = arith.constant 0 : i32
      %dma_wait3A_196 = tpu.memref_slice %arg8[%run_scoped3A, %dma_wait3A_194, %dma_wait3A_195] : memref<2x80x128xf32, #tpu.memory_space<vmem>> -> memref<1x80x128xf32, #tpu.memory_space<vmem>>
      %dma_wait3A_197 = tpu.memref_squeeze %dma_wait3A_196 : memref<1x80x128xf32, #tpu.memory_space<vmem>> -> memref<80x128xf32, #tpu.memory_space<vmem>>
      %dma_wait3A_198 = arith.constant 0 : i32
      %dma_wait3A_199 = tpu.memref_slice %arg11[%run_scoped3A_177, %dma_wait3A_198] : memref<2x80xi32, #tpu.memory_space<vmem>> -> memref<1x80xi32, #tpu.memory_space<vmem>>
      %dma_wait3A_200 = tpu.memref_squeeze %dma_wait3A_199 : memref<1x80xi32, #tpu.memory_space<vmem>> -> memref<80xi32, #tpu.memory_space<vmem>>
      %dma_wait3A_201 = arith.constant 0 : i32
      %dma_wait3A_202 = arith.constant 0 : i32
      %dma_wait3A_203 = tpu.memref_slice %arg7[%dma_wait3A_201, %dma_wait3A_202] : memref<10000x128xf32, #tpu.memory_space<vmem_shared>> -> memref<10000x128xf32, #tpu.memory_space<vmem_shared>>
      tpu.wait_indirect_dma semaphore(%run_scoped3A_183 : memref<!tpu.dma_semaphore, #tpu.memory_space<semaphore_mem>>) src(%dma_wait3A_197 : memref<80x128xf32, #tpu.memory_space<vmem>>) dst(%dma_wait3A_203 : memref<10000x128xf32, #tpu.memory_space<vmem_shared>>)
      tpu.yield
    }) : () -> ()
    %barrier3A_178 = arith.constant 0 : index
    tpu.barrier barrier_id(%barrier3A_178)
    %mul3A_179 = arith.constant 624 : i32
    %mul3A_180 = arith.muli %arg1, %mul3A_179 : i32
    %mul3A_181 = arith.constant 624 : i32
    %mul3A_182 = arith.muli %arg1, %mul3A_181 : i32
    "tpu.region"() ({
      %run_scoped3A_183 = tpu.sem_alloc : memref<!tpu.dma_semaphore, #tpu.memory_space<semaphore_mem>>
      %dma_start3A_184 = arith.constant 0 : i32
      %dma_start3A_185 = tpu.memref_slice %arg6[%arg0, %mul3A_182, %dma_start3A_184] : memref<2x10000x128xf32, #tpu.memory_space<hbm>> -> memref<1x640x128xf32, #tpu.memory_space<hbm>>
      %dma_start3A_186 = tpu.memref_squeeze %dma_start3A_185 : memref<1x640x128xf32, #tpu.memory_space<hbm>> -> memref<640x128xf32, #tpu.memory_space<hbm>>
      %dma_start3A_187 = arith.constant 0 : i32
      %dma_start3A_188 = tpu.memref_slice %arg7[%mul3A_180, %dma_start3A_187] : memref<10000x128xf32, #tpu.memory_space<vmem_shared>> -> memref<640x128xf32, #tpu.memory_space<vmem_shared>>
      tpu.enqueue_dma source(%dma_start3A_188 : memref<640x128xf32, #tpu.memory_space<vmem_shared>>) target(%dma_start3A_186 : memref<640x128xf32, #tpu.memory_space<hbm>>) target_semaphore(%run_scoped3A_183 : memref<!tpu.dma_semaphore, #tpu.memory_space<semaphore_mem>>)
      %dma_wait3A_189 = arith.constant 0 : i32
      %dma_wait3A_190 = tpu.memref_slice %arg6[%arg0, %mul3A_182, %dma_wait3A_189] : memref<2x10000x128xf32, #tpu.memory_space<hbm>> -> memref<1x640x128xf32, #tpu.memory_space<hbm>>
      %dma_wait3A_191 = tpu.memref_squeeze %dma_wait3A_190 : memref<1x640x128xf32, #tpu.memory_space<hbm>> -> memref<640x128xf32, #tpu.memory_space<hbm>>
      %dma_wait3A_192 = arith.constant 0 : i32
      %dma_wait3A_193 = tpu.memref_slice %arg7[%mul3A_180, %dma_wait3A_192] : memref<10000x128xf32, #tpu.memory_space<vmem_shared>> -> memref<640x128xf32, #tpu.memory_space<vmem_shared>>
      tpu.wait_dma2 semaphore(%run_scoped3A_183 : memref<!tpu.dma_semaphore, #tpu.memory_space<semaphore_mem>>) src(%dma_wait3A_193 : memref<640x128xf32, #tpu.memory_space<vmem_shared>>) dst(%dma_wait3A_191 : memref<640x128xf32, #tpu.memory_space<hbm>>)
      tpu.yield
    }) : () -> ()
    return
  }
}

#map = affine_map<(d0, d1) -> (0)>
module attributes {stable_mosaic.version = 14 : i64} {
  func.func @_sc_d2_body(%arg0: i32, %arg1: i32, %arg2: memref<10000xf32, #tpu.memory_space<hbm>>, %arg3: memref<10000xf32, #tpu.memory_space<hbm>>, %arg4: memref<10000xf32, #tpu.memory_space<hbm>>, %arg5: memref<320000xi32, #tpu.memory_space<hbm>>, %arg6: memref<320000xi32, #tpu.memory_space<hbm>>, %arg7: memref<320000xf32, #tpu.memory_space<hbm>>, %arg8: memref<10000xf32, #tpu.memory_space<vmem>>, %arg9: memref<10000xf32, #tpu.memory_space<vmem>>, %arg10: memref<10000xf32, #tpu.memory_space<vmem>>, %arg11: memref<10000xi32, #tpu.memory_space<vmem>>, %arg12: memref<10000xi32, #tpu.memory_space<vmem>>, %arg13: memref<10000xf32, #tpu.memory_space<vmem>>) attributes {dimension_semantics = [#tpu.dimension_semantics<core_parallel>, #tpu.dimension_semantics<subcore_parallel>], iteration_bounds = array<i64: 2, 16>, scalar_prefetch = 0 : i64, scratch_operands = 6 : i64, tpu.core_type = #tpu.core_type<sc_vector_subcore>, window_params = [{transform_indices = #map}, {transform_indices = #map}, {transform_indices = #map}, {transform_indices = #map}, {transform_indices = #map}, {transform_indices = #map}]} {
    %mul3A = arith.constant 16 : i32
    %mul3A_0 = arith.muli %arg0, %mul3A : i32
    %add3A = arith.addi %mul3A_0, %arg1 : i32
    "tpu.region"() ({
      %run_scoped3A = tpu.sem_alloc : memref<!tpu.dma_semaphore, #tpu.memory_space<semaphore_mem>>
      tpu.enqueue_dma source(%arg2 : memref<10000xf32, #tpu.memory_space<hbm>>) target(%arg8 : memref<10000xf32, #tpu.memory_space<vmem>>) target_semaphore(%run_scoped3A : memref<!tpu.dma_semaphore, #tpu.memory_space<semaphore_mem>>)
      tpu.wait_dma2 semaphore(%run_scoped3A : memref<!tpu.dma_semaphore, #tpu.memory_space<semaphore_mem>>) src(%arg2 : memref<10000xf32, #tpu.memory_space<hbm>>) dst(%arg8 : memref<10000xf32, #tpu.memory_space<vmem>>)
      tpu.yield
    }) : () -> ()
    "tpu.region"() ({
      %run_scoped3A = tpu.sem_alloc : memref<!tpu.dma_semaphore, #tpu.memory_space<semaphore_mem>>
      tpu.enqueue_dma source(%arg3 : memref<10000xf32, #tpu.memory_space<hbm>>) target(%arg9 : memref<10000xf32, #tpu.memory_space<vmem>>) target_semaphore(%run_scoped3A : memref<!tpu.dma_semaphore, #tpu.memory_space<semaphore_mem>>)
      tpu.wait_dma2 semaphore(%run_scoped3A : memref<!tpu.dma_semaphore, #tpu.memory_space<semaphore_mem>>) src(%arg3 : memref<10000xf32, #tpu.memory_space<hbm>>) dst(%arg9 : memref<10000xf32, #tpu.memory_space<vmem>>)
      tpu.yield
    }) : () -> ()
    "tpu.region"() ({
      %run_scoped3A = tpu.sem_alloc : memref<!tpu.dma_semaphore, #tpu.memory_space<semaphore_mem>>
      tpu.enqueue_dma source(%arg4 : memref<10000xf32, #tpu.memory_space<hbm>>) target(%arg10 : memref<10000xf32, #tpu.memory_space<vmem>>) target_semaphore(%run_scoped3A : memref<!tpu.dma_semaphore, #tpu.memory_space<semaphore_mem>>)
      tpu.wait_dma2 semaphore(%run_scoped3A : memref<!tpu.dma_semaphore, #tpu.memory_space<semaphore_mem>>) src(%arg4 : memref<10000xf32, #tpu.memory_space<hbm>>) dst(%arg10 : memref<10000xf32, #tpu.memory_space<vmem>>)
      tpu.yield
    }) : () -> ()
    %mul3A_1 = arith.constant 10000 : i32
    %mul3A_2 = arith.muli %add3A, %mul3A_1 : i32
    "tpu.region"() ({
      %run_scoped3A = tpu.sem_alloc : memref<!tpu.dma_semaphore, #tpu.memory_space<semaphore_mem>>
      %dma_start3A = tpu.memref_slice %arg5[%mul3A_2] : memref<320000xi32, #tpu.memory_space<hbm>> -> memref<10000xi32, #tpu.memory_space<hbm>>
      %dma_start3A_8 = tpu.memref_slice %arg5[%mul3A_2] : memref<320000xi32, #tpu.memory_space<hbm>> -> memref<10000xi32, #tpu.memory_space<hbm>>
      tpu.enqueue_dma source(%dma_start3A_8 : memref<10000xi32, #tpu.memory_space<hbm>>) target(%arg11 : memref<10000xi32, #tpu.memory_space<vmem>>) target_semaphore(%run_scoped3A : memref<!tpu.dma_semaphore, #tpu.memory_space<semaphore_mem>>)
      %dma_wait3A = tpu.memref_slice %arg5[%mul3A_2] : memref<320000xi32, #tpu.memory_space<hbm>> -> memref<10000xi32, #tpu.memory_space<hbm>>
      %dma_wait3A_9 = tpu.memref_slice %arg5[%mul3A_2] : memref<320000xi32, #tpu.memory_space<hbm>> -> memref<10000xi32, #tpu.memory_space<hbm>>
      tpu.wait_dma2 semaphore(%run_scoped3A : memref<!tpu.dma_semaphore, #tpu.memory_space<semaphore_mem>>) src(%dma_wait3A_9 : memref<10000xi32, #tpu.memory_space<hbm>>) dst(%arg11 : memref<10000xi32, #tpu.memory_space<vmem>>)
      tpu.yield
    }) : () -> ()
    "tpu.region"() ({
      %run_scoped3A = tpu.sem_alloc : memref<!tpu.dma_semaphore, #tpu.memory_space<semaphore_mem>>
      %dma_start3A = tpu.memref_slice %arg6[%mul3A_2] : memref<320000xi32, #tpu.memory_space<hbm>> -> memref<10000xi32, #tpu.memory_space<hbm>>
      %dma_start3A_8 = tpu.memref_slice %arg6[%mul3A_2] : memref<320000xi32, #tpu.memory_space<hbm>> -> memref<10000xi32, #tpu.memory_space<hbm>>
      tpu.enqueue_dma source(%dma_start3A_8 : memref<10000xi32, #tpu.memory_space<hbm>>) target(%arg12 : memref<10000xi32, #tpu.memory_space<vmem>>) target_semaphore(%run_scoped3A : memref<!tpu.dma_semaphore, #tpu.memory_space<semaphore_mem>>)
      %dma_wait3A = tpu.memref_slice %arg6[%mul3A_2] : memref<320000xi32, #tpu.memory_space<hbm>> -> memref<10000xi32, #tpu.memory_space<hbm>>
      %dma_wait3A_9 = tpu.memref_slice %arg6[%mul3A_2] : memref<320000xi32, #tpu.memory_space<hbm>> -> memref<10000xi32, #tpu.memory_space<hbm>>
      tpu.wait_dma2 semaphore(%run_scoped3A : memref<!tpu.dma_semaphore, #tpu.memory_space<semaphore_mem>>) src(%dma_wait3A_9 : memref<10000xi32, #tpu.memory_space<hbm>>) dst(%arg12 : memref<10000xi32, #tpu.memory_space<vmem>>)
      tpu.yield
    }) : () -> ()
    %scan3A = arith.constant 0 : i32
    %scan3A_3 = arith.constant 0 : i32
    %scan3A_4 = arith.constant 625 : i32
    %scan3A_5 = arith.addi %scan3A_3, %scan3A_4 : i32
    %scan3A_6 = arith.constant 1 : i32
    scf.for %scan3A_8 = %scan3A_3 to %scan3A_5 step %scan3A_6  : i32 {
      %mul3A_9 = arith.constant 16 : i32
      %mul3A_10 = arith.muli %scan3A_8, %mul3A_9 : i32
      %get3A = arith.index_cast %mul3A_10 : i32 to index
      %get3A_11 = tpu.vector_load %arg11[%get3A] {strides = array<i32>} : memref<10000xi32, #tpu.memory_space<vmem>>, vector<16xi32>,
      %get3A_12 = arith.index_cast %mul3A_10 : i32 to index
      %get3A_13 = tpu.vector_load %arg12[%get3A_12] {strides = array<i32>} : memref<10000xi32, #tpu.memory_space<vmem>>, vector<16xi32>,
      %gather3A = tpu.vector_load_idx %arg8[%get3A_11] : memref<10000xf32, #tpu.memory_space<vmem>>[vector<16xi32>], vector<16xf32>,
      %gather3A_14 = tpu.vector_load_idx %arg8[%get3A_13] : memref<10000xf32, #tpu.memory_space<vmem>>[vector<16xi32>], vector<16xf32>,
      %sub3A = arith.subf %gather3A, %gather3A_14 : vector<16xf32>
      %gather3A_15 = tpu.vector_load_idx %arg9[%get3A_11] : memref<10000xf32, #tpu.memory_space<vmem>>[vector<16xi32>], vector<16xf32>,
      %gather3A_16 = tpu.vector_load_idx %arg9[%get3A_13] : memref<10000xf32, #tpu.memory_space<vmem>>[vector<16xi32>], vector<16xf32>,
      %sub3A_17 = arith.subf %gather3A_15, %gather3A_16 : vector<16xf32>
      %gather3A_18 = tpu.vector_load_idx %arg10[%get3A_11] : memref<10000xf32, #tpu.memory_space<vmem>>[vector<16xi32>], vector<16xf32>,
      %gather3A_19 = tpu.vector_load_idx %arg10[%get3A_13] : memref<10000xf32, #tpu.memory_space<vmem>>[vector<16xi32>], vector<16xf32>,
      %sub3A_20 = arith.subf %gather3A_18, %gather3A_19 : vector<16xf32>
      %mul3A_21 = arith.mulf %sub3A, %sub3A : vector<16xf32>
      %mul3A_22 = arith.mulf %sub3A_17, %sub3A_17 : vector<16xf32>
      %add3A_23 = arith.addf %mul3A_21, %mul3A_22 : vector<16xf32>
      %mul3A_24 = arith.mulf %sub3A_20, %sub3A_20 : vector<16xf32>
      %add3A_25 = arith.addf %add3A_23, %mul3A_24 : vector<16xf32>
      %swap3A = arith.index_cast %mul3A_10 : i32 to index
      %swap3A_26 = tpu.vector_load %arg13[%swap3A] {strides = array<i32>} : memref<10000xf32, #tpu.memory_space<vmem>>, vector<16xf32>,
      tpu.vector_store %arg13[%swap3A], %add3A_25 {strides = array<i32>} : memref<10000xf32, #tpu.memory_space<vmem>>, vector<16xf32>,
    }
    %scan3A_7 = arith.constant 625 : i32
    "tpu.region"() ({
      %run_scoped3A = tpu.sem_alloc : memref<!tpu.dma_semaphore, #tpu.memory_space<semaphore_mem>>
      %dma_start3A = tpu.memref_slice %arg7[%mul3A_2] : memref<320000xf32, #tpu.memory_space<hbm>> -> memref<10000xf32, #tpu.memory_space<hbm>>
      %dma_start3A_8 = tpu.memref_slice %arg7[%mul3A_2] : memref<320000xf32, #tpu.memory_space<hbm>> -> memref<10000xf32, #tpu.memory_space<hbm>>
      tpu.enqueue_dma source(%arg13 : memref<10000xf32, #tpu.memory_space<vmem>>) target(%dma_start3A_8 : memref<10000xf32, #tpu.memory_space<hbm>>) target_semaphore(%run_scoped3A : memref<!tpu.dma_semaphore, #tpu.memory_space<semaphore_mem>>)
      %dma_wait3A = tpu.memref_slice %arg7[%mul3A_2] : memref<320000xf32, #tpu.memory_space<hbm>> -> memref<10000xf32, #tpu.memory_space<hbm>>
      %dma_wait3A_9 = tpu.memref_slice %arg7[%mul3A_2] : memref<320000xf32, #tpu.memory_space<hbm>> -> memref<10000xf32, #tpu.memory_space<hbm>>
      tpu.wait_dma2 semaphore(%run_scoped3A : memref<!tpu.dma_semaphore, #tpu.memory_space<semaphore_mem>>) src(%arg13 : memref<10000xf32, #tpu.memory_space<vmem>>) dst(%dma_wait3A_9 : memref<10000xf32, #tpu.memory_space<hbm>>)
      tpu.yield
    }) : () -> ()
    return
  }
}

#map = affine_map<(d0, d1) -> (0, 0)>
#map1 = affine_map<(d0, d1) -> (0)>
#map2 = affine_map<(d0, d1) -> (0, 0, 0)>
module attributes {stable_mosaic.version = 14 : i64} {
  func.func @_sc_msg_body(%arg0: i32, %arg1: i32, %arg2: memref<320000x128xf32, #tpu.memory_space<hbm>>, %arg3: memref<10000x128xf32, #tpu.memory_space<hbm>>, %arg4: memref<320000xi32, #tpu.memory_space<hbm>>, %arg5: memref<320000xi32, #tpu.memory_space<hbm>>, %arg6: memref<2x10000x128xf32, #tpu.memory_space<hbm>>, %arg7: memref<10000x128xf32, #tpu.memory_space<vmem_shared>>, %arg8: memref<2x80x128xf32, #tpu.memory_space<vmem>>, %arg9: memref<2x80x128xf32, #tpu.memory_space<vmem>>, %arg10: memref<2x80xi32, #tpu.memory_space<vmem>>, %arg11: memref<2x80xi32, #tpu.memory_space<vmem>>, %arg12: memref<2x!tpu.dma_semaphore, #tpu.memory_space<semaphore_mem>>, %arg13: memref<2x!tpu.dma_semaphore, #tpu.memory_space<semaphore_mem>>, %arg14: memref<2x!tpu.dma_semaphore, #tpu.memory_space<semaphore_mem>>) attributes {dimension_semantics = [#tpu.dimension_semantics<core_parallel>, #tpu.dimension_semantics<subcore_parallel>], iteration_bounds = array<i64: 2, 16>, scalar_prefetch = 0 : i64, scratch_operands = 8 : i64, tpu.core_type = #tpu.core_type<sc_vector_subcore>, window_params = [{transform_indices = #map}, {transform_indices = #map}, {transform_indices = #map1}, {transform_indices = #map1}, {transform_indices = #map2}]} {
    %mul3A = arith.constant 16 : i32
    %mul3A_0 = arith.muli %arg0, %mul3A : i32
    %add3A = arith.addi %mul3A_0, %arg1 : i32
    %mul3A_1 = arith.constant 10000 : i32
    %mul3A_2 = arith.muli %add3A, %mul3A_1 : i32
    %parallel_loop3A = arith.constant 0 : i32
    %parallel_loop3A_3 = arith.constant 80 : i32
    %parallel_loop3A_4 = arith.constant 1 : i32
    scf.for %parallel_loop3A_183 = %parallel_loop3A to %parallel_loop3A_3 step %parallel_loop3A_4  : i32 {
      %parallel_loop3A_184 = arith.constant 0.000000e+00 : f32
      %parallel_loop3A_185 = vector.broadcast %parallel_loop3A_184 : f32 to vector<16xf32>
      %parallel_loop3A_186 = arith.constant 0 : i32
      %parallel_loop3A_187 = arith.index_cast %parallel_loop3A_186 : i32 to index
      %parallel_loop3A_188 = arith.index_cast %parallel_loop3A_183 : i32 to index
      %parallel_loop3A_189 = arith.constant 0 : index
      %parallel_loop3A_190 = tpu.vector_load %arg8[%parallel_loop3A_187, %parallel_loop3A_188, %parallel_loop3A_189] {strides = array<i32>} : memref<2x80x128xf32, #tpu.memory_space<vmem>>, vector<16xf32>,
      tpu.vector_store %arg8[%parallel_loop3A_187, %parallel_loop3A_188, %parallel_loop3A_189], %parallel_loop3A_185 {strides = array<i32>} : memref<2x80x128xf32, #tpu.memory_space<vmem>>, vector<16xf32>,
      %parallel_loop3A_191 = arith.constant 0.000000e+00 : f32
      %parallel_loop3A_192 = vector.broadcast %parallel_loop3A_191 : f32 to vector<16xf32>
      %parallel_loop3A_193 = arith.constant 0 : i32
      %parallel_loop3A_194 = arith.index_cast %parallel_loop3A_193 : i32 to index
      %parallel_loop3A_195 = arith.index_cast %parallel_loop3A_183 : i32 to index
      %parallel_loop3A_196 = arith.constant 16 : index
      %parallel_loop3A_197 = tpu.vector_load %arg8[%parallel_loop3A_194, %parallel_loop3A_195, %parallel_loop3A_196] {strides = array<i32>} : memref<2x80x128xf32, #tpu.memory_space<vmem>>, vector<16xf32>,
      tpu.vector_store %arg8[%parallel_loop3A_194, %parallel_loop3A_195, %parallel_loop3A_196], %parallel_loop3A_192 {strides = array<i32>} : memref<2x80x128xf32, #tpu.memory_space<vmem>>, vector<16xf32>,
      %parallel_loop3A_198 = arith.constant 0.000000e+00 : f32
      %parallel_loop3A_199 = vector.broadcast %parallel_loop3A_198 : f32 to vector<16xf32>
      %parallel_loop3A_200 = arith.constant 0 : i32
      %parallel_loop3A_201 = arith.index_cast %parallel_loop3A_200 : i32 to index
      %parallel_loop3A_202 = arith.index_cast %parallel_loop3A_183 : i32 to index
      %parallel_loop3A_203 = arith.constant 32 : index
      %parallel_loop3A_204 = tpu.vector_load %arg8[%parallel_loop3A_201, %parallel_loop3A_202, %parallel_loop3A_203] {strides = array<i32>} : memref<2x80x128xf32, #tpu.memory_space<vmem>>, vector<16xf32>,
      tpu.vector_store %arg8[%parallel_loop3A_201, %parallel_loop3A_202, %parallel_loop3A_203], %parallel_loop3A_199 {strides = array<i32>} : memref<2x80x128xf32, #tpu.memory_space<vmem>>, vector<16xf32>,
      %parallel_loop3A_205 = arith.constant 0.000000e+00 : f32
      %parallel_loop3A_206 = vector.broadcast %parallel_loop3A_205 : f32 to vector<16xf32>
      %parallel_loop3A_207 = arith.constant 0 : i32
      %parallel_loop3A_208 = arith.index_cast %parallel_loop3A_207 : i32 to index
      %parallel_loop3A_209 = arith.index_cast %parallel_loop3A_183 : i32 to index
      %parallel_loop3A_210 = arith.constant 48 : index
      %parallel_loop3A_211 = tpu.vector_load %arg8[%parallel_loop3A_208, %parallel_loop3A_209, %parallel_loop3A_210] {strides = array<i32>} : memref<2x80x128xf32, #tpu.memory_space<vmem>>, vector<16xf32>,
      tpu.vector_store %arg8[%parallel_loop3A_208, %parallel_loop3A_209, %parallel_loop3A_210], %parallel_loop3A_206 {strides = array<i32>} : memref<2x80x128xf32, #tpu.memory_space<vmem>>, vector<16xf32>,
      %parallel_loop3A_212 = arith.constant 0.000000e+00 : f32
      %parallel_loop3A_213 = vector.broadcast %parallel_loop3A_212 : f32 to vector<16xf32>
      %parallel_loop3A_214 = arith.constant 0 : i32
      %parallel_loop3A_215 = arith.index_cast %parallel_loop3A_214 : i32 to index
      %parallel_loop3A_216 = arith.index_cast %parallel_loop3A_183 : i32 to index
      %parallel_loop3A_217 = arith.constant 64 : index
      %parallel_loop3A_218 = tpu.vector_load %arg8[%parallel_loop3A_215, %parallel_loop3A_216, %parallel_loop3A_217] {strides = array<i32>} : memref<2x80x128xf32, #tpu.memory_space<vmem>>, vector<16xf32>,
      tpu.vector_store %arg8[%parallel_loop3A_215, %parallel_loop3A_216, %parallel_loop3A_217], %parallel_loop3A_213 {strides = array<i32>} : memref<2x80x128xf32, #tpu.memory_space<vmem>>, vector<16xf32>,
      %parallel_loop3A_219 = arith.constant 0.000000e+00 : f32
      %parallel_loop3A_220 = vector.broadcast %parallel_loop3A_219 : f32 to vector<16xf32>
      %parallel_loop3A_221 = arith.constant 0 : i32
      %parallel_loop3A_222 = arith.index_cast %parallel_loop3A_221 : i32 to index
      %parallel_loop3A_223 = arith.index_cast %parallel_loop3A_183 : i32 to index
      %parallel_loop3A_224 = arith.constant 80 : index
      %parallel_loop3A_225 = tpu.vector_load %arg8[%parallel_loop3A_222, %parallel_loop3A_223, %parallel_loop3A_224] {strides = array<i32>} : memref<2x80x128xf32, #tpu.memory_space<vmem>>, vector<16xf32>,
      tpu.vector_store %arg8[%parallel_loop3A_222, %parallel_loop3A_223, %parallel_loop3A_224], %parallel_loop3A_220 {strides = array<i32>} : memref<2x80x128xf32, #tpu.memory_space<vmem>>, vector<16xf32>,
      %parallel_loop3A_226 = arith.constant 0.000000e+00 : f32
      %parallel_loop3A_227 = vector.broadcast %parallel_loop3A_226 : f32 to vector<16xf32>
      %parallel_loop3A_228 = arith.constant 0 : i32
      %parallel_loop3A_229 = arith.index_cast %parallel_loop3A_228 : i32 to index
      %parallel_loop3A_230 = arith.index_cast %parallel_loop3A_183 : i32 to index
      %parallel_loop3A_231 = arith.constant 96 : index
      %parallel_loop3A_232 = tpu.vector_load %arg8[%parallel_loop3A_229, %parallel_loop3A_230, %parallel_loop3A_231] {strides = array<i32>} : memref<2x80x128xf32, #tpu.memory_space<vmem>>, vector<16xf32>,
      tpu.vector_store %arg8[%parallel_loop3A_229, %parallel_loop3A_230, %parallel_loop3A_231], %parallel_loop3A_227 {strides = array<i32>} : memref<2x80x128xf32, #tpu.memory_space<vmem>>, vector<16xf32>,
      %parallel_loop3A_233 = arith.constant 0.000000e+00 : f32
      %parallel_loop3A_234 = vector.broadcast %parallel_loop3A_233 : f32 to vector<16xf32>
      %parallel_loop3A_235 = arith.constant 0 : i32
      %parallel_loop3A_236 = arith.index_cast %parallel_loop3A_235 : i32 to index
      %parallel_loop3A_237 = arith.index_cast %parallel_loop3A_183 : i32 to index
      %parallel_loop3A_238 = arith.constant 112 : index
      %parallel_loop3A_239 = tpu.vector_load %arg8[%parallel_loop3A_236, %parallel_loop3A_237, %parallel_loop3A_238] {strides = array<i32>} : memref<2x80x128xf32, #tpu.memory_space<vmem>>, vector<16xf32>,
      tpu.vector_store %arg8[%parallel_loop3A_236, %parallel_loop3A_237, %parallel_loop3A_238], %parallel_loop3A_234 {strides = array<i32>} : memref<2x80x128xf32, #tpu.memory_space<vmem>>, vector<16xf32>,
    } {sc.loop_unroll_factor = 4 : i64, sc.parallel_access}
    %scan3A = arith.constant 0 : i32
    %scan3A_5 = arith.constant 0 : i32
    %scan3A_6 = arith.constant 8 : i32
    %scan3A_7 = arith.addi %scan3A_5, %scan3A_6 : i32
    %scan3A_8 = arith.constant 1 : i32
    scf.for %scan3A_183 = %scan3A_5 to %scan3A_7 step %scan3A_8  : i32 {
      %mul3A_184 = arith.constant 624 : i32
      %mul3A_185 = arith.muli %arg1, %mul3A_184 : i32
      %mul3A_186 = arith.constant 80 : i32
      %mul3A_187 = arith.muli %scan3A_183, %mul3A_186 : i32
      %add3A_188 = arith.addi %mul3A_185, %mul3A_187 : i32
      %run_scoped3A_189 = arith.constant 0 : i32
      "tpu.region"() ({
        %run_scoped3A_190 = tpu.sem_alloc : memref<!tpu.dma_semaphore, #tpu.memory_space<semaphore_mem>>
        %dma_start3A_191 = arith.constant 0 : i32
        %dma_start3A_192 = arith.constant 0 : i32
        %dma_start3A_193 = tpu.memref_slice %arg8[%run_scoped3A_189, %dma_start3A_191, %dma_start3A_192] : memref<2x80x128xf32, #tpu.memory_space<vmem>> -> memref<1x80x128xf32, #tpu.memory_space<vmem>>
        %dma_start3A_194 = tpu.memref_squeeze %dma_start3A_193 : memref<1x80x128xf32, #tpu.memory_space<vmem>> -> memref<80x128xf32, #tpu.memory_space<vmem>>
        %dma_start3A_195 = arith.constant 0 : i32
        %dma_start3A_196 = tpu.memref_slice %arg7[%add3A_188, %dma_start3A_195] : memref<10000x128xf32, #tpu.memory_space<vmem_shared>> -> memref<80x128xf32, #tpu.memory_space<vmem_shared>>
        %dma_start3A_197 = arith.constant 0 : i32
        %dma_start3A_198 = tpu.memref_slice %arg7[%add3A_188, %dma_start3A_197] : memref<10000x128xf32, #tpu.memory_space<vmem_shared>> -> memref<80x128xf32, #tpu.memory_space<vmem_shared>>
        %dma_start3A_199 = arith.constant 0 : i32
        %dma_start3A_200 = arith.constant 0 : i32
        %dma_start3A_201 = tpu.memref_slice %arg8[%run_scoped3A_189, %dma_start3A_199, %dma_start3A_200] : memref<2x80x128xf32, #tpu.memory_space<vmem>> -> memref<1x80x128xf32, #tpu.memory_space<vmem>>
        %dma_start3A_202 = tpu.memref_squeeze %dma_start3A_201 : memref<1x80x128xf32, #tpu.memory_space<vmem>> -> memref<80x128xf32, #tpu.memory_space<vmem>>
        tpu.enqueue_dma source(%dma_start3A_202 : memref<80x128xf32, #tpu.memory_space<vmem>>) target(%dma_start3A_198 : memref<80x128xf32, #tpu.memory_space<vmem_shared>>) target_semaphore(%run_scoped3A_190 : memref<!tpu.dma_semaphore, #tpu.memory_space<semaphore_mem>>)
        %dma_wait3A_203 = arith.constant 0 : i32
        %dma_wait3A_204 = arith.constant 0 : i32
        %dma_wait3A_205 = tpu.memref_slice %arg8[%run_scoped3A_189, %dma_wait3A_203, %dma_wait3A_204] : memref<2x80x128xf32, #tpu.memory_space<vmem>> -> memref<1x80x128xf32, #tpu.memory_space<vmem>>
        %dma_wait3A_206 = tpu.memref_squeeze %dma_wait3A_205 : memref<1x80x128xf32, #tpu.memory_space<vmem>> -> memref<80x128xf32, #tpu.memory_space<vmem>>
        %dma_wait3A_207 = arith.constant 0 : i32
        %dma_wait3A_208 = tpu.memref_slice %arg7[%add3A_188, %dma_wait3A_207] : memref<10000x128xf32, #tpu.memory_space<vmem_shared>> -> memref<80x128xf32, #tpu.memory_space<vmem_shared>>
        %dma_wait3A_209 = arith.constant 0 : i32
        %dma_wait3A_210 = tpu.memref_slice %arg7[%add3A_188, %dma_wait3A_209] : memref<10000x128xf32, #tpu.memory_space<vmem_shared>> -> memref<80x128xf32, #tpu.memory_space<vmem_shared>>
        %dma_wait3A_211 = arith.constant 0 : i32
        %dma_wait3A_212 = arith.constant 0 : i32
        %dma_wait3A_213 = tpu.memref_slice %arg8[%run_scoped3A_189, %dma_wait3A_211, %dma_wait3A_212] : memref<2x80x128xf32, #tpu.memory_space<vmem>> -> memref<1x80x128xf32, #tpu.memory_space<vmem>>
        %dma_wait3A_214 = tpu.memref_squeeze %dma_wait3A_213 : memref<1x80x128xf32, #tpu.memory_space<vmem>> -> memref<80x128xf32, #tpu.memory_space<vmem>>
        tpu.wait_dma2 semaphore(%run_scoped3A_190 : memref<!tpu.dma_semaphore, #tpu.memory_space<semaphore_mem>>) src(%dma_wait3A_214 : memref<80x128xf32, #tpu.memory_space<vmem>>) dst(%dma_wait3A_210 : memref<80x128xf32, #tpu.memory_space<vmem_shared>>)
        tpu.yield
      }) : () -> ()
    }
    %scan3A_9 = arith.constant 8 : i32
    %barrier3A = arith.constant 0 : index
    tpu.barrier barrier_id(%barrier3A)
    %add3A_10 = arith.constant 0 : i32
    %add3A_11 = arith.addi %mul3A_2, %add3A_10 : i32
    %dma_start3A = arith.constant 0 : i32
    %dma_start3A_12 = arith.constant 0 : i32
    %dma_start3A_13 = arith.constant 0 : i32
    %dma_start3A_14 = tpu.memref_slice %arg10[%dma_start3A, %dma_start3A_13] : memref<2x80xi32, #tpu.memory_space<vmem>> -> memref<1x80xi32, #tpu.memory_space<vmem>>
    %dma_start3A_15 = tpu.memref_squeeze %dma_start3A_14 : memref<1x80xi32, #tpu.memory_space<vmem>> -> memref<80xi32, #tpu.memory_space<vmem>>
    %dma_start3A_16 = tpu.memref_slice %arg4[%add3A_11] : memref<320000xi32, #tpu.memory_space<hbm>> -> memref<80xi32, #tpu.memory_space<hbm>>
    %dma_start3A_17 = tpu.memref_slice %arg12[%dma_start3A_12] : memref<2x!tpu.dma_semaphore, #tpu.memory_space<semaphore_mem>> -> memref<1x!tpu.dma_semaphore, #tpu.memory_space<semaphore_mem>>
    %dma_start3A_18 = tpu.memref_squeeze %dma_start3A_17 : memref<1x!tpu.dma_semaphore, #tpu.memory_space<semaphore_mem>> -> memref<!tpu.dma_semaphore, #tpu.memory_space<semaphore_mem>>
    %dma_start3A_19 = arith.constant 0 : i32
    %dma_start3A_20 = tpu.memref_slice %arg10[%dma_start3A, %dma_start3A_19] : memref<2x80xi32, #tpu.memory_space<vmem>> -> memref<1x80xi32, #tpu.memory_space<vmem>>
    %dma_start3A_21 = tpu.memref_squeeze %dma_start3A_20 : memref<1x80xi32, #tpu.memory_space<vmem>> -> memref<80xi32, #tpu.memory_space<vmem>>
    %dma_start3A_22 = tpu.memref_slice %arg4[%add3A_11] : memref<320000xi32, #tpu.memory_space<hbm>> -> memref<80xi32, #tpu.memory_space<hbm>>
    tpu.enqueue_dma source(%dma_start3A_22 : memref<80xi32, #tpu.memory_space<hbm>>) target(%dma_start3A_21 : memref<80xi32, #tpu.memory_space<vmem>>) target_semaphore(%dma_start3A_18 : memref<!tpu.dma_semaphore, #tpu.memory_space<semaphore_mem>>)
    %dma_start3A_23 = arith.constant 0 : i32
    %dma_start3A_24 = arith.constant 0 : i32
    %dma_start3A_25 = arith.constant 0 : i32
    %dma_start3A_26 = tpu.memref_slice %arg11[%dma_start3A_23, %dma_start3A_25] : memref<2x80xi32, #tpu.memory_space<vmem>> -> memref<1x80xi32, #tpu.memory_space<vmem>>
    %dma_start3A_27 = tpu.memref_squeeze %dma_start3A_26 : memref<1x80xi32, #tpu.memory_space<vmem>> -> memref<80xi32, #tpu.memory_space<vmem>>
    %dma_start3A_28 = tpu.memref_slice %arg5[%add3A_11] : memref<320000xi32, #tpu.memory_space<hbm>> -> memref<80xi32, #tpu.memory_space<hbm>>
    %dma_start3A_29 = tpu.memref_slice %arg12[%dma_start3A_24] : memref<2x!tpu.dma_semaphore, #tpu.memory_space<semaphore_mem>> -> memref<1x!tpu.dma_semaphore, #tpu.memory_space<semaphore_mem>>
    %dma_start3A_30 = tpu.memref_squeeze %dma_start3A_29 : memref<1x!tpu.dma_semaphore, #tpu.memory_space<semaphore_mem>> -> memref<!tpu.dma_semaphore, #tpu.memory_space<semaphore_mem>>
    %dma_start3A_31 = arith.constant 0 : i32
    %dma_start3A_32 = tpu.memref_slice %arg11[%dma_start3A_23, %dma_start3A_31] : memref<2x80xi32, #tpu.memory_space<vmem>> -> memref<1x80xi32, #tpu.memory_space<vmem>>
    %dma_start3A_33 = tpu.memref_squeeze %dma_start3A_32 : memref<1x80xi32, #tpu.memory_space<vmem>> -> memref<80xi32, #tpu.memory_space<vmem>>
    %dma_start3A_34 = tpu.memref_slice %arg5[%add3A_11] : memref<320000xi32, #tpu.memory_space<hbm>> -> memref<80xi32, #tpu.memory_space<hbm>>
    tpu.enqueue_dma source(%dma_start3A_34 : memref<80xi32, #tpu.memory_space<hbm>>) target(%dma_start3A_33 : memref<80xi32, #tpu.memory_space<vmem>>) target_semaphore(%dma_start3A_30 : memref<!tpu.dma_semaphore, #tpu.memory_space<semaphore_mem>>)
    %dma_start3A_35 = arith.constant 0 : i32
    %dma_start3A_36 = arith.constant 0 : i32
    %dma_start3A_37 = arith.constant 0 : i32
    %dma_start3A_38 = arith.constant 0 : i32
    %dma_start3A_39 = tpu.memref_slice %arg9[%dma_start3A_35, %dma_start3A_37, %dma_start3A_38] : memref<2x80x128xf32, #tpu.memory_space<vmem>> -> memref<1x80x128xf32, #tpu.memory_space<vmem>>
    %dma_start3A_40 = tpu.memref_squeeze %dma_start3A_39 : memref<1x80x128xf32, #tpu.memory_space<vmem>> -> memref<80x128xf32, #tpu.memory_space<vmem>>
    %dma_start3A_41 = arith.constant 0 : i32
    %dma_start3A_42 = tpu.memref_slice %arg2[%add3A_11, %dma_start3A_41] : memref<320000x128xf32, #tpu.memory_space<hbm>> -> memref<80x128xf32, #tpu.memory_space<hbm>>
    %dma_start3A_43 = tpu.memref_slice %arg13[%dma_start3A_36] : memref<2x!tpu.dma_semaphore, #tpu.memory_space<semaphore_mem>> -> memref<1x!tpu.dma_semaphore, #tpu.memory_space<semaphore_mem>>
    %dma_start3A_44 = tpu.memref_squeeze %dma_start3A_43 : memref<1x!tpu.dma_semaphore, #tpu.memory_space<semaphore_mem>> -> memref<!tpu.dma_semaphore, #tpu.memory_space<semaphore_mem>>
    %dma_start3A_45 = arith.constant 0 : i32
    %dma_start3A_46 = arith.constant 0 : i32
    %dma_start3A_47 = tpu.memref_slice %arg9[%dma_start3A_35, %dma_start3A_45, %dma_start3A_46] : memref<2x80x128xf32, #tpu.memory_space<vmem>> -> memref<1x80x128xf32, #tpu.memory_space<vmem>>
    %dma_start3A_48 = tpu.memref_squeeze %dma_start3A_47 : memref<1x80x128xf32, #tpu.memory_space<vmem>> -> memref<80x128xf32, #tpu.memory_space<vmem>>
    %dma_start3A_49 = arith.constant 0 : i32
    %dma_start3A_50 = tpu.memref_slice %arg2[%add3A_11, %dma_start3A_49] : memref<320000x128xf32, #tpu.memory_space<hbm>> -> memref<80x128xf32, #tpu.memory_space<hbm>>
    tpu.enqueue_dma source(%dma_start3A_50 : memref<80x128xf32, #tpu.memory_space<hbm>>) target(%dma_start3A_48 : memref<80x128xf32, #tpu.memory_space<vmem>>) target_semaphore(%dma_start3A_44 : memref<!tpu.dma_semaphore, #tpu.memory_space<semaphore_mem>>)
    %add3A_51 = arith.constant 80 : i32
    %add3A_52 = arith.addi %mul3A_2, %add3A_51 : i32
    %dma_start3A_53 = arith.constant 1 : i32
    %dma_start3A_54 = arith.constant 1 : i32
    %dma_start3A_55 = arith.constant 0 : i32
    %dma_start3A_56 = tpu.memref_slice %arg10[%dma_start3A_53, %dma_start3A_55] : memref<2x80xi32, #tpu.memory_space<vmem>> -> memref<1x80xi32, #tpu.memory_space<vmem>>
    %dma_start3A_57 = tpu.memref_squeeze %dma_start3A_56 : memref<1x80xi32, #tpu.memory_space<vmem>> -> memref<80xi32, #tpu.memory_space<vmem>>
    %dma_start3A_58 = tpu.memref_slice %arg4[%add3A_52] : memref<320000xi32, #tpu.memory_space<hbm>> -> memref<80xi32, #tpu.memory_space<hbm>>
    %dma_start3A_59 = tpu.memref_slice %arg12[%dma_start3A_54] : memref<2x!tpu.dma_semaphore, #tpu.memory_space<semaphore_mem>> -> memref<1x!tpu.dma_semaphore, #tpu.memory_space<semaphore_mem>>
    %dma_start3A_60 = tpu.memref_squeeze %dma_start3A_59 : memref<1x!tpu.dma_semaphore, #tpu.memory_space<semaphore_mem>> -> memref<!tpu.dma_semaphore, #tpu.memory_space<semaphore_mem>>
    %dma_start3A_61 = arith.constant 0 : i32
    %dma_start3A_62 = tpu.memref_slice %arg10[%dma_start3A_53, %dma_start3A_61] : memref<2x80xi32, #tpu.memory_space<vmem>> -> memref<1x80xi32, #tpu.memory_space<vmem>>
    %dma_start3A_63 = tpu.memref_squeeze %dma_start3A_62 : memref<1x80xi32, #tpu.memory_space<vmem>> -> memref<80xi32, #tpu.memory_space<vmem>>
    %dma_start3A_64 = tpu.memref_slice %arg4[%add3A_52] : memref<320000xi32, #tpu.memory_space<hbm>> -> memref<80xi32, #tpu.memory_space<hbm>>
    tpu.enqueue_dma source(%dma_start3A_64 : memref<80xi32, #tpu.memory_space<hbm>>) target(%dma_start3A_63 : memref<80xi32, #tpu.memory_space<vmem>>) target_semaphore(%dma_start3A_60 : memref<!tpu.dma_semaphore, #tpu.memory_space<semaphore_mem>>)
    %dma_start3A_65 = arith.constant 1 : i32
    %dma_start3A_66 = arith.constant 1 : i32
    %dma_start3A_67 = arith.constant 0 : i32
    %dma_start3A_68 = tpu.memref_slice %arg11[%dma_start3A_65, %dma_start3A_67] : memref<2x80xi32, #tpu.memory_space<vmem>> -> memref<1x80xi32, #tpu.memory_space<vmem>>
    %dma_start3A_69 = tpu.memref_squeeze %dma_start3A_68 : memref<1x80xi32, #tpu.memory_space<vmem>> -> memref<80xi32, #tpu.memory_space<vmem>>
    %dma_start3A_70 = tpu.memref_slice %arg5[%add3A_52] : memref<320000xi32, #tpu.memory_space<hbm>> -> memref<80xi32, #tpu.memory_space<hbm>>
    %dma_start3A_71 = tpu.memref_slice %arg12[%dma_start3A_66] : memref<2x!tpu.dma_semaphore, #tpu.memory_space<semaphore_mem>> -> memref<1x!tpu.dma_semaphore, #tpu.memory_space<semaphore_mem>>
    %dma_start3A_72 = tpu.memref_squeeze %dma_start3A_71 : memref<1x!tpu.dma_semaphore, #tpu.memory_space<semaphore_mem>> -> memref<!tpu.dma_semaphore, #tpu.memory_space<semaphore_mem>>
    %dma_start3A_73 = arith.constant 0 : i32
    %dma_start3A_74 = tpu.memref_slice %arg11[%dma_start3A_65, %dma_start3A_73] : memref<2x80xi32, #tpu.memory_space<vmem>> -> memref<1x80xi32, #tpu.memory_space<vmem>>
    %dma_start3A_75 = tpu.memref_squeeze %dma_start3A_74 : memref<1x80xi32, #tpu.memory_space<vmem>> -> memref<80xi32, #tpu.memory_space<vmem>>
    %dma_start3A_76 = tpu.memref_slice %arg5[%add3A_52] : memref<320000xi32, #tpu.memory_space<hbm>> -> memref<80xi32, #tpu.memory_space<hbm>>
    tpu.enqueue_dma source(%dma_start3A_76 : memref<80xi32, #tpu.memory_space<hbm>>) target(%dma_start3A_75 : memref<80xi32, #tpu.memory_space<vmem>>) target_semaphore(%dma_start3A_72 : memref<!tpu.dma_semaphore, #tpu.memory_space<semaphore_mem>>)
    %dma_start3A_77 = arith.constant 1 : i32
    %dma_start3A_78 = arith.constant 1 : i32
    %dma_start3A_79 = arith.constant 0 : i32
    %dma_start3A_80 = arith.constant 0 : i32
    %dma_start3A_81 = tpu.memref_slice %arg9[%dma_start3A_77, %dma_start3A_79, %dma_start3A_80] : memref<2x80x128xf32, #tpu.memory_space<vmem>> -> memref<1x80x128xf32, #tpu.memory_space<vmem>>
    %dma_start3A_82 = tpu.memref_squeeze %dma_start3A_81 : memref<1x80x128xf32, #tpu.memory_space<vmem>> -> memref<80x128xf32, #tpu.memory_space<vmem>>
    %dma_start3A_83 = arith.constant 0 : i32
    %dma_start3A_84 = tpu.memref_slice %arg2[%add3A_52, %dma_start3A_83] : memref<320000x128xf32, #tpu.memory_space<hbm>> -> memref<80x128xf32, #tpu.memory_space<hbm>>
    %dma_start3A_85 = tpu.memref_slice %arg13[%dma_start3A_78] : memref<2x!tpu.dma_semaphore, #tpu.memory_space<semaphore_mem>> -> memref<1x!tpu.dma_semaphore, #tpu.memory_space<semaphore_mem>>
    %dma_start3A_86 = tpu.memref_squeeze %dma_start3A_85 : memref<1x!tpu.dma_semaphore, #tpu.memory_space<semaphore_mem>> -> memref<!tpu.dma_semaphore, #tpu.memory_space<semaphore_mem>>
    %dma_start3A_87 = arith.constant 0 : i32
    %dma_start3A_88 = arith.constant 0 : i32
    %dma_start3A_89 = tpu.memref_slice %arg9[%dma_start3A_77, %dma_start3A_87, %dma_start3A_88] : memref<2x80x128xf32, #tpu.memory_space<vmem>> -> memref<1x80x128xf32, #tpu.memory_space<vmem>>
    %dma_start3A_90 = tpu.memref_squeeze %dma_start3A_89 : memref<1x80x128xf32, #tpu.memory_space<vmem>> -> memref<80x128xf32, #tpu.memory_space<vmem>>
    %dma_start3A_91 = arith.constant 0 : i32
    %dma_start3A_92 = tpu.memref_slice %arg2[%add3A_52, %dma_start3A_91] : memref<320000x128xf32, #tpu.memory_space<hbm>> -> memref<80x128xf32, #tpu.memory_space<hbm>>
    tpu.enqueue_dma source(%dma_start3A_92 : memref<80x128xf32, #tpu.memory_space<hbm>>) target(%dma_start3A_90 : memref<80x128xf32, #tpu.memory_space<vmem>>) target_semaphore(%dma_start3A_86 : memref<!tpu.dma_semaphore, #tpu.memory_space<semaphore_mem>>)
    %dma_wait3A = arith.constant 0 : i32
    %dma_wait3A_93 = arith.constant 0 : i32
    %dma_wait3A_94 = arith.constant 0 : i32
    %dma_wait3A_95 = tpu.memref_slice %arg10[%dma_wait3A, %dma_wait3A_94] : memref<2x80xi32, #tpu.memory_space<vmem>> -> memref<1x80xi32, #tpu.memory_space<vmem>>
    %dma_wait3A_96 = tpu.memref_squeeze %dma_wait3A_95 : memref<1x80xi32, #tpu.memory_space<vmem>> -> memref<80xi32, #tpu.memory_space<vmem>>
    %dma_wait3A_97 = arith.constant 0 : i32
    %dma_wait3A_98 = tpu.memref_slice %arg4[%dma_wait3A_97] : memref<320000xi32, #tpu.memory_space<hbm>> -> memref<80xi32, #tpu.memory_space<hbm>>
    %dma_wait3A_99 = tpu.memref_slice %arg12[%dma_wait3A_93] : memref<2x!tpu.dma_semaphore, #tpu.memory_space<semaphore_mem>> -> memref<1x!tpu.dma_semaphore, #tpu.memory_space<semaphore_mem>>
    %dma_wait3A_100 = tpu.memref_squeeze %dma_wait3A_99 : memref<1x!tpu.dma_semaphore, #tpu.memory_space<semaphore_mem>> -> memref<!tpu.dma_semaphore, #tpu.memory_space<semaphore_mem>>
    %dma_wait3A_101 = arith.constant 0 : i32
    %dma_wait3A_102 = tpu.memref_slice %arg10[%dma_wait3A, %dma_wait3A_101] : memref<2x80xi32, #tpu.memory_space<vmem>> -> memref<1x80xi32, #tpu.memory_space<vmem>>
    %dma_wait3A_103 = tpu.memref_squeeze %dma_wait3A_102 : memref<1x80xi32, #tpu.memory_space<vmem>> -> memref<80xi32, #tpu.memory_space<vmem>>
    %dma_wait3A_104 = arith.constant 0 : i32
    %dma_wait3A_105 = tpu.memref_slice %arg4[%dma_wait3A_104] : memref<320000xi32, #tpu.memory_space<hbm>> -> memref<80xi32, #tpu.memory_space<hbm>>
    tpu.wait_dma2 semaphore(%dma_wait3A_100 : memref<!tpu.dma_semaphore, #tpu.memory_space<semaphore_mem>>) src(%dma_wait3A_105 : memref<80xi32, #tpu.memory_space<hbm>>) dst(%dma_wait3A_103 : memref<80xi32, #tpu.memory_space<vmem>>)
    %dma_wait3A_106 = arith.constant 0 : i32
    %dma_wait3A_107 = arith.constant 0 : i32
    %dma_wait3A_108 = arith.constant 0 : i32
    %dma_wait3A_109 = tpu.memref_slice %arg11[%dma_wait3A_106, %dma_wait3A_108] : memref<2x80xi32, #tpu.memory_space<vmem>> -> memref<1x80xi32, #tpu.memory_space<vmem>>
    %dma_wait3A_110 = tpu.memref_squeeze %dma_wait3A_109 : memref<1x80xi32, #tpu.memory_space<vmem>> -> memref<80xi32, #tpu.memory_space<vmem>>
    %dma_wait3A_111 = arith.constant 0 : i32
    %dma_wait3A_112 = tpu.memref_slice %arg5[%dma_wait3A_111] : memref<320000xi32, #tpu.memory_space<hbm>> -> memref<80xi32, #tpu.memory_space<hbm>>
    %dma_wait3A_113 = tpu.memref_slice %arg12[%dma_wait3A_107] : memref<2x!tpu.dma_semaphore, #tpu.memory_space<semaphore_mem>> -> memref<1x!tpu.dma_semaphore, #tpu.memory_space<semaphore_mem>>
    %dma_wait3A_114 = tpu.memref_squeeze %dma_wait3A_113 : memref<1x!tpu.dma_semaphore, #tpu.memory_space<semaphore_mem>> -> memref<!tpu.dma_semaphore, #tpu.memory_space<semaphore_mem>>
    %dma_wait3A_115 = arith.constant 0 : i32
    %dma_wait3A_116 = tpu.memref_slice %arg11[%dma_wait3A_106, %dma_wait3A_115] : memref<2x80xi32, #tpu.memory_space<vmem>> -> memref<1x80xi32, #tpu.memory_space<vmem>>
    %dma_wait3A_117 = tpu.memref_squeeze %dma_wait3A_116 : memref<1x80xi32, #tpu.memory_space<vmem>> -> memref<80xi32, #tpu.memory_space<vmem>>
    %dma_wait3A_118 = arith.constant 0 : i32
    %dma_wait3A_119 = tpu.memref_slice %arg5[%dma_wait3A_118] : memref<320000xi32, #tpu.memory_space<hbm>> -> memref<80xi32, #tpu.memory_space<hbm>>
    tpu.wait_dma2 semaphore(%dma_wait3A_114 : memref<!tpu.dma_semaphore, #tpu.memory_space<semaphore_mem>>) src(%dma_wait3A_119 : memref<80xi32, #tpu.memory_space<hbm>>) dst(%dma_wait3A_117 : memref<80xi32, #tpu.memory_space<vmem>>)
    %dma_start3A_120 = arith.constant 0 : i32
    %dma_start3A_121 = arith.constant 0 : i32
    %dma_start3A_122 = arith.constant 0 : i32
    %dma_start3A_123 = arith.constant 0 : i32
    %dma_start3A_124 = arith.constant 0 : i32
    %dma_start3A_125 = tpu.memref_slice %arg8[%dma_start3A_121, %dma_start3A_123, %dma_start3A_124] : memref<2x80x128xf32, #tpu.memory_space<vmem>> -> memref<1x80x128xf32, #tpu.memory_space<vmem>>
    %dma_start3A_126 = tpu.memref_squeeze %dma_start3A_125 : memref<1x80x128xf32, #tpu.memory_space<vmem>> -> memref<80x128xf32, #tpu.memory_space<vmem>>
    %dma_start3A_127 = arith.constant 0 : i32
    %dma_start3A_128 = tpu.memref_slice %arg10[%dma_start3A_120, %dma_start3A_127] : memref<2x80xi32, #tpu.memory_space<vmem>> -> memref<1x80xi32, #tpu.memory_space<vmem>>
    %dma_start3A_129 = tpu.memref_squeeze %dma_start3A_128 : memref<1x80xi32, #tpu.memory_space<vmem>> -> memref<80xi32, #tpu.memory_space<vmem>>
    %dma_start3A_130 = arith.constant 0 : i32
    %dma_start3A_131 = arith.constant 0 : i32
    %dma_start3A_132 = tpu.memref_slice %arg3[%dma_start3A_130, %dma_start3A_131] : memref<10000x128xf32, #tpu.memory_space<hbm>> -> memref<10000x128xf32, #tpu.memory_space<hbm>>
    %dma_start3A_133 = tpu.memref_slice %arg14[%dma_start3A_122] : memref<2x!tpu.dma_semaphore, #tpu.memory_space<semaphore_mem>> -> memref<1x!tpu.dma_semaphore, #tpu.memory_space<semaphore_mem>>
    %dma_start3A_134 = tpu.memref_squeeze %dma_start3A_133 : memref<1x!tpu.dma_semaphore, #tpu.memory_space<semaphore_mem>> -> memref<!tpu.dma_semaphore, #tpu.memory_space<semaphore_mem>>
    tpu.enqueue_indirect_dma source(%dma_start3A_132 : memref<10000x128xf32, #tpu.memory_space<hbm>>) target(%dma_start3A_126 : memref<80x128xf32, #tpu.memory_space<vmem>>) offsets(%dma_start3A_129 : memref<80xi32, #tpu.memory_space<vmem>>) semaphore(%dma_start3A_134 : memref<!tpu.dma_semaphore, #tpu.memory_space<semaphore_mem>>)
    %scan3A_135 = arith.constant 0 : i32
    %scan3A_136 = arith.constant 0 : i32
    %scan3A_137 = arith.constant 62 : i32
    %scan3A_138 = arith.addi %scan3A_136, %scan3A_137 : i32
    %scan3A_139 = arith.constant 1 : i32
    scf.for %scan3A_183 = %scan3A_136 to %scan3A_138 step %scan3A_139  : i32 {
      %mul3A_184 = arith.constant 2 : i32
      %mul3A_185 = arith.muli %scan3A_183, %mul3A_184 : i32
      %dma_wait3A_186 = arith.constant 1 : i32
      %dma_wait3A_187 = arith.constant 1 : i32
      %dma_wait3A_188 = arith.constant 0 : i32
      %dma_wait3A_189 = tpu.memref_slice %arg10[%dma_wait3A_186, %dma_wait3A_188] : memref<2x80xi32, #tpu.memory_space<vmem>> -> memref<1x80xi32, #tpu.memory_space<vmem>>
      %dma_wait3A_190 = tpu.memref_squeeze %dma_wait3A_189 : memref<1x80xi32, #tpu.memory_space<vmem>> -> memref<80xi32, #tpu.memory_space<vmem>>
      %dma_wait3A_191 = arith.constant 0 : i32
      %dma_wait3A_192 = tpu.memref_slice %arg4[%dma_wait3A_191] : memref<320000xi32, #tpu.memory_space<hbm>> -> memref<80xi32, #tpu.memory_space<hbm>>
      %dma_wait3A_193 = tpu.memref_slice %arg12[%dma_wait3A_187] : memref<2x!tpu.dma_semaphore, #tpu.memory_space<semaphore_mem>> -> memref<1x!tpu.dma_semaphore, #tpu.memory_space<semaphore_mem>>
      %dma_wait3A_194 = tpu.memref_squeeze %dma_wait3A_193 : memref<1x!tpu.dma_semaphore, #tpu.memory_space<semaphore_mem>> -> memref<!tpu.dma_semaphore, #tpu.memory_space<semaphore_mem>>
      %dma_wait3A_195 = arith.constant 0 : i32
      %dma_wait3A_196 = tpu.memref_slice %arg10[%dma_wait3A_186, %dma_wait3A_195] : memref<2x80xi32, #tpu.memory_space<vmem>> -> memref<1x80xi32, #tpu.memory_space<vmem>>
      %dma_wait3A_197 = tpu.memref_squeeze %dma_wait3A_196 : memref<1x80xi32, #tpu.memory_space<vmem>> -> memref<80xi32, #tpu.memory_space<vmem>>
      %dma_wait3A_198 = arith.constant 0 : i32
      %dma_wait3A_199 = tpu.memref_slice %arg4[%dma_wait3A_198] : memref<320000xi32, #tpu.memory_space<hbm>> -> memref<80xi32, #tpu.memory_space<hbm>>
      tpu.wait_dma2 semaphore(%dma_wait3A_194 : memref<!tpu.dma_semaphore, #tpu.memory_space<semaphore_mem>>) src(%dma_wait3A_199 : memref<80xi32, #tpu.memory_space<hbm>>) dst(%dma_wait3A_197 : memref<80xi32, #tpu.memory_space<vmem>>)
      %dma_wait3A_200 = arith.constant 1 : i32
      %dma_wait3A_201 = arith.constant 1 : i32
      %dma_wait3A_202 = arith.constant 0 : i32
      %dma_wait3A_203 = tpu.memref_slice %arg11[%dma_wait3A_200, %dma_wait3A_202] : memref<2x80xi32, #tpu.memory_space<vmem>> -> memref<1x80xi32, #tpu.memory_space<vmem>>
      %dma_wait3A_204 = tpu.memref_squeeze %dma_wait3A_203 : memref<1x80xi32, #tpu.memory_space<vmem>> -> memref<80xi32, #tpu.memory_space<vmem>>
      %dma_wait3A_205 = arith.constant 0 : i32
      %dma_wait3A_206 = tpu.memref_slice %arg5[%dma_wait3A_205] : memref<320000xi32, #tpu.memory_space<hbm>> -> memref<80xi32, #tpu.memory_space<hbm>>
      %dma_wait3A_207 = tpu.memref_slice %arg12[%dma_wait3A_201] : memref<2x!tpu.dma_semaphore, #tpu.memory_space<semaphore_mem>> -> memref<1x!tpu.dma_semaphore, #tpu.memory_space<semaphore_mem>>
      %dma_wait3A_208 = tpu.memref_squeeze %dma_wait3A_207 : memref<1x!tpu.dma_semaphore, #tpu.memory_space<semaphore_mem>> -> memref<!tpu.dma_semaphore, #tpu.memory_space<semaphore_mem>>
      %dma_wait3A_209 = arith.constant 0 : i32
      %dma_wait3A_210 = tpu.memref_slice %arg11[%dma_wait3A_200, %dma_wait3A_209] : memref<2x80xi32, #tpu.memory_space<vmem>> -> memref<1x80xi32, #tpu.memory_space<vmem>>
      %dma_wait3A_211 = tpu.memref_squeeze %dma_wait3A_210 : memref<1x80xi32, #tpu.memory_space<vmem>> -> memref<80xi32, #tpu.memory_space<vmem>>
      %dma_wait3A_212 = arith.constant 0 : i32
      %dma_wait3A_213 = tpu.memref_slice %arg5[%dma_wait3A_212] : memref<320000xi32, #tpu.memory_space<hbm>> -> memref<80xi32, #tpu.memory_space<hbm>>
      tpu.wait_dma2 semaphore(%dma_wait3A_208 : memref<!tpu.dma_semaphore, #tpu.memory_space<semaphore_mem>>) src(%dma_wait3A_213 : memref<80xi32, #tpu.memory_space<hbm>>) dst(%dma_wait3A_211 : memref<80xi32, #tpu.memory_space<vmem>>)
      %dma_start3A_214 = arith.constant 1 : i32
      %dma_start3A_215 = arith.constant 1 : i32
      %dma_start3A_216 = arith.constant 1 : i32
      %dma_start3A_217 = arith.constant 0 : i32
      %dma_start3A_218 = arith.constant 0 : i32
      %dma_start3A_219 = tpu.memref_slice %arg8[%dma_start3A_215, %dma_start3A_217, %dma_start3A_218] : memref<2x80x128xf32, #tpu.memory_space<vmem>> -> memref<1x80x128xf32, #tpu.memory_space<vmem>>
      %dma_start3A_220 = tpu.memref_squeeze %dma_start3A_219 : memref<1x80x128xf32, #tpu.memory_space<vmem>> -> memref<80x128xf32, #tpu.memory_space<vmem>>
      %dma_start3A_221 = arith.constant 0 : i32
      %dma_start3A_222 = tpu.memref_slice %arg10[%dma_start3A_214, %dma_start3A_221] : memref<2x80xi32, #tpu.memory_space<vmem>> -> memref<1x80xi32, #tpu.memory_space<vmem>>
      %dma_start3A_223 = tpu.memref_squeeze %dma_start3A_222 : memref<1x80xi32, #tpu.memory_space<vmem>> -> memref<80xi32, #tpu.memory_space<vmem>>
      %dma_start3A_224 = arith.constant 0 : i32
      %dma_start3A_225 = arith.constant 0 : i32
      %dma_start3A_226 = tpu.memref_slice %arg3[%dma_start3A_224, %dma_start3A_225] : memref<10000x128xf32, #tpu.memory_space<hbm>> -> memref<10000x128xf32, #tpu.memory_space<hbm>>
      %dma_start3A_227 = tpu.memref_slice %arg14[%dma_start3A_216] : memref<2x!tpu.dma_semaphore, #tpu.memory_space<semaphore_mem>> -> memref<1x!tpu.dma_semaphore, #tpu.memory_space<semaphore_mem>>
      %dma_start3A_228 = tpu.memref_squeeze %dma_start3A_227 : memref<1x!tpu.dma_semaphore, #tpu.memory_space<semaphore_mem>> -> memref<!tpu.dma_semaphore, #tpu.memory_space<semaphore_mem>>
      tpu.enqueue_indirect_dma source(%dma_start3A_226 : memref<10000x128xf32, #tpu.memory_space<hbm>>) target(%dma_start3A_220 : memref<80x128xf32, #tpu.memory_space<vmem>>) offsets(%dma_start3A_223 : memref<80xi32, #tpu.memory_space<vmem>>) semaphore(%dma_start3A_228 : memref<!tpu.dma_semaphore, #tpu.memory_space<semaphore_mem>>)
      %dma_wait3A_229 = arith.constant 0 : i32
      %dma_wait3A_230 = arith.constant 0 : i32
      %dma_wait3A_231 = arith.constant 0 : i32
      %dma_wait3A_232 = arith.constant 0 : i32
      %dma_wait3A_233 = arith.constant 0 : i32
      %dma_wait3A_234 = tpu.memref_slice %arg8[%dma_wait3A_230, %dma_wait3A_232, %dma_wait3A_233] : memref<2x80x128xf32, #tpu.memory_space<vmem>> -> memref<1x80x128xf32, #tpu.memory_space<vmem>>
      %dma_wait3A_235 = tpu.memref_squeeze %dma_wait3A_234 : memref<1x80x128xf32, #tpu.memory_space<vmem>> -> memref<80x128xf32, #tpu.memory_space<vmem>>
      %dma_wait3A_236 = arith.constant 0 : i32
      %dma_wait3A_237 = tpu.memref_slice %arg10[%dma_wait3A_229, %dma_wait3A_236] : memref<2x80xi32, #tpu.memory_space<vmem>> -> memref<1x80xi32, #tpu.memory_space<vmem>>
      %dma_wait3A_238 = tpu.memref_squeeze %dma_wait3A_237 : memref<1x80xi32, #tpu.memory_space<vmem>> -> memref<80xi32, #tpu.memory_space<vmem>>
      %dma_wait3A_239 = arith.constant 0 : i32
      %dma_wait3A_240 = arith.constant 0 : i32
      %dma_wait3A_241 = tpu.memref_slice %arg3[%dma_wait3A_239, %dma_wait3A_240] : memref<10000x128xf32, #tpu.memory_space<hbm>> -> memref<10000x128xf32, #tpu.memory_space<hbm>>
      %dma_wait3A_242 = tpu.memref_slice %arg14[%dma_wait3A_231] : memref<2x!tpu.dma_semaphore, #tpu.memory_space<semaphore_mem>> -> memref<1x!tpu.dma_semaphore, #tpu.memory_space<semaphore_mem>>
      %dma_wait3A_243 = tpu.memref_squeeze %dma_wait3A_242 : memref<1x!tpu.dma_semaphore, #tpu.memory_space<semaphore_mem>> -> memref<!tpu.dma_semaphore, #tpu.memory_space<semaphore_mem>>
      tpu.wait_indirect_dma semaphore(%dma_wait3A_243 : memref<!tpu.dma_semaphore, #tpu.memory_space<semaphore_mem>>) src(%dma_wait3A_241 : memref<10000x128xf32, #tpu.memory_space<hbm>>) dst(%dma_wait3A_235 : memref<80x128xf32, #tpu.memory_space<vmem>>)
      %dma_wait3A_244 = arith.constant 0 : i32
      %dma_wait3A_245 = arith.constant 0 : i32
      %dma_wait3A_246 = arith.constant 0 : i32
      %dma_wait3A_247 = arith.constant 0 : i32
      %dma_wait3A_248 = tpu.memref_slice %arg9[%dma_wait3A_244, %dma_wait3A_246, %dma_wait3A_247] : memref<2x80x128xf32, #tpu.memory_space<vmem>> -> memref<1x80x128xf32, #tpu.memory_space<vmem>>
      %dma_wait3A_249 = tpu.memref_squeeze %dma_wait3A_248 : memref<1x80x128xf32, #tpu.memory_space<vmem>> -> memref<80x128xf32, #tpu.memory_space<vmem>>
      %dma_wait3A_250 = arith.constant 0 : i32
      %dma_wait3A_251 = arith.constant 0 : i32
      %dma_wait3A_252 = tpu.memref_slice %arg2[%dma_wait3A_250, %dma_wait3A_251] : memref<320000x128xf32, #tpu.memory_space<hbm>> -> memref<80x128xf32, #tpu.memory_space<hbm>>
      %dma_wait3A_253 = tpu.memref_slice %arg13[%dma_wait3A_245] : memref<2x!tpu.dma_semaphore, #tpu.memory_space<semaphore_mem>> -> memref<1x!tpu.dma_semaphore, #tpu.memory_space<semaphore_mem>>
      %dma_wait3A_254 = tpu.memref_squeeze %dma_wait3A_253 : memref<1x!tpu.dma_semaphore, #tpu.memory_space<semaphore_mem>> -> memref<!tpu.dma_semaphore, #tpu.memory_space<semaphore_mem>>
      %dma_wait3A_255 = arith.constant 0 : i32
      %dma_wait3A_256 = arith.constant 0 : i32
      %dma_wait3A_257 = tpu.memref_slice %arg9[%dma_wait3A_244, %dma_wait3A_255, %dma_wait3A_256] : memref<2x80x128xf32, #tpu.memory_space<vmem>> -> memref<1x80x128xf32, #tpu.memory_space<vmem>>
      %dma_wait3A_258 = tpu.memref_squeeze %dma_wait3A_257 : memref<1x80x128xf32, #tpu.memory_space<vmem>> -> memref<80x128xf32, #tpu.memory_space<vmem>>
      %dma_wait3A_259 = arith.constant 0 : i32
      %dma_wait3A_260 = arith.constant 0 : i32
      %dma_wait3A_261 = tpu.memref_slice %arg2[%dma_wait3A_259, %dma_wait3A_260] : memref<320000x128xf32, #tpu.memory_space<hbm>> -> memref<80x128xf32, #tpu.memory_space<hbm>>
      tpu.wait_dma2 semaphore(%dma_wait3A_254 : memref<!tpu.dma_semaphore, #tpu.memory_space<semaphore_mem>>) src(%dma_wait3A_261 : memref<80x128xf32, #tpu.memory_space<hbm>>) dst(%dma_wait3A_258 : memref<80x128xf32, #tpu.memory_space<vmem>>)
      %parallel_loop3A_262 = arith.constant 0 : i32
      %parallel_loop3A_263 = arith.constant 80 : i32
      %parallel_loop3A_264 = arith.constant 1 : i32
      scf.for %parallel_loop3A_397 = %parallel_loop3A_262 to %parallel_loop3A_263 step %parallel_loop3A_264  : i32 {
        %parallel_loop3A_398 = arith.constant 0 : i32
        %parallel_loop3A_399 = arith.index_cast %parallel_loop3A_398 : i32 to index
        %parallel_loop3A_400 = arith.index_cast %parallel_loop3A_397 : i32 to index
        %parallel_loop3A_401 = arith.constant 0 : index
        %parallel_loop3A_402 = tpu.vector_load %arg8[%parallel_loop3A_399, %parallel_loop3A_400, %parallel_loop3A_401] {strides = array<i32>} : memref<2x80x128xf32, #tpu.memory_space<vmem>>, vector<16xf32>,
        %parallel_loop3A_403 = arith.constant 0 : i32
        %parallel_loop3A_404 = arith.index_cast %parallel_loop3A_403 : i32 to index
        %parallel_loop3A_405 = arith.index_cast %parallel_loop3A_397 : i32 to index
        %parallel_loop3A_406 = arith.constant 0 : index
        %parallel_loop3A_407 = tpu.vector_load %arg9[%parallel_loop3A_404, %parallel_loop3A_405, %parallel_loop3A_406] {strides = array<i32>} : memref<2x80x128xf32, #tpu.memory_space<vmem>>, vector<16xf32>,
        %parallel_loop3A_408 = arith.mulf %parallel_loop3A_402, %parallel_loop3A_407 : vector<16xf32>
        %parallel_loop3A_409 = arith.constant 0 : i32
        %parallel_loop3A_410 = arith.index_cast %parallel_loop3A_409 : i32 to index
        %parallel_loop3A_411 = arith.index_cast %parallel_loop3A_397 : i32 to index
        %parallel_loop3A_412 = arith.constant 0 : index
        %parallel_loop3A_413 = tpu.vector_load %arg8[%parallel_loop3A_410, %parallel_loop3A_411, %parallel_loop3A_412] {strides = array<i32>} : memref<2x80x128xf32, #tpu.memory_space<vmem>>, vector<16xf32>,
        tpu.vector_store %arg8[%parallel_loop3A_410, %parallel_loop3A_411, %parallel_loop3A_412], %parallel_loop3A_408 {strides = array<i32>} : memref<2x80x128xf32, #tpu.memory_space<vmem>>, vector<16xf32>,
        %parallel_loop3A_414 = arith.constant 0 : i32
        %parallel_loop3A_415 = arith.index_cast %parallel_loop3A_414 : i32 to index
        %parallel_loop3A_416 = arith.index_cast %parallel_loop3A_397 : i32 to index
        %parallel_loop3A_417 = arith.constant 16 : index
        %parallel_loop3A_418 = tpu.vector_load %arg8[%parallel_loop3A_415, %parallel_loop3A_416, %parallel_loop3A_417] {strides = array<i32>} : memref<2x80x128xf32, #tpu.memory_space<vmem>>, vector<16xf32>,
        %parallel_loop3A_419 = arith.constant 0 : i32
        %parallel_loop3A_420 = arith.index_cast %parallel_loop3A_419 : i32 to index
        %parallel_loop3A_421 = arith.index_cast %parallel_loop3A_397 : i32 to index
        %parallel_loop3A_422 = arith.constant 16 : index
        %parallel_loop3A_423 = tpu.vector_load %arg9[%parallel_loop3A_420, %parallel_loop3A_421, %parallel_loop3A_422] {strides = array<i32>} : memref<2x80x128xf32, #tpu.memory_space<vmem>>, vector<16xf32>,
        %parallel_loop3A_424 = arith.mulf %parallel_loop3A_418, %parallel_loop3A_423 : vector<16xf32>
        %parallel_loop3A_425 = arith.constant 0 : i32
        %parallel_loop3A_426 = arith.index_cast %parallel_loop3A_425 : i32 to index
        %parallel_loop3A_427 = arith.index_cast %parallel_loop3A_397 : i32 to index
        %parallel_loop3A_428 = arith.constant 16 : index
        %parallel_loop3A_429 = tpu.vector_load %arg8[%parallel_loop3A_426, %parallel_loop3A_427, %parallel_loop3A_428] {strides = array<i32>} : memref<2x80x128xf32, #tpu.memory_space<vmem>>, vector<16xf32>,
        tpu.vector_store %arg8[%parallel_loop3A_426, %parallel_loop3A_427, %parallel_loop3A_428], %parallel_loop3A_424 {strides = array<i32>} : memref<2x80x128xf32, #tpu.memory_space<vmem>>, vector<16xf32>,
        %parallel_loop3A_430 = arith.constant 0 : i32
        %parallel_loop3A_431 = arith.index_cast %parallel_loop3A_430 : i32 to index
        %parallel_loop3A_432 = arith.index_cast %parallel_loop3A_397 : i32 to index
        %parallel_loop3A_433 = arith.constant 32 : index
        %parallel_loop3A_434 = tpu.vector_load %arg8[%parallel_loop3A_431, %parallel_loop3A_432, %parallel_loop3A_433] {strides = array<i32>} : memref<2x80x128xf32, #tpu.memory_space<vmem>>, vector<16xf32>,
        %parallel_loop3A_435 = arith.constant 0 : i32
        %parallel_loop3A_436 = arith.index_cast %parallel_loop3A_435 : i32 to index
        %parallel_loop3A_437 = arith.index_cast %parallel_loop3A_397 : i32 to index
        %parallel_loop3A_438 = arith.constant 32 : index
        %parallel_loop3A_439 = tpu.vector_load %arg9[%parallel_loop3A_436, %parallel_loop3A_437, %parallel_loop3A_438] {strides = array<i32>} : memref<2x80x128xf32, #tpu.memory_space<vmem>>, vector<16xf32>,
        %parallel_loop3A_440 = arith.mulf %parallel_loop3A_434, %parallel_loop3A_439 : vector<16xf32>
        %parallel_loop3A_441 = arith.constant 0 : i32
        %parallel_loop3A_442 = arith.index_cast %parallel_loop3A_441 : i32 to index
        %parallel_loop3A_443 = arith.index_cast %parallel_loop3A_397 : i32 to index
        %parallel_loop3A_444 = arith.constant 32 : index
        %parallel_loop3A_445 = tpu.vector_load %arg8[%parallel_loop3A_442, %parallel_loop3A_443, %parallel_loop3A_444] {strides = array<i32>} : memref<2x80x128xf32, #tpu.memory_space<vmem>>, vector<16xf32>,
        tpu.vector_store %arg8[%parallel_loop3A_442, %parallel_loop3A_443, %parallel_loop3A_444], %parallel_loop3A_440 {strides = array<i32>} : memref<2x80x128xf32, #tpu.memory_space<vmem>>, vector<16xf32>,
        %parallel_loop3A_446 = arith.constant 0 : i32
        %parallel_loop3A_447 = arith.index_cast %parallel_loop3A_446 : i32 to index
        %parallel_loop3A_448 = arith.index_cast %parallel_loop3A_397 : i32 to index
        %parallel_loop3A_449 = arith.constant 48 : index
        %parallel_loop3A_450 = tpu.vector_load %arg8[%parallel_loop3A_447, %parallel_loop3A_448, %parallel_loop3A_449] {strides = array<i32>} : memref<2x80x128xf32, #tpu.memory_space<vmem>>, vector<16xf32>,
        %parallel_loop3A_451 = arith.constant 0 : i32
        %parallel_loop3A_452 = arith.index_cast %parallel_loop3A_451 : i32 to index
        %parallel_loop3A_453 = arith.index_cast %parallel_loop3A_397 : i32 to index
        %parallel_loop3A_454 = arith.constant 48 : index
        %parallel_loop3A_455 = tpu.vector_load %arg9[%parallel_loop3A_452, %parallel_loop3A_453, %parallel_loop3A_454] {strides = array<i32>} : memref<2x80x128xf32, #tpu.memory_space<vmem>>, vector<16xf32>,
        %parallel_loop3A_456 = arith.mulf %parallel_loop3A_450, %parallel_loop3A_455 : vector<16xf32>
        %parallel_loop3A_457 = arith.constant 0 : i32
        %parallel_loop3A_458 = arith.index_cast %parallel_loop3A_457 : i32 to index
        %parallel_loop3A_459 = arith.index_cast %parallel_loop3A_397 : i32 to index
        %parallel_loop3A_460 = arith.constant 48 : index
        %parallel_loop3A_461 = tpu.vector_load %arg8[%parallel_loop3A_458, %parallel_loop3A_459, %parallel_loop3A_460] {strides = array<i32>} : memref<2x80x128xf32, #tpu.memory_space<vmem>>, vector<16xf32>,
        tpu.vector_store %arg8[%parallel_loop3A_458, %parallel_loop3A_459, %parallel_loop3A_460], %parallel_loop3A_456 {strides = array<i32>} : memref<2x80x128xf32, #tpu.memory_space<vmem>>, vector<16xf32>,
        %parallel_loop3A_462 = arith.constant 0 : i32
        %parallel_loop3A_463 = arith.index_cast %parallel_loop3A_462 : i32 to index
        %parallel_loop3A_464 = arith.index_cast %parallel_loop3A_397 : i32 to index
        %parallel_loop3A_465 = arith.constant 64 : index
        %parallel_loop3A_466 = tpu.vector_load %arg8[%parallel_loop3A_463, %parallel_loop3A_464, %parallel_loop3A_465] {strides = array<i32>} : memref<2x80x128xf32, #tpu.memory_space<vmem>>, vector<16xf32>,
        %parallel_loop3A_467 = arith.constant 0 : i32
        %parallel_loop3A_468 = arith.index_cast %parallel_loop3A_467 : i32 to index
        %parallel_loop3A_469 = arith.index_cast %parallel_loop3A_397 : i32 to index
        %parallel_loop3A_470 = arith.constant 64 : index
        %parallel_loop3A_471 = tpu.vector_load %arg9[%parallel_loop3A_468, %parallel_loop3A_469, %parallel_loop3A_470] {strides = array<i32>} : memref<2x80x128xf32, #tpu.memory_space<vmem>>, vector<16xf32>,
        %parallel_loop3A_472 = arith.mulf %parallel_loop3A_466, %parallel_loop3A_471 : vector<16xf32>
        %parallel_loop3A_473 = arith.constant 0 : i32
        %parallel_loop3A_474 = arith.index_cast %parallel_loop3A_473 : i32 to index
        %parallel_loop3A_475 = arith.index_cast %parallel_loop3A_397 : i32 to index
        %parallel_loop3A_476 = arith.constant 64 : index
        %parallel_loop3A_477 = tpu.vector_load %arg8[%parallel_loop3A_474, %parallel_loop3A_475, %parallel_loop3A_476] {strides = array<i32>} : memref<2x80x128xf32, #tpu.memory_space<vmem>>, vector<16xf32>,
        tpu.vector_store %arg8[%parallel_loop3A_474, %parallel_loop3A_475, %parallel_loop3A_476], %parallel_loop3A_472 {strides = array<i32>} : memref<2x80x128xf32, #tpu.memory_space<vmem>>, vector<16xf32>,
        %parallel_loop3A_478 = arith.constant 0 : i32
        %parallel_loop3A_479 = arith.index_cast %parallel_loop3A_478 : i32 to index
        %parallel_loop3A_480 = arith.index_cast %parallel_loop3A_397 : i32 to index
        %parallel_loop3A_481 = arith.constant 80 : index
        %parallel_loop3A_482 = tpu.vector_load %arg8[%parallel_loop3A_479, %parallel_loop3A_480, %parallel_loop3A_481] {strides = array<i32>} : memref<2x80x128xf32, #tpu.memory_space<vmem>>, vector<16xf32>,
        %parallel_loop3A_483 = arith.constant 0 : i32
        %parallel_loop3A_484 = arith.index_cast %parallel_loop3A_483 : i32 to index
        %parallel_loop3A_485 = arith.index_cast %parallel_loop3A_397 : i32 to index
        %parallel_loop3A_486 = arith.constant 80 : index
        %parallel_loop3A_487 = tpu.vector_load %arg9[%parallel_loop3A_484, %parallel_loop3A_485, %parallel_loop3A_486] {strides = array<i32>} : memref<2x80x128xf32, #tpu.memory_space<vmem>>, vector<16xf32>,
        %parallel_loop3A_488 = arith.mulf %parallel_loop3A_482, %parallel_loop3A_487 : vector<16xf32>
        %parallel_loop3A_489 = arith.constant 0 : i32
        %parallel_loop3A_490 = arith.index_cast %parallel_loop3A_489 : i32 to index
        %parallel_loop3A_491 = arith.index_cast %parallel_loop3A_397 : i32 to index
        %parallel_loop3A_492 = arith.constant 80 : index
        %parallel_loop3A_493 = tpu.vector_load %arg8[%parallel_loop3A_490, %parallel_loop3A_491, %parallel_loop3A_492] {strides = array<i32>} : memref<2x80x128xf32, #tpu.memory_space<vmem>>, vector<16xf32>,
        tpu.vector_store %arg8[%parallel_loop3A_490, %parallel_loop3A_491, %parallel_loop3A_492], %parallel_loop3A_488 {strides = array<i32>} : memref<2x80x128xf32, #tpu.memory_space<vmem>>, vector<16xf32>,
        %parallel_loop3A_494 = arith.constant 0 : i32
        %parallel_loop3A_495 = arith.index_cast %parallel_loop3A_494 : i32 to index
        %parallel_loop3A_496 = arith.index_cast %parallel_loop3A_397 : i32 to index
        %parallel_loop3A_497 = arith.constant 96 : index
        %parallel_loop3A_498 = tpu.vector_load %arg8[%parallel_loop3A_495, %parallel_loop3A_496, %parallel_loop3A_497] {strides = array<i32>} : memref<2x80x128xf32, #tpu.memory_space<vmem>>, vector<16xf32>,
        %parallel_loop3A_499 = arith.constant 0 : i32
        %parallel_loop3A_500 = arith.index_cast %parallel_loop3A_499 : i32 to index
        %parallel_loop3A_501 = arith.index_cast %parallel_loop3A_397 : i32 to index
        %parallel_loop3A_502 = arith.constant 96 : index
        %parallel_loop3A_503 = tpu.vector_load %arg9[%parallel_loop3A_500, %parallel_loop3A_501, %parallel_loop3A_502] {strides = array<i32>} : memref<2x80x128xf32, #tpu.memory_space<vmem>>, vector<16xf32>,
        %parallel_loop3A_504 = arith.mulf %parallel_loop3A_498, %parallel_loop3A_503 : vector<16xf32>
        %parallel_loop3A_505 = arith.constant 0 : i32
        %parallel_loop3A_506 = arith.index_cast %parallel_loop3A_505 : i32 to index
        %parallel_loop3A_507 = arith.index_cast %parallel_loop3A_397 : i32 to index
        %parallel_loop3A_508 = arith.constant 96 : index
        %parallel_loop3A_509 = tpu.vector_load %arg8[%parallel_loop3A_506, %parallel_loop3A_507, %parallel_loop3A_508] {strides = array<i32>} : memref<2x80x128xf32, #tpu.memory_space<vmem>>, vector<16xf32>,
        tpu.vector_store %arg8[%parallel_loop3A_506, %parallel_loop3A_507, %parallel_loop3A_508], %parallel_loop3A_504 {strides = array<i32>} : memref<2x80x128xf32, #tpu.memory_space<vmem>>, vector<16xf32>,
        %parallel_loop3A_510 = arith.constant 0 : i32
        %parallel_loop3A_511 = arith.index_cast %parallel_loop3A_510 : i32 to index
        %parallel_loop3A_512 = arith.index_cast %parallel_loop3A_397 : i32 to index
        %parallel_loop3A_513 = arith.constant 112 : index
        %parallel_loop3A_514 = tpu.vector_load %arg8[%parallel_loop3A_511, %parallel_loop3A_512, %parallel_loop3A_513] {strides = array<i32>} : memref<2x80x128xf32, #tpu.memory_space<vmem>>, vector<16xf32>,
        %parallel_loop3A_515 = arith.constant 0 : i32
        %parallel_loop3A_516 = arith.index_cast %parallel_loop3A_515 : i32 to index
        %parallel_loop3A_517 = arith.index_cast %parallel_loop3A_397 : i32 to index
        %parallel_loop3A_518 = arith.constant 112 : index
        %parallel_loop3A_519 = tpu.vector_load %arg9[%parallel_loop3A_516, %parallel_loop3A_517, %parallel_loop3A_518] {strides = array<i32>} : memref<2x80x128xf32, #tpu.memory_space<vmem>>, vector<16xf32>,
        %parallel_loop3A_520 = arith.mulf %parallel_loop3A_514, %parallel_loop3A_519 : vector<16xf32>
        %parallel_loop3A_521 = arith.constant 0 : i32
        %parallel_loop3A_522 = arith.index_cast %parallel_loop3A_521 : i32 to index
        %parallel_loop3A_523 = arith.index_cast %parallel_loop3A_397 : i32 to index
        %parallel_loop3A_524 = arith.constant 112 : index
        %parallel_loop3A_525 = tpu.vector_load %arg8[%parallel_loop3A_522, %parallel_loop3A_523, %parallel_loop3A_524] {strides = array<i32>} : memref<2x80x128xf32, #tpu.memory_space<vmem>>, vector<16xf32>,
        tpu.vector_store %arg8[%parallel_loop3A_522, %parallel_loop3A_523, %parallel_loop3A_524], %parallel_loop3A_520 {strides = array<i32>} : memref<2x80x128xf32, #tpu.memory_space<vmem>>, vector<16xf32>,
      } {sc.loop_unroll_factor = 4 : i64, sc.parallel_access}
      %run_scoped3A_265 = arith.constant 0 : i32
      %run_scoped3A_266 = arith.constant 0 : i32
      "tpu.region"() ({
        %run_scoped3A_397 = tpu.sem_alloc : memref<!tpu.dma_semaphore, #tpu.memory_space<semaphore_mem>>
        %dma_start3A_398 = arith.constant 0 : i32
        %dma_start3A_399 = arith.constant 0 : i32
        %dma_start3A_400 = tpu.memref_slice %arg8[%run_scoped3A_265, %dma_start3A_398, %dma_start3A_399] : memref<2x80x128xf32, #tpu.memory_space<vmem>> -> memref<1x80x128xf32, #tpu.memory_space<vmem>>
        %dma_start3A_401 = tpu.memref_squeeze %dma_start3A_400 : memref<1x80x128xf32, #tpu.memory_space<vmem>> -> memref<80x128xf32, #tpu.memory_space<vmem>>
        %dma_start3A_402 = arith.constant 0 : i32
        %dma_start3A_403 = tpu.memref_slice %arg11[%run_scoped3A_266, %dma_start3A_402] : memref<2x80xi32, #tpu.memory_space<vmem>> -> memref<1x80xi32, #tpu.memory_space<vmem>>
        %dma_start3A_404 = tpu.memref_squeeze %dma_start3A_403 : memref<1x80xi32, #tpu.memory_space<vmem>> -> memref<80xi32, #tpu.memory_space<vmem>>
        %dma_start3A_405 = arith.constant 0 : i32
        %dma_start3A_406 = arith.constant 0 : i32
        %dma_start3A_407 = tpu.memref_slice %arg7[%dma_start3A_405, %dma_start3A_406] : memref<10000x128xf32, #tpu.memory_space<vmem_shared>> -> memref<10000x128xf32, #tpu.memory_space<vmem_shared>>
        tpu.enqueue_indirect_dma source(%dma_start3A_401 : memref<80x128xf32, #tpu.memory_space<vmem>>) target(%dma_start3A_407 : memref<10000x128xf32, #tpu.memory_space<vmem_shared>>) offsets(%dma_start3A_404 : memref<80xi32, #tpu.memory_space<vmem>>) semaphore(%run_scoped3A_397 : memref<!tpu.dma_semaphore, #tpu.memory_space<semaphore_mem>>) {add = true}
        %dma_wait3A_408 = arith.constant 0 : i32
        %dma_wait3A_409 = arith.constant 0 : i32
        %dma_wait3A_410 = tpu.memref_slice %arg8[%run_scoped3A_265, %dma_wait3A_408, %dma_wait3A_409] : memref<2x80x128xf32, #tpu.memory_space<vmem>> -> memref<1x80x128xf32, #tpu.memory_space<vmem>>
        %dma_wait3A_411 = tpu.memref_squeeze %dma_wait3A_410 : memref<1x80x128xf32, #tpu.memory_space<vmem>> -> memref<80x128xf32, #tpu.memory_space<vmem>>
        %dma_wait3A_412 = arith.constant 0 : i32
        %dma_wait3A_413 = tpu.memref_slice %arg11[%run_scoped3A_266, %dma_wait3A_412] : memref<2x80xi32, #tpu.memory_space<vmem>> -> memref<1x80xi32, #tpu.memory_space<vmem>>
        %dma_wait3A_414 = tpu.memref_squeeze %dma_wait3A_413 : memref<1x80xi32, #tpu.memory_space<vmem>> -> memref<80xi32, #tpu.memory_space<vmem>>
        %dma_wait3A_415 = arith.constant 0 : i32
        %dma_wait3A_416 = arith.constant 0 : i32
        %dma_wait3A_417 = tpu.memref_slice %arg7[%dma_wait3A_415, %dma_wait3A_416] : memref<10000x128xf32, #tpu.memory_space<vmem_shared>> -> memref<10000x128xf32, #tpu.memory_space<vmem_shared>>
        tpu.wait_indirect_dma semaphore(%run_scoped3A_397 : memref<!tpu.dma_semaphore, #tpu.memory_space<semaphore_mem>>) src(%dma_wait3A_411 : memref<80x128xf32, #tpu.memory_space<vmem>>) dst(%dma_wait3A_417 : memref<10000x128xf32, #tpu.memory_space<vmem_shared>>)
        tpu.yield
      }) : () -> ()
      %add3A_267 = arith.constant 2 : i32
      %add3A_268 = arith.addi %mul3A_185, %add3A_267 : i32
      %mul3A_269 = arith.constant 80 : i32
      %mul3A_270 = arith.muli %add3A_268, %mul3A_269 : i32
      %add3A_271 = arith.addi %mul3A_2, %mul3A_270 : i32
      %dma_start3A_272 = arith.constant 0 : i32
      %dma_start3A_273 = arith.constant 0 : i32
      %dma_start3A_274 = arith.constant 0 : i32
      %dma_start3A_275 = tpu.memref_slice %arg10[%dma_start3A_272, %dma_start3A_274] : memref<2x80xi32, #tpu.memory_space<vmem>> -> memref<1x80xi32, #tpu.memory_space<vmem>>
      %dma_start3A_276 = tpu.memref_squeeze %dma_start3A_275 : memref<1x80xi32, #tpu.memory_space<vmem>> -> memref<80xi32, #tpu.memory_space<vmem>>
      %dma_start3A_277 = tpu.memref_slice %arg4[%add3A_271] : memref<320000xi32, #tpu.memory_space<hbm>> -> memref<80xi32, #tpu.memory_space<hbm>>
      %dma_start3A_278 = tpu.memref_slice %arg12[%dma_start3A_273] : memref<2x!tpu.dma_semaphore, #tpu.memory_space<semaphore_mem>> -> memref<1x!tpu.dma_semaphore, #tpu.memory_space<semaphore_mem>>
      %dma_start3A_279 = tpu.memref_squeeze %dma_start3A_278 : memref<1x!tpu.dma_semaphore, #tpu.memory_space<semaphore_mem>> -> memref<!tpu.dma_semaphore, #tpu.memory_space<semaphore_mem>>
      %dma_start3A_280 = arith.constant 0 : i32
      %dma_start3A_281 = tpu.memref_slice %arg10[%dma_start3A_272, %dma_start3A_280] : memref<2x80xi32, #tpu.memory_space<vmem>> -> memref<1x80xi32, #tpu.memory_space<vmem>>
      %dma_start3A_282 = tpu.memref_squeeze %dma_start3A_281 : memref<1x80xi32, #tpu.memory_space<vmem>> -> memref<80xi32, #tpu.memory_space<vmem>>
      %dma_start3A_283 = tpu.memref_slice %arg4[%add3A_271] : memref<320000xi32, #tpu.memory_space<hbm>> -> memref<80xi32, #tpu.memory_space<hbm>>
      tpu.enqueue_dma source(%dma_start3A_283 : memref<80xi32, #tpu.memory_space<hbm>>) target(%dma_start3A_282 : memref<80xi32, #tpu.memory_space<vmem>>) target_semaphore(%dma_start3A_279 : memref<!tpu.dma_semaphore, #tpu.memory_space<semaphore_mem>>)
      %dma_start3A_284 = arith.constant 0 : i32
      %dma_start3A_285 = arith.constant 0 : i32
      %dma_start3A_286 = arith.constant 0 : i32
      %dma_start3A_287 = tpu.memref_slice %arg11[%dma_start3A_284, %dma_start3A_286] : memref<2x80xi32, #tpu.memory_space<vmem>> -> memref<1x80xi32, #tpu.memory_space<vmem>>
      %dma_start3A_288 = tpu.memref_squeeze %dma_start3A_287 : memref<1x80xi32, #tpu.memory_space<vmem>> -> memref<80xi32, #tpu.memory_space<vmem>>
      %dma_start3A_289 = tpu.memref_slice %arg5[%add3A_271] : memref<320000xi32, #tpu.memory_space<hbm>> -> memref<80xi32, #tpu.memory_space<hbm>>
      %dma_start3A_290 = tpu.memref_slice %arg12[%dma_start3A_285] : memref<2x!tpu.dma_semaphore, #tpu.memory_space<semaphore_mem>> -> memref<1x!tpu.dma_semaphore, #tpu.memory_space<semaphore_mem>>
      %dma_start3A_291 = tpu.memref_squeeze %dma_start3A_290 : memref<1x!tpu.dma_semaphore, #tpu.memory_space<semaphore_mem>> -> memref<!tpu.dma_semaphore, #tpu.memory_space<semaphore_mem>>
      %dma_start3A_292 = arith.constant 0 : i32
      %dma_start3A_293 = tpu.memref_slice %arg11[%dma_start3A_284, %dma_start3A_292] : memref<2x80xi32, #tpu.memory_space<vmem>> -> memref<1x80xi32, #tpu.memory_space<vmem>>
      %dma_start3A_294 = tpu.memref_squeeze %dma_start3A_293 : memref<1x80xi32, #tpu.memory_space<vmem>> -> memref<80xi32, #tpu.memory_space<vmem>>
      %dma_start3A_295 = tpu.memref_slice %arg5[%add3A_271] : memref<320000xi32, #tpu.memory_space<hbm>> -> memref<80xi32, #tpu.memory_space<hbm>>
      tpu.enqueue_dma source(%dma_start3A_295 : memref<80xi32, #tpu.memory_space<hbm>>) target(%dma_start3A_294 : memref<80xi32, #tpu.memory_space<vmem>>) target_semaphore(%dma_start3A_291 : memref<!tpu.dma_semaphore, #tpu.memory_space<semaphore_mem>>)
      %dma_start3A_296 = arith.constant 0 : i32
      %dma_start3A_297 = arith.constant 0 : i32
      %dma_start3A_298 = arith.constant 0 : i32
      %dma_start3A_299 = arith.constant 0 : i32
      %dma_start3A_300 = tpu.memref_slice %arg9[%dma_start3A_296, %dma_start3A_298, %dma_start3A_299] : memref<2x80x128xf32, #tpu.memory_space<vmem>> -> memref<1x80x128xf32, #tpu.memory_space<vmem>>
      %dma_start3A_301 = tpu.memref_squeeze %dma_start3A_300 : memref<1x80x128xf32, #tpu.memory_space<vmem>> -> memref<80x128xf32, #tpu.memory_space<vmem>>
      %dma_start3A_302 = arith.constant 0 : i32
      %dma_start3A_303 = tpu.memref_slice %arg2[%add3A_271, %dma_start3A_302] : memref<320000x128xf32, #tpu.memory_space<hbm>> -> memref<80x128xf32, #tpu.memory_space<hbm>>
      %dma_start3A_304 = tpu.memref_slice %arg13[%dma_start3A_297] : memref<2x!tpu.dma_semaphore, #tpu.memory_space<semaphore_mem>> -> memref<1x!tpu.dma_semaphore, #tpu.memory_space<semaphore_mem>>
      %dma_start3A_305 = tpu.memref_squeeze %dma_start3A_304 : memref<1x!tpu.dma_semaphore, #tpu.memory_space<semaphore_mem>> -> memref<!tpu.dma_semaphore, #tpu.memory_space<semaphore_mem>>
      %dma_start3A_306 = arith.constant 0 : i32
      %dma_start3A_307 = arith.constant 0 : i32
      %dma_start3A_308 = tpu.memref_slice %arg9[%dma_start3A_296, %dma_start3A_306, %dma_start3A_307] : memref<2x80x128xf32, #tpu.memory_space<vmem>> -> memref<1x80x128xf32, #tpu.memory_space<vmem>>
      %dma_start3A_309 = tpu.memref_squeeze %dma_start3A_308 : memref<1x80x128xf32, #tpu.memory_space<vmem>> -> memref<80x128xf32, #tpu.memory_space<vmem>>
      %dma_start3A_310 = arith.constant 0 : i32
      %dma_start3A_311 = tpu.memref_slice %arg2[%add3A_271, %dma_start3A_310] : memref<320000x128xf32, #tpu.memory_space<hbm>> -> memref<80x128xf32, #tpu.memory_space<hbm>>
      tpu.enqueue_dma source(%dma_start3A_311 : memref<80x128xf32, #tpu.memory_space<hbm>>) target(%dma_start3A_309 : memref<80x128xf32, #tpu.memory_space<vmem>>) target_semaphore(%dma_start3A_305 : memref<!tpu.dma_semaphore, #tpu.memory_space<semaphore_mem>>)
      %dma_wait3A_312 = arith.constant 0 : i32
      %dma_wait3A_313 = arith.constant 0 : i32
      %dma_wait3A_314 = arith.constant 0 : i32
      %dma_wait3A_315 = tpu.memref_slice %arg10[%dma_wait3A_312, %dma_wait3A_314] : memref<2x80xi32, #tpu.memory_space<vmem>> -> memref<1x80xi32, #tpu.memory_space<vmem>>
      %dma_wait3A_316 = tpu.memref_squeeze %dma_wait3A_315 : memref<1x80xi32, #tpu.memory_space<vmem>> -> memref<80xi32, #tpu.memory_space<vmem>>
      %dma_wait3A_317 = arith.constant 0 : i32
      %dma_wait3A_318 = tpu.memref_slice %arg4[%dma_wait3A_317] : memref<320000xi32, #tpu.memory_space<hbm>> -> memref<80xi32, #tpu.memory_space<hbm>>
      %dma_wait3A_319 = tpu.memref_slice %arg12[%dma_wait3A_313] : memref<2x!tpu.dma_semaphore, #tpu.memory_space<semaphore_mem>> -> memref<1x!tpu.dma_semaphore, #tpu.memory_space<semaphore_mem>>
      %dma_wait3A_320 = tpu.memref_squeeze %dma_wait3A_319 : memref<1x!tpu.dma_semaphore, #tpu.memory_space<semaphore_mem>> -> memref<!tpu.dma_semaphore, #tpu.memory_space<semaphore_mem>>
      %dma_wait3A_321 = arith.constant 0 : i32
      %dma_wait3A_322 = tpu.memref_slice %arg10[%dma_wait3A_312, %dma_wait3A_321] : memref<2x80xi32, #tpu.memory_space<vmem>> -> memref<1x80xi32, #tpu.memory_space<vmem>>
      %dma_wait3A_323 = tpu.memref_squeeze %dma_wait3A_322 : memref<1x80xi32, #tpu.memory_space<vmem>> -> memref<80xi32, #tpu.memory_space<vmem>>
      %dma_wait3A_324 = arith.constant 0 : i32
      %dma_wait3A_325 = tpu.memref_slice %arg4[%dma_wait3A_324] : memref<320000xi32, #tpu.memory_space<hbm>> -> memref<80xi32, #tpu.memory_space<hbm>>
      tpu.wait_dma2 semaphore(%dma_wait3A_320 : memref<!tpu.dma_semaphore, #tpu.memory_space<semaphore_mem>>) src(%dma_wait3A_325 : memref<80xi32, #tpu.memory_space<hbm>>) dst(%dma_wait3A_323 : memref<80xi32, #tpu.memory_space<vmem>>)
      %dma_wait3A_326 = arith.constant 0 : i32
      %dma_wait3A_327 = arith.constant 0 : i32
      %dma_wait3A_328 = arith.constant 0 : i32
      %dma_wait3A_329 = tpu.memref_slice %arg11[%dma_wait3A_326, %dma_wait3A_328] : memref<2x80xi32, #tpu.memory_space<vmem>> -> memref<1x80xi32, #tpu.memory_space<vmem>>
      %dma_wait3A_330 = tpu.memref_squeeze %dma_wait3A_329 : memref<1x80xi32, #tpu.memory_space<vmem>> -> memref<80xi32, #tpu.memory_space<vmem>>
      %dma_wait3A_331 = arith.constant 0 : i32
      %dma_wait3A_332 = tpu.memref_slice %arg5[%dma_wait3A_331] : memref<320000xi32, #tpu.memory_space<hbm>> -> memref<80xi32, #tpu.memory_space<hbm>>
      %dma_wait3A_333 = tpu.memref_slice %arg12[%dma_wait3A_327] : memref<2x!tpu.dma_semaphore, #tpu.memory_space<semaphore_mem>> -> memref<1x!tpu.dma_semaphore, #tpu.memory_space<semaphore_mem>>
      %dma_wait3A_334 = tpu.memref_squeeze %dma_wait3A_333 : memref<1x!tpu.dma_semaphore, #tpu.memory_space<semaphore_mem>> -> memref<!tpu.dma_semaphore, #tpu.memory_space<semaphore_mem>>
      %dma_wait3A_335 = arith.constant 0 : i32
      %dma_wait3A_336 = tpu.memref_slice %arg11[%dma_wait3A_326, %dma_wait3A_335] : memref<2x80xi32, #tpu.memory_space<vmem>> -> memref<1x80xi32, #tpu.memory_space<vmem>>
      %dma_wait3A_337 = tpu.memref_squeeze %dma_wait3A_336 : memref<1x80xi32, #tpu.memory_space<vmem>> -> memref<80xi32, #tpu.memory_space<vmem>>
      %dma_wait3A_338 = arith.constant 0 : i32
      %dma_wait3A_339 = tpu.memref_slice %arg5[%dma_wait3A_338] : memref<320000xi32, #tpu.memory_space<hbm>> -> memref<80xi32, #tpu.memory_space<hbm>>
      tpu.wait_dma2 semaphore(%dma_wait3A_334 : memref<!tpu.dma_semaphore, #tpu.memory_space<semaphore_mem>>) src(%dma_wait3A_339 : memref<80xi32, #tpu.memory_space<hbm>>) dst(%dma_wait3A_337 : memref<80xi32, #tpu.memory_space<vmem>>)
      %dma_start3A_340 = arith.constant 0 : i32
      %dma_start3A_341 = arith.constant 0 : i32
      %dma_start3A_342 = arith.constant 0 : i32
      %dma_start3A_343 = arith.constant 0 : i32
      %dma_start3A_344 = arith.constant 0 : i32
      %dma_start3A_345 = tpu.memref_slice %arg8[%dma_start3A_341, %dma_start3A_343, %dma_start3A_344] : memref<2x80x128xf32, #tpu.memory_space<vmem>> -> memref<1x80x128xf32, #tpu.memory_space<vmem>>
      %dma_start3A_346 = tpu.memref_squeeze %dma_start3A_345 : memref<1x80x128xf32, #tpu.memory_space<vmem>> -> memref<80x128xf32, #tpu.memory_space<vmem>>
      %dma_start3A_347 = arith.constant 0 : i32
      %dma_start3A_348 = tpu.memref_slice %arg10[%dma_start3A_340, %dma_start3A_347] : memref<2x80xi32, #tpu.memory_space<vmem>> -> memref<1x80xi32, #tpu.memory_space<vmem>>
      %dma_start3A_349 = tpu.memref_squeeze %dma_start3A_348 : memref<1x80xi32, #tpu.memory_space<vmem>> -> memref<80xi32, #tpu.memory_space<vmem>>
      %dma_start3A_350 = arith.constant 0 : i32
      %dma_start3A_351 = arith.constant 0 : i32
      %dma_start3A_352 = tpu.memref_slice %arg3[%dma_start3A_350, %dma_start3A_351] : memref<10000x128xf32, #tpu.memory_space<hbm>> -> memref<10000x128xf32, #tpu.memory_space<hbm>>
      %dma_start3A_353 = tpu.memref_slice %arg14[%dma_start3A_342] : memref<2x!tpu.dma_semaphore, #tpu.memory_space<semaphore_mem>> -> memref<1x!tpu.dma_semaphore, #tpu.memory_space<semaphore_mem>>
      %dma_start3A_354 = tpu.memref_squeeze %dma_start3A_353 : memref<1x!tpu.dma_semaphore, #tpu.memory_space<semaphore_mem>> -> memref<!tpu.dma_semaphore, #tpu.memory_space<semaphore_mem>>
      tpu.enqueue_indirect_dma source(%dma_start3A_352 : memref<10000x128xf32, #tpu.memory_space<hbm>>) target(%dma_start3A_346 : memref<80x128xf32, #tpu.memory_space<vmem>>) offsets(%dma_start3A_349 : memref<80xi32, #tpu.memory_space<vmem>>) semaphore(%dma_start3A_354 : memref<!tpu.dma_semaphore, #tpu.memory_space<semaphore_mem>>)
      %dma_wait3A_355 = arith.constant 1 : i32
      %dma_wait3A_356 = arith.constant 1 : i32
      %dma_wait3A_357 = arith.constant 1 : i32
      %dma_wait3A_358 = arith.constant 0 : i32
      %dma_wait3A_359 = arith.constant 0 : i32
      %dma_wait3A_360 = tpu.memref_slice %arg8[%dma_wait3A_356, %dma_wait3A_358, %dma_wait3A_359] : memref<2x80x128xf32, #tpu.memory_space<vmem>> -> memref<1x80x128xf32, #tpu.memory_space<vmem>>
      %dma_wait3A_361 = tpu.memref_squeeze %dma_wait3A_360 : memref<1x80x128xf32, #tpu.memory_space<vmem>> -> memref<80x128xf32, #tpu.memory_space<vmem>>
      %dma_wait3A_362 = arith.constant 0 : i32
      %dma_wait3A_363 = tpu.memref_slice %arg10[%dma_wait3A_355, %dma_wait3A_362] : memref<2x80xi32, #tpu.memory_space<vmem>> -> memref<1x80xi32, #tpu.memory_space<vmem>>
      %dma_wait3A_364 = tpu.memref_squeeze %dma_wait3A_363 : memref<1x80xi32, #tpu.memory_space<vmem>> -> memref<80xi32, #tpu.memory_space<vmem>>
      %dma_wait3A_365 = arith.constant 0 : i32
      %dma_wait3A_366 = arith.constant 0 : i32
      %dma_wait3A_367 = tpu.memref_slice %arg3[%dma_wait3A_365, %dma_wait3A_366] : memref<10000x128xf32, #tpu.memory_space<hbm>> -> memref<10000x128xf32, #tpu.memory_space<hbm>>
      %dma_wait3A_368 = tpu.memref_slice %arg14[%dma_wait3A_357] : memref<2x!tpu.dma_semaphore, #tpu.memory_space<semaphore_mem>> -> memref<1x!tpu.dma_semaphore, #tpu.memory_space<semaphore_mem>>
      %dma_wait3A_369 = tpu.memref_squeeze %dma_wait3A_368 : memref<1x!tpu.dma_semaphore, #tpu.memory_space<semaphore_mem>> -> memref<!tpu.dma_semaphore, #tpu.memory_space<semaphore_mem>>
      tpu.wait_indirect_dma semaphore(%dma_wait3A_369 : memref<!tpu.dma_semaphore, #tpu.memory_space<semaphore_mem>>) src(%dma_wait3A_367 : memref<10000x128xf32, #tpu.memory_space<hbm>>) dst(%dma_wait3A_361 : memref<80x128xf32, #tpu.memory_space<vmem>>)
      %dma_wait3A_370 = arith.constant 1 : i32
      %dma_wait3A_371 = arith.constant 1 : i32
      %dma_wait3A_372 = arith.constant 0 : i32
      %dma_wait3A_373 = arith.constant 0 : i32
      %dma_wait3A_374 = tpu.memref_slice %arg9[%dma_wait3A_370, %dma_wait3A_372, %dma_wait3A_373] : memref<2x80x128xf32, #tpu.memory_space<vmem>> -> memref<1x80x128xf32, #tpu.memory_space<vmem>>
      %dma_wait3A_375 = tpu.memref_squeeze %dma_wait3A_374 : memref<1x80x128xf32, #tpu.memory_space<vmem>> -> memref<80x128xf32, #tpu.memory_space<vmem>>
      %dma_wait3A_376 = arith.constant 0 : i32
      %dma_wait3A_377 = arith.constant 0 : i32
      %dma_wait3A_378 = tpu.memref_slice %arg2[%dma_wait3A_376, %dma_wait3A_377] : memref<320000x128xf32, #tpu.memory_space<hbm>> -> memref<80x128xf32, #tpu.memory_space<hbm>>
      %dma_wait3A_379 = tpu.memref_slice %arg13[%dma_wait3A_371] : memref<2x!tpu.dma_semaphore, #tpu.memory_space<semaphore_mem>> -> memref<1x!tpu.dma_semaphore, #tpu.memory_space<semaphore_mem>>
      %dma_wait3A_380 = tpu.memref_squeeze %dma_wait3A_379 : memref<1x!tpu.dma_semaphore, #tpu.memory_space<semaphore_mem>> -> memref<!tpu.dma_semaphore, #tpu.memory_space<semaphore_mem>>
      %dma_wait3A_381 = arith.constant 0 : i32
      %dma_wait3A_382 = arith.constant 0 : i32
      %dma_wait3A_383 = tpu.memref_slice %arg9[%dma_wait3A_370, %dma_wait3A_381, %dma_wait3A_382] : memref<2x80x128xf32, #tpu.memory_space<vmem>> -> memref<1x80x128xf32, #tpu.memory_space<vmem>>
      %dma_wait3A_384 = tpu.memref_squeeze %dma_wait3A_383 : memref<1x80x128xf32, #tpu.memory_space<vmem>> -> memref<80x128xf32, #tpu.memory_space<vmem>>
      %dma_wait3A_385 = arith.constant 0 : i32
      %dma_wait3A_386 = arith.constant 0 : i32
      %dma_wait3A_387 = tpu.memref_slice %arg2[%dma_wait3A_385, %dma_wait3A_386] : memref<320000x128xf32, #tpu.memory_space<hbm>> -> memref<80x128xf32, #tpu.memory_space<hbm>>
      tpu.wait_dma2 semaphore(%dma_wait3A_380 : memref<!tpu.dma_semaphore, #tpu.memory_space<semaphore_mem>>) src(%dma_wait3A_387 : memref<80x128xf32, #tpu.memory_space<hbm>>) dst(%dma_wait3A_384 : memref<80x128xf32, #tpu.memory_space<vmem>>)
      %parallel_loop3A_388 = arith.constant 0 : i32
      %parallel_loop3A_389 = arith.constant 80 : i32
      %parallel_loop3A_390 = arith.constant 1 : i32
      scf.for %parallel_loop3A_397 = %parallel_loop3A_388 to %parallel_loop3A_389 step %parallel_loop3A_390  : i32 {
        %parallel_loop3A_398 = arith.constant 1 : i32
        %parallel_loop3A_399 = arith.index_cast %parallel_loop3A_398 : i32 to index
        %parallel_loop3A_400 = arith.index_cast %parallel_loop3A_397 : i32 to index
        %parallel_loop3A_401 = arith.constant 0 : index
        %parallel_loop3A_402 = tpu.vector_load %arg8[%parallel_loop3A_399, %parallel_loop3A_400, %parallel_loop3A_401] {strides = array<i32>} : memref<2x80x128xf32, #tpu.memory_space<vmem>>, vector<16xf32>,
        %parallel_loop3A_403 = arith.constant 1 : i32
        %parallel_loop3A_404 = arith.index_cast %parallel_loop3A_403 : i32 to index
        %parallel_loop3A_405 = arith.index_cast %parallel_loop3A_397 : i32 to index
        %parallel_loop3A_406 = arith.constant 0 : index
        %parallel_loop3A_407 = tpu.vector_load %arg9[%parallel_loop3A_404, %parallel_loop3A_405, %parallel_loop3A_406] {strides = array<i32>} : memref<2x80x128xf32, #tpu.memory_space<vmem>>, vector<16xf32>,
        %parallel_loop3A_408 = arith.mulf %parallel_loop3A_402, %parallel_loop3A_407 : vector<16xf32>
        %parallel_loop3A_409 = arith.constant 1 : i32
        %parallel_loop3A_410 = arith.index_cast %parallel_loop3A_409 : i32 to index
        %parallel_loop3A_411 = arith.index_cast %parallel_loop3A_397 : i32 to index
        %parallel_loop3A_412 = arith.constant 0 : index
        %parallel_loop3A_413 = tpu.vector_load %arg8[%parallel_loop3A_410, %parallel_loop3A_411, %parallel_loop3A_412] {strides = array<i32>} : memref<2x80x128xf32, #tpu.memory_space<vmem>>, vector<16xf32>,
        tpu.vector_store %arg8[%parallel_loop3A_410, %parallel_loop3A_411, %parallel_loop3A_412], %parallel_loop3A_408 {strides = array<i32>} : memref<2x80x128xf32, #tpu.memory_space<vmem>>, vector<16xf32>,
        %parallel_loop3A_414 = arith.constant 1 : i32
        %parallel_loop3A_415 = arith.index_cast %parallel_loop3A_414 : i32 to index
        %parallel_loop3A_416 = arith.index_cast %parallel_loop3A_397 : i32 to index
        %parallel_loop3A_417 = arith.constant 16 : index
        %parallel_loop3A_418 = tpu.vector_load %arg8[%parallel_loop3A_415, %parallel_loop3A_416, %parallel_loop3A_417] {strides = array<i32>} : memref<2x80x128xf32, #tpu.memory_space<vmem>>, vector<16xf32>,
        %parallel_loop3A_419 = arith.constant 1 : i32
        %parallel_loop3A_420 = arith.index_cast %parallel_loop3A_419 : i32 to index
        %parallel_loop3A_421 = arith.index_cast %parallel_loop3A_397 : i32 to index
        %parallel_loop3A_422 = arith.constant 16 : index
        %parallel_loop3A_423 = tpu.vector_load %arg9[%parallel_loop3A_420, %parallel_loop3A_421, %parallel_loop3A_422] {strides = array<i32>} : memref<2x80x128xf32, #tpu.memory_space<vmem>>, vector<16xf32>,
        %parallel_loop3A_424 = arith.mulf %parallel_loop3A_418, %parallel_loop3A_423 : vector<16xf32>
        %parallel_loop3A_425 = arith.constant 1 : i32
        %parallel_loop3A_426 = arith.index_cast %parallel_loop3A_425 : i32 to index
        %parallel_loop3A_427 = arith.index_cast %parallel_loop3A_397 : i32 to index
        %parallel_loop3A_428 = arith.constant 16 : index
        %parallel_loop3A_429 = tpu.vector_load %arg8[%parallel_loop3A_426, %parallel_loop3A_427, %parallel_loop3A_428] {strides = array<i32>} : memref<2x80x128xf32, #tpu.memory_space<vmem>>, vector<16xf32>,
        tpu.vector_store %arg8[%parallel_loop3A_426, %parallel_loop3A_427, %parallel_loop3A_428], %parallel_loop3A_424 {strides = array<i32>} : memref<2x80x128xf32, #tpu.memory_space<vmem>>, vector<16xf32>,
        %parallel_loop3A_430 = arith.constant 1 : i32
        %parallel_loop3A_431 = arith.index_cast %parallel_loop3A_430 : i32 to index
        %parallel_loop3A_432 = arith.index_cast %parallel_loop3A_397 : i32 to index
        %parallel_loop3A_433 = arith.constant 32 : index
        %parallel_loop3A_434 = tpu.vector_load %arg8[%parallel_loop3A_431, %parallel_loop3A_432, %parallel_loop3A_433] {strides = array<i32>} : memref<2x80x128xf32, #tpu.memory_space<vmem>>, vector<16xf32>,
        %parallel_loop3A_435 = arith.constant 1 : i32
        %parallel_loop3A_436 = arith.index_cast %parallel_loop3A_435 : i32 to index
        %parallel_loop3A_437 = arith.index_cast %parallel_loop3A_397 : i32 to index
        %parallel_loop3A_438 = arith.constant 32 : index
        %parallel_loop3A_439 = tpu.vector_load %arg9[%parallel_loop3A_436, %parallel_loop3A_437, %parallel_loop3A_438] {strides = array<i32>} : memref<2x80x128xf32, #tpu.memory_space<vmem>>, vector<16xf32>,
        %parallel_loop3A_440 = arith.mulf %parallel_loop3A_434, %parallel_loop3A_439 : vector<16xf32>
        %parallel_loop3A_441 = arith.constant 1 : i32
        %parallel_loop3A_442 = arith.index_cast %parallel_loop3A_441 : i32 to index
        %parallel_loop3A_443 = arith.index_cast %parallel_loop3A_397 : i32 to index
        %parallel_loop3A_444 = arith.constant 32 : index
        %parallel_loop3A_445 = tpu.vector_load %arg8[%parallel_loop3A_442, %parallel_loop3A_443, %parallel_loop3A_444] {strides = array<i32>} : memref<2x80x128xf32, #tpu.memory_space<vmem>>, vector<16xf32>,
        tpu.vector_store %arg8[%parallel_loop3A_442, %parallel_loop3A_443, %parallel_loop3A_444], %parallel_loop3A_440 {strides = array<i32>} : memref<2x80x128xf32, #tpu.memory_space<vmem>>, vector<16xf32>,
        %parallel_loop3A_446 = arith.constant 1 : i32
        %parallel_loop3A_447 = arith.index_cast %parallel_loop3A_446 : i32 to index
        %parallel_loop3A_448 = arith.index_cast %parallel_loop3A_397 : i32 to index
        %parallel_loop3A_449 = arith.constant 48 : index
        %parallel_loop3A_450 = tpu.vector_load %arg8[%parallel_loop3A_447, %parallel_loop3A_448, %parallel_loop3A_449] {strides = array<i32>} : memref<2x80x128xf32, #tpu.memory_space<vmem>>, vector<16xf32>,
        %parallel_loop3A_451 = arith.constant 1 : i32
        %parallel_loop3A_452 = arith.index_cast %parallel_loop3A_451 : i32 to index
        %parallel_loop3A_453 = arith.index_cast %parallel_loop3A_397 : i32 to index
        %parallel_loop3A_454 = arith.constant 48 : index
        %parallel_loop3A_455 = tpu.vector_load %arg9[%parallel_loop3A_452, %parallel_loop3A_453, %parallel_loop3A_454] {strides = array<i32>} : memref<2x80x128xf32, #tpu.memory_space<vmem>>, vector<16xf32>,
        %parallel_loop3A_456 = arith.mulf %parallel_loop3A_450, %parallel_loop3A_455 : vector<16xf32>
        %parallel_loop3A_457 = arith.constant 1 : i32
        %parallel_loop3A_458 = arith.index_cast %parallel_loop3A_457 : i32 to index
        %parallel_loop3A_459 = arith.index_cast %parallel_loop3A_397 : i32 to index
        %parallel_loop3A_460 = arith.constant 48 : index
        %parallel_loop3A_461 = tpu.vector_load %arg8[%parallel_loop3A_458, %parallel_loop3A_459, %parallel_loop3A_460] {strides = array<i32>} : memref<2x80x128xf32, #tpu.memory_space<vmem>>, vector<16xf32>,
        tpu.vector_store %arg8[%parallel_loop3A_458, %parallel_loop3A_459, %parallel_loop3A_460], %parallel_loop3A_456 {strides = array<i32>} : memref<2x80x128xf32, #tpu.memory_space<vmem>>, vector<16xf32>,
        %parallel_loop3A_462 = arith.constant 1 : i32
        %parallel_loop3A_463 = arith.index_cast %parallel_loop3A_462 : i32 to index
        %parallel_loop3A_464 = arith.index_cast %parallel_loop3A_397 : i32 to index
        %parallel_loop3A_465 = arith.constant 64 : index
        %parallel_loop3A_466 = tpu.vector_load %arg8[%parallel_loop3A_463, %parallel_loop3A_464, %parallel_loop3A_465] {strides = array<i32>} : memref<2x80x128xf32, #tpu.memory_space<vmem>>, vector<16xf32>,
        %parallel_loop3A_467 = arith.constant 1 : i32
        %parallel_loop3A_468 = arith.index_cast %parallel_loop3A_467 : i32 to index
        %parallel_loop3A_469 = arith.index_cast %parallel_loop3A_397 : i32 to index
        %parallel_loop3A_470 = arith.constant 64 : index
        %parallel_loop3A_471 = tpu.vector_load %arg9[%parallel_loop3A_468, %parallel_loop3A_469, %parallel_loop3A_470] {strides = array<i32>} : memref<2x80x128xf32, #tpu.memory_space<vmem>>, vector<16xf32>,
        %parallel_loop3A_472 = arith.mulf %parallel_loop3A_466, %parallel_loop3A_471 : vector<16xf32>
        %parallel_loop3A_473 = arith.constant 1 : i32
        %parallel_loop3A_474 = arith.index_cast %parallel_loop3A_473 : i32 to index
        %parallel_loop3A_475 = arith.index_cast %parallel_loop3A_397 : i32 to index
        %parallel_loop3A_476 = arith.constant 64 : index
        %parallel_loop3A_477 = tpu.vector_load %arg8[%parallel_loop3A_474, %parallel_loop3A_475, %parallel_loop3A_476] {strides = array<i32>} : memref<2x80x128xf32, #tpu.memory_space<vmem>>, vector<16xf32>,
        tpu.vector_store %arg8[%parallel_loop3A_474, %parallel_loop3A_475, %parallel_loop3A_476], %parallel_loop3A_472 {strides = array<i32>} : memref<2x80x128xf32, #tpu.memory_space<vmem>>, vector<16xf32>,
        %parallel_loop3A_478 = arith.constant 1 : i32
        %parallel_loop3A_479 = arith.index_cast %parallel_loop3A_478 : i32 to index
        %parallel_loop3A_480 = arith.index_cast %parallel_loop3A_397 : i32 to index
        %parallel_loop3A_481 = arith.constant 80 : index
        %parallel_loop3A_482 = tpu.vector_load %arg8[%parallel_loop3A_479, %parallel_loop3A_480, %parallel_loop3A_481] {strides = array<i32>} : memref<2x80x128xf32, #tpu.memory_space<vmem>>, vector<16xf32>,
        %parallel_loop3A_483 = arith.constant 1 : i32
        %parallel_loop3A_484 = arith.index_cast %parallel_loop3A_483 : i32 to index
        %parallel_loop3A_485 = arith.index_cast %parallel_loop3A_397 : i32 to index
        %parallel_loop3A_486 = arith.constant 80 : index
        %parallel_loop3A_487 = tpu.vector_load %arg9[%parallel_loop3A_484, %parallel_loop3A_485, %parallel_loop3A_486] {strides = array<i32>} : memref<2x80x128xf32, #tpu.memory_space<vmem>>, vector<16xf32>,
        %parallel_loop3A_488 = arith.mulf %parallel_loop3A_482, %parallel_loop3A_487 : vector<16xf32>
        %parallel_loop3A_489 = arith.constant 1 : i32
        %parallel_loop3A_490 = arith.index_cast %parallel_loop3A_489 : i32 to index
        %parallel_loop3A_491 = arith.index_cast %parallel_loop3A_397 : i32 to index
        %parallel_loop3A_492 = arith.constant 80 : index
        %parallel_loop3A_493 = tpu.vector_load %arg8[%parallel_loop3A_490, %parallel_loop3A_491, %parallel_loop3A_492] {strides = array<i32>} : memref<2x80x128xf32, #tpu.memory_space<vmem>>, vector<16xf32>,
        tpu.vector_store %arg8[%parallel_loop3A_490, %parallel_loop3A_491, %parallel_loop3A_492], %parallel_loop3A_488 {strides = array<i32>} : memref<2x80x128xf32, #tpu.memory_space<vmem>>, vector<16xf32>,
        %parallel_loop3A_494 = arith.constant 1 : i32
        %parallel_loop3A_495 = arith.index_cast %parallel_loop3A_494 : i32 to index
        %parallel_loop3A_496 = arith.index_cast %parallel_loop3A_397 : i32 to index
        %parallel_loop3A_497 = arith.constant 96 : index
        %parallel_loop3A_498 = tpu.vector_load %arg8[%parallel_loop3A_495, %parallel_loop3A_496, %parallel_loop3A_497] {strides = array<i32>} : memref<2x80x128xf32, #tpu.memory_space<vmem>>, vector<16xf32>,
        %parallel_loop3A_499 = arith.constant 1 : i32
        %parallel_loop3A_500 = arith.index_cast %parallel_loop3A_499 : i32 to index
        %parallel_loop3A_501 = arith.index_cast %parallel_loop3A_397 : i32 to index
        %parallel_loop3A_502 = arith.constant 96 : index
        %parallel_loop3A_503 = tpu.vector_load %arg9[%parallel_loop3A_500, %parallel_loop3A_501, %parallel_loop3A_502] {strides = array<i32>} : memref<2x80x128xf32, #tpu.memory_space<vmem>>, vector<16xf32>,
        %parallel_loop3A_504 = arith.mulf %parallel_loop3A_498, %parallel_loop3A_503 : vector<16xf32>
        %parallel_loop3A_505 = arith.constant 1 : i32
        %parallel_loop3A_506 = arith.index_cast %parallel_loop3A_505 : i32 to index
        %parallel_loop3A_507 = arith.index_cast %parallel_loop3A_397 : i32 to index
        %parallel_loop3A_508 = arith.constant 96 : index
        %parallel_loop3A_509 = tpu.vector_load %arg8[%parallel_loop3A_506, %parallel_loop3A_507, %parallel_loop3A_508] {strides = array<i32>} : memref<2x80x128xf32, #tpu.memory_space<vmem>>, vector<16xf32>,
        tpu.vector_store %arg8[%parallel_loop3A_506, %parallel_loop3A_507, %parallel_loop3A_508], %parallel_loop3A_504 {strides = array<i32>} : memref<2x80x128xf32, #tpu.memory_space<vmem>>, vector<16xf32>,
        %parallel_loop3A_510 = arith.constant 1 : i32
        %parallel_loop3A_511 = arith.index_cast %parallel_loop3A_510 : i32 to index
        %parallel_loop3A_512 = arith.index_cast %parallel_loop3A_397 : i32 to index
        %parallel_loop3A_513 = arith.constant 112 : index
        %parallel_loop3A_514 = tpu.vector_load %arg8[%parallel_loop3A_511, %parallel_loop3A_512, %parallel_loop3A_513] {strides = array<i32>} : memref<2x80x128xf32, #tpu.memory_space<vmem>>, vector<16xf32>,
        %parallel_loop3A_515 = arith.constant 1 : i32
        %parallel_loop3A_516 = arith.index_cast %parallel_loop3A_515 : i32 to index
        %parallel_loop3A_517 = arith.index_cast %parallel_loop3A_397 : i32 to index
        %parallel_loop3A_518 = arith.constant 112 : index
        %parallel_loop3A_519 = tpu.vector_load %arg9[%parallel_loop3A_516, %parallel_loop3A_517, %parallel_loop3A_518] {strides = array<i32>} : memref<2x80x128xf32, #tpu.memory_space<vmem>>, vector<16xf32>,
        %parallel_loop3A_520 = arith.mulf %parallel_loop3A_514, %parallel_loop3A_519 : vector<16xf32>
        %parallel_loop3A_521 = arith.constant 1 : i32
        %parallel_loop3A_522 = arith.index_cast %parallel_loop3A_521 : i32 to index
        %parallel_loop3A_523 = arith.index_cast %parallel_loop3A_397 : i32 to index
        %parallel_loop3A_524 = arith.constant 112 : index
        %parallel_loop3A_525 = tpu.vector_load %arg8[%parallel_loop3A_522, %parallel_loop3A_523, %parallel_loop3A_524] {strides = array<i32>} : memref<2x80x128xf32, #tpu.memory_space<vmem>>, vector<16xf32>,
        tpu.vector_store %arg8[%parallel_loop3A_522, %parallel_loop3A_523, %parallel_loop3A_524], %parallel_loop3A_520 {strides = array<i32>} : memref<2x80x128xf32, #tpu.memory_space<vmem>>, vector<16xf32>,
      } {sc.loop_unroll_factor = 4 : i64, sc.parallel_access}
      %run_scoped3A_391 = arith.constant 1 : i32
      %run_scoped3A_392 = arith.constant 1 : i32
      "tpu.region"() ({
        %run_scoped3A_397 = tpu.sem_alloc : memref<!tpu.dma_semaphore, #tpu.memory_space<semaphore_mem>>
        %dma_start3A_398 = arith.constant 0 : i32
        %dma_start3A_399 = arith.constant 0 : i32
        %dma_start3A_400 = tpu.memref_slice %arg8[%run_scoped3A_391, %dma_start3A_398, %dma_start3A_399] : memref<2x80x128xf32, #tpu.memory_space<vmem>> -> memref<1x80x128xf32, #tpu.memory_space<vmem>>
        %dma_start3A_401 = tpu.memref_squeeze %dma_start3A_400 : memref<1x80x128xf32, #tpu.memory_space<vmem>> -> memref<80x128xf32, #tpu.memory_space<vmem>>
        %dma_start3A_402 = arith.constant 0 : i32
        %dma_start3A_403 = tpu.memref_slice %arg11[%run_scoped3A_392, %dma_start3A_402] : memref<2x80xi32, #tpu.memory_space<vmem>> -> memref<1x80xi32, #tpu.memory_space<vmem>>
        %dma_start3A_404 = tpu.memref_squeeze %dma_start3A_403 : memref<1x80xi32, #tpu.memory_space<vmem>> -> memref<80xi32, #tpu.memory_space<vmem>>
        %dma_start3A_405 = arith.constant 0 : i32
        %dma_start3A_406 = arith.constant 0 : i32
        %dma_start3A_407 = tpu.memref_slice %arg7[%dma_start3A_405, %dma_start3A_406] : memref<10000x128xf32, #tpu.memory_space<vmem_shared>> -> memref<10000x128xf32, #tpu.memory_space<vmem_shared>>
        tpu.enqueue_indirect_dma source(%dma_start3A_401 : memref<80x128xf32, #tpu.memory_space<vmem>>) target(%dma_start3A_407 : memref<10000x128xf32, #tpu.memory_space<vmem_shared>>) offsets(%dma_start3A_404 : memref<80xi32, #tpu.memory_space<vmem>>) semaphore(%run_scoped3A_397 : memref<!tpu.dma_semaphore, #tpu.memory_space<semaphore_mem>>) {add = true}
        %dma_wait3A_408 = arith.constant 0 : i32
        %dma_wait3A_409 = arith.constant 0 : i32
        %dma_wait3A_410 = tpu.memref_slice %arg8[%run_scoped3A_391, %dma_wait3A_408, %dma_wait3A_409] : memref<2x80x128xf32, #tpu.memory_space<vmem>> -> memref<1x80x128xf32, #tpu.memory_space<vmem>>
        %dma_wait3A_411 = tpu.memref_squeeze %dma_wait3A_410 : memref<1x80x128xf32, #tpu.memory_space<vmem>> -> memref<80x128xf32, #tpu.memory_space<vmem>>
        %dma_wait3A_412 = arith.constant 0 : i32
        %dma_wait3A_413 = tpu.memref_slice %arg11[%run_scoped3A_392, %dma_wait3A_412] : memref<2x80xi32, #tpu.memory_space<vmem>> -> memref<1x80xi32, #tpu.memory_space<vmem>>
        %dma_wait3A_414 = tpu.memref_squeeze %dma_wait3A_413 : memref<1x80xi32, #tpu.memory_space<vmem>> -> memref<80xi32, #tpu.memory_space<vmem>>
        %dma_wait3A_415 = arith.constant 0 : i32
        %dma_wait3A_416 = arith.constant 0 : i32
        %dma_wait3A_417 = tpu.memref_slice %arg7[%dma_wait3A_415, %dma_wait3A_416] : memref<10000x128xf32, #tpu.memory_space<vmem_shared>> -> memref<10000x128xf32, #tpu.memory_space<vmem_shared>>
        tpu.wait_indirect_dma semaphore(%run_scoped3A_397 : memref<!tpu.dma_semaphore, #tpu.memory_space<semaphore_mem>>) src(%dma_wait3A_411 : memref<80x128xf32, #tpu.memory_space<vmem>>) dst(%dma_wait3A_417 : memref<10000x128xf32, #tpu.memory_space<vmem_shared>>)
        tpu.yield
      }) : () -> ()
      %add3A_393 = arith.constant 3 : i32
      %add3A_394 = arith.addi %mul3A_185, %add3A_393 : i32
      %lt3A = arith.constant 125 : i32
      %lt3A_395 = arith.cmpi slt, %add3A_394, %lt3A : i32
      %convert_element_type3A = arith.extui %lt3A_395 : i1 to i32
      %cond3A = arith.constant 0 : i32
      %cond3A_396 = arith.cmpi ne, %convert_element_type3A, %cond3A : i32
      scf.if %cond3A_396 {
        %add3A_397 = arith.constant 3 : i32
        %add3A_398 = arith.addi %mul3A_185, %add3A_397 : i32
        %mul3A_399 = arith.constant 80 : i32
        %mul3A_400 = arith.muli %add3A_398, %mul3A_399 : i32
        %add3A_401 = arith.addi %mul3A_2, %mul3A_400 : i32
        %dma_start3A_402 = arith.constant 1 : i32
        %dma_start3A_403 = arith.constant 1 : i32
        %dma_start3A_404 = arith.constant 0 : i32
        %dma_start3A_405 = tpu.memref_slice %arg10[%dma_start3A_402, %dma_start3A_404] : memref<2x80xi32, #tpu.memory_space<vmem>> -> memref<1x80xi32, #tpu.memory_space<vmem>>
        %dma_start3A_406 = tpu.memref_squeeze %dma_start3A_405 : memref<1x80xi32, #tpu.memory_space<vmem>> -> memref<80xi32, #tpu.memory_space<vmem>>
        %dma_start3A_407 = tpu.memref_slice %arg4[%add3A_401] : memref<320000xi32, #tpu.memory_space<hbm>> -> memref<80xi32, #tpu.memory_space<hbm>>
        %dma_start3A_408 = tpu.memref_slice %arg12[%dma_start3A_403] : memref<2x!tpu.dma_semaphore, #tpu.memory_space<semaphore_mem>> -> memref<1x!tpu.dma_semaphore, #tpu.memory_space<semaphore_mem>>
        %dma_start3A_409 = tpu.memref_squeeze %dma_start3A_408 : memref<1x!tpu.dma_semaphore, #tpu.memory_space<semaphore_mem>> -> memref<!tpu.dma_semaphore, #tpu.memory_space<semaphore_mem>>
        %dma_start3A_410 = arith.constant 0 : i32
        %dma_start3A_411 = tpu.memref_slice %arg10[%dma_start3A_402, %dma_start3A_410] : memref<2x80xi32, #tpu.memory_space<vmem>> -> memref<1x80xi32, #tpu.memory_space<vmem>>
        %dma_start3A_412 = tpu.memref_squeeze %dma_start3A_411 : memref<1x80xi32, #tpu.memory_space<vmem>> -> memref<80xi32, #tpu.memory_space<vmem>>
        %dma_start3A_413 = tpu.memref_slice %arg4[%add3A_401] : memref<320000xi32, #tpu.memory_space<hbm>> -> memref<80xi32, #tpu.memory_space<hbm>>
        tpu.enqueue_dma source(%dma_start3A_413 : memref<80xi32, #tpu.memory_space<hbm>>) target(%dma_start3A_412 : memref<80xi32, #tpu.memory_space<vmem>>) target_semaphore(%dma_start3A_409 : memref<!tpu.dma_semaphore, #tpu.memory_space<semaphore_mem>>)
        %dma_start3A_414 = arith.constant 1 : i32
        %dma_start3A_415 = arith.constant 1 : i32
        %dma_start3A_416 = arith.constant 0 : i32
        %dma_start3A_417 = tpu.memref_slice %arg11[%dma_start3A_414, %dma_start3A_416] : memref<2x80xi32, #tpu.memory_space<vmem>> -> memref<1x80xi32, #tpu.memory_space<vmem>>
        %dma_start3A_418 = tpu.memref_squeeze %dma_start3A_417 : memref<1x80xi32, #tpu.memory_space<vmem>> -> memref<80xi32, #tpu.memory_space<vmem>>
        %dma_start3A_419 = tpu.memref_slice %arg5[%add3A_401] : memref<320000xi32, #tpu.memory_space<hbm>> -> memref<80xi32, #tpu.memory_space<hbm>>
        %dma_start3A_420 = tpu.memref_slice %arg12[%dma_start3A_415] : memref<2x!tpu.dma_semaphore, #tpu.memory_space<semaphore_mem>> -> memref<1x!tpu.dma_semaphore, #tpu.memory_space<semaphore_mem>>
        %dma_start3A_421 = tpu.memref_squeeze %dma_start3A_420 : memref<1x!tpu.dma_semaphore, #tpu.memory_space<semaphore_mem>> -> memref<!tpu.dma_semaphore, #tpu.memory_space<semaphore_mem>>
        %dma_start3A_422 = arith.constant 0 : i32
        %dma_start3A_423 = tpu.memref_slice %arg11[%dma_start3A_414, %dma_start3A_422] : memref<2x80xi32, #tpu.memory_space<vmem>> -> memref<1x80xi32, #tpu.memory_space<vmem>>
        %dma_start3A_424 = tpu.memref_squeeze %dma_start3A_423 : memref<1x80xi32, #tpu.memory_space<vmem>> -> memref<80xi32, #tpu.memory_space<vmem>>
        %dma_start3A_425 = tpu.memref_slice %arg5[%add3A_401] : memref<320000xi32, #tpu.memory_space<hbm>> -> memref<80xi32, #tpu.memory_space<hbm>>
        tpu.enqueue_dma source(%dma_start3A_425 : memref<80xi32, #tpu.memory_space<hbm>>) target(%dma_start3A_424 : memref<80xi32, #tpu.memory_space<vmem>>) target_semaphore(%dma_start3A_421 : memref<!tpu.dma_semaphore, #tpu.memory_space<semaphore_mem>>)
        %dma_start3A_426 = arith.constant 1 : i32
        %dma_start3A_427 = arith.constant 1 : i32
        %dma_start3A_428 = arith.constant 0 : i32
        %dma_start3A_429 = arith.constant 0 : i32
        %dma_start3A_430 = tpu.memref_slice %arg9[%dma_start3A_426, %dma_start3A_428, %dma_start3A_429] : memref<2x80x128xf32, #tpu.memory_space<vmem>> -> memref<1x80x128xf32, #tpu.memory_space<vmem>>
        %dma_start3A_431 = tpu.memref_squeeze %dma_start3A_430 : memref<1x80x128xf32, #tpu.memory_space<vmem>> -> memref<80x128xf32, #tpu.memory_space<vmem>>
        %dma_start3A_432 = arith.constant 0 : i32
        %dma_start3A_433 = tpu.memref_slice %arg2[%add3A_401, %dma_start3A_432] : memref<320000x128xf32, #tpu.memory_space<hbm>> -> memref<80x128xf32, #tpu.memory_space<hbm>>
        %dma_start3A_434 = tpu.memref_slice %arg13[%dma_start3A_427] : memref<2x!tpu.dma_semaphore, #tpu.memory_space<semaphore_mem>> -> memref<1x!tpu.dma_semaphore, #tpu.memory_space<semaphore_mem>>
        %dma_start3A_435 = tpu.memref_squeeze %dma_start3A_434 : memref<1x!tpu.dma_semaphore, #tpu.memory_space<semaphore_mem>> -> memref<!tpu.dma_semaphore, #tpu.memory_space<semaphore_mem>>
        %dma_start3A_436 = arith.constant 0 : i32
        %dma_start3A_437 = arith.constant 0 : i32
        %dma_start3A_438 = tpu.memref_slice %arg9[%dma_start3A_426, %dma_start3A_436, %dma_start3A_437] : memref<2x80x128xf32, #tpu.memory_space<vmem>> -> memref<1x80x128xf32, #tpu.memory_space<vmem>>
        %dma_start3A_439 = tpu.memref_squeeze %dma_start3A_438 : memref<1x80x128xf32, #tpu.memory_space<vmem>> -> memref<80x128xf32, #tpu.memory_space<vmem>>
        %dma_start3A_440 = arith.constant 0 : i32
        %dma_start3A_441 = tpu.memref_slice %arg2[%add3A_401, %dma_start3A_440] : memref<320000x128xf32, #tpu.memory_space<hbm>> -> memref<80x128xf32, #tpu.memory_space<hbm>>
        tpu.enqueue_dma source(%dma_start3A_441 : memref<80x128xf32, #tpu.memory_space<hbm>>) target(%dma_start3A_439 : memref<80x128xf32, #tpu.memory_space<vmem>>) target_semaphore(%dma_start3A_435 : memref<!tpu.dma_semaphore, #tpu.memory_space<semaphore_mem>>)
      } else {
      }
    }
    %scan3A_140 = arith.constant 62 : i32
    %dma_wait3A_141 = arith.constant 0 : i32
    %dma_wait3A_142 = arith.constant 0 : i32
    %dma_wait3A_143 = arith.constant 0 : i32
    %dma_wait3A_144 = arith.constant 0 : i32
    %dma_wait3A_145 = arith.constant 0 : i32
    %dma_wait3A_146 = tpu.memref_slice %arg8[%dma_wait3A_142, %dma_wait3A_144, %dma_wait3A_145] : memref<2x80x128xf32, #tpu.memory_space<vmem>> -> memref<1x80x128xf32, #tpu.memory_space<vmem>>
    %dma_wait3A_147 = tpu.memref_squeeze %dma_wait3A_146 : memref<1x80x128xf32, #tpu.memory_space<vmem>> -> memref<80x128xf32, #tpu.memory_space<vmem>>
    %dma_wait3A_148 = arith.constant 0 : i32
    %dma_wait3A_149 = tpu.memref_slice %arg10[%dma_wait3A_141, %dma_wait3A_148] : memref<2x80xi32, #tpu.memory_space<vmem>> -> memref<1x80xi32, #tpu.memory_space<vmem>>
    %dma_wait3A_150 = tpu.memref_squeeze %dma_wait3A_149 : memref<1x80xi32, #tpu.memory_space<vmem>> -> memref<80xi32, #tpu.memory_space<vmem>>
    %dma_wait3A_151 = arith.constant 0 : i32
    %dma_wait3A_152 = arith.constant 0 : i32
    %dma_wait3A_153 = tpu.memref_slice %arg3[%dma_wait3A_151, %dma_wait3A_152] : memref<10000x128xf32, #tpu.memory_space<hbm>> -> memref<10000x128xf32, #tpu.memory_space<hbm>>
    %dma_wait3A_154 = tpu.memref_slice %arg14[%dma_wait3A_143] : memref<2x!tpu.dma_semaphore, #tpu.memory_space<semaphore_mem>> -> memref<1x!tpu.dma_semaphore, #tpu.memory_space<semaphore_mem>>
    %dma_wait3A_155 = tpu.memref_squeeze %dma_wait3A_154 : memref<1x!tpu.dma_semaphore, #tpu.memory_space<semaphore_mem>> -> memref<!tpu.dma_semaphore, #tpu.memory_space<semaphore_mem>>
    tpu.wait_indirect_dma semaphore(%dma_wait3A_155 : memref<!tpu.dma_semaphore, #tpu.memory_space<semaphore_mem>>) src(%dma_wait3A_153 : memref<10000x128xf32, #tpu.memory_space<hbm>>) dst(%dma_wait3A_147 : memref<80x128xf32, #tpu.memory_space<vmem>>)
    %dma_wait3A_156 = arith.constant 0 : i32
    %dma_wait3A_157 = arith.constant 0 : i32
    %dma_wait3A_158 = arith.constant 0 : i32
    %dma_wait3A_159 = arith.constant 0 : i32
    %dma_wait3A_160 = tpu.memref_slice %arg9[%dma_wait3A_156, %dma_wait3A_158, %dma_wait3A_159] : memref<2x80x128xf32, #tpu.memory_space<vmem>> -> memref<1x80x128xf32, #tpu.memory_space<vmem>>
    %dma_wait3A_161 = tpu.memref_squeeze %dma_wait3A_160 : memref<1x80x128xf32, #tpu.memory_space<vmem>> -> memref<80x128xf32, #tpu.memory_space<vmem>>
    %dma_wait3A_162 = arith.constant 0 : i32
    %dma_wait3A_163 = arith.constant 0 : i32
    %dma_wait3A_164 = tpu.memref_slice %arg2[%dma_wait3A_162, %dma_wait3A_163] : memref<320000x128xf32, #tpu.memory_space<hbm>> -> memref<80x128xf32, #tpu.memory_space<hbm>>
    %dma_wait3A_165 = tpu.memref_slice %arg13[%dma_wait3A_157] : memref<2x!tpu.dma_semaphore, #tpu.memory_space<semaphore_mem>> -> memref<1x!tpu.dma_semaphore, #tpu.memory_space<semaphore_mem>>
    %dma_wait3A_166 = tpu.memref_squeeze %dma_wait3A_165 : memref<1x!tpu.dma_semaphore, #tpu.memory_space<semaphore_mem>> -> memref<!tpu.dma_semaphore, #tpu.memory_space<semaphore_mem>>
    %dma_wait3A_167 = arith.constant 0 : i32
    %dma_wait3A_168 = arith.constant 0 : i32
    %dma_wait3A_169 = tpu.memref_slice %arg9[%dma_wait3A_156, %dma_wait3A_167, %dma_wait3A_168] : memref<2x80x128xf32, #tpu.memory_space<vmem>> -> memref<1x80x128xf32, #tpu.memory_space<vmem>>
    %dma_wait3A_170 = tpu.memref_squeeze %dma_wait3A_169 : memref<1x80x128xf32, #tpu.memory_space<vmem>> -> memref<80x128xf32, #tpu.memory_space<vmem>>
    %dma_wait3A_171 = arith.constant 0 : i32
    %dma_wait3A_172 = arith.constant 0 : i32
    %dma_wait3A_173 = tpu.memref_slice %arg2[%dma_wait3A_171, %dma_wait3A_172] : memref<320000x128xf32, #tpu.memory_space<hbm>> -> memref<80x128xf32, #tpu.memory_space<hbm>>
    tpu.wait_dma2 semaphore(%dma_wait3A_166 : memref<!tpu.dma_semaphore, #tpu.memory_space<semaphore_mem>>) src(%dma_wait3A_173 : memref<80x128xf32, #tpu.memory_space<hbm>>) dst(%dma_wait3A_170 : memref<80x128xf32, #tpu.memory_space<vmem>>)
    %parallel_loop3A_174 = arith.constant 0 : i32
    %parallel_loop3A_175 = arith.constant 80 : i32
    %parallel_loop3A_176 = arith.constant 1 : i32
    scf.for %parallel_loop3A_183 = %parallel_loop3A_174 to %parallel_loop3A_175 step %parallel_loop3A_176  : i32 {
      %parallel_loop3A_184 = arith.constant 0 : i32
      %parallel_loop3A_185 = arith.index_cast %parallel_loop3A_184 : i32 to index
      %parallel_loop3A_186 = arith.index_cast %parallel_loop3A_183 : i32 to index
      %parallel_loop3A_187 = arith.constant 0 : index
      %parallel_loop3A_188 = tpu.vector_load %arg8[%parallel_loop3A_185, %parallel_loop3A_186, %parallel_loop3A_187] {strides = array<i32>} : memref<2x80x128xf32, #tpu.memory_space<vmem>>, vector<16xf32>,
      %parallel_loop3A_189 = arith.constant 0 : i32
      %parallel_loop3A_190 = arith.index_cast %parallel_loop3A_189 : i32 to index
      %parallel_loop3A_191 = arith.index_cast %parallel_loop3A_183 : i32 to index
      %parallel_loop3A_192 = arith.constant 0 : index
      %parallel_loop3A_193 = tpu.vector_load %arg9[%parallel_loop3A_190, %parallel_loop3A_191, %parallel_loop3A_192] {strides = array<i32>} : memref<2x80x128xf32, #tpu.memory_space<vmem>>, vector<16xf32>,
      %parallel_loop3A_194 = arith.mulf %parallel_loop3A_188, %parallel_loop3A_193 : vector<16xf32>
      %parallel_loop3A_195 = arith.constant 0 : i32
      %parallel_loop3A_196 = arith.index_cast %parallel_loop3A_195 : i32 to index
      %parallel_loop3A_197 = arith.index_cast %parallel_loop3A_183 : i32 to index
      %parallel_loop3A_198 = arith.constant 0 : index
      %parallel_loop3A_199 = tpu.vector_load %arg8[%parallel_loop3A_196, %parallel_loop3A_197, %parallel_loop3A_198] {strides = array<i32>} : memref<2x80x128xf32, #tpu.memory_space<vmem>>, vector<16xf32>,
      tpu.vector_store %arg8[%parallel_loop3A_196, %parallel_loop3A_197, %parallel_loop3A_198], %parallel_loop3A_194 {strides = array<i32>} : memref<2x80x128xf32, #tpu.memory_space<vmem>>, vector<16xf32>,
      %parallel_loop3A_200 = arith.constant 0 : i32
      %parallel_loop3A_201 = arith.index_cast %parallel_loop3A_200 : i32 to index
      %parallel_loop3A_202 = arith.index_cast %parallel_loop3A_183 : i32 to index
      %parallel_loop3A_203 = arith.constant 16 : index
      %parallel_loop3A_204 = tpu.vector_load %arg8[%parallel_loop3A_201, %parallel_loop3A_202, %parallel_loop3A_203] {strides = array<i32>} : memref<2x80x128xf32, #tpu.memory_space<vmem>>, vector<16xf32>,
      %parallel_loop3A_205 = arith.constant 0 : i32
      %parallel_loop3A_206 = arith.index_cast %parallel_loop3A_205 : i32 to index
      %parallel_loop3A_207 = arith.index_cast %parallel_loop3A_183 : i32 to index
      %parallel_loop3A_208 = arith.constant 16 : index
      %parallel_loop3A_209 = tpu.vector_load %arg9[%parallel_loop3A_206, %parallel_loop3A_207, %parallel_loop3A_208] {strides = array<i32>} : memref<2x80x128xf32, #tpu.memory_space<vmem>>, vector<16xf32>,
      %parallel_loop3A_210 = arith.mulf %parallel_loop3A_204, %parallel_loop3A_209 : vector<16xf32>
      %parallel_loop3A_211 = arith.constant 0 : i32
      %parallel_loop3A_212 = arith.index_cast %parallel_loop3A_211 : i32 to index
      %parallel_loop3A_213 = arith.index_cast %parallel_loop3A_183 : i32 to index
      %parallel_loop3A_214 = arith.constant 16 : index
      %parallel_loop3A_215 = tpu.vector_load %arg8[%parallel_loop3A_212, %parallel_loop3A_213, %parallel_loop3A_214] {strides = array<i32>} : memref<2x80x128xf32, #tpu.memory_space<vmem>>, vector<16xf32>,
      tpu.vector_store %arg8[%parallel_loop3A_212, %parallel_loop3A_213, %parallel_loop3A_214], %parallel_loop3A_210 {strides = array<i32>} : memref<2x80x128xf32, #tpu.memory_space<vmem>>, vector<16xf32>,
      %parallel_loop3A_216 = arith.constant 0 : i32
      %parallel_loop3A_217 = arith.index_cast %parallel_loop3A_216 : i32 to index
      %parallel_loop3A_218 = arith.index_cast %parallel_loop3A_183 : i32 to index
      %parallel_loop3A_219 = arith.constant 32 : index
      %parallel_loop3A_220 = tpu.vector_load %arg8[%parallel_loop3A_217, %parallel_loop3A_218, %parallel_loop3A_219] {strides = array<i32>} : memref<2x80x128xf32, #tpu.memory_space<vmem>>, vector<16xf32>,
      %parallel_loop3A_221 = arith.constant 0 : i32
      %parallel_loop3A_222 = arith.index_cast %parallel_loop3A_221 : i32 to index
      %parallel_loop3A_223 = arith.index_cast %parallel_loop3A_183 : i32 to index
      %parallel_loop3A_224 = arith.constant 32 : index
      %parallel_loop3A_225 = tpu.vector_load %arg9[%parallel_loop3A_222, %parallel_loop3A_223, %parallel_loop3A_224] {strides = array<i32>} : memref<2x80x128xf32, #tpu.memory_space<vmem>>, vector<16xf32>,
      %parallel_loop3A_226 = arith.mulf %parallel_loop3A_220, %parallel_loop3A_225 : vector<16xf32>
      %parallel_loop3A_227 = arith.constant 0 : i32
      %parallel_loop3A_228 = arith.index_cast %parallel_loop3A_227 : i32 to index
      %parallel_loop3A_229 = arith.index_cast %parallel_loop3A_183 : i32 to index
      %parallel_loop3A_230 = arith.constant 32 : index
      %parallel_loop3A_231 = tpu.vector_load %arg8[%parallel_loop3A_228, %parallel_loop3A_229, %parallel_loop3A_230] {strides = array<i32>} : memref<2x80x128xf32, #tpu.memory_space<vmem>>, vector<16xf32>,
      tpu.vector_store %arg8[%parallel_loop3A_228, %parallel_loop3A_229, %parallel_loop3A_230], %parallel_loop3A_226 {strides = array<i32>} : memref<2x80x128xf32, #tpu.memory_space<vmem>>, vector<16xf32>,
      %parallel_loop3A_232 = arith.constant 0 : i32
      %parallel_loop3A_233 = arith.index_cast %parallel_loop3A_232 : i32 to index
      %parallel_loop3A_234 = arith.index_cast %parallel_loop3A_183 : i32 to index
      %parallel_loop3A_235 = arith.constant 48 : index
      %parallel_loop3A_236 = tpu.vector_load %arg8[%parallel_loop3A_233, %parallel_loop3A_234, %parallel_loop3A_235] {strides = array<i32>} : memref<2x80x128xf32, #tpu.memory_space<vmem>>, vector<16xf32>,
      %parallel_loop3A_237 = arith.constant 0 : i32
      %parallel_loop3A_238 = arith.index_cast %parallel_loop3A_237 : i32 to index
      %parallel_loop3A_239 = arith.index_cast %parallel_loop3A_183 : i32 to index
      %parallel_loop3A_240 = arith.constant 48 : index
      %parallel_loop3A_241 = tpu.vector_load %arg9[%parallel_loop3A_238, %parallel_loop3A_239, %parallel_loop3A_240] {strides = array<i32>} : memref<2x80x128xf32, #tpu.memory_space<vmem>>, vector<16xf32>,
      %parallel_loop3A_242 = arith.mulf %parallel_loop3A_236, %parallel_loop3A_241 : vector<16xf32>
      %parallel_loop3A_243 = arith.constant 0 : i32
      %parallel_loop3A_244 = arith.index_cast %parallel_loop3A_243 : i32 to index
      %parallel_loop3A_245 = arith.index_cast %parallel_loop3A_183 : i32 to index
      %parallel_loop3A_246 = arith.constant 48 : index
      %parallel_loop3A_247 = tpu.vector_load %arg8[%parallel_loop3A_244, %parallel_loop3A_245, %parallel_loop3A_246] {strides = array<i32>} : memref<2x80x128xf32, #tpu.memory_space<vmem>>, vector<16xf32>,
      tpu.vector_store %arg8[%parallel_loop3A_244, %parallel_loop3A_245, %parallel_loop3A_246], %parallel_loop3A_242 {strides = array<i32>} : memref<2x80x128xf32, #tpu.memory_space<vmem>>, vector<16xf32>,
      %parallel_loop3A_248 = arith.constant 0 : i32
      %parallel_loop3A_249 = arith.index_cast %parallel_loop3A_248 : i32 to index
      %parallel_loop3A_250 = arith.index_cast %parallel_loop3A_183 : i32 to index
      %parallel_loop3A_251 = arith.constant 64 : index
      %parallel_loop3A_252 = tpu.vector_load %arg8[%parallel_loop3A_249, %parallel_loop3A_250, %parallel_loop3A_251] {strides = array<i32>} : memref<2x80x128xf32, #tpu.memory_space<vmem>>, vector<16xf32>,
      %parallel_loop3A_253 = arith.constant 0 : i32
      %parallel_loop3A_254 = arith.index_cast %parallel_loop3A_253 : i32 to index
      %parallel_loop3A_255 = arith.index_cast %parallel_loop3A_183 : i32 to index
      %parallel_loop3A_256 = arith.constant 64 : index
      %parallel_loop3A_257 = tpu.vector_load %arg9[%parallel_loop3A_254, %parallel_loop3A_255, %parallel_loop3A_256] {strides = array<i32>} : memref<2x80x128xf32, #tpu.memory_space<vmem>>, vector<16xf32>,
      %parallel_loop3A_258 = arith.mulf %parallel_loop3A_252, %parallel_loop3A_257 : vector<16xf32>
      %parallel_loop3A_259 = arith.constant 0 : i32
      %parallel_loop3A_260 = arith.index_cast %parallel_loop3A_259 : i32 to index
      %parallel_loop3A_261 = arith.index_cast %parallel_loop3A_183 : i32 to index
      %parallel_loop3A_262 = arith.constant 64 : index
      %parallel_loop3A_263 = tpu.vector_load %arg8[%parallel_loop3A_260, %parallel_loop3A_261, %parallel_loop3A_262] {strides = array<i32>} : memref<2x80x128xf32, #tpu.memory_space<vmem>>, vector<16xf32>,
      tpu.vector_store %arg8[%parallel_loop3A_260, %parallel_loop3A_261, %parallel_loop3A_262], %parallel_loop3A_258 {strides = array<i32>} : memref<2x80x128xf32, #tpu.memory_space<vmem>>, vector<16xf32>,
      %parallel_loop3A_264 = arith.constant 0 : i32
      %parallel_loop3A_265 = arith.index_cast %parallel_loop3A_264 : i32 to index
      %parallel_loop3A_266 = arith.index_cast %parallel_loop3A_183 : i32 to index
      %parallel_loop3A_267 = arith.constant 80 : index
      %parallel_loop3A_268 = tpu.vector_load %arg8[%parallel_loop3A_265, %parallel_loop3A_266, %parallel_loop3A_267] {strides = array<i32>} : memref<2x80x128xf32, #tpu.memory_space<vmem>>, vector<16xf32>,
      %parallel_loop3A_269 = arith.constant 0 : i32
      %parallel_loop3A_270 = arith.index_cast %parallel_loop3A_269 : i32 to index
      %parallel_loop3A_271 = arith.index_cast %parallel_loop3A_183 : i32 to index
      %parallel_loop3A_272 = arith.constant 80 : index
      %parallel_loop3A_273 = tpu.vector_load %arg9[%parallel_loop3A_270, %parallel_loop3A_271, %parallel_loop3A_272] {strides = array<i32>} : memref<2x80x128xf32, #tpu.memory_space<vmem>>, vector<16xf32>,
      %parallel_loop3A_274 = arith.mulf %parallel_loop3A_268, %parallel_loop3A_273 : vector<16xf32>
      %parallel_loop3A_275 = arith.constant 0 : i32
      %parallel_loop3A_276 = arith.index_cast %parallel_loop3A_275 : i32 to index
      %parallel_loop3A_277 = arith.index_cast %parallel_loop3A_183 : i32 to index
      %parallel_loop3A_278 = arith.constant 80 : index
      %parallel_loop3A_279 = tpu.vector_load %arg8[%parallel_loop3A_276, %parallel_loop3A_277, %parallel_loop3A_278] {strides = array<i32>} : memref<2x80x128xf32, #tpu.memory_space<vmem>>, vector<16xf32>,
      tpu.vector_store %arg8[%parallel_loop3A_276, %parallel_loop3A_277, %parallel_loop3A_278], %parallel_loop3A_274 {strides = array<i32>} : memref<2x80x128xf32, #tpu.memory_space<vmem>>, vector<16xf32>,
      %parallel_loop3A_280 = arith.constant 0 : i32
      %parallel_loop3A_281 = arith.index_cast %parallel_loop3A_280 : i32 to index
      %parallel_loop3A_282 = arith.index_cast %parallel_loop3A_183 : i32 to index
      %parallel_loop3A_283 = arith.constant 96 : index
      %parallel_loop3A_284 = tpu.vector_load %arg8[%parallel_loop3A_281, %parallel_loop3A_282, %parallel_loop3A_283] {strides = array<i32>} : memref<2x80x128xf32, #tpu.memory_space<vmem>>, vector<16xf32>,
      %parallel_loop3A_285 = arith.constant 0 : i32
      %parallel_loop3A_286 = arith.index_cast %parallel_loop3A_285 : i32 to index
      %parallel_loop3A_287 = arith.index_cast %parallel_loop3A_183 : i32 to index
      %parallel_loop3A_288 = arith.constant 96 : index
      %parallel_loop3A_289 = tpu.vector_load %arg9[%parallel_loop3A_286, %parallel_loop3A_287, %parallel_loop3A_288] {strides = array<i32>} : memref<2x80x128xf32, #tpu.memory_space<vmem>>, vector<16xf32>,
      %parallel_loop3A_290 = arith.mulf %parallel_loop3A_284, %parallel_loop3A_289 : vector<16xf32>
      %parallel_loop3A_291 = arith.constant 0 : i32
      %parallel_loop3A_292 = arith.index_cast %parallel_loop3A_291 : i32 to index
      %parallel_loop3A_293 = arith.index_cast %parallel_loop3A_183 : i32 to index
      %parallel_loop3A_294 = arith.constant 96 : index
      %parallel_loop3A_295 = tpu.vector_load %arg8[%parallel_loop3A_292, %parallel_loop3A_293, %parallel_loop3A_294] {strides = array<i32>} : memref<2x80x128xf32, #tpu.memory_space<vmem>>, vector<16xf32>,
      tpu.vector_store %arg8[%parallel_loop3A_292, %parallel_loop3A_293, %parallel_loop3A_294], %parallel_loop3A_290 {strides = array<i32>} : memref<2x80x128xf32, #tpu.memory_space<vmem>>, vector<16xf32>,
      %parallel_loop3A_296 = arith.constant 0 : i32
      %parallel_loop3A_297 = arith.index_cast %parallel_loop3A_296 : i32 to index
      %parallel_loop3A_298 = arith.index_cast %parallel_loop3A_183 : i32 to index
      %parallel_loop3A_299 = arith.constant 112 : index
      %parallel_loop3A_300 = tpu.vector_load %arg8[%parallel_loop3A_297, %parallel_loop3A_298, %parallel_loop3A_299] {strides = array<i32>} : memref<2x80x128xf32, #tpu.memory_space<vmem>>, vector<16xf32>,
      %parallel_loop3A_301 = arith.constant 0 : i32
      %parallel_loop3A_302 = arith.index_cast %parallel_loop3A_301 : i32 to index
      %parallel_loop3A_303 = arith.index_cast %parallel_loop3A_183 : i32 to index
      %parallel_loop3A_304 = arith.constant 112 : index
      %parallel_loop3A_305 = tpu.vector_load %arg9[%parallel_loop3A_302, %parallel_loop3A_303, %parallel_loop3A_304] {strides = array<i32>} : memref<2x80x128xf32, #tpu.memory_space<vmem>>, vector<16xf32>,
      %parallel_loop3A_306 = arith.mulf %parallel_loop3A_300, %parallel_loop3A_305 : vector<16xf32>
      %parallel_loop3A_307 = arith.constant 0 : i32
      %parallel_loop3A_308 = arith.index_cast %parallel_loop3A_307 : i32 to index
      %parallel_loop3A_309 = arith.index_cast %parallel_loop3A_183 : i32 to index
      %parallel_loop3A_310 = arith.constant 112 : index
      %parallel_loop3A_311 = tpu.vector_load %arg8[%parallel_loop3A_308, %parallel_loop3A_309, %parallel_loop3A_310] {strides = array<i32>} : memref<2x80x128xf32, #tpu.memory_space<vmem>>, vector<16xf32>,
      tpu.vector_store %arg8[%parallel_loop3A_308, %parallel_loop3A_309, %parallel_loop3A_310], %parallel_loop3A_306 {strides = array<i32>} : memref<2x80x128xf32, #tpu.memory_space<vmem>>, vector<16xf32>,
    } {sc.loop_unroll_factor = 4 : i64, sc.parallel_access}
    %run_scoped3A = arith.constant 0 : i32
    %run_scoped3A_177 = arith.constant 0 : i32
    "tpu.region"() ({
      %run_scoped3A_183 = tpu.sem_alloc : memref<!tpu.dma_semaphore, #tpu.memory_space<semaphore_mem>>
      %dma_start3A_184 = arith.constant 0 : i32
      %dma_start3A_185 = arith.constant 0 : i32
      %dma_start3A_186 = tpu.memref_slice %arg8[%run_scoped3A, %dma_start3A_184, %dma_start3A_185] : memref<2x80x128xf32, #tpu.memory_space<vmem>> -> memref<1x80x128xf32, #tpu.memory_space<vmem>>
      %dma_start3A_187 = tpu.memref_squeeze %dma_start3A_186 : memref<1x80x128xf32, #tpu.memory_space<vmem>> -> memref<80x128xf32, #tpu.memory_space<vmem>>
      %dma_start3A_188 = arith.constant 0 : i32
      %dma_start3A_189 = tpu.memref_slice %arg11[%run_scoped3A_177, %dma_start3A_188] : memref<2x80xi32, #tpu.memory_space<vmem>> -> memref<1x80xi32, #tpu.memory_space<vmem>>
      %dma_start3A_190 = tpu.memref_squeeze %dma_start3A_189 : memref<1x80xi32, #tpu.memory_space<vmem>> -> memref<80xi32, #tpu.memory_space<vmem>>
      %dma_start3A_191 = arith.constant 0 : i32
      %dma_start3A_192 = arith.constant 0 : i32
      %dma_start3A_193 = tpu.memref_slice %arg7[%dma_start3A_191, %dma_start3A_192] : memref<10000x128xf32, #tpu.memory_space<vmem_shared>> -> memref<10000x128xf32, #tpu.memory_space<vmem_shared>>
      tpu.enqueue_indirect_dma source(%dma_start3A_187 : memref<80x128xf32, #tpu.memory_space<vmem>>) target(%dma_start3A_193 : memref<10000x128xf32, #tpu.memory_space<vmem_shared>>) offsets(%dma_start3A_190 : memref<80xi32, #tpu.memory_space<vmem>>) semaphore(%run_scoped3A_183 : memref<!tpu.dma_semaphore, #tpu.memory_space<semaphore_mem>>) {add = true}
      %dma_wait3A_194 = arith.constant 0 : i32
      %dma_wait3A_195 = arith.constant 0 : i32
      %dma_wait3A_196 = tpu.memref_slice %arg8[%run_scoped3A, %dma_wait3A_194, %dma_wait3A_195] : memref<2x80x128xf32, #tpu.memory_space<vmem>> -> memref<1x80x128xf32, #tpu.memory_space<vmem>>
      %dma_wait3A_197 = tpu.memref_squeeze %dma_wait3A_196 : memref<1x80x128xf32, #tpu.memory_space<vmem>> -> memref<80x128xf32, #tpu.memory_space<vmem>>
      %dma_wait3A_198 = arith.constant 0 : i32
      %dma_wait3A_199 = tpu.memref_slice %arg11[%run_scoped3A_177, %dma_wait3A_198] : memref<2x80xi32, #tpu.memory_space<vmem>> -> memref<1x80xi32, #tpu.memory_space<vmem>>
      %dma_wait3A_200 = tpu.memref_squeeze %dma_wait3A_199 : memref<1x80xi32, #tpu.memory_space<vmem>> -> memref<80xi32, #tpu.memory_space<vmem>>
      %dma_wait3A_201 = arith.constant 0 : i32
      %dma_wait3A_202 = arith.constant 0 : i32
      %dma_wait3A_203 = tpu.memref_slice %arg7[%dma_wait3A_201, %dma_wait3A_202] : memref<10000x128xf32, #tpu.memory_space<vmem_shared>> -> memref<10000x128xf32, #tpu.memory_space<vmem_shared>>
      tpu.wait_indirect_dma semaphore(%run_scoped3A_183 : memref<!tpu.dma_semaphore, #tpu.memory_space<semaphore_mem>>) src(%dma_wait3A_197 : memref<80x128xf32, #tpu.memory_space<vmem>>) dst(%dma_wait3A_203 : memref<10000x128xf32, #tpu.memory_space<vmem_shared>>)
      tpu.yield
    }) : () -> ()
    %barrier3A_178 = arith.constant 0 : index
    tpu.barrier barrier_id(%barrier3A_178)
    %mul3A_179 = arith.constant 624 : i32
    %mul3A_180 = arith.muli %arg1, %mul3A_179 : i32
    %mul3A_181 = arith.constant 624 : i32
    %mul3A_182 = arith.muli %arg1, %mul3A_181 : i32
    "tpu.region"() ({
      %run_scoped3A_183 = tpu.sem_alloc : memref<!tpu.dma_semaphore, #tpu.memory_space<semaphore_mem>>
      %dma_start3A_184 = arith.constant 0 : i32
      %dma_start3A_185 = tpu.memref_slice %arg6[%arg0, %mul3A_182, %dma_start3A_184] : memref<2x10000x128xf32, #tpu.memory_space<hbm>> -> memref<1x640x128xf32, #tpu.memory_space<hbm>>
      %dma_start3A_186 = tpu.memref_squeeze %dma_start3A_185 : memref<1x640x128xf32, #tpu.memory_space<hbm>> -> memref<640x128xf32, #tpu.memory_space<hbm>>
      %dma_start3A_187 = arith.constant 0 : i32
      %dma_start3A_188 = tpu.memref_slice %arg7[%mul3A_180, %dma_start3A_187] : memref<10000x128xf32, #tpu.memory_space<vmem_shared>> -> memref<640x128xf32, #tpu.memory_space<vmem_shared>>
      tpu.enqueue_dma source(%dma_start3A_188 : memref<640x128xf32, #tpu.memory_space<vmem_shared>>) target(%dma_start3A_186 : memref<640x128xf32, #tpu.memory_space<hbm>>) target_semaphore(%run_scoped3A_183 : memref<!tpu.dma_semaphore, #tpu.memory_space<semaphore_mem>>)
      %dma_wait3A_189 = arith.constant 0 : i32
      %dma_wait3A_190 = tpu.memref_slice %arg6[%arg0, %mul3A_182, %dma_wait3A_189] : memref<2x10000x128xf32, #tpu.memory_space<hbm>> -> memref<1x640x128xf32, #tpu.memory_space<hbm>>
      %dma_wait3A_191 = tpu.memref_squeeze %dma_wait3A_190 : memref<1x640x128xf32, #tpu.memory_space<hbm>> -> memref<640x128xf32, #tpu.memory_space<hbm>>
      %dma_wait3A_192 = arith.constant 0 : i32
      %dma_wait3A_193 = tpu.memref_slice %arg7[%mul3A_180, %dma_wait3A_192] : memref<10000x128xf32, #tpu.memory_space<vmem_shared>> -> memref<640x128xf32, #tpu.memory_space<vmem_shared>>
      tpu.wait_dma2 semaphore(%run_scoped3A_183 : memref<!tpu.dma_semaphore, #tpu.memory_space<semaphore_mem>>) src(%dma_wait3A_193 : memref<640x128xf32, #tpu.memory_space<vmem_shared>>) dst(%dma_wait3A_191 : memref<640x128xf32, #tpu.memory_space<hbm>>)
      tpu.yield
    }) : () -> ()
    return
  }
}

module attributes {stable_mosaic.version = 14 : i64} {
  func.func @_tc_embed_body(%arg0: i32, %arg1: memref<1x1x1000xi32, #tpu.memory_space<vmem>>, %arg2: memref<128x128xf32, #tpu.memory_space<vmem>>, %arg3: memref<128x128xf32, #tpu.memory_space<vmem>>, %arg4: memref<1000x128xf32, #tpu.memory_space<vmem>>, %arg5: memref<1000x128xf32, #tpu.memory_space<vmem>>) attributes {dimension_semantics = [#tpu.dimension_semantics<arbitrary>], iteration_bounds = array<i64: 10>, scalar_prefetch = 0 : i64, scratch_operands = 0 : i64, tpu.core_type = #tpu.core_type<tc>, window_params = [{transform_indices = @transform_0, window_bounds = array<i64: 1, 1, 1000>}, {pipeline_mode = #tpu.pipeline_mode<synchronous>, transform_indices = @transform_1, window_bounds = array<i64: 128, 128>}, {pipeline_mode = #tpu.pipeline_mode<synchronous>, transform_indices = @transform_2, window_bounds = array<i64: 128, 128>}, {transform_indices = @transform_3, window_bounds = array<i64: 1000, 128>}, {transform_indices = @transform_4, window_bounds = array<i64: 1000, 128>}]} {
    %get3A = arith.constant 0 : index
    %get3A_0 = arith.constant 0 : index
    %get3A_1 = arith.constant 0 : index
    %get3A_2 = vector.load %arg1[%get3A, %get3A_0, %get3A_1] : memref<1x1x1000xi32, #tpu.memory_space<vmem>>, vector<1x1x1000xi32>
    %get3A_3 = vector.shape_cast %get3A_2 : vector<1x1x1000xi32> to vector<1000xi32>
    %reshape3A = vector.shape_cast %get3A_3 : vector<1000xi32> to vector<1000x1xi32>
    %iota3A = tpu.iota {dimensions = array<i32: 1>} : vector<1000x128xi32>
    %eq3A = vector.broadcast %reshape3A : vector<1000x1xi32> to vector<1000x128xi32>
    %eq3A_4 = arith.cmpi eq, %eq3A, %iota3A : vector<1000x128xi32>
    %convert_element_type3A = arith.extui %eq3A_4 : vector<1000x128xi1> to vector<1000x128xi32>
    %convert_element_type3A_5 = arith.sitofp %convert_element_type3A : vector<1000x128xi32> to vector<1000x128xf32>
    %get3A_6 = arith.constant 0 : index
    %get3A_7 = arith.constant 0 : index
    %get3A_8 = vector.load %arg2[%get3A_6, %get3A_7] : memref<128x128xf32, #tpu.memory_space<vmem>>, vector<128x128xf32>
    %dot_general3A = arith.constant dense<0.000000e+00> : vector<1000x128xf32>
    %dot_general3A_9 = tpu.matmul %convert_element_type3A_5, %get3A_8, %dot_general3A {dimension_numbers = #tpu.dot_dimension_numbers<[1], [0], [0], [1], [0, 0, 1, 1], [], []>, transpose_lhs_hint = false} : vector<1000x128xf32>, vector<128x128xf32>, vector<1000x128xf32> -> vector<1000x128xf32>
    %swap3A = arith.constant 0 : index
    %swap3A_10 = arith.constant 0 : index
    %swap3A_11 = vector.load %arg4[%swap3A, %swap3A_10] : memref<1000x128xf32, #tpu.memory_space<vmem>>, vector<1000x128xf32>
    tpu.vector_store %arg4[%swap3A, %swap3A_10], %dot_general3A_9 {strides = array<i32>} : memref<1000x128xf32, #tpu.memory_space<vmem>>, vector<1000x128xf32>,
    %get3A_12 = arith.constant 0 : index
    %get3A_13 = arith.constant 0 : index
    %get3A_14 = vector.load %arg3[%get3A_12, %get3A_13] : memref<128x128xf32, #tpu.memory_space<vmem>>, vector<128x128xf32>
    %dot_general3A_15 = arith.constant dense<0.000000e+00> : vector<1000x128xf32>
    %dot_general3A_16 = tpu.matmul %dot_general3A_9, %get3A_14, %dot_general3A_15 {dimension_numbers = #tpu.dot_dimension_numbers<[1], [0], [0], [1], [0, 0, 1, 1], [], []>, transpose_lhs_hint = false} : vector<1000x128xf32>, vector<128x128xf32>, vector<1000x128xf32> -> vector<1000x128xf32>
    %swap3A_17 = arith.constant 0 : index
    %swap3A_18 = arith.constant 0 : index
    %swap3A_19 = vector.load %arg5[%swap3A_17, %swap3A_18] : memref<1000x128xf32, #tpu.memory_space<vmem>>, vector<1000x128xf32>
    tpu.vector_store %arg5[%swap3A_17, %swap3A_18], %dot_general3A_16 {strides = array<i32>} : memref<1000x128xf32, #tpu.memory_space<vmem>>, vector<1000x128xf32>,
    return
  }
  func.func @transform_0(%arg0: i32) -> (i32, i32, i32) {
    %c0_i32 = arith.constant 0 : i32
    %c0_i32_0 = arith.constant 0 : i32
    %c0_i32_1 = arith.constant 0 : i32
    return %arg0, %c0_i32, %c0_i32_0 : i32, i32, i32
  }
  func.func @transform_1(%arg0: i32) -> (i32, i32) {
    %c0_i32 = arith.constant 0 : i32
    %c0_i32_0 = arith.constant 0 : i32
    %c0_i32_1 = arith.constant 0 : i32
    return %c0_i32, %c0_i32_0 : i32, i32
  }
  func.func @transform_2(%arg0: i32) -> (i32, i32) {
    %c0_i32 = arith.constant 0 : i32
    %c0_i32_0 = arith.constant 0 : i32
    %c0_i32_1 = arith.constant 0 : i32
    return %c0_i32, %c0_i32_0 : i32, i32
  }
  func.func @transform_3(%arg0: i32) -> (i32, i32) {
    %c0_i32 = arith.constant 0 : i32
    %c0_i32_0 = arith.constant 0 : i32
    return %arg0, %c0_i32 : i32, i32
  }
  func.func @transform_4(%arg0: i32) -> (i32, i32) {
    %c0_i32 = arith.constant 0 : i32
    %c0_i32_0 = arith.constant 0 : i32
    return %arg0, %c0_i32 : i32, i32
  }
}

module attributes {stable_mosaic.version = 14 : i64} {
  func.func @_tc_wc_body(%arg0: i32, %arg1: memref<1x1x3200xf32, #tpu.memory_space<vmem>>, %arg2: memref<56x128xf32, #tpu.memory_space<vmem>>, %arg3: memref<1x128xf32, #tpu.memory_space<vmem>>, %arg4: memref<128x128xf32, #tpu.memory_space<vmem>>, %arg5: memref<1x128xf32, #tpu.memory_space<vmem>>, %arg6: memref<1x3200x128xf32, #tpu.memory_space<vmem>>) attributes {dimension_semantics = [#tpu.dimension_semantics<arbitrary>], iteration_bounds = array<i64: 100>, scalar_prefetch = 0 : i64, scratch_operands = 0 : i64, tpu.core_type = #tpu.core_type<tc>, window_params = [{transform_indices = @transform_0, window_bounds = array<i64: 1, 1, 3200>}, {pipeline_mode = #tpu.pipeline_mode<synchronous>, transform_indices = @transform_1, window_bounds = array<i64: 56, 128>}, {pipeline_mode = #tpu.pipeline_mode<synchronous>, transform_indices = @transform_2, window_bounds = array<i64: 1, 128>}, {pipeline_mode = #tpu.pipeline_mode<synchronous>, transform_indices = @transform_3, window_bounds = array<i64: 128, 128>}, {pipeline_mode = #tpu.pipeline_mode<synchronous>, transform_indices = @transform_4, window_bounds = array<i64: 1, 128>}, {transform_indices = @transform_5, window_bounds = array<i64: 1, 3200, 128>}]} {
    %get3A = arith.constant 0 : index
    %get3A_0 = arith.constant 0 : index
    %get3A_1 = arith.constant 0 : index
    %get3A_2 = vector.load %arg1[%get3A, %get3A_0, %get3A_1] : memref<1x1x3200xf32, #tpu.memory_space<vmem>>, vector<1x1x3200xf32>
    %get3A_3 = vector.shape_cast %get3A_2 : vector<1x1x3200xf32> to vector<3200xf32>
    %add3A = arith.constant 9.99999996E-13 : f32
    %add3A_4 = vector.broadcast %add3A : f32 to vector<3200xf32>
    %add3A_5 = arith.addf %get3A_3, %add3A_4 : vector<3200xf32>
    %sqrt3A = math.sqrt %add3A_5 : vector<3200xf32>
    %iota3A = tpu.iota {dimensions = array<i32: 1>} : vector<1x56xi32>
    %lt3A = arith.constant 50 : i32
    %lt3A_6 = vector.broadcast %lt3A : i32 to vector<1x56xi32>
    %lt3A_7 = arith.cmpi slt, %iota3A, %lt3A_6 : vector<1x56xi32>
    %convert_element_type3A = arith.sitofp %iota3A : vector<1x56xi32> to vector<1x56xf32>
    %mul3A = arith.constant 0.20408164 : f32
    %mul3A_8 = vector.broadcast %mul3A : f32 to vector<1x56xf32>
    %mul3A_9 = arith.mulf %convert_element_type3A, %mul3A_8 : vector<1x56xf32>
    %jit3A = arith.constant 0.000000e+00 : f32
    %broadcast_in_dim3A = vector.broadcast %jit3A : f32 to vector<1x56xf32>
    %select_n3A = arith.select %lt3A_7, %mul3A_9, %broadcast_in_dim3A : vector<1x56xi1>, vector<1x56xf32>
    %reshape3A = vector.shape_cast %sqrt3A : vector<3200xf32> to vector<3200x1xf32>
    %sub3A = vector.broadcast %reshape3A : vector<3200x1xf32> to vector<3200x56xf32>
    %sub3A_10 = vector.broadcast %select_n3A : vector<1x56xf32> to vector<3200x56xf32>
    %sub3A_11 = arith.subf %sub3A, %sub3A_10 : vector<3200x56xf32>
    %mul3A_12 = arith.mulf %sub3A_11, %sub3A_11 : vector<3200x56xf32>
    %mul3A_13 = arith.constant -1.200500e+01 : f32
    %mul3A_14 = vector.broadcast %mul3A_13 : f32 to vector<3200x56xf32>
    %mul3A_15 = arith.mulf %mul3A_14, %mul3A_12 : vector<3200x56xf32>
    %exp3A = math.exp %mul3A_15 : vector<3200x56xf32>
    %get3A_16 = arith.constant 0 : index
    %get3A_17 = arith.constant 0 : index
    %get3A_18 = vector.load %arg2[%get3A_16, %get3A_17] : memref<56x128xf32, #tpu.memory_space<vmem>>, vector<56x128xf32>
    %dot_general3A = arith.constant dense<0.000000e+00> : vector<3200x128xf32>
    %dot_general3A_19 = tpu.matmul %exp3A, %get3A_18, %dot_general3A {dimension_numbers = #tpu.dot_dimension_numbers<[1], [0], [0], [1], [0, 0, 1, 1], [], []>, transpose_lhs_hint = false} : vector<3200x56xf32>, vector<56x128xf32>, vector<3200x128xf32> -> vector<3200x128xf32>
    %get3A_20 = arith.constant 0 : index
    %get3A_21 = arith.constant 0 : index
    %get3A_22 = vector.load %arg3[%get3A_20, %get3A_21] : memref<1x128xf32, #tpu.memory_space<vmem>>, vector<1x128xf32>
    %add3A_23 = vector.broadcast %get3A_22 : vector<1x128xf32> to vector<3200x128xf32>
    %add3A_24 = arith.addf %dot_general3A_19, %add3A_23 : vector<3200x128xf32>
    %min3A = arith.constant 6.000000e+01 : f32
    %min3A_25 = vector.broadcast %min3A : f32 to vector<3200x128xf32>
    %min3A_26 = arith.minimumf %add3A_24, %min3A_25 : vector<3200x128xf32>
    %exp3A_27 = math.exp %min3A_26 : vector<3200x128xf32>
    %add3A_28 = arith.constant 1.000000e+00 : f32
    %add3A_29 = vector.broadcast %add3A_28 : f32 to vector<3200x128xf32>
    %add3A_30 = arith.addf %add3A_29, %exp3A_27 : vector<3200x128xf32>
    %log3A = math.log %add3A_30 : vector<3200x128xf32>
    %sub3A_31 = arith.constant 6.000000e+01 : f32
    %sub3A_32 = vector.broadcast %sub3A_31 : f32 to vector<3200x128xf32>
    %sub3A_33 = arith.subf %add3A_24, %sub3A_32 : vector<3200x128xf32>
    %max3A = arith.constant 0.000000e+00 : f32
    %max3A_34 = vector.broadcast %max3A : f32 to vector<3200x128xf32>
    %max3A_35 = arith.maximumf %sub3A_33, %max3A_34 : vector<3200x128xf32>
    %add3A_36 = arith.addf %log3A, %max3A_35 : vector<3200x128xf32>
    %sub3A_37 = arith.constant 0.693147182 : f32
    %sub3A_38 = vector.broadcast %sub3A_37 : f32 to vector<3200x128xf32>
    %sub3A_39 = arith.subf %add3A_36, %sub3A_38 : vector<3200x128xf32>
    %get3A_40 = arith.constant 0 : index
    %get3A_41 = arith.constant 0 : index
    %get3A_42 = vector.load %arg4[%get3A_40, %get3A_41] : memref<128x128xf32, #tpu.memory_space<vmem>>, vector<128x128xf32>
    %dot_general3A_43 = arith.constant dense<0.000000e+00> : vector<3200x128xf32>
    %dot_general3A_44 = tpu.matmul %sub3A_39, %get3A_42, %dot_general3A_43 {dimension_numbers = #tpu.dot_dimension_numbers<[1], [0], [0], [1], [0, 0, 1, 1], [], []>, transpose_lhs_hint = false} : vector<3200x128xf32>, vector<128x128xf32>, vector<3200x128xf32> -> vector<3200x128xf32>
    %get3A_45 = arith.constant 0 : index
    %get3A_46 = arith.constant 0 : index
    %get3A_47 = vector.load %arg5[%get3A_45, %get3A_46] : memref<1x128xf32, #tpu.memory_space<vmem>>, vector<1x128xf32>
    %add3A_48 = vector.broadcast %get3A_47 : vector<1x128xf32> to vector<3200x128xf32>
    %add3A_49 = arith.addf %dot_general3A_44, %add3A_48 : vector<3200x128xf32>
    %mul3A_50 = arith.constant 0.314159274 : f32
    %mul3A_51 = vector.broadcast %mul3A_50 : f32 to vector<3200xf32>
    %mul3A_52 = arith.mulf %sqrt3A, %mul3A_51 : vector<3200xf32>
    %cos3A = math.cos %mul3A_52 : vector<3200xf32>
    %add3A_53 = arith.constant 1.000000e+00 : f32
    %add3A_54 = vector.broadcast %add3A_53 : f32 to vector<3200xf32>
    %add3A_55 = arith.addf %cos3A, %add3A_54 : vector<3200xf32>
    %mul3A_56 = arith.constant 5.000000e-01 : f32
    %mul3A_57 = vector.broadcast %mul3A_56 : f32 to vector<3200xf32>
    %mul3A_58 = arith.mulf %mul3A_57, %add3A_55 : vector<3200xf32>
    %reshape3A_59 = vector.shape_cast %mul3A_58 : vector<3200xf32> to vector<3200x1xf32>
    %mul3A_60 = vector.broadcast %reshape3A_59 : vector<3200x1xf32> to vector<3200x128xf32>
    %mul3A_61 = arith.mulf %add3A_49, %mul3A_60 : vector<3200x128xf32>
    %swap3A = arith.constant 0 : index
    %swap3A_62 = arith.constant 0 : index
    %swap3A_63 = arith.constant 0 : index
    %swap3A_64 = vector.load %arg6[%swap3A, %swap3A_62, %swap3A_63] : memref<1x3200x128xf32, #tpu.memory_space<vmem>>, vector<1x3200x128xf32>
    %swap3A_65 = vector.shape_cast %swap3A_64 : vector<1x3200x128xf32> to vector<3200x128xf32>
    %swap3A_66 = vector.shape_cast %mul3A_61 : vector<3200x128xf32> to vector<1x3200x128xf32>
    tpu.vector_store %arg6[%swap3A, %swap3A_62, %swap3A_63], %swap3A_66 {strides = array<i32>} : memref<1x3200x128xf32, #tpu.memory_space<vmem>>, vector<1x3200x128xf32>,
    return
  }
  func.func @transform_0(%arg0: i32) -> (i32, i32, i32) {
    %c0_i32 = arith.constant 0 : i32
    %c0_i32_0 = arith.constant 0 : i32
    %c0_i32_1 = arith.constant 0 : i32
    return %arg0, %c0_i32, %c0_i32_0 : i32, i32, i32
  }
  func.func @transform_1(%arg0: i32) -> (i32, i32) {
    %c0_i32 = arith.constant 0 : i32
    %c0_i32_0 = arith.constant 0 : i32
    %c0_i32_1 = arith.constant 0 : i32
    return %c0_i32, %c0_i32_0 : i32, i32
  }
  func.func @transform_2(%arg0: i32) -> (i32, i32) {
    %c0_i32 = arith.constant 0 : i32
    %c0_i32_0 = arith.constant 0 : i32
    %c0_i32_1 = arith.constant 0 : i32
    return %c0_i32, %c0_i32_0 : i32, i32
  }
  func.func @transform_3(%arg0: i32) -> (i32, i32) {
    %c0_i32 = arith.constant 0 : i32
    %c0_i32_0 = arith.constant 0 : i32
    %c0_i32_1 = arith.constant 0 : i32
    return %c0_i32, %c0_i32_0 : i32, i32
  }
  func.func @transform_4(%arg0: i32) -> (i32, i32) {
    %c0_i32 = arith.constant 0 : i32
    %c0_i32_0 = arith.constant 0 : i32
    %c0_i32_1 = arith.constant 0 : i32
    return %c0_i32, %c0_i32_0 : i32, i32
  }
  func.func @transform_5(%arg0: i32) -> (i32, i32, i32) {
    %c0_i32 = arith.constant 0 : i32
    %c0_i32_0 = arith.constant 0 : i32
    %c0_i32_1 = arith.constant 0 : i32
    return %arg0, %c0_i32, %c0_i32_0 : i32, i32, i32
  }
}

module attributes {stable_mosaic.version = 14 : i64} {
  func.func @_tc_nodemlp_body(%arg0: i32, %arg1: memref<2x1000x128xf32, #tpu.memory_space<vmem>>, %arg2: memref<128x128xf32, #tpu.memory_space<vmem>>, %arg3: memref<1x128xf32, #tpu.memory_space<vmem>>, %arg4: memref<128x128xf32, #tpu.memory_space<vmem>>, %arg5: memref<1x128xf32, #tpu.memory_space<vmem>>, %arg6: memref<1000x128xf32, #tpu.memory_space<vmem>>, %arg7: memref<8x128xf32, #tpu.memory_space<vmem>>) attributes {dimension_semantics = [#tpu.dimension_semantics<arbitrary>], iteration_bounds = array<i64: 10>, scalar_prefetch = 0 : i64, scratch_operands = 0 : i64, tpu.core_type = #tpu.core_type<tc>, window_params = [{transform_indices = @transform_0, window_bounds = array<i64: 2, 1000, 128>}, {pipeline_mode = #tpu.pipeline_mode<synchronous>, transform_indices = @transform_1, window_bounds = array<i64: 128, 128>}, {pipeline_mode = #tpu.pipeline_mode<synchronous>, transform_indices = @transform_2, window_bounds = array<i64: 1, 128>}, {pipeline_mode = #tpu.pipeline_mode<synchronous>, transform_indices = @transform_3, window_bounds = array<i64: 128, 128>}, {pipeline_mode = #tpu.pipeline_mode<synchronous>, transform_indices = @transform_4, window_bounds = array<i64: 1, 128>}, {transform_indices = @transform_5, window_bounds = array<i64: 1000, 128>}, {pipeline_mode = #tpu.pipeline_mode<synchronous>, transform_indices = @transform_6, window_bounds = array<i64: 8, 128>}]} {
    %get3A = arith.constant 0 : index
    %get3A_0 = arith.constant 0 : index
    %get3A_1 = arith.constant 0 : index
    %get3A_2 = vector.load %arg1[%get3A, %get3A_0, %get3A_1] : memref<2x1000x128xf32, #tpu.memory_space<vmem>>, vector<1x1000x128xf32>
    %get3A_3 = vector.shape_cast %get3A_2 : vector<1x1000x128xf32> to vector<1000x128xf32>
    %get3A_4 = arith.constant 1 : index
    %get3A_5 = arith.constant 0 : index
    %get3A_6 = arith.constant 0 : index
    %get3A_7 = vector.load %arg1[%get3A_4, %get3A_5, %get3A_6] : memref<2x1000x128xf32, #tpu.memory_space<vmem>>, vector<1x1000x128xf32>
    %get3A_8 = vector.shape_cast %get3A_7 : vector<1x1000x128xf32> to vector<1000x128xf32>
    %add3A = arith.addf %get3A_3, %get3A_8 : vector<1000x128xf32>
    %get3A_9 = arith.constant 0 : index
    %get3A_10 = arith.constant 0 : index
    %get3A_11 = vector.load %arg2[%get3A_9, %get3A_10] : memref<128x128xf32, #tpu.memory_space<vmem>>, vector<128x128xf32>
    %dot_general3A = arith.constant dense<0.000000e+00> : vector<1000x128xf32>
    %dot_general3A_12 = tpu.matmul %add3A, %get3A_11, %dot_general3A {dimension_numbers = #tpu.dot_dimension_numbers<[1], [0], [0], [1], [0, 0, 1, 1], [], []>, transpose_lhs_hint = false} : vector<1000x128xf32>, vector<128x128xf32>, vector<1000x128xf32> -> vector<1000x128xf32>
    %get3A_13 = arith.constant 0 : index
    %get3A_14 = arith.constant 0 : index
    %get3A_15 = vector.load %arg3[%get3A_13, %get3A_14] : memref<1x128xf32, #tpu.memory_space<vmem>>, vector<1x128xf32>
    %add3A_16 = vector.broadcast %get3A_15 : vector<1x128xf32> to vector<1000x128xf32>
    %add3A_17 = arith.addf %dot_general3A_12, %add3A_16 : vector<1000x128xf32>
    %min3A = arith.constant 6.000000e+01 : f32
    %min3A_18 = vector.broadcast %min3A : f32 to vector<1000x128xf32>
    %min3A_19 = arith.minimumf %add3A_17, %min3A_18 : vector<1000x128xf32>
    %exp3A = math.exp %min3A_19 : vector<1000x128xf32>
    %add3A_20 = arith.constant 1.000000e+00 : f32
    %add3A_21 = vector.broadcast %add3A_20 : f32 to vector<1000x128xf32>
    %add3A_22 = arith.addf %add3A_21, %exp3A : vector<1000x128xf32>
    %log3A = math.log %add3A_22 : vector<1000x128xf32>
    %sub3A = arith.constant 6.000000e+01 : f32
    %sub3A_23 = vector.broadcast %sub3A : f32 to vector<1000x128xf32>
    %sub3A_24 = arith.subf %add3A_17, %sub3A_23 : vector<1000x128xf32>
    %max3A = arith.constant 0.000000e+00 : f32
    %max3A_25 = vector.broadcast %max3A : f32 to vector<1000x128xf32>
    %max3A_26 = arith.maximumf %sub3A_24, %max3A_25 : vector<1000x128xf32>
    %add3A_27 = arith.addf %log3A, %max3A_26 : vector<1000x128xf32>
    %sub3A_28 = arith.constant 0.693147182 : f32
    %sub3A_29 = vector.broadcast %sub3A_28 : f32 to vector<1000x128xf32>
    %sub3A_30 = arith.subf %add3A_27, %sub3A_29 : vector<1000x128xf32>
    %get3A_31 = arith.constant 0 : index
    %get3A_32 = arith.constant 0 : index
    %get3A_33 = vector.load %arg4[%get3A_31, %get3A_32] : memref<128x128xf32, #tpu.memory_space<vmem>>, vector<128x128xf32>
    %dot_general3A_34 = arith.constant dense<0.000000e+00> : vector<1000x128xf32>
    %dot_general3A_35 = tpu.matmul %sub3A_30, %get3A_33, %dot_general3A_34 {dimension_numbers = #tpu.dot_dimension_numbers<[1], [0], [0], [1], [0, 0, 1, 1], [], []>, transpose_lhs_hint = false} : vector<1000x128xf32>, vector<128x128xf32>, vector<1000x128xf32> -> vector<1000x128xf32>
    %get3A_36 = arith.constant 0 : index
    %get3A_37 = arith.constant 0 : index
    %get3A_38 = vector.load %arg5[%get3A_36, %get3A_37] : memref<1x128xf32, #tpu.memory_space<vmem>>, vector<1x128xf32>
    %add3A_39 = vector.broadcast %get3A_38 : vector<1x128xf32> to vector<1000x128xf32>
    %add3A_40 = arith.addf %dot_general3A_35, %add3A_39 : vector<1000x128xf32>
    %swap3A = arith.constant 0 : index
    %swap3A_41 = arith.constant 0 : index
    %swap3A_42 = vector.load %arg6[%swap3A, %swap3A_41] : memref<1000x128xf32, #tpu.memory_space<vmem>>, vector<1000x128xf32>
    tpu.vector_store %arg6[%swap3A, %swap3A_41], %add3A_40 {strides = array<i32>} : memref<1000x128xf32, #tpu.memory_space<vmem>>, vector<1000x128xf32>,
    %eq3A = arith.constant 0 : i32
    %eq3A_43 = arith.cmpi eq, %arg0, %eq3A : i32
    %convert_element_type3A = arith.extui %eq3A_43 : i1 to i32
    %cond3A = arith.constant 0 : i32
    %cond3A_44 = arith.cmpi ne, %convert_element_type3A, %cond3A : i32
    scf.if %cond3A_44 {
      %broadcast_in_dim3A_63 = arith.constant 0.000000e+00 : f32
      %broadcast_in_dim3A_64 = vector.broadcast %broadcast_in_dim3A_63 : f32 to vector<8x128xf32>
      %swap3A_65 = arith.constant 0 : index
      %swap3A_66 = arith.constant 0 : index
      %swap3A_67 = vector.load %arg7[%swap3A_65, %swap3A_66] : memref<8x128xf32, #tpu.memory_space<vmem>>, vector<8x128xf32>
      tpu.vector_store %arg7[%swap3A_65, %swap3A_66], %broadcast_in_dim3A_64 {strides = array<i32>} : memref<8x128xf32, #tpu.memory_space<vmem>>, vector<8x128xf32>,
    } else {
    }
    %get3A_45 = arith.constant 0 : index
    %get3A_46 = arith.constant 0 : index
    %get3A_47 = vector.load %arg7[%get3A_45, %get3A_46] : memref<8x128xf32, #tpu.memory_space<vmem>>, vector<1x128xf32>
    %reduce_sum3A = arith.constant dense<0.000000e+00> : vector<128xf32>
    %reduce_sum3A_48 = vector.multi_reduction <add>, %add3A_40, %reduce_sum3A [0] : vector<1000x128xf32> to vector<128xf32>
    %broadcast_in_dim3A = vector.shape_cast %reduce_sum3A_48 : vector<128xf32> to vector<1x128xf32>
    %add3A_49 = arith.addf %get3A_47, %broadcast_in_dim3A : vector<1x128xf32>
    %swap3A_50 = arith.constant 0 : index
    %swap3A_51 = arith.constant 0 : index
    %swap3A_52 = vector.load %arg7[%swap3A_50, %swap3A_51] : memref<8x128xf32, #tpu.memory_space<vmem>>, vector<1x128xf32>
    tpu.vector_store %arg7[%swap3A_50, %swap3A_51], %add3A_49 {strides = array<i32>} : memref<8x128xf32, #tpu.memory_space<vmem>>, vector<1x128xf32>,
    %get3A_53 = arith.constant 1 : index
    %get3A_54 = arith.constant 0 : index
    %get3A_55 = vector.load %arg7[%get3A_53, %get3A_54] : memref<8x128xf32, #tpu.memory_space<vmem>>, vector<1x128xf32>
    %mul3A = arith.mulf %add3A_40, %add3A_40 : vector<1000x128xf32>
    %reduce_sum3A_56 = arith.constant dense<0.000000e+00> : vector<128xf32>
    %reduce_sum3A_57 = vector.multi_reduction <add>, %mul3A, %reduce_sum3A_56 [0] : vector<1000x128xf32> to vector<128xf32>
    %broadcast_in_dim3A_58 = vector.shape_cast %reduce_sum3A_57 : vector<128xf32> to vector<1x128xf32>
    %add3A_59 = arith.addf %get3A_55, %broadcast_in_dim3A_58 : vector<1x128xf32>
    %swap3A_60 = arith.constant 1 : index
    %swap3A_61 = arith.constant 0 : index
    %swap3A_62 = vector.load %arg7[%swap3A_60, %swap3A_61] : memref<8x128xf32, #tpu.memory_space<vmem>>, vector<1x128xf32>
    tpu.vector_store %arg7[%swap3A_60, %swap3A_61], %add3A_59 {strides = array<i32>} : memref<8x128xf32, #tpu.memory_space<vmem>>, vector<1x128xf32>,
    return
  }
  func.func @transform_0(%arg0: i32) -> (i32, i32, i32) {
    %c0_i32 = arith.constant 0 : i32
    %c0_i32_0 = arith.constant 0 : i32
    %c0_i32_1 = arith.constant 0 : i32
    return %c0_i32, %arg0, %c0_i32_0 : i32, i32, i32
  }
  func.func @transform_1(%arg0: i32) -> (i32, i32) {
    %c0_i32 = arith.constant 0 : i32
    %c0_i32_0 = arith.constant 0 : i32
    %c0_i32_1 = arith.constant 0 : i32
    return %c0_i32, %c0_i32_0 : i32, i32
  }
  func.func @transform_2(%arg0: i32) -> (i32, i32) {
    %c0_i32 = arith.constant 0 : i32
    %c0_i32_0 = arith.constant 0 : i32
    %c0_i32_1 = arith.constant 0 : i32
    return %c0_i32, %c0_i32_0 : i32, i32
  }
  func.func @transform_3(%arg0: i32) -> (i32, i32) {
    %c0_i32 = arith.constant 0 : i32
    %c0_i32_0 = arith.constant 0 : i32
    %c0_i32_1 = arith.constant 0 : i32
    return %c0_i32, %c0_i32_0 : i32, i32
  }
  func.func @transform_4(%arg0: i32) -> (i32, i32) {
    %c0_i32 = arith.constant 0 : i32
    %c0_i32_0 = arith.constant 0 : i32
    %c0_i32_1 = arith.constant 0 : i32
    return %c0_i32, %c0_i32_0 : i32, i32
  }
  func.func @transform_5(%arg0: i32) -> (i32, i32) {
    %c0_i32 = arith.constant 0 : i32
    %c0_i32_0 = arith.constant 0 : i32
    return %arg0, %c0_i32 : i32, i32
  }
  func.func @transform_6(%arg0: i32) -> (i32, i32) {
    %c0_i32 = arith.constant 0 : i32
    %c0_i32_0 = arith.constant 0 : i32
    %c0_i32_1 = arith.constant 0 : i32
    return %c0_i32, %c0_i32_0 : i32, i32
  }
}

module attributes {stable_mosaic.version = 14 : i64} {
  func.func @_tc_norm_body(%arg0: i32, %arg1: memref<1000x128xf32, #tpu.memory_space<vmem>>, %arg2: memref<8x128xf32, #tpu.memory_space<vmem>>, %arg3: memref<1000x128xf32, #tpu.memory_space<vmem>>, %arg4: memref<128x128xf32, #tpu.memory_space<vmem>>, %arg5: memref<1000x128xf32, #tpu.memory_space<vmem>>, %arg6: memref<1000x128xf32, #tpu.memory_space<vmem>>) attributes {dimension_semantics = [#tpu.dimension_semantics<arbitrary>], iteration_bounds = array<i64: 10>, scalar_prefetch = 0 : i64, scratch_operands = 0 : i64, tpu.core_type = #tpu.core_type<tc>, window_params = [{transform_indices = @transform_0, window_bounds = array<i64: 1000, 128>}, {pipeline_mode = #tpu.pipeline_mode<synchronous>, transform_indices = @transform_1, window_bounds = array<i64: 8, 128>}, {transform_indices = @transform_2, window_bounds = array<i64: 1000, 128>}, {pipeline_mode = #tpu.pipeline_mode<synchronous>, transform_indices = @transform_3, window_bounds = array<i64: 128, 128>}, {transform_indices = @transform_4, window_bounds = array<i64: 1000, 128>}, {transform_indices = @transform_5, window_bounds = array<i64: 1000, 128>}]} {
    %get3A = arith.constant 0 : index
    %get3A_0 = arith.constant 0 : index
    %get3A_1 = vector.load %arg2[%get3A, %get3A_0] : memref<8x128xf32, #tpu.memory_space<vmem>>, vector<1x128xf32>
    %mul3A = arith.constant 9.99999974E-5 : f32
    %mul3A_2 = vector.broadcast %mul3A : f32 to vector<1x128xf32>
    %mul3A_3 = arith.mulf %get3A_1, %mul3A_2 : vector<1x128xf32>
    %get3A_4 = arith.constant 1 : index
    %get3A_5 = arith.constant 0 : index
    %get3A_6 = vector.load %arg2[%get3A_4, %get3A_5] : memref<8x128xf32, #tpu.memory_space<vmem>>, vector<1x128xf32>
    %mul3A_7 = arith.constant 9.99999974E-5 : f32
    %mul3A_8 = vector.broadcast %mul3A_7 : f32 to vector<1x128xf32>
    %mul3A_9 = arith.mulf %get3A_6, %mul3A_8 : vector<1x128xf32>
    %mul3A_10 = arith.mulf %mul3A_3, %mul3A_3 : vector<1x128xf32>
    %sub3A = arith.subf %mul3A_9, %mul3A_10 : vector<1x128xf32>
    %add3A = arith.constant 9.99999974E-6 : f32
    %add3A_11 = vector.broadcast %add3A : f32 to vector<1x128xf32>
    %add3A_12 = arith.addf %sub3A, %add3A_11 : vector<1x128xf32>
    %rsqrt3A = math.rsqrt %add3A_12 : vector<1x128xf32>
    %get3A_13 = arith.constant 0 : index
    %get3A_14 = arith.constant 0 : index
    %get3A_15 = vector.load %arg1[%get3A_13, %get3A_14] : memref<1000x128xf32, #tpu.memory_space<vmem>>, vector<1000x128xf32>
    %sub3A_16 = vector.broadcast %mul3A_3 : vector<1x128xf32> to vector<1000x128xf32>
    %sub3A_17 = arith.subf %get3A_15, %sub3A_16 : vector<1000x128xf32>
    %mul3A_18 = vector.broadcast %rsqrt3A : vector<1x128xf32> to vector<1000x128xf32>
    %mul3A_19 = arith.mulf %sub3A_17, %mul3A_18 : vector<1000x128xf32>
    %get3A_20 = arith.constant 0 : index
    %get3A_21 = arith.constant 0 : index
    %get3A_22 = vector.load %arg3[%get3A_20, %get3A_21] : memref<1000x128xf32, #tpu.memory_space<vmem>>, vector<1000x128xf32>
    %add3A_23 = arith.addf %mul3A_19, %get3A_22 : vector<1000x128xf32>
    %swap3A = arith.constant 0 : index
    %swap3A_24 = arith.constant 0 : index
    %swap3A_25 = vector.load %arg5[%swap3A, %swap3A_24] : memref<1000x128xf32, #tpu.memory_space<vmem>>, vector<1000x128xf32>
    tpu.vector_store %arg5[%swap3A, %swap3A_24], %add3A_23 {strides = array<i32>} : memref<1000x128xf32, #tpu.memory_space<vmem>>, vector<1000x128xf32>,
    %get3A_26 = arith.constant 0 : index
    %get3A_27 = arith.constant 0 : index
    %get3A_28 = vector.load %arg4[%get3A_26, %get3A_27] : memref<128x128xf32, #tpu.memory_space<vmem>>, vector<128x128xf32>
    %dot_general3A = arith.constant dense<0.000000e+00> : vector<1000x128xf32>
    %dot_general3A_29 = tpu.matmul %add3A_23, %get3A_28, %dot_general3A {dimension_numbers = #tpu.dot_dimension_numbers<[1], [0], [0], [1], [0, 0, 1, 1], [], []>, transpose_lhs_hint = false} : vector<1000x128xf32>, vector<128x128xf32>, vector<1000x128xf32> -> vector<1000x128xf32>
    %swap3A_30 = arith.constant 0 : index
    %swap3A_31 = arith.constant 0 : index
    %swap3A_32 = vector.load %arg6[%swap3A_30, %swap3A_31] : memref<1000x128xf32, #tpu.memory_space<vmem>>, vector<1000x128xf32>
    tpu.vector_store %arg6[%swap3A_30, %swap3A_31], %dot_general3A_29 {strides = array<i32>} : memref<1000x128xf32, #tpu.memory_space<vmem>>, vector<1000x128xf32>,
    return
  }
  func.func @transform_0(%arg0: i32) -> (i32, i32) {
    %c0_i32 = arith.constant 0 : i32
    %c0_i32_0 = arith.constant 0 : i32
    return %arg0, %c0_i32 : i32, i32
  }
  func.func @transform_1(%arg0: i32) -> (i32, i32) {
    %c0_i32 = arith.constant 0 : i32
    %c0_i32_0 = arith.constant 0 : i32
    %c0_i32_1 = arith.constant 0 : i32
    return %c0_i32, %c0_i32_0 : i32, i32
  }
  func.func @transform_2(%arg0: i32) -> (i32, i32) {
    %c0_i32 = arith.constant 0 : i32
    %c0_i32_0 = arith.constant 0 : i32
    return %arg0, %c0_i32 : i32, i32
  }
  func.func @transform_3(%arg0: i32) -> (i32, i32) {
    %c0_i32 = arith.constant 0 : i32
    %c0_i32_0 = arith.constant 0 : i32
    %c0_i32_1 = arith.constant 0 : i32
    return %c0_i32, %c0_i32_0 : i32, i32
  }
  func.func @transform_4(%arg0: i32) -> (i32, i32) {
    %c0_i32 = arith.constant 0 : i32
    %c0_i32_0 = arith.constant 0 : i32
    return %arg0, %c0_i32 : i32, i32
  }
  func.func @transform_5(%arg0: i32) -> (i32, i32) {
    %c0_i32 = arith.constant 0 : i32
    %c0_i32_0 = arith.constant 0 : i32
    return %arg0, %c0_i32 : i32, i32
  }
}

module attributes {stable_mosaic.version = 14 : i64} {
  func.func @_tc_norm_body(%arg0: i32, %arg1: memref<1000x128xf32, #tpu.memory_space<vmem>>, %arg2: memref<8x128xf32, #tpu.memory_space<vmem>>, %arg3: memref<1000x128xf32, #tpu.memory_space<vmem>>, %arg4: memref<128x128xf32, #tpu.memory_space<vmem>>, %arg5: memref<1000x128xf32, #tpu.memory_space<vmem>>) attributes {dimension_semantics = [#tpu.dimension_semantics<arbitrary>], iteration_bounds = array<i64: 10>, scalar_prefetch = 0 : i64, scratch_operands = 0 : i64, tpu.core_type = #tpu.core_type<tc>, window_params = [{transform_indices = @transform_0, window_bounds = array<i64: 1000, 128>}, {pipeline_mode = #tpu.pipeline_mode<synchronous>, transform_indices = @transform_1, window_bounds = array<i64: 8, 128>}, {transform_indices = @transform_2, window_bounds = array<i64: 1000, 128>}, {pipeline_mode = #tpu.pipeline_mode<synchronous>, transform_indices = @transform_3, window_bounds = array<i64: 128, 128>}, {transform_indices = @transform_4, window_bounds = array<i64: 1000, 128>}]} {
    %get3A = arith.constant 0 : index
    %get3A_0 = arith.constant 0 : index
    %get3A_1 = vector.load %arg2[%get3A, %get3A_0] : memref<8x128xf32, #tpu.memory_space<vmem>>, vector<1x128xf32>
    %mul3A = arith.constant 9.99999974E-5 : f32
    %mul3A_2 = vector.broadcast %mul3A : f32 to vector<1x128xf32>
    %mul3A_3 = arith.mulf %get3A_1, %mul3A_2 : vector<1x128xf32>
    %get3A_4 = arith.constant 1 : index
    %get3A_5 = arith.constant 0 : index
    %get3A_6 = vector.load %arg2[%get3A_4, %get3A_5] : memref<8x128xf32, #tpu.memory_space<vmem>>, vector<1x128xf32>
    %mul3A_7 = arith.constant 9.99999974E-5 : f32
    %mul3A_8 = vector.broadcast %mul3A_7 : f32 to vector<1x128xf32>
    %mul3A_9 = arith.mulf %get3A_6, %mul3A_8 : vector<1x128xf32>
    %mul3A_10 = arith.mulf %mul3A_3, %mul3A_3 : vector<1x128xf32>
    %sub3A = arith.subf %mul3A_9, %mul3A_10 : vector<1x128xf32>
    %add3A = arith.constant 9.99999974E-6 : f32
    %add3A_11 = vector.broadcast %add3A : f32 to vector<1x128xf32>
    %add3A_12 = arith.addf %sub3A, %add3A_11 : vector<1x128xf32>
    %rsqrt3A = math.rsqrt %add3A_12 : vector<1x128xf32>
    %get3A_13 = arith.constant 0 : index
    %get3A_14 = arith.constant 0 : index
    %get3A_15 = vector.load %arg1[%get3A_13, %get3A_14] : memref<1000x128xf32, #tpu.memory_space<vmem>>, vector<1000x128xf32>
    %sub3A_16 = vector.broadcast %mul3A_3 : vector<1x128xf32> to vector<1000x128xf32>
    %sub3A_17 = arith.subf %get3A_15, %sub3A_16 : vector<1000x128xf32>
    %mul3A_18 = vector.broadcast %rsqrt3A : vector<1x128xf32> to vector<1000x128xf32>
    %mul3A_19 = arith.mulf %sub3A_17, %mul3A_18 : vector<1000x128xf32>
    %get3A_20 = arith.constant 0 : index
    %get3A_21 = arith.constant 0 : index
    %get3A_22 = vector.load %arg3[%get3A_20, %get3A_21] : memref<1000x128xf32, #tpu.memory_space<vmem>>, vector<1000x128xf32>
    %add3A_23 = arith.addf %mul3A_19, %get3A_22 : vector<1000x128xf32>
    %swap3A = arith.constant 0 : index
    %swap3A_24 = arith.constant 0 : index
    %swap3A_25 = vector.load %arg5[%swap3A, %swap3A_24] : memref<1000x128xf32, #tpu.memory_space<vmem>>, vector<1000x128xf32>
    tpu.vector_store %arg5[%swap3A, %swap3A_24], %add3A_23 {strides = array<i32>} : memref<1000x128xf32, #tpu.memory_space<vmem>>, vector<1000x128xf32>,
    return
  }
  func.func @transform_0(%arg0: i32) -> (i32, i32) {
    %c0_i32 = arith.constant 0 : i32
    %c0_i32_0 = arith.constant 0 : i32
    return %arg0, %c0_i32 : i32, i32
  }
  func.func @transform_1(%arg0: i32) -> (i32, i32) {
    %c0_i32 = arith.constant 0 : i32
    %c0_i32_0 = arith.constant 0 : i32
    %c0_i32_1 = arith.constant 0 : i32
    return %c0_i32, %c0_i32_0 : i32, i32
  }
  func.func @transform_2(%arg0: i32) -> (i32, i32) {
    %c0_i32 = arith.constant 0 : i32
    %c0_i32_0 = arith.constant 0 : i32
    return %arg0, %c0_i32 : i32, i32
  }
  func.func @transform_3(%arg0: i32) -> (i32, i32) {
    %c0_i32 = arith.constant 0 : i32
    %c0_i32_0 = arith.constant 0 : i32
    %c0_i32_1 = arith.constant 0 : i32
    return %c0_i32, %c0_i32_0 : i32, i32
  }
  func.func @transform_4(%arg0: i32) -> (i32, i32) {
    %c0_i32 = arith.constant 0 : i32
    %c0_i32_0 = arith.constant 0 : i32
    return %arg0, %c0_i32 : i32, i32
  }
}

</mosaic_0001>

<sc_bundles>
// kernel: kernel.12.cloned.1.call-start
scs
__scs_entry_jumppad:
0x0: {  	(pc) =	sbr.rel $0x88, $3  }
0x1: {  	(tag) =	ssettag $0x0;
	lr =	simm.s32 $0x1  }
0x2: {  	[smem:$0x3F94] =	sst lr;
	_ =	strace $0xD0000000  }
0x3: {  	_ = 	snop  }
0x4: {  	_ = 	snop  }
0x5: {  	_ = 	snop  }
0x6: {  	_ = 	snop  }
0x7: {  	_ = 	snop  }
__scs_overlays_trampoline_lowered:
0x8: {  	[smem:$0x3FA3] =	sst s0  }
0x9: {  	[smem:$0x3FA4] =	sst s1  }
0xa: {  	[smem:$0x3FA5] =	sst s2  }
0xb: {  	[smem:$0x3FA6] =	sst s3  }
0xc: {  	[smem:$0x3FA7] =	sst s4  }
0xd: {  	[smem:$0x3FA8] =	sst s5  }
0xe: {  	[smem:$0x3FA9] =	sst s6  }
0xf: {  	[smem:$0x3FAA] =	sst s7  }
0x10: {  	[smem:$0x3FAB] =	sst s8  }
0x11: {  	[smem:$0x3FAC] =	sst s9;
	s0 =	simm.s32 @!p0 $0x0  }
0x12: {  	s1 =	sld [smem:$0x3F92];
	s0 =	simm.s32 @p0 $0x1  }
0x13: {  	[smem:$0x3FAD] =	sst s0;
	s0 =	simm.s32 @!p1 $0x0  }
0x14: {  	s2 =	sld [smem:$0x3F91];
	s0 =	simm.s32 @p1 $0x1  }
0x15: {  	[smem:$0x3FAE] =	sst s0;
	s0 =	simm.s32 @!p2 $0x0  }
0x16: {  	s3 =	sld [smem:$0x3FDB];
	s0 =	simm.s32 @p2 $0x1  }
0x17: {  	s4 =	simm.s32 $0x1BF5;
	[smem:$0x3FB0] =	sst s0  }
0x18: {  	s0 =	sld [smem:$0x3F93];
	_ =	swait.ge [sflag:s4], $0x0  }
0x19: {  	s7 =	sld [smem:$0x3F94]  }
0x1a: {  	s8 =	sadd.s32 $0xFFFFE003, lr  }
0x1b: {  	s9 =	sadd.s32 $0xFFFFFEF7, lr;
	s5 =	simm.s32 $0xFFFFFFFF;
	p2 =	slt.u32 s8, $0xFFFFF086  }
0x1c: {  	p1 =	slt.u32 s9, $0xF7A;
	s5 =	simm.s32 @!p2 $0x0  }
0x1d: {  	s5 =	simm.s32 @p1 $0x1;
	p0 =	seq.s32 s7, s2  }
0x1e: {  	s7 =	smul.u32 @!p0 $0xF7A, s2;
	p2 =	seq.s32 @!p0 s5, $0x0  }
0x1f: {  	s9 =	smul.u32 $0xF7A, s1;
	s8 =	simm.s32 @!p0 $0x1BF5;
	p2 =	por !p2, p0  }
0x20: {  	[sflag:s8] =	ssyncset.s32 @!p0 $0xFFFFF086;
	s6 =	sadd.s32 @!p0 s3, s7;
	s7 =	simm.s32 @!p0 $0x108  }
0x21: {  	s3 =	sadd.s32 s3, s9;
	s6 =	sadd.s32 @!p0 $0x88, s6;
	s7 =	simm.s32 @p2 $0x1082  }
0x22: {  	[simem:s7], [sflag:s8] =	dma.local @!p0 [hbm:s6], $0xF7A  }
0x23: {  	s9 =	sor.u32 $0xD0000000, s2;
	s6 =	simm.s32 $0x108;
	_ =	swait.ge @!p0 [sflag:s8], $0x0  }
0x24: {  	s3 =	sadd.s32 $0x88, s3;
	s6 =	simm.s32 @!p1 $0x1082;
	[sflag:s4] =	ssyncset.s32 $0xFFFFF086  }
0x25: {  	[simem:s6], [sflag:s4] =	dma.local [hbm:s3], $0xF7A  }
0x26: {  	[smem:$0x3F94] =	sst s1;
	(tag) =	ssettag s2;
	_ =	strace s9  }
0x27: {  	s1 =	sld [smem:$0x3FA4]  }
0x28: {  	s2 =	sld [smem:$0x3FA5]  }
0x29: {  	s4 =	sld [smem:$0x3FA7]  }
0x2a: {  	p0 =	seq.s32 s5, $0x0;
	s5 =	sld [smem:$0x3FA8]  }
0x2b: {  	s6 =	sld [smem:$0x3FA9]  }
0x2c: {  	s7 =	sld [smem:$0x3FAA]  }
0x2d: {  	s3 =	simm.s32 $0x108;
	s8 =	sld [smem:$0x3FAB]  }
0x2e: {  	s3 =	simm.s32 @!p0 $0x1082;
	s9 =	sld [smem:$0x3FAC]  }
0x2f: {  	lr =	sadd.s32 s0, s3;
	s0 =	sld [smem:$0x3FA3]  }
0x30: {  	s3 =	sld [smem:$0x3FA6]  }
0x31: {  	[smem:$0x3FAF] =	sst s10  }
0x32: {  	s10 =	sld [smem:$0x3FAD];
	_ =	sdelay $0x3  }
0x33: {  	p0 =	seq.s32 s10, $0x1;
	s10 =	sld [smem:$0x3FAF];
	_ =	sdelay $0x3  }
0x34: {  	[smem:$0x3FAF] =	sst s10  }
0x35: {  	s10 =	sld [smem:$0x3FAE];
	_ =	sdelay $0x3  }
0x36: {  	p1 =	seq.s32 s10, $0x1;
	s10 =	sld [smem:$0x3FAF];
	_ =	sdelay $0x3  }
0x37: {  	[smem:$0x3FAF] =	sst s10  }
0x38: {  	s10 =	sld [smem:$0x3FB0]  }
0x39: {  	_ = 	snop;
	(pc) =	sbr.ind lr, $3  }
0x3a: {  	_ = 	snop  }
0x3b: {  	_ = 	snop  }
0x3c: {  	p2 =	seq.s32 s10, $0x1;
	s10 =	sld [smem:$0x3FAF]  }
0x3d: {  	_ =	shalt  }
0x3e: {  	_ =	shalt  }
0x3f: {  	_ =	shalt  }
0x40: {  	_ =	shalt  }
0x41: {  	_ =	shalt  }
0x42: {  	_ =	shalt  }
0x43: {  	_ =	shalt  }
0x44: {  	_ =	shalt  }
0x45: {  	_ =	shalt  }
0x46: {  	_ =	shalt  }
0x47: {  	_ =	shalt  }
0x48: {  	_ =	shalt  }
0x49: {  	_ =	shalt  }
0x4a: {  	_ =	shalt  }
0x4b: {  	_ =	shalt  }
0x4c: {  	_ =	shalt  }
0x4d: {  	_ =	shalt  }
0x4e: {  	_ =	shalt  }
0x4f: {  	_ =	shalt  }
0x50: {  	_ =	shalt  }
0x51: {  	_ =	shalt  }
0x52: {  	_ =	shalt  }
0x53: {  	_ =	shalt  }
0x54: {  	_ =	shalt  }
0x55: {  	_ =	shalt  }
0x56: {  	_ =	shalt  }
0x57: {  	_ =	shalt  }
0x58: {  	_ =	shalt  }
0x59: {  	_ =	shalt  }
0x5a: {  	_ =	shalt  }
0x5b: {  	_ =	shalt  }
0x5c: {  	_ =	shalt  }
0x5d: {  	_ =	shalt  }
0x5e: {  	_ =	shalt  }
0x5f: {  	_ =	shalt  }
0x60: {  	_ =	shalt  }
0x61: {  	_ =	shalt  }
0x62: {  	_ =	shalt  }
0x63: {  	_ =	shalt  }
0x64: {  	_ =	shalt  }
0x65: {  	_ =	shalt  }
0x66: {  	_ =	shalt  }
0x67: {  	_ =	shalt  }
0x68: {  	_ =	shalt  }
0x69: {  	_ =	shalt  }
0x6a: {  	_ =	shalt  }
0x6b: {  	_ =	shalt  }
0x6c: {  	_ =	shalt  }
0x6d: {  	_ =	shalt  }
0x6e: {  	_ =	shalt  }
0x6f: {  	_ =	shalt  }
0x70: {  	_ =	shalt  }
0x71: {  	_ =	shalt  }
0x72: {  	_ =	shalt  }
0x73: {  	_ =	shalt  }
0x74: {  	_ =	shalt  }
0x75: {  	_ =	shalt  }
0x76: {  	_ =	shalt  }
0x77: {  	_ =	shalt  }
0x78: {  	_ =	shalt  }
0x79: {  	_ =	shalt  }
0x7a: {  	_ =	shalt  }
0x7b: {  	_ =	shalt  }
0x7c: {  	_ =	shalt  }
0x7d: {  	_ =	shalt  }
0x7e: {  	_ =	shalt  }
0x7f: {  	_ =	shalt  }
0x80: {  	_ =	shalt  }
0x81: {  	_ =	shalt  }
0x82: {  	_ =	shalt  }
0x83: {  	_ =	shalt  }
0x84: {  	_ =	shalt  }
0x85: {  	_ =	shalt  }
0x86: {  	_ =	shalt  }
0x87: {  	_ =	shalt  }
.Lfunc_end0:
.L_simem_size_0:
called_computation_lowered:
.L_overlay_start_0:
0x88: {  	s2 =	sld [smem:$0x3FD9]  }
0x89: {  	s3 =	sld [smem:$0x3FFE];
	_ =	sdelay $0x1  }
0x8a: {  	s1 =	srdreg.scid  }
0x8b: {  	s0 =	sand.u32 $0x1, s1  }
0x8c: {  	s16 =	sshll.u32 s0, $0xA;
	s2 =	sadd.s32 s3, s2  }
0x8d: {  	s2 =	sadd.s32 s2, s16  }
0x8e: {  	[smem:$0x3FBB] =	sst s2  }
0x8f: {  	_ = 	snop  }
0x90: {  	(tm) =	ssettm $0x1  }
0x91: {  	s17 =	sld [smem:$0x3FFB];
	_ =	sdelay $0x3  }
0x92: {  	_ =	strace s17  }
0x93: {  	s2 =	sld [smem:$0x3FFC];
	_ =	sdelay $0x3  }
0x94: {  	_ =	strace s2  }
0x95: {  	s2 =	sld [smem:$0x3FFD];
	_ =	sdelay $0x3  }
0x96: {  	_ =	strace s2  }
0x97: {  	_ =	strace $0x8FFFFFFF  }
0x98: {  	s18 =	sld [smem:$0x3FDB];
	_ =	sdelay $0x1  }
0x99: {  	s19 =	simm.s32 $_scs_section_size  }
0x9a: {  	s4 =	simm.s32 $_size__tile_overlayer_lowered;
	s5 =	simm.s32 $_tile_overlayer_lowered  }
0x9b: {  	s22 =	simm.s32 $0x1BFF;
	s21 =	sshll.u32 s5, $0x1;
	s2 =	sadd.s32 s19, s18  }
0x9c: {  	s6 =	simm.s32 $0x0;
	s20 =	sshll.u32 s4, $0x1;
	s4 =	sadd.s32 s21, s2  }
0x9d: {  	[timem:s6], [sflag:s22] =	dma.local [hbm:s4], s20  }
0x9e: {  	_ =	swait.ge [sflag:s22], s20  }
0x9f: {  	s3 =	ssub.s32 $0x0, s20;
	[sflag:s22] =	ssyncset.done $0x0  }
0xa0: {  	[sflag:s22] =	ssyncadd.s32 s3;
	_ =	sdelay $0x1  }
0xa1: {  	s23 =	simm.s32 $0x1B8B  }
0xa2: {  	_ =	swait.ge [sflag:s23], $0x1  }
0xa3: {  	[sflag:s23] =	ssyncset.done $0x0  }
0xa4: {  	s25 =	simm.s32 $0x1B8E;
	s24 =	sld [smem:$0x3FFE];
	[sflag:s23] =	ssyncadd.s32 $0xFFFFFFFF  }
0xa5: {  	s26 =	simm.s32 $execute0_lowered;
	[smem:$0x3FD2] =	sst s25  }
0xa6: {  	s4 =	sshll.u32 s26, $0x1;
	_ =	strace $0x80000046;
	[dreg:$0x1] =	wrdreg $0xFFFFFFFF  }
0xa7: {  	s28 =	simm.s32 $_size_execute0_lowered;
	s2 =	sadd.s32 s2, s4;
	[dreg:$0x0] =	wrdreg $0x0  }
0xa8: {  	s4 =	sshll.u32 s28, $0x1;
	[dreg:$0x2] =	wrdreg s2  }
0xa9: {  	[dreg:$0x3] =	wrdreg s4  }
0xaa: {  	[dreg:$0x4] =	wrdreg $0xC0  }
0xab: {  	_ =	task [dreg:s6], $0x5FFFF  }
0xac: {  	[dreg:$0x1] =	wrdreg $0xFFFFFFFF  }
0xad: {  	[dreg:$0x0] =	wrdreg $0x60  }
0xae: {  	[dreg:$0x2] =	wrdreg s24  }
0xaf: {  	[dreg:$0x3] =	wrdreg $0x9  }
0xb0: {  	_ =	task.clear_ibuf [dreg:s6], $0x4FFFF;
	_ =	strace $0x90000046  }
0xb1: {  	s29 =	simm.s32 $0x9;
	_ =	strace $0x80000048  }
0xb2: {  	_ =	swait.ge [sflag:s29], $0x1  }
0xb3: {  	[sflag:s29] =	ssyncadd.s32 $0xFFFFFFFF  }
0xb4: {  	_ =	strace $0x90000048  }
0xb5: {  	_ =	sfence  }
0xb6: {  	s30 =	sld [smem:$0x0];
	_ =	sdelay $0x2  }
0xb7: {  	s31 =	sshll.u32 s1, $0xD;
	s1 =	sshrl.u32 s1, $0x2  }
0xb8: {  	s3 =	sand.u32 $0x4000, s31;
	s1 =	sadd.s32 s1, s30  }
0xb9: {  	s0 =	sor.u32 s3, s0;
	s1 =	sshll.u32 s1, $0x11  }
0xba: {  	s0 =	sor.u32 s1, s0  }
0xbb: {  	s0 =	sadd.s32 $0x8F2B, s0  }
0xbc: {  	[sflag:s0] =	ssyncadd.remote.s32 $0x1  }
0xbd: {  	_ =	sfence.sel $0xFFFF  }
0xbe: {  	[dreg:$0x0] =	wrdreg $0xFFFFFFFF;
	(pc) =	sbr.abs _section_cstart, $3  }
0xbf: {  	[dreg:$0x1] =	wrdreg $0xFFFFFFFF  }
0xc0: {  	_ =	task.clear_ibuf [dreg:s6], $0x2FFFF;
	_ =	strace $0x9FFFFFFF  }
0xc1: {  	(tm) =	ssettm $0x7FFFFFFF  }
tec
execute0_lowered:
.L_overlay_start_1:
0x0: {  	(tag) =	ssettag $0x1  }
0x1: {  	s6 =	rddreg [dreg:$0x0];
	s1 =	srdreg.scid  }
0x2: {  	s0 =	rddreg [dreg:$0x1];
	s2 =	simm.s32 $0x0;
	s11 =	simm.s32 $0x2710  }
0x3: {  	s12 =	simm.s32 $0x4E20;
	s13 =	simm.s32 $0x7530;
	s5 =	sand.u32 $0x1, s1  }
0x4: {  	s14 =	simm.s32 $0x9C40;
	s1 =	stileid.u32;
	s3 =	sshll.u32 s5, $0x4  }
0x5: {  	s15 =	simm.s32 $0xC350;
	s16 =	simm.s32 $0x0;
	s3 =	sor.u32 s1, s3  }
0x6: {  	[smem:$0x7FF] =	sst s2;
	s4 =	sadd.s32 $0x18800, s6;
	s7 =	smul.u32 $0x4E2, s3  }
0x7: {  	_ =	strace $0x80000047;
	s8 =	ssub.s32 $0x2, s5;
	s5 =	sadd.s32 $0x18200, s6  }
0x8: {  	s31 =	sshrl.u32 s8, $0x1;
	s3 =	sadd.s32 $0x18E00, s6;
	s9 =	sadd.s32 s7, s6  }
0x9: {  	s10 =	ssub.s32 s8, s31;
	s6 =	sadd.s32 $0xE400, s9;
	s7 =	sadd.s32 $0x4600, s9  }
0xa: {  	s8 =	sadd.s32 $0x19400, s9;
	s9 =	smax.u32 s10, $0x1;
	s10 =	simm.s32 $0x1  }
.LBB2_1:
0xb: {  	[tilespmem:s2], [sflag:$0x1] =	stream.linear.gather [hbm4b:s3+s2], $0x2710, $0x38;
	[tilespmem:$0xEA60] =	vst v63  }
0xc: {  	_ =	swait.ge [sflag:s10], $0x2710  }
0xd: {  	[sflag:s10] =	ssyncset.done $0x0  }
0xe: {  	[sflag:s10] =	ssyncadd.s32 $0xFFFFD8F0  }
0xf: {  	[tilespmem:s11], [sflag:$0x1] =	stream.linear.gather [hbm4b:s4+s2], $0x2710, $0x38;
	[tilespmem:$0xEA60] =	vst v63  }
0x10: {  	_ =	swait.ge [sflag:s10], $0x2710  }
0x11: {  	[sflag:s10] =	ssyncset.done $0x0  }
0x12: {  	[sflag:s10] =	ssyncadd.s32 $0xFFFFD8F0  }
0x13: {  	[tilespmem:s12], [sflag:$0x1] =	stream.linear.gather [hbm4b:s5+s2], $0x2710, $0x38;
	[tilespmem:$0xEA60] =	vst v63  }
0x14: {  	_ =	swait.ge [sflag:s10], $0x2710  }
0x15: {  	[sflag:s10] =	ssyncset.done $0x0  }
0x16: {  	[sflag:s10] =	ssyncadd.s32 $0xFFFFD8F0  }
0x17: {  	[tilespmem:s13], [sflag:$0x1] =	stream.linear.gather [hbm4b:s6+s2], $0x2710, $0x38;
	[tilespmem:$0xEA60] =	vst v63  }
0x18: {  	_ =	swait.ge [sflag:s10], $0x2710  }
0x19: {  	[sflag:s10] =	ssyncset.done $0x0  }
0x1a: {  	[sflag:s10] =	ssyncadd.s32 $0xFFFFD8F0  }
0x1b: {  	[tilespmem:s14], [sflag:$0x1] =	stream.linear.gather [hbm4b:s7+s2], $0x2710, $0x38;
	[tilespmem:$0xEA60] =	vst v63  }
0x1c: {  	_ =	swait.ge [sflag:s10], $0x2710  }
0x1d: {  	[sflag:s10] =	ssyncset.done $0x0  }
0x1e: {  	s17 =	simm.s32 $0x0;
	[sflag:s10] =	ssyncadd.s32 $0xFFFFD8F0  }
0x1f: {  	v0 =	vld [tilespmem:s17+$0x9C40]  }
0x20: {  	v1 =	vld [tilespmem:s17+$0x7530];
	_ =	sdelay $0x6  }
0x21: {  	v2 =	vld.idx.msk [tilespmem:v0+s2+$0x0], $0xffff  }
0x22: {  	v3 =	vld.idx.msk [tilespmem:v1+s2+$0x0], $0xffff  }
0x23: {  	v4 =	vld.idx.msk [tilespmem:v1+s11+$0x0], $0xffff  }
0x24: {  	v5 =	vld.idx.msk [tilespmem:v0+s11+$0x0], $0xffff  }
0x25: {  	v6 =	vld.idx.msk [tilespmem:v1+s12+$0x0], $0xffff  }
0x26: {  	v7 =	vld.idx.msk [tilespmem:v0+s12+$0x0], $0xffff;
	_ =	sdelay $0x2  }
0x27: {  	s18 =	simm.s32 $0x10;
	v3 =	vsub.f32 v3, v2;
	v4 =	vsub.f32 v4, v5  }
0x28: {  	v0 =	vld [tilespmem:s18+$0x9C40]  }
0x29: {  	v1 =	vld [tilespmem:s18+$0x7530];
	v2 =	vsub.f32 v6, v7;
	v3 =	vmul.f32 v3, v3;
	v4 =	vmul.f32 v4, v4  }
0x2a: {  	s19 =	simm.s32 $0x80  }
.LBB2_2:
0x2b: {  	p0 =	sne.s32 s19, $0x9C00;
	v3 =	vadd.f32 v4, v3;
	v2 =	vmul.f32 v2, v2;
	_ =	sdelay $0x1  }
0x2c: {  	v2 =	vadd.f32 v2, v3;
	_ =	sdelay $0x1  }
0x2d: {  	[tilespmem:s17+$0xC350] =	vst v2;
	s17 =	smov.u32 s18  }
0x2e: {  	v2 =	vld.idx.msk [tilespmem:v0+s2+$0x0], $0xffff  }
0x2f: {  	v3 =	vld.idx.msk [tilespmem:v1+s2+$0x0], $0xffff  }
0x30: {  	v4 =	vld.idx.msk [tilespmem:v1+s11+$0x0], $0xffff  }
0x31: {  	v5 =	vld.idx.msk [tilespmem:v0+s11+$0x0], $0xffff  }
0x32: {  	v6 =	vld.idx.msk [tilespmem:v1+s12+$0x0], $0xffff  }
0x33: {  	v7 =	vld.idx.msk [tilespmem:v0+s12+$0x0], $0xffff;
	_ =	sdelay $0x2  }
.Ltmp0:
0x34: {  	(pc) =	sbr.rel @p0 .LBB2_2-.Ltmp0, $4  }
0x35: {  	s18 =	sshra.s32 s19, $0x2;
	v3 =	vsub.f32 v3, v2;
	v4 =	vsub.f32 v4, v5  }
0x36: {  	v0 =	vld [tilespmem:s18+$0x9C40]  }
0x37: {  	v3 =	vmul.f32 v3, v3;
	v2 =	vsub.f32 v6, v7;
	v4 =	vmul.f32 v4, v4;
	v1 =	vld [tilespmem:s18+$0x7530]  }
0x38: {  	s19 =	sadd.s32 $0x40, s19  }
0x39: {  	_ = 	snop  }
0x3a: {  	v3 =	vadd.f32 v4, v3;
	v2 =	vmul.f32 v2, v2;
	_ =	sdelay $0x1  }
0x3b: {  	v2 =	vadd.f32 v2, v3;
	_ =	sdelay $0x1  }
0x3c: {  	[tilespmem:s17+$0xC350] =	vst v2  }
0x3d: {  	v2 =	vld.idx.msk [tilespmem:v0+s2+$0x0], $0xffff  }
0x3e: {  	v57 =	vld.idx.msk [tilespmem:v1+s2+$0x0], $0xffff  }
0x3f: {  	v58 =	vld.idx.msk [tilespmem:v1+s11+$0x0], $0xffff  }
0x40: {  	v5 =	vld.idx.msk [tilespmem:v0+s11+$0x0], $0xffff  }
0x41: {  	v59 =	vld.idx.msk [tilespmem:v1+s12+$0x0], $0xffff  }
0x42: {  	v60 =	vld.idx.msk [tilespmem:v0+s12+$0x0], $0xffff;
	_ =	sdelay $0x2  }
0x43: {  	v2 =	vsub.f32 v57, v2;
	v61 =	vsub.f32 v58, v5;
	_ =	sdelay $0x1  }
0x44: {  	v0 =	vsub.f32 v59, v60;
	v62 =	vmul.f32 v2, v2;
	v63 =	vmul.f32 v61, v61;
	_ =	sdelay $0x1  }
0x45: {  	v0 =	vmul.f32 v0, v0;
	v1 =	vadd.f32 v63, v62;
	_ =	sdelay $0x1  }
0x46: {  	s16 =	sadd.s32 $0x1, s16;
	v0 =	vadd.f32 v0, v1  }
0x47: {  	p0 =	sne.s32 s16, s9  }
.Ltmp1:
0x48: {  	[tilespmem:s18+$0xC350] =	vst v0;
	(pc) =	sbr.rel @p0 .LBB2_1-.Ltmp1, $4  }
0x49: {  	[hbm4b:s8+s2] =	stream.linear.scatter [tilespmem:s15], [sflag:$0x1], $0x2710, $0x38;
	[tilespmem:$0xEA60] =	vst v63  }
0x4a: {  	_ =	swait.ge [sflag:s10], $0x2710  }
0x4b: {  	[sflag:s10] =	ssyncset.done $0x0  }
0x4c: {  	[sflag:s10] =	ssyncadd.s32 $0xFFFFD8F0  }
0x4d: {  	_ =	sfence.sel $0x180000  }
0x4e: {  	[bflag:$0x0] =	sbarrier.arrive $0xFFFF  }
0x4f: {  	p0 =	sne.s32 s1, $0x0;
	_ =	strace $0x90000047  }
0x50: {  	s0 =	sadd.s32 @!p0 $0x100000, s0;
	[bflag:$0x2] =	sbarrier.arrive $0xFFFF  }
0x51: {  	[sflag:s0] =	ssyncadd.tile.s32 @!p0 $0x1;
	_ =	shalt  }
.Lfunc_end2:
_tile_overlayer_lowered:
.L_overlay_start_2:
0x52: {  	(tag) =	ssettag $0x2  }
0x53: {  	s0 =	rddreg [dreg:$0x0];
	s2 =	stileid.u32  }
0x54: {  	s1 =	rddreg [dreg:$0x1];
	p0 =	sne.s32 s2, $0x0  }
0x55: {  	s3 =	rddreg [dreg:$0x2];
	[bflag:$0x3] =	sbarrier.arrive $0xFFFF;
	s2 =	simm.s32 @!p0 $0x1C01  }
0x56: {  	[timem:s3], [sflag:s2] =	dma.local @!p0 [hbm:s0], s1  }
0x57: {  	s0 =	simm.s32 @!p0 $0x1  }
0x58: {  	_ =	swait.ge @!p0 [sflag:s0], s1  }
0x59: {  	s1 =	ssub.s32 @!p0 $0x0, s1;
	[sflag:s0] =	ssyncset.done @!p0 $0x0  }
0x5a: {  	[sflag:s0] =	ssyncadd.s32 @!p0 s1  }
0x5b: {  	[bflag:$0x3] =	sbarrier.arrive $0xFFFF  }
0x5c: {  	_ =	shalt  }

// kernel: kernel.15.cloned.1.call-start
scs
__scs_entry_jumppad:
0x0: {  	(pc) =	sbr.rel $0x88, $3  }
0x1: {  	(tag) =	ssettag $0x0;
	lr =	simm.s32 $0x1  }
0x2: {  	[smem:$0x3F94] =	sst lr;
	_ =	strace $0xD0000000  }
0x3: {  	_ = 	snop  }
0x4: {  	_ = 	snop  }
0x5: {  	_ = 	snop  }
0x6: {  	_ = 	snop  }
0x7: {  	_ = 	snop  }
__scs_overlays_trampoline_lowered:
0x8: {  	[smem:$0x3FA3] =	sst s0  }
0x9: {  	[smem:$0x3FA4] =	sst s1  }
0xa: {  	[smem:$0x3FA5] =	sst s2  }
0xb: {  	[smem:$0x3FA6] =	sst s3  }
0xc: {  	[smem:$0x3FA7] =	sst s4  }
0xd: {  	[smem:$0x3FA8] =	sst s5  }
0xe: {  	[smem:$0x3FA9] =	sst s6  }
0xf: {  	[smem:$0x3FAA] =	sst s7  }
0x10: {  	[smem:$0x3FAB] =	sst s8  }
0x11: {  	[smem:$0x3FAC] =	sst s9;
	s0 =	simm.s32 @!p0 $0x0  }
0x12: {  	s1 =	sld [smem:$0x3F92];
	s0 =	simm.s32 @p0 $0x1  }
0x13: {  	[smem:$0x3FAD] =	sst s0;
	s0 =	simm.s32 @!p1 $0x0  }
0x14: {  	s2 =	sld [smem:$0x3F91];
	s0 =	simm.s32 @p1 $0x1  }
0x15: {  	[smem:$0x3FAE] =	sst s0;
	s0 =	simm.s32 @!p2 $0x0  }
0x16: {  	s3 =	sld [smem:$0x3FDB];
	s0 =	simm.s32 @p2 $0x1  }
0x17: {  	s4 =	simm.s32 $0x1BF5;
	[smem:$0x3FB0] =	sst s0  }
0x18: {  	s0 =	sld [smem:$0x3F93];
	_ =	swait.ge [sflag:s4], $0x0  }
0x19: {  	s7 =	sld [smem:$0x3F94]  }
0x1a: {  	s8 =	sadd.s32 $0xFFFFE003, lr  }
0x1b: {  	s9 =	sadd.s32 $0xFFFFFEF7, lr;
	s5 =	simm.s32 $0xFFFFFFFF;
	p2 =	slt.u32 s8, $0xFFFFF086  }
0x1c: {  	p1 =	slt.u32 s9, $0xF7A;
	s5 =	simm.s32 @!p2 $0x0  }
0x1d: {  	s5 =	simm.s32 @p1 $0x1;
	p0 =	seq.s32 s7, s2  }
0x1e: {  	s7 =	smul.u32 @!p0 $0xF7A, s2;
	p2 =	seq.s32 @!p0 s5, $0x0  }
0x1f: {  	s9 =	smul.u32 $0xF7A, s1;
	s8 =	simm.s32 @!p0 $0x1BF5;
	p2 =	por !p2, p0  }
0x20: {  	[sflag:s8] =	ssyncset.s32 @!p0 $0xFFFFF086;
	s6 =	sadd.s32 @!p0 s3, s7;
	s7 =	simm.s32 @!p0 $0x108  }
0x21: {  	s3 =	sadd.s32 s3, s9;
	s6 =	sadd.s32 @!p0 $0x88, s6;
	s7 =	simm.s32 @p2 $0x1082  }
0x22: {  	[simem:s7], [sflag:s8] =	dma.local @!p0 [hbm:s6], $0xF7A  }
0x23: {  	s9 =	sor.u32 $0xD0000000, s2;
	s6 =	simm.s32 $0x108;
	_ =	swait.ge @!p0 [sflag:s8], $0x0  }
0x24: {  	s3 =	sadd.s32 $0x88, s3;
	s6 =	simm.s32 @!p1 $0x1082;
	[sflag:s4] =	ssyncset.s32 $0xFFFFF086  }
0x25: {  	[simem:s6], [sflag:s4] =	dma.local [hbm:s3], $0xF7A  }
0x26: {  	[smem:$0x3F94] =	sst s1;
	(tag) =	ssettag s2;
	_ =	strace s9  }
0x27: {  	s1 =	sld [smem:$0x3FA4]  }
0x28: {  	s2 =	sld [smem:$0x3FA5]  }
0x29: {  	s4 =	sld [smem:$0x3FA7]  }
0x2a: {  	p0 =	seq.s32 s5, $0x0;
	s5 =	sld [smem:$0x3FA8]  }
0x2b: {  	s6 =	sld [smem:$0x3FA9]  }
0x2c: {  	s7 =	sld [smem:$0x3FAA]  }
0x2d: {  	s3 =	simm.s32 $0x108;
	s8 =	sld [smem:$0x3FAB]  }
0x2e: {  	s3 =	simm.s32 @!p0 $0x1082;
	s9 =	sld [smem:$0x3FAC]  }
0x2f: {  	lr =	sadd.s32 s0, s3;
	s0 =	sld [smem:$0x3FA3]  }
0x30: {  	s3 =	sld [smem:$0x3FA6]  }
0x31: {  	[smem:$0x3FAF] =	sst s10  }
0x32: {  	s10 =	sld [smem:$0x3FAD];
	_ =	sdelay $0x3  }
0x33: {  	p0 =	seq.s32 s10, $0x1;
	s10 =	sld [smem:$0x3FAF];
	_ =	sdelay $0x3  }
0x34: {  	[smem:$0x3FAF] =	sst s10  }
0x35: {  	s10 =	sld [smem:$0x3FAE];
	_ =	sdelay $0x3  }
0x36: {  	p1 =	seq.s32 s10, $0x1;
	s10 =	sld [smem:$0x3FAF];
	_ =	sdelay $0x3  }
0x37: {  	[smem:$0x3FAF] =	sst s10  }
0x38: {  	s10 =	sld [smem:$0x3FB0]  }
0x39: {  	_ = 	snop;
	(pc) =	sbr.ind lr, $3  }
0x3a: {  	_ = 	snop  }
0x3b: {  	_ = 	snop  }
0x3c: {  	p2 =	seq.s32 s10, $0x1;
	s10 =	sld [smem:$0x3FAF]  }
0x3d: {  	_ =	shalt  }
0x3e: {  	_ =	shalt  }
0x3f: {  	_ =	shalt  }
0x40: {  	_ =	shalt  }
0x41: {  	_ =	shalt  }
0x42: {  	_ =	shalt  }
0x43: {  	_ =	shalt  }
0x44: {  	_ =	shalt  }
0x45: {  	_ =	shalt  }
0x46: {  	_ =	shalt  }
0x47: {  	_ =	shalt  }
0x48: {  	_ =	shalt  }
0x49: {  	_ =	shalt  }
0x4a: {  	_ =	shalt  }
0x4b: {  	_ =	shalt  }
0x4c: {  	_ =	shalt  }
0x4d: {  	_ =	shalt  }
0x4e: {  	_ =	shalt  }
0x4f: {  	_ =	shalt  }
0x50: {  	_ =	shalt  }
0x51: {  	_ =	shalt  }
0x52: {  	_ =	shalt  }
0x53: {  	_ =	shalt  }
0x54: {  	_ =	shalt  }
0x55: {  	_ =	shalt  }
0x56: {  	_ =	shalt  }
0x57: {  	_ =	shalt  }
0x58: {  	_ =	shalt  }
0x59: {  	_ =	shalt  }
0x5a: {  	_ =	shalt  }
0x5b: {  	_ =	shalt  }
0x5c: {  	_ =	shalt  }
0x5d: {  	_ =	shalt  }
0x5e: {  	_ =	shalt  }
0x5f: {  	_ =	shalt  }
0x60: {  	_ =	shalt  }
0x61: {  	_ =	shalt  }
0x62: {  	_ =	shalt  }
0x63: {  	_ =	shalt  }
0x64: {  	_ =	shalt  }
0x65: {  	_ =	shalt  }
0x66: {  	_ =	shalt  }
0x67: {  	_ =	shalt  }
0x68: {  	_ =	shalt  }
0x69: {  	_ =	shalt  }
0x6a: {  	_ =	shalt  }
0x6b: {  	_ =	shalt  }
0x6c: {  	_ =	shalt  }
0x6d: {  	_ =	shalt  }
0x6e: {  	_ =	shalt  }
0x6f: {  	_ =	shalt  }
0x70: {  	_ =	shalt  }
0x71: {  	_ =	shalt  }
0x72: {  	_ =	shalt  }
0x73: {  	_ =	shalt  }
0x74: {  	_ =	shalt  }
0x75: {  	_ =	shalt  }
0x76: {  	_ =	shalt  }
0x77: {  	_ =	shalt  }
0x78: {  	_ =	shalt  }
0x79: {  	_ =	shalt  }
0x7a: {  	_ =	shalt  }
0x7b: {  	_ =	shalt  }
0x7c: {  	_ =	shalt  }
0x7d: {  	_ =	shalt  }
0x7e: {  	_ =	shalt  }
0x7f: {  	_ =	shalt  }
0x80: {  	_ =	shalt  }
0x81: {  	_ =	shalt  }
0x82: {  	_ =	shalt  }
0x83: {  	_ =	shalt  }
0x84: {  	_ =	shalt  }
0x85: {  	_ =	shalt  }
0x86: {  	_ =	shalt  }
0x87: {  	_ =	shalt  }
.Lfunc_end0:
.L_simem_size_0:
called_computation.1_lowered:
.L_overlay_start_0:
0x88: {  	s2 =	sld [smem:$0x3FD9]  }
0x89: {  	s3 =	sld [smem:$0x3FFE];
	_ =	sdelay $0x1  }
0x8a: {  	s1 =	srdreg.scid  }
0x8b: {  	s0 =	sand.u32 $0x1, s1  }
0x8c: {  	s17 =	sshll.u32 s0, $0xA;
	s2 =	sadd.s32 s3, s2  }
0x8d: {  	s2 =	sadd.s32 s2, s17  }
0x8e: {  	[smem:$0x3FBB] =	sst s2  }
0x8f: {  	_ = 	snop  }
0x90: {  	s2 =	sld [smem:$0x3FD0];
	(tm) =	ssettm $0x1  }
0x91: {  	s18 =	sld [smem:$0x3FFB];
	_ =	sdelay $0x3  }
0x92: {  	_ =	strace s18  }
0x93: {  	s3 =	sld [smem:$0x3FFC];
	_ =	sdelay $0x3  }
0x94: {  	_ =	strace s3  }
0x95: {  	s3 =	sld [smem:$0x3FFD];
	_ =	sdelay $0x3  }
0x96: {  	_ =	strace s3  }
0x97: {  	_ =	strace $0x8FFFFFFF  }
0x98: {  	s19 =	sld [smem:$0x3FDB];
	_ =	sdelay $0x1  }
0x99: {  	s4 =	simm.s32 $_scs_section_size  }
0x9a: {  	s5 =	simm.s32 $_size__tile_overlayer_lowered;
	s6 =	simm.s32 $_tile_overlayer_lowered  }
0x9b: {  	s22 =	simm.s32 $0x1BFF;
	s21 =	sshll.u32 s6, $0x1;
	s3 =	sadd.s32 s4, s19  }
0x9c: {  	s7 =	simm.s32 $0x0;
	s20 =	sshll.u32 s5, $0x1;
	s5 =	sadd.s32 s21, s3  }
0x9d: {  	[timem:s7], [sflag:s22] =	dma.local [hbm:s5], s20  }
0x9e: {  	_ =	swait.ge [sflag:s22], s20  }
0x9f: {  	s4 =	ssub.s32 $0x0, s20;
	[sflag:s22] =	ssyncset.done $0x0  }
0xa0: {  	[sflag:s22] =	ssyncadd.s32 s4;
	_ =	sdelay $0x1  }
0xa1: {  	s23 =	simm.s32 $0x1B8B  }
0xa2: {  	_ =	swait.ge [sflag:s23], $0x1  }
0xa3: {  	[sflag:s23] =	ssyncset.done $0x0  }
0xa4: {  	s25 =	simm.s32 $0x1B8E;
	s24 =	sld [smem:$0x3FFE];
	[sflag:s23] =	ssyncadd.s32 $0xFFFFFFFF  }
0xa5: {  	s26 =	simm.s32 $execute0_lowered;
	[smem:$0x3FD2] =	sst s25  }
0xa6: {  	s5 =	sshll.u32 s26, $0x1;
	_ =	strace $0x80000049;
	[dreg:$0x1] =	wrdreg $0xFFFFFFFF  }
0xa7: {  	s28 =	simm.s32 $_size_execute0_lowered;
	s3 =	sadd.s32 s3, s5;
	[dreg:$0x0] =	wrdreg $0x0  }
0xa8: {  	s5 =	sshll.u32 s28, $0x1;
	[dreg:$0x2] =	wrdreg s3  }
0xa9: {  	[dreg:$0x3] =	wrdreg s5  }
0xaa: {  	[dreg:$0x4] =	wrdreg $0xC0  }
0xab: {  	_ =	task [dreg:s7], $0x5FFFF  }
0xac: {  	[dreg:$0x1] =	wrdreg $0xFFFFFFFF  }
0xad: {  	[dreg:$0x0] =	wrdreg $0x60  }
0xae: {  	[dreg:$0x2] =	wrdreg s24  }
0xaf: {  	[dreg:$0x3] =	wrdreg s2  }
0xb0: {  	[dreg:$0x4] =	wrdreg $0x0  }
0xb1: {  	[dreg:$0x5] =	wrdreg $0x9  }
0xb2: {  	_ =	task.clear_ibuf [dreg:s7], $0x6FFFF;
	_ =	strace $0x90000049  }
0xb3: {  	s29 =	simm.s32 $0x9;
	_ =	strace $0x8000004B  }
0xb4: {  	_ =	swait.ge [sflag:s29], $0x1  }
0xb5: {  	[sflag:s29] =	ssyncadd.s32 $0xFFFFFFFF  }
0xb6: {  	_ =	strace $0x9000004B  }
0xb7: {  	_ =	sfence  }
0xb8: {  	s30 =	sld [smem:$0x0];
	_ =	sdelay $0x2  }
0xb9: {  	s31 =	sshll.u32 s1, $0xD;
	s1 =	sshrl.u32 s1, $0x2  }
0xba: {  	s3 =	sand.u32 $0x4000, s31;
	s1 =	sadd.s32 s1, s30  }
0xbb: {  	s0 =	sor.u32 s3, s0;
	s1 =	sshll.u32 s1, $0x11  }
0xbc: {  	s0 =	sor.u32 s1, s0  }
0xbd: {  	s0 =	sadd.s32 $0x8F2B, s0  }
0xbe: {  	[sflag:s0] =	ssyncadd.remote.s32 $0x1  }
0xbf: {  	_ =	sfence.sel $0xFFFF  }
0xc0: {  	[dreg:$0x0] =	wrdreg $0xFFFFFFFF;
	(pc) =	sbr.abs _section_cstart, $3  }
0xc1: {  	[dreg:$0x1] =	wrdreg $0xFFFFFFFF  }
0xc2: {  	_ =	task.clear_ibuf [dreg:s7], $0x2FFFF;
	_ =	strace $0x9FFFFFFF  }
0xc3: {  	(tm) =	ssettm $0x7FFFFFFF  }
tec
execute0_lowered:
.L_overlay_start_1:
0x0: {  	(tag) =	ssettag $0x1  }
0x1: {  	s0 =	rddreg [dreg:$0x0]  }
0x2: {  	s1 =	rddreg [dreg:$0x1]  }
0x3: {  	s2 =	rddreg [dreg:$0x2]  }
0x4: {  	s3 =	srdreg.scid;
	s4 =	simm.s32 $0x0;
	s12 =	stileid.u32  }
0x5: {  	s28 =	simm.s32 $0x13880;
	s29 =	simm.s32 $0x7;
	s30 =	simm.s32 $0x1D880  }
0x6: {  	s31 =	simm.s32 $0x1D920;
	s3 =	sand.u32 $0x1, s3;
	[smem:$0x7FF] =	sst s4  }
0x7: {  	s8 =	smul.u32 $0x13800, s12;
	s5 =	sadd.s32 $0x4BC00, s0;
	s6 =	sadd.s32 $0xE400, s0  }
0x8: {  	s7 =	smul.u32 $0x138800, s3;
	_ =	strace $0x8000004A;
	s9 =	sshll.u32 s3, $0x4  }
0x9: {  	s3 =	ssub.s32 $0x2, s3;
	s9 =	sor.u32 s12, s9;
	s12 =	smul.u32 $0x4E000, s12  }
0xa: {  	s25 =	sshrl.u32 s3, $0x1;
	s19 =	sadd.s32 s8, s2;
	s11 =	smul.u32 $0x2710, s9  }
0xb: {  	s7 =	sadd.s32 s8, s7;
	s3 =	ssub.s32 s3, s25;
	s9 =	smul.u32 $0x27100, s9  }
0xc: {  	s8 =	simm.s32 $0x1D970;
	s10 =	sshrl.u32 s7, $0x3;
	s7 =	sadd.s32 $0x4600, s0  }
0xd: {  	s18 =	sshrl.u32 s12, $0x2;
	s3 =	smax.u32 s3, $0x1;
	s12 =	simm.s32 $0x2  }
0xe: {  	s26 =	sshrl.u32 s11, $0x3;
	s9 =	sadd.s32 s5, s9;
	[dreg:$0xc] =	wrdreg s3  }
0xf: {  	s0 =	sadd.s32 s10, s0;
	s13 =	sadd.s32 s6, s26;
	[dreg:$0x6] =	wrdreg s9  }
0x10: {  	s14 =	sadd.s32 $0x50, s11;
	s10 =	sadd.s32 s7, s26;
	[dreg:$0x4] =	wrdreg s13  }
0x11: {  	s15 =	sshrl.u32 s14, $0x3;
	s0 =	sadd.s32 $0x52DC00, s0;
	[dreg:$0x5] =	wrdreg s10  }
0x12: {  	s3 =	simm.s32 $0x1D8D0;
	s16 =	sadd.s32 s6, s15;
	[dreg:$0xa] =	wrdreg s0  }
0x13: {  	s17 =	sshll.u32 s14, $0x4;
	s9 =	sadd.s32 s7, s15;
	[dreg:$0x7] =	wrdreg s16  }
0x14: {  	s14 =	sadd.s32 $0xA0, s11;
	s0 =	sshrl.u32 s19, $0x3;
	[dreg:$0x8] =	wrdreg s9  }
0x15: {  	s15 =	sadd.s32 $0xF0, s11;
	s9 =	sadd.s32 s5, s17;
	[dreg:$0x13] =	wrdreg s0  }
0x16: {  	s10 =	simm.s32 $0x1;
	[dreg:$0x9] =	wrdreg s9;
	s9 =	sadd.s32 s18, s2  }
0x17: {  	s11 =	simm.s32 $0x50;
	s20 =	sadd.s32 $0x2800, s9;
	[dreg:$0xb] =	wrdreg s9  }
0x18: {  	s13 =	simm.s32 $0x16080;
	s21 =	sadd.s32 $0x5000, s9;
	[dreg:$0xd] =	wrdreg s20  }
0x19: {  	s19 =	simm.s32 $0x6;
	s22 =	sadd.s32 $0x7800, s9;
	[dreg:$0xe] =	wrdreg s21  }
0x1a: {  	s0 =	simm.s32 $0x18880;
	s23 =	sadd.s32 $0xA000, s9;
	[dreg:$0xf] =	wrdreg s22  }
0x1b: {  	s16 =	simm.s32 $0x5;
	s24 =	sadd.s32 $0xC800, s9;
	[dreg:$0x10] =	wrdreg s23  }
0x1c: {  	s18 =	simm.s32 $0x3;
	s25 =	sadd.s32 $0xF000, s9;
	[dreg:$0x11] =	wrdreg s24  }
0x1d: {  	s26 =	sadd.s32 $0x11800, s9;
	s9 =	simm.s32 $0x1B080;
	[dreg:$0x12] =	wrdreg s25  }
0x1e: {  	v0 =	vimm.f32 $0.0e+00;
	[dreg:$0x14] =	wrdreg s26;
	s20 =	simm.s32 $0x4;
	s21 =	simm.s32 $0x0  }
.LBB2_1:
0x1f: {  	s17 =	simm.s32 $0x13980  }
0x20: {  	[tilespmem:s17+$0xFFFFFF00] =	vst v0  }
0x21: {  	[tilespmem:s17+$0xF0] =	vst v0  }
0x22: {  	[tilespmem:s17+$0xE0] =	vst v0  }
0x23: {  	[tilespmem:s17+$0xD0] =	vst v0  }
0x24: {  	[tilespmem:s17+$0xC0] =	vst v0  }
0x25: {  	[tilespmem:s17+$0xB0] =	vst v0  }
0x26: {  	[tilespmem:s17+$0xA0] =	vst v0  }
0x27: {  	[tilespmem:s17+$0x90] =	vst v0  }
0x28: {  	[tilespmem:s17+$0x80] =	vst v0  }
0x29: {  	[tilespmem:s17+$0x70] =	vst v0  }
0x2a: {  	[tilespmem:s17+$0x60] =	vst v0  }
0x2b: {  	[tilespmem:s17+$0x50] =	vst v0  }
0x2c: {  	[tilespmem:s17+$0x40] =	vst v0  }
0x2d: {  	[tilespmem:s17+$0x30] =	vst v0  }
0x2e: {  	[tilespmem:s17+$0x20] =	vst v0  }
0x2f: {  	[tilespmem:s17+$0x10] =	vst v0  }
0x30: {  	[tilespmem:s17+$0x0] =	vst v0  }
0x31: {  	[tilespmem:s17+$0xFFFFFFF0] =	vst v0  }
0x32: {  	[tilespmem:s17+$0xFFFFFFE0] =	vst v0  }
0x33: {  	[tilespmem:s17+$0xFFFFFFD0] =	vst v0  }
0x34: {  	[tilespmem:s17+$0xFFFFFFC0] =	vst v0  }
0x35: {  	[tilespmem:s17+$0xFFFFFFB0] =	vst v0  }
0x36: {  	[tilespmem:s17+$0xFFFFFFA0] =	vst v0  }
0x37: {  	[tilespmem:s17+$0xFFFFFF90] =	vst v0  }
0x38: {  	[tilespmem:s17+$0xFFFFFF80] =	vst v0  }
0x39: {  	[tilespmem:s17+$0xFFFFFF70] =	vst v0  }
0x3a: {  	[tilespmem:s17+$0xFFFFFF60] =	vst v0  }
0x3b: {  	[tilespmem:s17+$0xFFFFFF50] =	vst v0  }
0x3c: {  	[tilespmem:s17+$0xFFFFFF40] =	vst v0  }
0x3d: {  	[tilespmem:s17+$0xFFFFFF30] =	vst v0  }
0x3e: {  	s22 =	simm.s32 $0x0;
	[tilespmem:s17+$0xFFFFFF20] =	vst v0  }
.LBB2_2:
0x3f: {  	s22 =	sadd.s32 $0x4, s22;
	[tilespmem:s17+$0xFFFFFF10] =	vst v0;
	s17 =	sadd.s32 $0x200, s17  }
0x40: {  	[tilespmem:s17+$0xFFFFFF00] =	vst v0;
	p0 =	slt.u32 s22, $0x4C  }
0x41: {  	[tilespmem:s17+$0xF0] =	vst v0  }
0x42: {  	[tilespmem:s17+$0xE0] =	vst v0  }
0x43: {  	[tilespmem:s17+$0xD0] =	vst v0  }
0x44: {  	[tilespmem:s17+$0xC0] =	vst v0  }
0x45: {  	[tilespmem:s17+$0xB0] =	vst v0  }
0x46: {  	[tilespmem:s17+$0xA0] =	vst v0  }
0x47: {  	[tilespmem:s17+$0x90] =	vst v0  }
0x48: {  	[tilespmem:s17+$0x80] =	vst v0  }
0x49: {  	[tilespmem:s17+$0x70] =	vst v0  }
0x4a: {  	[tilespmem:s17+$0x60] =	vst v0  }
0x4b: {  	[tilespmem:s17+$0x50] =	vst v0  }
0x4c: {  	[tilespmem:s17+$0x40] =	vst v0  }
0x4d: {  	[tilespmem:s17+$0x30] =	vst v0  }
0x4e: {  	[tilespmem:s17+$0x20] =	vst v0  }
0x4f: {  	[tilespmem:s17+$0x10] =	vst v0  }
0x50: {  	[tilespmem:s17+$0x0] =	vst v0  }
0x51: {  	[tilespmem:s17+$0xFFFFFFF0] =	vst v0  }
0x52: {  	[tilespmem:s17+$0xFFFFFFE0] =	vst v0  }
0x53: {  	[tilespmem:s17+$0xFFFFFFD0] =	vst v0  }
0x54: {  	[tilespmem:s17+$0xFFFFFFC0] =	vst v0  }
0x55: {  	[tilespmem:s17+$0xFFFFFFB0] =	vst v0  }
0x56: {  	[tilespmem:s17+$0xFFFFFFA0] =	vst v0  }
0x57: {  	[tilespmem:s17+$0xFFFFFF90] =	vst v0  }
0x58: {  	[tilespmem:s17+$0xFFFFFF80] =	vst v0  }
0x59: {  	[tilespmem:s17+$0xFFFFFF70] =	vst v0  }
.Ltmp0:
0x5a: {  	[tilespmem:s17+$0xFFFFFF60] =	vst v0;
	(pc) =	sbr.rel @p0 .LBB2_2-.Ltmp0, $4  }
0x5b: {  	[tilespmem:s17+$0xFFFFFF50] =	vst v0  }
0x5c: {  	[tilespmem:s17+$0xFFFFFF40] =	vst v0  }
0x5d: {  	[tilespmem:s17+$0xFFFFFF30] =	vst v0  }
0x5e: {  	[tilespmem:s17+$0xFFFFFF20] =	vst v0  }
0x5f: {  	[tilespmem:s17+$0xFFFFFF10] =	vst v0  }
0x60: {  	s17 =	rddreg [dreg:$0xb]  }
0x61: {  	[spmem:s17] =	stream.linear.scatter [tilespmem:s28], [sflag:$0x7], $0x2800, $0x38;
	[tilespmem:$0x1D9C0] =	vst v63  }
0x62: {  	_ =	swait.ge [sflag:s29], $0x2800  }
0x63: {  	[sflag:s29] =	ssyncset.done $0x0  }
0x64: {  	s23 =	rddreg [dreg:$0xd];
	[sflag:s29] =	ssyncadd.s32 $0xFFFFD800  }
0x65: {  	[spmem:s23] =	stream.linear.scatter [tilespmem:s28], [sflag:$0x7], $0x2800, $0x38;
	[tilespmem:$0x1D9C0] =	vst v63  }
0x66: {  	_ =	swait.ge [sflag:s29], $0x2800  }
0x67: {  	[sflag:s29] =	ssyncset.done $0x0  }
0x68: {  	s24 =	rddreg [dreg:$0xe];
	[sflag:s29] =	ssyncadd.s32 $0xFFFFD800  }
0x69: {  	[spmem:s24] =	stream.linear.scatter [tilespmem:s28], [sflag:$0x7], $0x2800, $0x38;
	[tilespmem:$0x1D9C0] =	vst v63  }
0x6a: {  	_ =	swait.ge [sflag:s29], $0x2800  }
0x6b: {  	[sflag:s29] =	ssyncset.done $0x0  }
0x6c: {  	s25 =	rddreg [dreg:$0xf];
	[sflag:s29] =	ssyncadd.s32 $0xFFFFD800  }
0x6d: {  	[spmem:s25] =	stream.linear.scatter [tilespmem:s28], [sflag:$0x7], $0x2800, $0x38;
	[tilespmem:$0x1D9C0] =	vst v63  }
0x6e: {  	_ =	swait.ge [sflag:s29], $0x2800  }
0x6f: {  	[sflag:s29] =	ssyncset.done $0x0  }
0x70: {  	s26 =	rddreg [dreg:$0x10];
	[sflag:s29] =	ssyncadd.s32 $0xFFFFD800  }
0x71: {  	[spmem:s26] =	stream.linear.scatter [tilespmem:s28], [sflag:$0x7], $0x2800, $0x38;
	[tilespmem:$0x1D9C0] =	vst v63  }
0x72: {  	_ =	swait.ge [sflag:s29], $0x2800  }
0x73: {  	[sflag:s29] =	ssyncset.done $0x0  }
0x74: {  	s22 =	rddreg [dreg:$0x11];
	[sflag:s29] =	ssyncadd.s32 $0xFFFFD800  }
0x75: {  	[spmem:s22] =	stream.linear.scatter [tilespmem:s28], [sflag:$0x7], $0x2800, $0x38;
	[tilespmem:$0x1D9C0] =	vst v63  }
0x76: {  	_ =	swait.ge [sflag:s29], $0x2800  }
0x77: {  	[sflag:s29] =	ssyncset.done $0x0  }
0x78: {  	s23 =	rddreg [dreg:$0x12];
	[sflag:s29] =	ssyncadd.s32 $0xFFFFD800  }
0x79: {  	[spmem:s23] =	stream.linear.scatter [tilespmem:s28], [sflag:$0x7], $0x2800, $0x38;
	[tilespmem:$0x1D9C0] =	vst v63  }
0x7a: {  	_ =	swait.ge [sflag:s29], $0x2800  }
0x7b: {  	[sflag:s29] =	ssyncset.done $0x0  }
0x7c: {  	s24 =	rddreg [dreg:$0x14];
	[sflag:s29] =	ssyncadd.s32 $0xFFFFD800  }
0x7d: {  	[spmem:s24] =	stream.linear.scatter [tilespmem:s28], [sflag:$0x7], $0x2800, $0x38;
	[tilespmem:$0x1D9C0] =	vst v63  }
0x7e: {  	_ =	swait.ge [sflag:s29], $0x2800  }
0x7f: {  	[sflag:s29] =	ssyncset.done $0x0  }
0x80: {  	[sflag:s29] =	ssyncadd.s32 $0xFFFFD800  }
0x81: {  	[bflag:$0x0] =	sbarrier.arrive $0xFFFF  }
0x82: {  	s22 =	simm.s32 $0x0;
	s25 =	rddreg [dreg:$0x4]  }
0x83: {  	[tilespmem:s30], [sflag:$0x1] =	stream.linear.gather [hbm4b:s25+s22], $0x50, $0x38;
	[tilespmem:$0x1D9C0] =	vst v63  }
0x84: {  	s26 =	rddreg [dreg:$0x5]  }
0x85: {  	[tilespmem:s31], [sflag:$0x1] =	stream.linear.gather [hbm4b:s26+s22], $0x50, $0x38;
	[tilespmem:$0x1D9C0] =	vst v63  }
0x86: {  	s23 =	rddreg [dreg:$0x6]  }
0x87: {  	[tilespmem:s0], [sflag:$0x3] =	stream.linear.gather [hbm4b:s23+s22], $0x2800, $0x38;
	[tilespmem:$0x1D9C0] =	vst v63  }
0x88: {  	s24 =	rddreg [dreg:$0x7]  }
0x89: {  	[tilespmem:s3], [sflag:$0x2] =	stream.linear.gather [hbm4b:s24+s22], $0x50, $0x38;
	[tilespmem:$0x1D9C0] =	vst v63  }
0x8a: {  	s25 =	rddreg [dreg:$0x8]  }
0x8b: {  	[tilespmem:s8], [sflag:$0x2] =	stream.linear.gather [hbm4b:s25+s22], $0x50, $0x38;
	[tilespmem:$0x1D9C0] =	vst v63  }
0x8c: {  	s26 =	rddreg [dreg:$0x9]  }
0x8d: {  	[tilespmem:s9], [sflag:$0x4] =	stream.linear.gather [hbm4b:s26+s22], $0x2800, $0x38;
	[tilespmem:$0x1D9C0] =	vst v63  }
0x8e: {  	_ =	swait.ge [sflag:s10], $0x50  }
0x8f: {  	[sflag:s10] =	ssyncset.done $0x0  }
0x90: {  	[sflag:s10] =	ssyncadd.s32 $0xFFFFFFB0  }
0x91: {  	_ =	swait.ge [sflag:s10], $0x50  }
0x92: {  	[sflag:s10] =	ssyncset.done $0x0  }
0x93: {  	[sflag:s10] =	ssyncadd.s32 $0xFFFFFFB0  }
0x94: {  	[tilespmem:s28], [sflag:$0x5] =	stream.indirect.gather [hbm4b:s1+s11], $0x80, s30, s11, $0xb8;
	[tilespmem:$0x1D9C0] =	vst v63  }
.LBB2_4:
0x95: {  	_ =	swait.ge [sflag:s12], $0x50  }
0x96: {  	[sflag:s12] =	ssyncset.done $0x0  }
0x97: {  	[sflag:s12] =	ssyncadd.s32 $0xFFFFFFB0  }
0x98: {  	_ =	swait.ge [sflag:s12], $0x50  }
0x99: {  	[sflag:s12] =	ssyncset.done $0x0  }
0x9a: {  	[sflag:s12] =	ssyncadd.s32 $0xFFFFFFB0  }
0x9b: {  	[tilespmem:s13], [sflag:$0x6] =	stream.indirect.gather [hbm4b:s1+s11], $0x80, s3, s11, $0xb8;
	[tilespmem:$0x1D9C0] =	vst v63  }
0x9c: {  	_ =	swait.ge [sflag:s16], $0x2800  }
0x9d: {  	[sflag:s16] =	ssyncset.done $0x0  }
0x9e: {  	[sflag:s16] =	ssyncadd.s32 $0xFFFFD800  }
0x9f: {  	_ =	swait.ge [sflag:s18], $0x2800  }
0xa0: {  	[sflag:s18] =	ssyncset.done $0x0  }
0xa1: {  	s23 =	simm.s32 $0x13980;
	[sflag:s18] =	ssyncadd.s32 $0xFFFFD800  }
0xa2: {  	s24 =	simm.s32 $0x18980;
	v1 =	vld [tilespmem:s23+$0x80]  }
0xa3: {  	v2 =	vld [tilespmem:s24+$0x80]  }
0xa4: {  	v3 =	vld [tilespmem:s23+$0xFFFFFF80]  }
0xa5: {  	v4 =	vld [tilespmem:s24+$0xFFFFFF80]  }
0xa6: {  	v5 =	vld [tilespmem:s23+$0x0]  }
0xa7: {  	v6 =	vld [tilespmem:s24+$0x0]  }
0xa8: {  	v7 =	vld [tilespmem:s23+$0xFFFFFF00];
	v1 =	vmul.f32 v2, v1  }
0xa9: {  	v2 =	vld [tilespmem:s24+$0xFFFFFF00]  }
0xaa: {  	[tilespmem:s23+$0x80] =	vst v1;
	v1 =	vld [tilespmem:s23+$0x90]  }
0xab: {  	v3 =	vmul.f32 v4, v3;
	v4 =	vld [tilespmem:s24+$0x90]  }
0xac: {  	v8 =	vld [tilespmem:s23+$0xFFFFFF10]  }
0xad: {  	[tilespmem:s23+$0xFFFFFF80] =	vst v3;
	v3 =	vmul.f32 v6, v5;
	v5 =	vld [tilespmem:s23+$0xFFFFFF90]  }
0xae: {  	v6 =	vld [tilespmem:s24+$0xFFFFFF90];
	v2 =	vmul.f32 v2, v7  }
0xaf: {  	[tilespmem:s23+$0x0] =	vst v3;
	v3 =	vld [tilespmem:s23+$0x10]  }
0xb0: {  	v7 =	vld [tilespmem:s24+$0x10];
	[tilespmem:s23+$0xFFFFFF00] =	vst v2;
	v1 =	vmul.f32 v4, v1  }
0xb1: {  	v2 =	vld [tilespmem:s24+$0xFFFFFF10]  }
0xb2: {  	[tilespmem:s23+$0x90] =	vst v1;
	v1 =	vld [tilespmem:s23+$0xA0]  }
0xb3: {  	v4 =	vmul.f32 v6, v5;
	v5 =	vld [tilespmem:s24+$0xA0]  }
0xb4: {  	v6 =	vld [tilespmem:s23+$0xFFFFFF20]  }
0xb5: {  	[tilespmem:s23+$0xFFFFFF90] =	vst v4;
	v3 =	vmul.f32 v7, v3;
	v4 =	vld [tilespmem:s23+$0xFFFFFFA0]  }
0xb6: {  	v7 =	vld [tilespmem:s24+$0xFFFFFFA0];
	v2 =	vmul.f32 v2, v8  }
0xb7: {  	[tilespmem:s23+$0x10] =	vst v3;
	v3 =	vld [tilespmem:s23+$0x20]  }
0xb8: {  	v8 =	vld [tilespmem:s24+$0x20];
	[tilespmem:s23+$0xFFFFFF10] =	vst v2;
	v1 =	vmul.f32 v5, v1  }
0xb9: {  	v2 =	vld [tilespmem:s24+$0xFFFFFF20]  }
0xba: {  	[tilespmem:s23+$0xA0] =	vst v1;
	v1 =	vld [tilespmem:s23+$0xB0]  }
0xbb: {  	v4 =	vmul.f32 v7, v4;
	v5 =	vld [tilespmem:s24+$0xB0]  }
0xbc: {  	v7 =	vld [tilespmem:s23+$0xFFFFFF30]  }
0xbd: {  	[tilespmem:s23+$0xFFFFFFA0] =	vst v4;
	v3 =	vmul.f32 v8, v3;
	v4 =	vld [tilespmem:s23+$0xFFFFFFB0]  }
0xbe: {  	v8 =	vld [tilespmem:s24+$0xFFFFFFB0];
	v2 =	vmul.f32 v2, v6  }
0xbf: {  	[tilespmem:s23+$0x20] =	vst v3;
	v3 =	vld [tilespmem:s23+$0x30]  }
0xc0: {  	v6 =	vld [tilespmem:s24+$0x30];
	[tilespmem:s23+$0xFFFFFF20] =	vst v2;
	v1 =	vmul.f32 v5, v1  }
0xc1: {  	v2 =	vld [tilespmem:s24+$0xFFFFFF30]  }
0xc2: {  	[tilespmem:s23+$0xB0] =	vst v1;
	v1 =	vld [tilespmem:s23+$0xC0]  }
0xc3: {  	v4 =	vmul.f32 v8, v4;
	v5 =	vld [tilespmem:s24+$0xC0]  }
0xc4: {  	v8 =	vld [tilespmem:s23+$0xFFFFFF40]  }
0xc5: {  	[tilespmem:s23+$0xFFFFFFB0] =	vst v4;
	v3 =	vmul.f32 v6, v3;
	v4 =	vld [tilespmem:s23+$0xFFFFFFC0]  }
0xc6: {  	v6 =	vld [tilespmem:s24+$0xFFFFFFC0];
	v2 =	vmul.f32 v2, v7  }
0xc7: {  	[tilespmem:s23+$0x30] =	vst v3;
	v3 =	vld [tilespmem:s23+$0x40]  }
0xc8: {  	v7 =	vld [tilespmem:s24+$0x40];
	[tilespmem:s23+$0xFFFFFF30] =	vst v2;
	v1 =	vmul.f32 v5, v1  }
0xc9: {  	v2 =	vld [tilespmem:s24+$0xFFFFFF40]  }
0xca: {  	[tilespmem:s23+$0xC0] =	vst v1;
	v1 =	vld [tilespmem:s23+$0xD0]  }
0xcb: {  	v4 =	vmul.f32 v6, v4;
	v5 =	vld [tilespmem:s24+$0xD0]  }
0xcc: {  	v6 =	vld [tilespmem:s23+$0xFFFFFF50]  }
0xcd: {  	[tilespmem:s23+$0xFFFFFFC0] =	vst v4;
	v3 =	vmul.f32 v7, v3;
	v4 =	vld [tilespmem:s23+$0xFFFFFFD0]  }
0xce: {  	v7 =	vld [tilespmem:s24+$0xFFFFFFD0];
	v2 =	vmul.f32 v2, v8  }
0xcf: {  	[tilespmem:s23+$0x40] =	vst v3;
	v3 =	vld [tilespmem:s23+$0x50]  }
0xd0: {  	v8 =	vld [tilespmem:s24+$0x50];
	[tilespmem:s23+$0xFFFFFF40] =	vst v2;
	v1 =	vmul.f32 v5, v1  }
0xd1: {  	v2 =	vld [tilespmem:s24+$0xFFFFFF50]  }
0xd2: {  	[tilespmem:s23+$0xD0] =	vst v1;
	v1 =	vld [tilespmem:s23+$0xE0]  }
0xd3: {  	v4 =	vmul.f32 v7, v4;
	v5 =	vld [tilespmem:s24+$0xE0]  }
0xd4: {  	v7 =	vld [tilespmem:s23+$0xFFFFFF60]  }
0xd5: {  	[tilespmem:s23+$0xFFFFFFD0] =	vst v4;
	v3 =	vmul.f32 v8, v3;
	v4 =	vld [tilespmem:s23+$0xFFFFFFE0]  }
0xd6: {  	v8 =	vld [tilespmem:s24+$0xFFFFFFE0];
	v2 =	vmul.f32 v2, v6  }
0xd7: {  	[tilespmem:s23+$0x50] =	vst v3;
	v3 =	vld [tilespmem:s23+$0x60]  }
0xd8: {  	v6 =	vld [tilespmem:s24+$0x60];
	[tilespmem:s23+$0xFFFFFF50] =	vst v2;
	v1 =	vmul.f32 v5, v1  }
0xd9: {  	v5 =	vld [tilespmem:s24+$0xFFFFFF60]  }
0xda: {  	v9 =	vld [tilespmem:s23+$0xF0];
	[tilespmem:s23+$0xE0] =	vst v1  }
0xdb: {  	v2 =	vmul.f32 v8, v4;
	v8 =	vld [tilespmem:s24+$0xF0]  }
0xdc: {  	v1 =	vld [tilespmem:s23+$0xFFFFFF70]  }
0xdd: {  	[tilespmem:s23+$0xFFFFFFE0] =	vst v2;
	v3 =	vmul.f32 v6, v3;
	v2 =	vld [tilespmem:s23+$0xFFFFFFF0]  }
0xde: {  	v4 =	vld [tilespmem:s24+$0xFFFFFFF0];
	v5 =	vmul.f32 v5, v7  }
0xdf: {  	[tilespmem:s23+$0x60] =	vst v3;
	v3 =	vld [tilespmem:s23+$0x70]  }
0xe0: {  	[tilespmem:s23+$0xFFFFFF60] =	vst v5;
	v5 =	vld [tilespmem:s24+$0x70];
	v7 =	vmul.f32 v8, v9  }
0xe1: {  	s25 =	simm.s32 $0x0;
	s26 =	simm.s32 $0x13B80;
	v6 =	vld [tilespmem:s24+$0xFFFFFF70]  }
.LBB2_5:
0xe2: {  	v8 =	vld [tilespmem:s26+$0x80];
	[tilespmem:s23+$0xF0] =	vst v7;
	s24 =	sadd.s32 $0x200, s24  }
0xe3: {  	s25 =	sadd.s32 $0x4, s25;
	v7 =	vld [tilespmem:s24+$0x80];
	v2 =	vmul.f32 v4, v2  }
0xe4: {  	p0 =	slt.u32 s25, $0x4C;
	v4 =	vld [tilespmem:s24+$0xFFFFFF00]  }
0xe5: {  	v9 =	vld [tilespmem:s26+$0xFFFFFF80];
	[tilespmem:s23+$0xFFFFFFF0] =	vst v2;
	v2 =	vmul.f32 v5, v3  }
0xe6: {  	v3 =	vld [tilespmem:s24+$0xFFFFFF80];
	v1 =	vmul.f32 v6, v1  }
0xe7: {  	v5 =	vld [tilespmem:s26+$0x0];
	[tilespmem:s23+$0x70] =	vst v2  }
0xe8: {  	v2 =	vld [tilespmem:s24+$0x0];
	v6 =	vmul.f32 v7, v8;
	[tilespmem:s23+$0xFFFFFF70] =	vst v1;
	s23 =	smov.u32 s26  }
0xe9: {  	v1 =	vld [tilespmem:s26+$0xFFFFFF00]  }
0xea: {  	[tilespmem:s26+$0x80] =	vst v6;
	v6 =	vld [tilespmem:s26+$0x90]  }
0xeb: {  	v3 =	vmul.f32 v3, v9;
	v7 =	vld [tilespmem:s24+$0x90]  }
0xec: {  	v8 =	vld [tilespmem:s26+$0xFFFFFF10]  }
0xed: {  	[tilespmem:s26+$0xFFFFFF80] =	vst v3;
	v3 =	vld [tilespmem:s26+$0xFFFFFF90];
	v2 =	vmul.f32 v2, v5  }
0xee: {  	v1 =	vmul.f32 v4, v1;
	v4 =	vld [tilespmem:s24+$0xFFFFFF90]  }
0xef: {  	[tilespmem:s26+$0x0] =	vst v2;
	v2 =	vld [tilespmem:s26+$0x10]  }
0xf0: {  	[tilespmem:s26+$0xFFFFFF00] =	vst v1;
	v1 =	vld [tilespmem:s24+$0x10];
	v5 =	vmul.f32 v7, v6  }
0xf1: {  	v6 =	vld [tilespmem:s24+$0xFFFFFF10]  }
0xf2: {  	[tilespmem:s26+$0x90] =	vst v5;
	v5 =	vld [tilespmem:s26+$0xA0]  }
0xf3: {  	v3 =	vmul.f32 v4, v3;
	v4 =	vld [tilespmem:s24+$0xA0]  }
0xf4: {  	v7 =	vld [tilespmem:s26+$0xFFFFFF20]  }
0xf5: {  	[tilespmem:s26+$0xFFFFFF90] =	vst v3;
	v3 =	vld [tilespmem:s26+$0xFFFFFFA0];
	v1 =	vmul.f32 v1, v2  }
0xf6: {  	v2 =	vmul.f32 v6, v8;
	v6 =	vld [tilespmem:s24+$0xFFFFFFA0]  }
0xf7: {  	[tilespmem:s26+$0x10] =	vst v1;
	v1 =	vld [tilespmem:s26+$0x20]  }
0xf8: {  	[tilespmem:s26+$0xFFFFFF10] =	vst v2;
	v2 =	vld [tilespmem:s24+$0x20];
	v4 =	vmul.f32 v4, v5  }
0xf9: {  	v5 =	vld [tilespmem:s24+$0xFFFFFF20]  }
0xfa: {  	[tilespmem:s26+$0xA0] =	vst v4;
	v4 =	vld [tilespmem:s26+$0xB0]  }
0xfb: {  	v3 =	vmul.f32 v6, v3;
	v6 =	vld [tilespmem:s24+$0xB0]  }
0xfc: {  	v8 =	vld [tilespmem:s26+$0xFFFFFF30]  }
0xfd: {  	[tilespmem:s26+$0xFFFFFFA0] =	vst v3;
	v3 =	vld [tilespmem:s26+$0xFFFFFFB0];
	v1 =	vmul.f32 v2, v1  }
0xfe: {  	v2 =	vmul.f32 v5, v7;
	v5 =	vld [tilespmem:s24+$0xFFFFFFB0]  }
0xff: {  	[tilespmem:s26+$0x20] =	vst v1;
	v1 =	vld [tilespmem:s26+$0x30]  }
0x100: {  	[tilespmem:s26+$0xFFFFFF20] =	vst v2;
	v2 =	vld [tilespmem:s24+$0x30];
	v4 =	vmul.f32 v6, v4  }
0x101: {  	v6 =	vld [tilespmem:s24+$0xFFFFFF30]  }
0x102: {  	[tilespmem:s26+$0xB0] =	vst v4;
	v4 =	vld [tilespmem:s26+$0xC0]  }
0x103: {  	v3 =	vmul.f32 v5, v3;
	v5 =	vld [tilespmem:s24+$0xC0]  }
0x104: {  	v7 =	vld [tilespmem:s26+$0xFFFFFF40]  }
0x105: {  	[tilespmem:s26+$0xFFFFFFB0] =	vst v3;
	v3 =	vld [tilespmem:s26+$0xFFFFFFC0];
	v1 =	vmul.f32 v2, v1  }
0x106: {  	v2 =	vmul.f32 v6, v8;
	v6 =	vld [tilespmem:s24+$0xFFFFFFC0]  }
0x107: {  	[tilespmem:s26+$0x30] =	vst v1;
	v1 =	vld [tilespmem:s26+$0x40]  }
0x108: {  	[tilespmem:s26+$0xFFFFFF30] =	vst v2;
	v2 =	vld [tilespmem:s24+$0x40];
	v4 =	vmul.f32 v5, v4  }
0x109: {  	v5 =	vld [tilespmem:s24+$0xFFFFFF40]  }
0x10a: {  	[tilespmem:s26+$0xC0] =	vst v4;
	v4 =	vld [tilespmem:s26+$0xD0]  }
0x10b: {  	v3 =	vmul.f32 v6, v3;
	v6 =	vld [tilespmem:s24+$0xD0]  }
0x10c: {  	v8 =	vld [tilespmem:s26+$0xFFFFFF50]  }
0x10d: {  	[tilespmem:s26+$0xFFFFFFC0] =	vst v3;
	v3 =	vld [tilespmem:s26+$0xFFFFFFD0];
	v1 =	vmul.f32 v2, v1  }
0x10e: {  	v2 =	vmul.f32 v5, v7;
	v5 =	vld [tilespmem:s24+$0xFFFFFFD0]  }
0x10f: {  	[tilespmem:s26+$0x40] =	vst v1;
	v1 =	vld [tilespmem:s26+$0x50]  }
0x110: {  	[tilespmem:s26+$0xFFFFFF40] =	vst v2;
	v2 =	vld [tilespmem:s24+$0x50];
	v4 =	vmul.f32 v6, v4  }
0x111: {  	v6 =	vld [tilespmem:s24+$0xFFFFFF50]  }
0x112: {  	[tilespmem:s26+$0xD0] =	vst v4;
	v4 =	vld [tilespmem:s26+$0xE0]  }
0x113: {  	v3 =	vmul.f32 v5, v3;
	v5 =	vld [tilespmem:s24+$0xE0]  }
0x114: {  	v7 =	vld [tilespmem:s26+$0xFFFFFF60]  }
0x115: {  	[tilespmem:s26+$0xFFFFFFD0] =	vst v3;
	v3 =	vld [tilespmem:s26+$0xFFFFFFE0];
	v1 =	vmul.f32 v2, v1  }
0x116: {  	v2 =	vmul.f32 v6, v8;
	v6 =	vld [tilespmem:s24+$0xFFFFFFE0]  }
0x117: {  	[tilespmem:s26+$0x50] =	vst v1;
	v8 =	vld [tilespmem:s26+$0x60]  }
0x118: {  	[tilespmem:s26+$0xFFFFFF50] =	vst v2;
	v9 =	vld [tilespmem:s24+$0x60];
	v1 =	vmul.f32 v5, v4  }
0x119: {  	v4 =	vld [tilespmem:s24+$0xFFFFFF60]  }
0x11a: {  	[tilespmem:s26+$0xE0] =	vst v1;
	v10 =	vld [tilespmem:s26+$0xF0]  }
0x11b: {  	v2 =	vmul.f32 v6, v3;
	v6 =	vld [tilespmem:s24+$0xF0]  }
0x11c: {  	v1 =	vld [tilespmem:s26+$0xFFFFFF70]  }
.Ltmp1:
0x11d: {  	[tilespmem:s26+$0xFFFFFFE0] =	vst v2;
	v2 =	vld [tilespmem:s26+$0xFFFFFFF0];
	v3 =	vmul.f32 v9, v8;
	(pc) =	sbr.rel @p0 .LBB2_5-.Ltmp1, $4  }
0x11e: {  	v5 =	vmul.f32 v4, v7;
	v4 =	vld [tilespmem:s24+$0xFFFFFFF0]  }
0x11f: {  	[tilespmem:s26+$0x60] =	vst v3;
	v3 =	vld [tilespmem:s26+$0x70]  }
0x120: {  	[tilespmem:s26+$0xFFFFFF60] =	vst v5;
	v5 =	vld [tilespmem:s24+$0x70];
	v7 =	vmul.f32 v6, v10  }
0x121: {  	s26 =	sadd.s32 $0x200, s26;
	v6 =	vld [tilespmem:s24+$0xFFFFFF70]  }
0x122: {  	_ =	sdelay $0x1  }
0x123: {  	v2 =	vmul.f32 v4, v2  }
0x124: {  	[tilespmem:s23+$0xF0] =	vst v7;
	v3 =	vmul.f32 v5, v3  }
0x125: {  	[tilespmem:s23+$0xFFFFFFF0] =	vst v2;
	v1 =	vmul.f32 v6, v1  }
0x126: {  	[tilespmem:s23+$0x70] =	vst v3  }
0x127: {  	[tilespmem:s23+$0xFFFFFF70] =	vst v1;
	s23 =	smul.u32 $0xA0, s22  }
0x128: {  	[spmem:s2] =	stream.indirect.scatter.add.f32 [tilespmem:s28], [sflag:$0x7], $0x80, s31, s11, $0xb8;
	[tilespmem:$0x1D9C0] =	vst v63  }
0x129: {  	_ =	swait.ge [sflag:s29], $0x2800;
	s17 =	sadd.s32 s23, s14  }
0x12a: {  	[sflag:s29] =	ssyncset.done $0x0;
	s24 =	sshrl.u32 s17, $0x3  }
0x12b: {  	s17 =	sshll.u32 s17, $0x4;
	[sflag:s29] =	ssyncadd.s32 $0xFFFFD800;
	s25 =	sadd.s32 s6, s24  }
0x12c: {  	[tilespmem:s30], [sflag:$0x1] =	stream.linear.gather [hbm4b:s25+s4], $0x50, $0x38;
	[tilespmem:$0x1D9C0] =	vst v63  }
0x12d: {  	s24 =	sadd.s32 s7, s24;
	s17 =	sand.u32 $0x1FFFFF00, s17  }
0x12e: {  	[tilespmem:s31], [sflag:$0x1] =	stream.linear.gather [hbm4b:s24+s4], $0x50, $0x38;
	[tilespmem:$0x1D9C0] =	vst v63  }
0x12f: {  	s17 =	sadd.s32 s5, s17  }
0x130: {  	[tilespmem:s0], [sflag:$0x3] =	stream.linear.gather [hbm4b:s17+s4], $0x2800, $0x38;
	[tilespmem:$0x1D9C0] =	vst v63  }
0x131: {  	_ =	swait.ge [sflag:s10], $0x50  }
0x132: {  	[sflag:s10] =	ssyncset.done $0x0  }
0x133: {  	[sflag:s10] =	ssyncadd.s32 $0xFFFFFFB0  }
0x134: {  	_ =	swait.ge [sflag:s10], $0x50  }
0x135: {  	[sflag:s10] =	ssyncset.done $0x0  }
0x136: {  	[sflag:s10] =	ssyncadd.s32 $0xFFFFFFB0  }
0x137: {  	[tilespmem:s28], [sflag:$0x5] =	stream.indirect.gather [hbm4b:s1+s11], $0x80, s30, s11, $0xb8;
	[tilespmem:$0x1D9C0] =	vst v63  }
0x138: {  	_ =	swait.ge [sflag:s19], $0x2800  }
0x139: {  	[sflag:s19] =	ssyncset.done $0x0  }
0x13a: {  	[sflag:s19] =	ssyncadd.s32 $0xFFFFD800  }
0x13b: {  	_ =	swait.ge [sflag:s20], $0x2800  }
0x13c: {  	[sflag:s20] =	ssyncset.done $0x0  }
0x13d: {  	s24 =	simm.s32 $0x16270;
	[sflag:s20] =	ssyncadd.s32 $0xFFFFD800  }
0x13e: {  	s25 =	simm.s32 $0x1B270;
	v1 =	vld [tilespmem:s24+$0xFFFFFF90]  }
0x13f: {  	v2 =	vld [tilespmem:s25+$0xFFFFFF90]  }
0x140: {  	v3 =	vld [tilespmem:s24+$0xFFFFFE90]  }
0x141: {  	v4 =	vld [tilespmem:s25+$0xFFFFFE90]  }
0x142: {  	v5 =	vld [tilespmem:s24+$0xFFFFFF10]  }
0x143: {  	v6 =	vld [tilespmem:s25+$0xFFFFFF10]  }
0x144: {  	v7 =	vld [tilespmem:s24+$0xFFFFFE10];
	v1 =	vmul.f32 v2, v1  }
0x145: {  	v2 =	vld [tilespmem:s25+$0xFFFFFE10]  }
0x146: {  	[tilespmem:s24+$0xFFFFFF90] =	vst v1;
	v1 =	vld [tilespmem:s24+$0xFFFFFFA0]  }
0x147: {  	v3 =	vmul.f32 v4, v3;
	v4 =	vld [tilespmem:s25+$0xFFFFFFA0]  }
0x148: {  	v8 =	vld [tilespmem:s24+$0xFFFFFE20]  }
0x149: {  	[tilespmem:s24+$0xFFFFFE90] =	vst v3;
	v3 =	vmul.f32 v6, v5;
	v5 =	vld [tilespmem:s24+$0xFFFFFEA0]  }
0x14a: {  	v6 =	vld [tilespmem:s25+$0xFFFFFEA0];
	v2 =	vmul.f32 v2, v7  }
0x14b: {  	[tilespmem:s24+$0xFFFFFF10] =	vst v3;
	v3 =	vld [tilespmem:s24+$0xFFFFFF20]  }
0x14c: {  	v7 =	vld [tilespmem:s25+$0xFFFFFF20];
	[tilespmem:s24+$0xFFFFFE10] =	vst v2;
	v1 =	vmul.f32 v4, v1  }
0x14d: {  	v2 =	vld [tilespmem:s25+$0xFFFFFE20]  }
0x14e: {  	[tilespmem:s24+$0xFFFFFFA0] =	vst v1;
	v1 =	vld [tilespmem:s24+$0xFFFFFFB0]  }
0x14f: {  	v4 =	vmul.f32 v6, v5;
	v5 =	vld [tilespmem:s25+$0xFFFFFFB0]  }
0x150: {  	v6 =	vld [tilespmem:s24+$0xFFFFFE30]  }
0x151: {  	[tilespmem:s24+$0xFFFFFEA0] =	vst v4;
	v3 =	vmul.f32 v7, v3;
	v4 =	vld [tilespmem:s24+$0xFFFFFEB0]  }
0x152: {  	v7 =	vld [tilespmem:s25+$0xFFFFFEB0];
	v2 =	vmul.f32 v2, v8  }
0x153: {  	[tilespmem:s24+$0xFFFFFF20] =	vst v3;
	v3 =	vld [tilespmem:s24+$0xFFFFFF30]  }
0x154: {  	v8 =	vld [tilespmem:s25+$0xFFFFFF30];
	[tilespmem:s24+$0xFFFFFE20] =	vst v2;
	v1 =	vmul.f32 v5, v1  }
0x155: {  	v2 =	vld [tilespmem:s25+$0xFFFFFE30]  }
0x156: {  	[tilespmem:s24+$0xFFFFFFB0] =	vst v1;
	v1 =	vld [tilespmem:s24+$0xFFFFFFC0]  }
0x157: {  	v4 =	vmul.f32 v7, v4;
	v5 =	vld [tilespmem:s25+$0xFFFFFFC0]  }
0x158: {  	v7 =	vld [tilespmem:s24+$0xFFFFFE40]  }
0x159: {  	[tilespmem:s24+$0xFFFFFEB0] =	vst v4;
	v3 =	vmul.f32 v8, v3;
	v4 =	vld [tilespmem:s24+$0xFFFFFEC0]  }
0x15a: {  	v8 =	vld [tilespmem:s25+$0xFFFFFEC0];
	v2 =	vmul.f32 v2, v6  }
0x15b: {  	[tilespmem:s24+$0xFFFFFF30] =	vst v3;
	v3 =	vld [tilespmem:s24+$0xFFFFFF40]  }
0x15c: {  	v6 =	vld [tilespmem:s25+$0xFFFFFF40];
	[tilespmem:s24+$0xFFFFFE30] =	vst v2;
	v1 =	vmul.f32 v5, v1  }
0x15d: {  	v2 =	vld [tilespmem:s25+$0xFFFFFE40]  }
0x15e: {  	[tilespmem:s24+$0xFFFFFFC0] =	vst v1;
	v1 =	vld [tilespmem:s24+$0xFFFFFFD0]  }
0x15f: {  	v4 =	vmul.f32 v8, v4;
	v5 =	vld [tilespmem:s25+$0xFFFFFFD0]  }
0x160: {  	v8 =	vld [tilespmem:s24+$0xFFFFFE50]  }
0x161: {  	[tilespmem:s24+$0xFFFFFEC0] =	vst v4;
	v3 =	vmul.f32 v6, v3;
	v4 =	vld [tilespmem:s24+$0xFFFFFED0]  }
0x162: {  	v6 =	vld [tilespmem:s25+$0xFFFFFED0];
	v2 =	vmul.f32 v2, v7  }
0x163: {  	[tilespmem:s24+$0xFFFFFF40] =	vst v3;
	v3 =	vld [tilespmem:s24+$0xFFFFFF50]  }
0x164: {  	v7 =	vld [tilespmem:s25+$0xFFFFFF50];
	[tilespmem:s24+$0xFFFFFE40] =	vst v2;
	v1 =	vmul.f32 v5, v1  }
0x165: {  	v2 =	vld [tilespmem:s25+$0xFFFFFE50]  }
0x166: {  	[tilespmem:s24+$0xFFFFFFD0] =	vst v1;
	v1 =	vld [tilespmem:s24+$0xFFFFFFE0]  }
0x167: {  	v4 =	vmul.f32 v6, v4;
	v5 =	vld [tilespmem:s25+$0xFFFFFFE0]  }
0x168: {  	v6 =	vld [tilespmem:s24+$0xFFFFFE60]  }
0x169: {  	[tilespmem:s24+$0xFFFFFED0] =	vst v4;
	v3 =	vmul.f32 v7, v3;
	v4 =	vld [tilespmem:s24+$0xFFFFFEE0]  }
0x16a: {  	v7 =	vld [tilespmem:s25+$0xFFFFFEE0];
	v2 =	vmul.f32 v2, v8  }
0x16b: {  	[tilespmem:s24+$0xFFFFFF50] =	vst v3;
	v3 =	vld [tilespmem:s24+$0xFFFFFF60]  }
0x16c: {  	v8 =	vld [tilespmem:s25+$0xFFFFFF60];
	[tilespmem:s24+$0xFFFFFE50] =	vst v2;
	v1 =	vmul.f32 v5, v1  }
0x16d: {  	v2 =	vld [tilespmem:s25+$0xFFFFFE60]  }
0x16e: {  	[tilespmem:s24+$0xFFFFFFE0] =	vst v1;
	v1 =	vld [tilespmem:s24+$0xFFFFFFF0]  }
0x16f: {  	v4 =	vmul.f32 v7, v4;
	v5 =	vld [tilespmem:s25+$0xFFFFFFF0]  }
0x170: {  	v7 =	vld [tilespmem:s24+$0xFFFFFE70]  }
0x171: {  	[tilespmem:s24+$0xFFFFFEE0] =	vst v4;
	v3 =	vmul.f32 v8, v3;
	v4 =	vld [tilespmem:s24+$0xFFFFFEF0]  }
0x172: {  	v8 =	vld [tilespmem:s25+$0xFFFFFEF0];
	v2 =	vmul.f32 v2, v6  }
0x173: {  	[tilespmem:s24+$0xFFFFFF60] =	vst v3;
	v3 =	vld [tilespmem:s24+$0xFFFFFF70]  }
0x174: {  	v6 =	vld [tilespmem:s25+$0xFFFFFF70];
	[tilespmem:s24+$0xFFFFFE60] =	vst v2;
	v1 =	vmul.f32 v5, v1  }
0x175: {  	v5 =	vld [tilespmem:s25+$0xFFFFFE70]  }
0x176: {  	v9 =	vld [tilespmem:s24+$0x0];
	[tilespmem:s24+$0xFFFFFFF0] =	vst v1  }
0x177: {  	v2 =	vmul.f32 v8, v4;
	v8 =	vld [tilespmem:s25+$0x0]  }
0x178: {  	v1 =	vld [tilespmem:s24+$0xFFFFFE80]  }
0x179: {  	[tilespmem:s24+$0xFFFFFEF0] =	vst v2;
	v3 =	vmul.f32 v6, v3;
	v2 =	vld [tilespmem:s24+$0xFFFFFF00]  }
0x17a: {  	v4 =	vld [tilespmem:s25+$0xFFFFFF00];
	v5 =	vmul.f32 v5, v7  }
0x17b: {  	[tilespmem:s24+$0xFFFFFF70] =	vst v3;
	v3 =	vld [tilespmem:s24+$0xFFFFFF80]  }
0x17c: {  	[tilespmem:s24+$0xFFFFFE70] =	vst v5;
	v5 =	vld [tilespmem:s25+$0xFFFFFF80];
	v7 =	vmul.f32 v8, v9  }
0x17d: {  	s26 =	simm.s32 $0x0;
	s17 =	simm.s32 $0x16470;
	v6 =	vld [tilespmem:s25+$0xFFFFFE80]  }
.LBB2_7:
0x17e: {  	v8 =	vld [tilespmem:s17+$0xFFFFFF90];
	[tilespmem:s24+$0x0] =	vst v7;
	s25 =	sadd.s32 $0x200, s25  }
0x17f: {  	s26 =	sadd.s32 $0x4, s26;
	v7 =	vld [tilespmem:s25+$0xFFFFFF90];
	v2 =	vmul.f32 v4, v2  }
0x180: {  	p0 =	slt.u32 s26, $0x4C;
	v4 =	vld [tilespmem:s25+$0xFFFFFE10]  }
0x181: {  	v9 =	vld [tilespmem:s17+$0xFFFFFE90];
	[tilespmem:s24+$0xFFFFFF00] =	vst v2;
	v2 =	vmul.f32 v5, v3  }
0x182: {  	v3 =	vld [tilespmem:s25+$0xFFFFFE90];
	v1 =	vmul.f32 v6, v1  }
0x183: {  	v5 =	vld [tilespmem:s17+$0xFFFFFF10];
	[tilespmem:s24+$0xFFFFFF80] =	vst v2  }
0x184: {  	v2 =	vld [tilespmem:s25+$0xFFFFFF10];
	v6 =	vmul.f32 v7, v8;
	[tilespmem:s24+$0xFFFFFE80] =	vst v1;
	s24 =	smov.u32 s17  }
0x185: {  	v1 =	vld [tilespmem:s17+$0xFFFFFE10]  }
0x186: {  	[tilespmem:s17+$0xFFFFFF90] =	vst v6;
	v6 =	vld [tilespmem:s17+$0xFFFFFFA0]  }
0x187: {  	v3 =	vmul.f32 v3, v9;
	v7 =	vld [tilespmem:s25+$0xFFFFFFA0]  }
0x188: {  	v8 =	vld [tilespmem:s17+$0xFFFFFE20]  }
0x189: {  	[tilespmem:s17+$0xFFFFFE90] =	vst v3;
	v3 =	vld [tilespmem:s17+$0xFFFFFEA0];
	v2 =	vmul.f32 v2, v5  }
0x18a: {  	v1 =	vmul.f32 v4, v1;
	v4 =	vld [tilespmem:s25+$0xFFFFFEA0]  }
0x18b: {  	[tilespmem:s17+$0xFFFFFF10] =	vst v2;
	v2 =	vld [tilespmem:s17+$0xFFFFFF20]  }
0x18c: {  	[tilespmem:s17+$0xFFFFFE10] =	vst v1;
	v1 =	vld [tilespmem:s25+$0xFFFFFF20];
	v5 =	vmul.f32 v7, v6  }
0x18d: {  	v6 =	vld [tilespmem:s25+$0xFFFFFE20]  }
0x18e: {  	[tilespmem:s17+$0xFFFFFFA0] =	vst v5;
	v5 =	vld [tilespmem:s17+$0xFFFFFFB0]  }
0x18f: {  	v3 =	vmul.f32 v4, v3;
	v4 =	vld [tilespmem:s25+$0xFFFFFFB0]  }
0x190: {  	v7 =	vld [tilespmem:s17+$0xFFFFFE30]  }
0x191: {  	[tilespmem:s17+$0xFFFFFEA0] =	vst v3;
	v3 =	vld [tilespmem:s17+$0xFFFFFEB0];
	v1 =	vmul.f32 v1, v2  }
0x192: {  	v2 =	vmul.f32 v6, v8;
	v6 =	vld [tilespmem:s25+$0xFFFFFEB0]  }
0x193: {  	[tilespmem:s17+$0xFFFFFF20] =	vst v1;
	v1 =	vld [tilespmem:s17+$0xFFFFFF30]  }
0x194: {  	[tilespmem:s17+$0xFFFFFE20] =	vst v2;
	v2 =	vld [tilespmem:s25+$0xFFFFFF30];
	v4 =	vmul.f32 v4, v5  }
0x195: {  	v5 =	vld [tilespmem:s25+$0xFFFFFE30]  }
0x196: {  	[tilespmem:s17+$0xFFFFFFB0] =	vst v4;
	v4 =	vld [tilespmem:s17+$0xFFFFFFC0]  }
0x197: {  	v3 =	vmul.f32 v6, v3;
	v6 =	vld [tilespmem:s25+$0xFFFFFFC0]  }
0x198: {  	v8 =	vld [tilespmem:s17+$0xFFFFFE40]  }
0x199: {  	[tilespmem:s17+$0xFFFFFEB0] =	vst v3;
	v3 =	vld [tilespmem:s17+$0xFFFFFEC0];
	v1 =	vmul.f32 v2, v1  }
0x19a: {  	v2 =	vmul.f32 v5, v7;
	v5 =	vld [tilespmem:s25+$0xFFFFFEC0]  }
0x19b: {  	[tilespmem:s17+$0xFFFFFF30] =	vst v1;
	v1 =	vld [tilespmem:s17+$0xFFFFFF40]  }
0x19c: {  	[tilespmem:s17+$0xFFFFFE30] =	vst v2;
	v2 =	vld [tilespmem:s25+$0xFFFFFF40];
	v4 =	vmul.f32 v6, v4  }
0x19d: {  	v6 =	vld [tilespmem:s25+$0xFFFFFE40]  }
0x19e: {  	[tilespmem:s17+$0xFFFFFFC0] =	vst v4;
	v4 =	vld [tilespmem:s17+$0xFFFFFFD0]  }
0x19f: {  	v3 =	vmul.f32 v5, v3;
	v5 =	vld [tilespmem:s25+$0xFFFFFFD0]  }
0x1a0: {  	v7 =	vld [tilespmem:s17+$0xFFFFFE50]  }
0x1a1: {  	[tilespmem:s17+$0xFFFFFEC0] =	vst v3;
	v3 =	vld [tilespmem:s17+$0xFFFFFED0];
	v1 =	vmul.f32 v2, v1  }
0x1a2: {  	v2 =	vmul.f32 v6, v8;
	v6 =	vld [tilespmem:s25+$0xFFFFFED0]  }
0x1a3: {  	[tilespmem:s17+$0xFFFFFF40] =	vst v1;
	v1 =	vld [tilespmem:s17+$0xFFFFFF50]  }
0x1a4: {  	[tilespmem:s17+$0xFFFFFE40] =	vst v2;
	v2 =	vld [tilespmem:s25+$0xFFFFFF50];
	v4 =	vmul.f32 v5, v4  }
0x1a5: {  	v5 =	vld [tilespmem:s25+$0xFFFFFE50]  }
0x1a6: {  	[tilespmem:s17+$0xFFFFFFD0] =	vst v4;
	v4 =	vld [tilespmem:s17+$0xFFFFFFE0]  }
0x1a7: {  	v3 =	vmul.f32 v6, v3;
	v6 =	vld [tilespmem:s25+$0xFFFFFFE0]  }
0x1a8: {  	v8 =	vld [tilespmem:s17+$0xFFFFFE60]  }
0x1a9: {  	[tilespmem:s17+$0xFFFFFED0] =	vst v3;
	v3 =	vld [tilespmem:s17+$0xFFFFFEE0];
	v1 =	vmul.f32 v2, v1  }
0x1aa: {  	v2 =	vmul.f32 v5, v7;
	v5 =	vld [tilespmem:s25+$0xFFFFFEE0]  }
0x1ab: {  	[tilespmem:s17+$0xFFFFFF50] =	vst v1;
	v1 =	vld [tilespmem:s17+$0xFFFFFF60]  }
0x1ac: {  	[tilespmem:s17+$0xFFFFFE50] =	vst v2;
	v2 =	vld [tilespmem:s25+$0xFFFFFF60];
	v4 =	vmul.f32 v6, v4  }
0x1ad: {  	v6 =	vld [tilespmem:s25+$0xFFFFFE60]  }
0x1ae: {  	[tilespmem:s17+$0xFFFFFFE0] =	vst v4;
	v4 =	vld [tilespmem:s17+$0xFFFFFFF0]  }
0x1af: {  	v3 =	vmul.f32 v5, v3;
	v5 =	vld [tilespmem:s25+$0xFFFFFFF0]  }
0x1b0: {  	v7 =	vld [tilespmem:s17+$0xFFFFFE70]  }
0x1b1: {  	[tilespmem:s17+$0xFFFFFEE0] =	vst v3;
	v3 =	vld [tilespmem:s17+$0xFFFFFEF0];
	v1 =	vmul.f32 v2, v1  }
0x1b2: {  	v2 =	vmul.f32 v6, v8;
	v6 =	vld [tilespmem:s25+$0xFFFFFEF0]  }
0x1b3: {  	[tilespmem:s17+$0xFFFFFF60] =	vst v1;
	v8 =	vld [tilespmem:s17+$0xFFFFFF70]  }
0x1b4: {  	[tilespmem:s17+$0xFFFFFE60] =	vst v2;
	v9 =	vld [tilespmem:s25+$0xFFFFFF70];
	v1 =	vmul.f32 v5, v4  }
0x1b5: {  	v4 =	vld [tilespmem:s25+$0xFFFFFE70]  }
0x1b6: {  	[tilespmem:s17+$0xFFFFFFF0] =	vst v1;
	v10 =	vld [tilespmem:s17+$0x0]  }
0x1b7: {  	v2 =	vmul.f32 v6, v3;
	v6 =	vld [tilespmem:s25+$0x0]  }
0x1b8: {  	v1 =	vld [tilespmem:s17+$0xFFFFFE80]  }
.Ltmp2:
0x1b9: {  	[tilespmem:s17+$0xFFFFFEF0] =	vst v2;
	v2 =	vld [tilespmem:s17+$0xFFFFFF00];
	v3 =	vmul.f32 v9, v8;
	(pc) =	sbr.rel @p0 .LBB2_7-.Ltmp2, $4  }
0x1ba: {  	v5 =	vmul.f32 v4, v7;
	v4 =	vld [tilespmem:s25+$0xFFFFFF00]  }
0x1bb: {  	[tilespmem:s17+$0xFFFFFF70] =	vst v3;
	v3 =	vld [tilespmem:s17+$0xFFFFFF80]  }
0x1bc: {  	[tilespmem:s17+$0xFFFFFE70] =	vst v5;
	v5 =	vld [tilespmem:s25+$0xFFFFFF80];
	v7 =	vmul.f32 v6, v10  }
0x1bd: {  	s17 =	sadd.s32 $0x200, s17;
	v6 =	vld [tilespmem:s25+$0xFFFFFE80]  }
0x1be: {  	_ =	sdelay $0x1  }
0x1bf: {  	v2 =	vmul.f32 v4, v2  }
0x1c0: {  	[tilespmem:s24+$0x0] =	vst v7;
	v3 =	vmul.f32 v5, v3  }
0x1c1: {  	[tilespmem:s24+$0xFFFFFF00] =	vst v2;
	v1 =	vmul.f32 v6, v1  }
0x1c2: {  	p0 =	seq.s32 s22, $0x3D;
	[tilespmem:s24+$0xFFFFFF80] =	vst v3  }
.Ltmp3:
0x1c3: {  	[tilespmem:s24+$0xFFFFFE80] =	vst v1;
	(pc) =	sbr.rel @p0 .LBB2_10-.Ltmp3, $4  }
0x1c4: {  	[spmem:s2] =	stream.indirect.scatter.add.f32 [tilespmem:s13], [sflag:$0x7], $0x80, s8, s11, $0xb8;
	[tilespmem:$0x1D9C0] =	vst v63  }
0x1c5: {  	_ =	swait.ge [sflag:s29], $0x2800  }
0x1c6: {  	[sflag:s29] =	ssyncset.done $0x0  }
0x1c7: {  	[sflag:s29] =	ssyncadd.s32 $0xFFFFD800  }
0x1c8: {  	s17 =	sadd.s32 s23, s15  }
0x1c9: {  	s23 =	sshrl.u32 s17, $0x3  }
0x1ca: {  	s24 =	sadd.s32 s6, s23  }
0x1cb: {  	[tilespmem:s3], [sflag:$0x2] =	stream.linear.gather [hbm4b:s24+s4], $0x50, $0x38;
	[tilespmem:$0x1D9C0] =	vst v63  }
.Ltmp4:
0x1cc: {  	s17 =	sshll.u32 s17, $0x4;
	(pc) =	sbr.rel .LBB2_4-.Ltmp4, $4  }
0x1cd: {  	s23 =	sadd.s32 s7, s23;
	s17 =	sand.u32 $0x1FFFFF00, s17  }
0x1ce: {  	[tilespmem:s8], [sflag:$0x2] =	stream.linear.gather [hbm4b:s23+s4], $0x50, $0x38;
	[tilespmem:$0x1D9C0] =	vst v63  }
0x1cf: {  	s22 =	sadd.s32 $0x1, s22;
	s17 =	sadd.s32 s5, s17  }
0x1d0: {  	[tilespmem:s9], [sflag:$0x4] =	stream.linear.gather [hbm4b:s17+s4], $0x2800, $0x38;
	[tilespmem:$0x1D9C0] =	vst v63  }
.LBB2_10:
0x1d1: {  	_ =	swait.ge [sflag:s16], $0x2800  }
0x1d2: {  	[sflag:s16] =	ssyncset.done $0x0  }
0x1d3: {  	[sflag:s16] =	ssyncadd.s32 $0xFFFFD800  }
0x1d4: {  	_ =	swait.ge [sflag:s18], $0x2800  }
0x1d5: {  	[sflag:s18] =	ssyncset.done $0x0  }
0x1d6: {  	s22 =	simm.s32 $0x13980;
	[sflag:s18] =	ssyncadd.s32 $0xFFFFD800  }
0x1d7: {  	s23 =	simm.s32 $0x18980;
	v1 =	vld [tilespmem:s22+$0x80]  }
0x1d8: {  	v2 =	vld [tilespmem:s23+$0x80]  }
0x1d9: {  	v3 =	vld [tilespmem:s22+$0xFFFFFF80]  }
0x1da: {  	v4 =	vld [tilespmem:s23+$0xFFFFFF80]  }
0x1db: {  	v5 =	vld [tilespmem:s22+$0x0]  }
0x1dc: {  	v6 =	vld [tilespmem:s23+$0x0]  }
0x1dd: {  	v7 =	vld [tilespmem:s22+$0xFFFFFF00];
	v1 =	vmul.f32 v2, v1  }
0x1de: {  	v2 =	vld [tilespmem:s23+$0xFFFFFF00]  }
0x1df: {  	[tilespmem:s22+$0x80] =	vst v1;
	v1 =	vld [tilespmem:s22+$0x90]  }
0x1e0: {  	v3 =	vmul.f32 v4, v3;
	v4 =	vld [tilespmem:s23+$0x90]  }
0x1e1: {  	v8 =	vld [tilespmem:s22+$0xFFFFFF10]  }
0x1e2: {  	[tilespmem:s22+$0xFFFFFF80] =	vst v3;
	v3 =	vmul.f32 v6, v5;
	v5 =	vld [tilespmem:s22+$0xFFFFFF90]  }
0x1e3: {  	v6 =	vld [tilespmem:s23+$0xFFFFFF90];
	v2 =	vmul.f32 v2, v7  }
0x1e4: {  	[tilespmem:s22+$0x0] =	vst v3;
	v3 =	vld [tilespmem:s22+$0x10]  }
0x1e5: {  	v7 =	vld [tilespmem:s23+$0x10];
	[tilespmem:s22+$0xFFFFFF00] =	vst v2;
	v1 =	vmul.f32 v4, v1  }
0x1e6: {  	v2 =	vld [tilespmem:s23+$0xFFFFFF10]  }
0x1e7: {  	[tilespmem:s22+$0x90] =	vst v1;
	v1 =	vld [tilespmem:s22+$0xA0]  }
0x1e8: {  	v4 =	vmul.f32 v6, v5;
	v5 =	vld [tilespmem:s23+$0xA0]  }
0x1e9: {  	v6 =	vld [tilespmem:s22+$0xFFFFFF20]  }
0x1ea: {  	[tilespmem:s22+$0xFFFFFF90] =	vst v4;
	v3 =	vmul.f32 v7, v3;
	v4 =	vld [tilespmem:s22+$0xFFFFFFA0]  }
0x1eb: {  	v7 =	vld [tilespmem:s23+$0xFFFFFFA0];
	v2 =	vmul.f32 v2, v8  }
0x1ec: {  	[tilespmem:s22+$0x10] =	vst v3;
	v3 =	vld [tilespmem:s22+$0x20]  }
0x1ed: {  	v8 =	vld [tilespmem:s23+$0x20];
	[tilespmem:s22+$0xFFFFFF10] =	vst v2;
	v1 =	vmul.f32 v5, v1  }
0x1ee: {  	v2 =	vld [tilespmem:s23+$0xFFFFFF20]  }
0x1ef: {  	[tilespmem:s22+$0xA0] =	vst v1;
	v1 =	vld [tilespmem:s22+$0xB0]  }
0x1f0: {  	v4 =	vmul.f32 v7, v4;
	v5 =	vld [tilespmem:s23+$0xB0]  }
0x1f1: {  	v7 =	vld [tilespmem:s22+$0xFFFFFF30]  }
0x1f2: {  	[tilespmem:s22+$0xFFFFFFA0] =	vst v4;
	v3 =	vmul.f32 v8, v3;
	v4 =	vld [tilespmem:s22+$0xFFFFFFB0]  }
0x1f3: {  	v8 =	vld [tilespmem:s23+$0xFFFFFFB0];
	v2 =	vmul.f32 v2, v6  }
0x1f4: {  	[tilespmem:s22+$0x20] =	vst v3;
	v3 =	vld [tilespmem:s22+$0x30]  }
0x1f5: {  	v6 =	vld [tilespmem:s23+$0x30];
	[tilespmem:s22+$0xFFFFFF20] =	vst v2;
	v1 =	vmul.f32 v5, v1  }
0x1f6: {  	v2 =	vld [tilespmem:s23+$0xFFFFFF30]  }
0x1f7: {  	[tilespmem:s22+$0xB0] =	vst v1;
	v1 =	vld [tilespmem:s22+$0xC0]  }
0x1f8: {  	v4 =	vmul.f32 v8, v4;
	v5 =	vld [tilespmem:s23+$0xC0]  }
0x1f9: {  	v8 =	vld [tilespmem:s22+$0xFFFFFF40]  }
0x1fa: {  	[tilespmem:s22+$0xFFFFFFB0] =	vst v4;
	v3 =	vmul.f32 v6, v3;
	v4 =	vld [tilespmem:s22+$0xFFFFFFC0]  }
0x1fb: {  	v6 =	vld [tilespmem:s23+$0xFFFFFFC0];
	v2 =	vmul.f32 v2, v7  }
0x1fc: {  	[tilespmem:s22+$0x30] =	vst v3;
	v3 =	vld [tilespmem:s22+$0x40]  }
0x1fd: {  	v7 =	vld [tilespmem:s23+$0x40];
	[tilespmem:s22+$0xFFFFFF30] =	vst v2;
	v1 =	vmul.f32 v5, v1  }
0x1fe: {  	v2 =	vld [tilespmem:s23+$0xFFFFFF40]  }
0x1ff: {  	[tilespmem:s22+$0xC0] =	vst v1;
	v1 =	vld [tilespmem:s22+$0xD0]  }
0x200: {  	v4 =	vmul.f32 v6, v4;
	v5 =	vld [tilespmem:s23+$0xD0]  }
0x201: {  	v6 =	vld [tilespmem:s22+$0xFFFFFF50]  }
0x202: {  	[tilespmem:s22+$0xFFFFFFC0] =	vst v4;
	v3 =	vmul.f32 v7, v3;
	v4 =	vld [tilespmem:s22+$0xFFFFFFD0]  }
0x203: {  	v7 =	vld [tilespmem:s23+$0xFFFFFFD0];
	v2 =	vmul.f32 v2, v8  }
0x204: {  	[tilespmem:s22+$0x40] =	vst v3;
	v3 =	vld [tilespmem:s22+$0x50]  }
0x205: {  	v8 =	vld [tilespmem:s23+$0x50];
	[tilespmem:s22+$0xFFFFFF40] =	vst v2;
	v1 =	vmul.f32 v5, v1  }
0x206: {  	v2 =	vld [tilespmem:s23+$0xFFFFFF50]  }
0x207: {  	[tilespmem:s22+$0xD0] =	vst v1;
	v1 =	vld [tilespmem:s22+$0xE0]  }
0x208: {  	v4 =	vmul.f32 v7, v4;
	v5 =	vld [tilespmem:s23+$0xE0]  }
0x209: {  	v7 =	vld [tilespmem:s22+$0xFFFFFF60]  }
0x20a: {  	[tilespmem:s22+$0xFFFFFFD0] =	vst v4;
	v3 =	vmul.f32 v8, v3;
	v4 =	vld [tilespmem:s22+$0xFFFFFFE0]  }
0x20b: {  	v8 =	vld [tilespmem:s23+$0xFFFFFFE0];
	v2 =	vmul.f32 v2, v6  }
0x20c: {  	[tilespmem:s22+$0x50] =	vst v3;
	v3 =	vld [tilespmem:s22+$0x60]  }
0x20d: {  	v6 =	vld [tilespmem:s23+$0x60];
	[tilespmem:s22+$0xFFFFFF50] =	vst v2;
	v1 =	vmul.f32 v5, v1  }
0x20e: {  	v5 =	vld [tilespmem:s23+$0xFFFFFF60]  }
0x20f: {  	v9 =	vld [tilespmem:s22+$0xF0];
	[tilespmem:s22+$0xE0] =	vst v1  }
0x210: {  	v2 =	vmul.f32 v8, v4;
	v8 =	vld [tilespmem:s23+$0xF0]  }
0x211: {  	v1 =	vld [tilespmem:s22+$0xFFFFFF70]  }
0x212: {  	[tilespmem:s22+$0xFFFFFFE0] =	vst v2;
	v3 =	vmul.f32 v6, v3;
	v2 =	vld [tilespmem:s22+$0xFFFFFFF0]  }
0x213: {  	v4 =	vld [tilespmem:s23+$0xFFFFFFF0];
	v5 =	vmul.f32 v5, v7  }
0x214: {  	[tilespmem:s22+$0x60] =	vst v3;
	v3 =	vld [tilespmem:s22+$0x70]  }
0x215: {  	[tilespmem:s22+$0xFFFFFF60] =	vst v5;
	v5 =	vld [tilespmem:s23+$0x70];
	v7 =	vmul.f32 v8, v9  }
0x216: {  	s24 =	simm.s32 $0x0;
	s17 =	simm.s32 $0x13B80;
	v6 =	vld [tilespmem:s23+$0xFFFFFF70]  }
.LBB2_11:
0x217: {  	v8 =	vld [tilespmem:s17+$0x80];
	[tilespmem:s22+$0xF0] =	vst v7;
	s23 =	sadd.s32 $0x200, s23  }
0x218: {  	s24 =	sadd.s32 $0x4, s24;
	v7 =	vld [tilespmem:s23+$0x80];
	v2 =	vmul.f32 v4, v2  }
0x219: {  	p0 =	slt.u32 s24, $0x4C;
	v4 =	vld [tilespmem:s23+$0xFFFFFF00]  }
0x21a: {  	v9 =	vld [tilespmem:s17+$0xFFFFFF80];
	[tilespmem:s22+$0xFFFFFFF0] =	vst v2;
	v2 =	vmul.f32 v5, v3  }
0x21b: {  	v3 =	vld [tilespmem:s23+$0xFFFFFF80];
	v1 =	vmul.f32 v6, v1  }
0x21c: {  	v5 =	vld [tilespmem:s17+$0x0];
	[tilespmem:s22+$0x70] =	vst v2  }
0x21d: {  	v2 =	vld [tilespmem:s23+$0x0];
	v6 =	vmul.f32 v7, v8;
	[tilespmem:s22+$0xFFFFFF70] =	vst v1;
	s22 =	smov.u32 s17  }
0x21e: {  	v1 =	vld [tilespmem:s17+$0xFFFFFF00]  }
0x21f: {  	[tilespmem:s17+$0x80] =	vst v6;
	v6 =	vld [tilespmem:s17+$0x90]  }
0x220: {  	v3 =	vmul.f32 v3, v9;
	v7 =	vld [tilespmem:s23+$0x90]  }
0x221: {  	v8 =	vld [tilespmem:s17+$0xFFFFFF10]  }
0x222: {  	[tilespmem:s17+$0xFFFFFF80] =	vst v3;
	v3 =	vld [tilespmem:s17+$0xFFFFFF90];
	v2 =	vmul.f32 v2, v5  }
0x223: {  	v1 =	vmul.f32 v4, v1;
	v4 =	vld [tilespmem:s23+$0xFFFFFF90]  }
0x224: {  	[tilespmem:s17+$0x0] =	vst v2;
	v2 =	vld [tilespmem:s17+$0x10]  }
0x225: {  	[tilespmem:s17+$0xFFFFFF00] =	vst v1;
	v1 =	vld [tilespmem:s23+$0x10];
	v5 =	vmul.f32 v7, v6  }
0x226: {  	v6 =	vld [tilespmem:s23+$0xFFFFFF10]  }
0x227: {  	[tilespmem:s17+$0x90] =	vst v5;
	v5 =	vld [tilespmem:s17+$0xA0]  }
0x228: {  	v3 =	vmul.f32 v4, v3;
	v4 =	vld [tilespmem:s23+$0xA0]  }
0x229: {  	v7 =	vld [tilespmem:s17+$0xFFFFFF20]  }
0x22a: {  	[tilespmem:s17+$0xFFFFFF90] =	vst v3;
	v3 =	vld [tilespmem:s17+$0xFFFFFFA0];
	v1 =	vmul.f32 v1, v2  }
0x22b: {  	v2 =	vmul.f32 v6, v8;
	v6 =	vld [tilespmem:s23+$0xFFFFFFA0]  }
0x22c: {  	[tilespmem:s17+$0x10] =	vst v1;
	v1 =	vld [tilespmem:s17+$0x20]  }
0x22d: {  	[tilespmem:s17+$0xFFFFFF10] =	vst v2;
	v2 =	vld [tilespmem:s23+$0x20];
	v4 =	vmul.f32 v4, v5  }
0x22e: {  	v5 =	vld [tilespmem:s23+$0xFFFFFF20]  }
0x22f: {  	[tilespmem:s17+$0xA0] =	vst v4;
	v4 =	vld [tilespmem:s17+$0xB0]  }
0x230: {  	v3 =	vmul.f32 v6, v3;
	v6 =	vld [tilespmem:s23+$0xB0]  }
0x231: {  	v8 =	vld [tilespmem:s17+$0xFFFFFF30]  }
0x232: {  	[tilespmem:s17+$0xFFFFFFA0] =	vst v3;
	v3 =	vld [tilespmem:s17+$0xFFFFFFB0];
	v1 =	vmul.f32 v2, v1  }
0x233: {  	v2 =	vmul.f32 v5, v7;
	v5 =	vld [tilespmem:s23+$0xFFFFFFB0]  }
0x234: {  	[tilespmem:s17+$0x20] =	vst v1;
	v1 =	vld [tilespmem:s17+$0x30]  }
0x235: {  	[tilespmem:s17+$0xFFFFFF20] =	vst v2;
	v2 =	vld [tilespmem:s23+$0x30];
	v4 =	vmul.f32 v6, v4  }
0x236: {  	v6 =	vld [tilespmem:s23+$0xFFFFFF30]  }
0x237: {  	[tilespmem:s17+$0xB0] =	vst v4;
	v4 =	vld [tilespmem:s17+$0xC0]  }
0x238: {  	v3 =	vmul.f32 v5, v3;
	v5 =	vld [tilespmem:s23+$0xC0]  }
0x239: {  	v7 =	vld [tilespmem:s17+$0xFFFFFF40]  }
0x23a: {  	[tilespmem:s17+$0xFFFFFFB0] =	vst v3;
	v3 =	vld [tilespmem:s17+$0xFFFFFFC0];
	v1 =	vmul.f32 v2, v1  }
0x23b: {  	v2 =	vmul.f32 v6, v8;
	v6 =	vld [tilespmem:s23+$0xFFFFFFC0]  }
0x23c: {  	[tilespmem:s17+$0x30] =	vst v1;
	v1 =	vld [tilespmem:s17+$0x40]  }
0x23d: {  	[tilespmem:s17+$0xFFFFFF30] =	vst v2;
	v2 =	vld [tilespmem:s23+$0x40];
	v4 =	vmul.f32 v5, v4  }
0x23e: {  	v5 =	vld [tilespmem:s23+$0xFFFFFF40]  }
0x23f: {  	[tilespmem:s17+$0xC0] =	vst v4;
	v4 =	vld [tilespmem:s17+$0xD0]  }
0x240: {  	v3 =	vmul.f32 v6, v3;
	v6 =	vld [tilespmem:s23+$0xD0]  }
0x241: {  	v8 =	vld [tilespmem:s17+$0xFFFFFF50]  }
0x242: {  	[tilespmem:s17+$0xFFFFFFC0] =	vst v3;
	v3 =	vld [tilespmem:s17+$0xFFFFFFD0];
	v1 =	vmul.f32 v2, v1  }
0x243: {  	v2 =	vmul.f32 v5, v7;
	v5 =	vld [tilespmem:s23+$0xFFFFFFD0]  }
0x244: {  	[tilespmem:s17+$0x40] =	vst v1;
	v1 =	vld [tilespmem:s17+$0x50]  }
0x245: {  	[tilespmem:s17+$0xFFFFFF40] =	vst v2;
	v2 =	vld [tilespmem:s23+$0x50];
	v4 =	vmul.f32 v6, v4  }
0x246: {  	v6 =	vld [tilespmem:s23+$0xFFFFFF50]  }
0x247: {  	[tilespmem:s17+$0xD0] =	vst v4;
	v4 =	vld [tilespmem:s17+$0xE0]  }
0x248: {  	v3 =	vmul.f32 v5, v3;
	v5 =	vld [tilespmem:s23+$0xE0]  }
0x249: {  	v7 =	vld [tilespmem:s17+$0xFFFFFF60]  }
0x24a: {  	[tilespmem:s17+$0xFFFFFFD0] =	vst v3;
	v3 =	vld [tilespmem:s17+$0xFFFFFFE0];
	v1 =	vmul.f32 v2, v1  }
0x24b: {  	v2 =	vmul.f32 v6, v8;
	v6 =	vld [tilespmem:s23+$0xFFFFFFE0]  }
0x24c: {  	[tilespmem:s17+$0x50] =	vst v1;
	v8 =	vld [tilespmem:s17+$0x60]  }
0x24d: {  	[tilespmem:s17+$0xFFFFFF50] =	vst v2;
	v9 =	vld [tilespmem:s23+$0x60];
	v1 =	vmul.f32 v5, v4  }
0x24e: {  	v4 =	vld [tilespmem:s23+$0xFFFFFF60]  }
0x24f: {  	[tilespmem:s17+$0xE0] =	vst v1;
	v10 =	vld [tilespmem:s17+$0xF0]  }
0x250: {  	v2 =	vmul.f32 v6, v3;
	v6 =	vld [tilespmem:s23+$0xF0]  }
0x251: {  	v1 =	vld [tilespmem:s17+$0xFFFFFF70]  }
.Ltmp5:
0x252: {  	[tilespmem:s17+$0xFFFFFFE0] =	vst v2;
	v2 =	vld [tilespmem:s17+$0xFFFFFFF0];
	v3 =	vmul.f32 v9, v8;
	(pc) =	sbr.rel @p0 .LBB2_11-.Ltmp5, $4  }
0x253: {  	v5 =	vmul.f32 v4, v7;
	v4 =	vld [tilespmem:s23+$0xFFFFFFF0]  }
0x254: {  	[tilespmem:s17+$0x60] =	vst v3;
	v3 =	vld [tilespmem:s17+$0x70]  }
0x255: {  	[tilespmem:s17+$0xFFFFFF60] =	vst v5;
	v5 =	vld [tilespmem:s23+$0x70];
	v7 =	vmul.f32 v6, v10  }
0x256: {  	s17 =	sadd.s32 $0x200, s17;
	v6 =	vld [tilespmem:s23+$0xFFFFFF70]  }
0x257: {  	_ =	sdelay $0x1  }
0x258: {  	v2 =	vmul.f32 v4, v2  }
0x259: {  	[tilespmem:s22+$0xF0] =	vst v7;
	v3 =	vmul.f32 v5, v3  }
0x25a: {  	[tilespmem:s22+$0xFFFFFFF0] =	vst v2;
	v1 =	vmul.f32 v6, v1  }
0x25b: {  	[tilespmem:s22+$0x70] =	vst v3  }
0x25c: {  	[tilespmem:s22+$0xFFFFFF70] =	vst v1  }
0x25d: {  	[spmem:s2] =	stream.indirect.scatter.add.f32 [tilespmem:s28], [sflag:$0x7], $0x80, s31, s11, $0xb8;
	[tilespmem:$0x1D9C0] =	vst v63  }
0x25e: {  	_ =	swait.ge [sflag:s29], $0x2800  }
0x25f: {  	[sflag:s29] =	ssyncset.done $0x0  }
0x260: {  	[sflag:s29] =	ssyncadd.s32 $0xFFFFD800  }
0x261: {  	s17 =	stileid.u32;
	[bflag:$0x0] =	sbarrier.arrive $0xFFFF  }
0x262: {  	s17 =	sshll.u32 s17, $0x6;
	s25 =	rddreg [dreg:$0xa]  }
0x263: {  	s17 =	sor.u32 $0x1C07, s17;
	s23 =	rddreg [dreg:$0x13]  }
0x264: {  	[hbm:s25], [sflag:s17] =	dma.local [spmem:s23], $0x2800  }
0x265: {  	_ =	swait.ge [sflag:s29], $0x2800  }
0x266: {  	s21 =	sadd.s32 $0x1, s21;
	s26 =	rddreg [dreg:$0xc]  }
0x267: {  	p0 =	sne.s32 s21, s26  }
.Ltmp6:
0x268: {  	_ = 	snop;
	(pc) =	sbr.rel @p0 .LBB2_1-.Ltmp6, $3  }
0x269: {  	_ =	sdelay $0x1  }
0x26a: {  	[sflag:s29] =	ssyncset.done $0x0  }
0x26b: {  	[sflag:s29] =	ssyncadd.s32 $0xFFFFD800  }
0x26c: {  	_ =	sfence.sel $0x180000  }
0x26d: {  	[bflag:$0x0] =	sbarrier.arrive $0xFFFF  }
0x26e: {  	_ =	strace $0x9000004A  }
0x26f: {  	s0 =	stileid.u32;
	[bflag:$0x2] =	sbarrier.arrive $0xFFFF  }
0x270: {  	p0 =	sne.s32 s0, $0x0;
	s0 =	rddreg [dreg:$0x3]  }
0x271: {  	s0 =	sadd.s32 @!p0 $0x100000, s0  }
0x272: {  	[sflag:s0] =	ssyncadd.tile.s32 @!p0 $0x1;
	_ =	shalt  }
.Lfunc_end2:
_tile_overlayer_lowered:
.L_overlay_start_2:
0x273: {  	(tag) =	ssettag $0x2  }
0x274: {  	s0 =	rddreg [dreg:$0x0];
	s2 =	stileid.u32  }
0x275: {  	s1 =	rddreg [dreg:$0x1];
	p0 =	sne.s32 s2, $0x0  }
0x276: {  	s3 =	rddreg [dreg:$0x2];
	[bflag:$0x3] =	sbarrier.arrive $0xFFFF;
	s2 =	simm.s32 @!p0 $0x1C07  }
0x277: {  	[timem:s3], [sflag:s2] =	dma.local @!p0 [hbm:s0], s1  }
0x278: {  	s0 =	simm.s32 @!p0 $0x7  }
0x279: {  	_ =	swait.ge @!p0 [sflag:s0], s1  }
0x27a: {  	s1 =	ssub.s32 @!p0 $0x0, s1;
	[sflag:s0] =	ssyncset.done @!p0 $0x0  }
0x27b: {  	[sflag:s0] =	ssyncadd.s32 @!p0 s1  }
0x27c: {  	[bflag:$0x3] =	sbarrier.arrive $0xFFFF  }
0x27d: {  	_ =	shalt  }

// kernel: kernel.18.cloned.1.call-start
scs
__scs_entry_jumppad:
0x0: {  	(pc) =	sbr.rel $0x88, $3  }
0x1: {  	(tag) =	ssettag $0x0;
	lr =	simm.s32 $0x1  }
0x2: {  	[smem:$0x3F94] =	sst lr;
	_ =	strace $0xD0000000  }
0x3: {  	_ = 	snop  }
0x4: {  	_ = 	snop  }
0x5: {  	_ = 	snop  }
0x6: {  	_ = 	snop  }
0x7: {  	_ = 	snop  }
__scs_overlays_trampoline_lowered:
0x8: {  	[smem:$0x3FA3] =	sst s0  }
0x9: {  	[smem:$0x3FA4] =	sst s1  }
0xa: {  	[smem:$0x3FA5] =	sst s2  }
0xb: {  	[smem:$0x3FA6] =	sst s3  }
0xc: {  	[smem:$0x3FA7] =	sst s4  }
0xd: {  	[smem:$0x3FA8] =	sst s5  }
0xe: {  	[smem:$0x3FA9] =	sst s6  }
0xf: {  	[smem:$0x3FAA] =	sst s7  }
0x10: {  	[smem:$0x3FAB] =	sst s8  }
0x11: {  	[smem:$0x3FAC] =	sst s9;
	s0 =	simm.s32 @!p0 $0x0  }
0x12: {  	s1 =	sld [smem:$0x3F92];
	s0 =	simm.s32 @p0 $0x1  }
0x13: {  	[smem:$0x3FAD] =	sst s0;
	s0 =	simm.s32 @!p1 $0x0  }
0x14: {  	s2 =	sld [smem:$0x3F91];
	s0 =	simm.s32 @p1 $0x1  }
0x15: {  	[smem:$0x3FAE] =	sst s0;
	s0 =	simm.s32 @!p2 $0x0  }
0x16: {  	s3 =	sld [smem:$0x3FDB];
	s0 =	simm.s32 @p2 $0x1  }
0x17: {  	s4 =	simm.s32 $0x1BF5;
	[smem:$0x3FB0] =	sst s0  }
0x18: {  	s0 =	sld [smem:$0x3F93];
	_ =	swait.ge [sflag:s4], $0x0  }
0x19: {  	s7 =	sld [smem:$0x3F94]  }
0x1a: {  	s8 =	sadd.s32 $0xFFFFE003, lr  }
0x1b: {  	s9 =	sadd.s32 $0xFFFFFEF7, lr;
	s5 =	simm.s32 $0xFFFFFFFF;
	p2 =	slt.u32 s8, $0xFFFFF086  }
0x1c: {  	p1 =	slt.u32 s9, $0xF7A;
	s5 =	simm.s32 @!p2 $0x0  }
0x1d: {  	s5 =	simm.s32 @p1 $0x1;
	p0 =	seq.s32 s7, s2  }
0x1e: {  	s7 =	smul.u32 @!p0 $0xF7A, s2;
	p2 =	seq.s32 @!p0 s5, $0x0  }
0x1f: {  	s9 =	smul.u32 $0xF7A, s1;
	s8 =	simm.s32 @!p0 $0x1BF5;
	p2 =	por !p2, p0  }
0x20: {  	[sflag:s8] =	ssyncset.s32 @!p0 $0xFFFFF086;
	s6 =	sadd.s32 @!p0 s3, s7;
	s7 =	simm.s32 @!p0 $0x108  }
0x21: {  	s3 =	sadd.s32 s3, s9;
	s6 =	sadd.s32 @!p0 $0x88, s6;
	s7 =	simm.s32 @p2 $0x1082  }
0x22: {  	[simem:s7], [sflag:s8] =	dma.local @!p0 [hbm:s6], $0xF7A  }
0x23: {  	s9 =	sor.u32 $0xD0000000, s2;
	s6 =	simm.s32 $0x108;
	_ =	swait.ge @!p0 [sflag:s8], $0x0  }
0x24: {  	s3 =	sadd.s32 $0x88, s3;
	s6 =	simm.s32 @!p1 $0x1082;
	[sflag:s4] =	ssyncset.s32 $0xFFFFF086  }
0x25: {  	[simem:s6], [sflag:s4] =	dma.local [hbm:s3], $0xF7A  }
0x26: {  	[smem:$0x3F94] =	sst s1;
	(tag) =	ssettag s2;
	_ =	strace s9  }
0x27: {  	s1 =	sld [smem:$0x3FA4]  }
0x28: {  	s2 =	sld [smem:$0x3FA5]  }
0x29: {  	s4 =	sld [smem:$0x3FA7]  }
0x2a: {  	p0 =	seq.s32 s5, $0x0;
	s5 =	sld [smem:$0x3FA8]  }
0x2b: {  	s6 =	sld [smem:$0x3FA9]  }
0x2c: {  	s7 =	sld [smem:$0x3FAA]  }
0x2d: {  	s3 =	simm.s32 $0x108;
	s8 =	sld [smem:$0x3FAB]  }
0x2e: {  	s3 =	simm.s32 @!p0 $0x1082;
	s9 =	sld [smem:$0x3FAC]  }
0x2f: {  	lr =	sadd.s32 s0, s3;
	s0 =	sld [smem:$0x3FA3]  }
0x30: {  	s3 =	sld [smem:$0x3FA6]  }
0x31: {  	[smem:$0x3FAF] =	sst s10  }
0x32: {  	s10 =	sld [smem:$0x3FAD];
	_ =	sdelay $0x3  }
0x33: {  	p0 =	seq.s32 s10, $0x1;
	s10 =	sld [smem:$0x3FAF];
	_ =	sdelay $0x3  }
0x34: {  	[smem:$0x3FAF] =	sst s10  }
0x35: {  	s10 =	sld [smem:$0x3FAE];
	_ =	sdelay $0x3  }
0x36: {  	p1 =	seq.s32 s10, $0x1;
	s10 =	sld [smem:$0x3FAF];
	_ =	sdelay $0x3  }
0x37: {  	[smem:$0x3FAF] =	sst s10  }
0x38: {  	s10 =	sld [smem:$0x3FB0]  }
0x39: {  	_ = 	snop;
	(pc) =	sbr.ind lr, $3  }
0x3a: {  	_ = 	snop  }
0x3b: {  	_ = 	snop  }
0x3c: {  	p2 =	seq.s32 s10, $0x1;
	s10 =	sld [smem:$0x3FAF]  }
0x3d: {  	_ =	shalt  }
0x3e: {  	_ =	shalt  }
0x3f: {  	_ =	shalt  }
0x40: {  	_ =	shalt  }
0x41: {  	_ =	shalt  }
0x42: {  	_ =	shalt  }
0x43: {  	_ =	shalt  }
0x44: {  	_ =	shalt  }
0x45: {  	_ =	shalt  }
0x46: {  	_ =	shalt  }
0x47: {  	_ =	shalt  }
0x48: {  	_ =	shalt  }
0x49: {  	_ =	shalt  }
0x4a: {  	_ =	shalt  }
0x4b: {  	_ =	shalt  }
0x4c: {  	_ =	shalt  }
0x4d: {  	_ =	shalt  }
0x4e: {  	_ =	shalt  }
0x4f: {  	_ =	shalt  }
0x50: {  	_ =	shalt  }
0x51: {  	_ =	shalt  }
0x52: {  	_ =	shalt  }
0x53: {  	_ =	shalt  }
0x54: {  	_ =	shalt  }
0x55: {  	_ =	shalt  }
0x56: {  	_ =	shalt  }
0x57: {  	_ =	shalt  }
0x58: {  	_ =	shalt  }
0x59: {  	_ =	shalt  }
0x5a: {  	_ =	shalt  }
0x5b: {  	_ =	shalt  }
0x5c: {  	_ =	shalt  }
0x5d: {  	_ =	shalt  }
0x5e: {  	_ =	shalt  }
0x5f: {  	_ =	shalt  }
0x60: {  	_ =	shalt  }
0x61: {  	_ =	shalt  }
0x62: {  	_ =	shalt  }
0x63: {  	_ =	shalt  }
0x64: {  	_ =	shalt  }
0x65: {  	_ =	shalt  }
0x66: {  	_ =	shalt  }
0x67: {  	_ =	shalt  }
0x68: {  	_ =	shalt  }
0x69: {  	_ =	shalt  }
0x6a: {  	_ =	shalt  }
0x6b: {  	_ =	shalt  }
0x6c: {  	_ =	shalt  }
0x6d: {  	_ =	shalt  }
0x6e: {  	_ =	shalt  }
0x6f: {  	_ =	shalt  }
0x70: {  	_ =	shalt  }
0x71: {  	_ =	shalt  }
0x72: {  	_ =	shalt  }
0x73: {  	_ =	shalt  }
0x74: {  	_ =	shalt  }
0x75: {  	_ =	shalt  }
0x76: {  	_ =	shalt  }
0x77: {  	_ =	shalt  }
0x78: {  	_ =	shalt  }
0x79: {  	_ =	shalt  }
0x7a: {  	_ =	shalt  }
0x7b: {  	_ =	shalt  }
0x7c: {  	_ =	shalt  }
0x7d: {  	_ =	shalt  }
0x7e: {  	_ =	shalt  }
0x7f: {  	_ =	shalt  }
0x80: {  	_ =	shalt  }
0x81: {  	_ =	shalt  }
0x82: {  	_ =	shalt  }
0x83: {  	_ =	shalt  }
0x84: {  	_ =	shalt  }
0x85: {  	_ =	shalt  }
0x86: {  	_ =	shalt  }
0x87: {  	_ =	shalt  }
.Lfunc_end0:
.L_simem_size_0:
called_computation.2_lowered:
.L_overlay_start_0:
0x88: {  	s2 =	sld [smem:$0x3FD9]  }
0x89: {  	s3 =	sld [smem:$0x3FFE];
	_ =	sdelay $0x1  }
0x8a: {  	s1 =	srdreg.scid  }
0x8b: {  	s0 =	sand.u32 $0x1, s1  }
0x8c: {  	s17 =	sshll.u32 s0, $0xA;
	s2 =	sadd.s32 s3, s2  }
0x8d: {  	s2 =	sadd.s32 s2, s17  }
0x8e: {  	[smem:$0x3FBB] =	sst s2  }
0x8f: {  	_ = 	snop  }
0x90: {  	s2 =	sld [smem:$0x3FD0];
	(tm) =	ssettm $0x1  }
0x91: {  	s18 =	sld [smem:$0x3FFB];
	_ =	sdelay $0x3  }
0x92: {  	_ =	strace s18  }
0x93: {  	s3 =	sld [smem:$0x3FFC];
	_ =	sdelay $0x3  }
0x94: {  	_ =	strace s3  }
0x95: {  	s3 =	sld [smem:$0x3FFD];
	_ =	sdelay $0x3  }
0x96: {  	_ =	strace s3  }
0x97: {  	_ =	strace $0x8FFFFFFF  }
0x98: {  	s19 =	sld [smem:$0x3FDB];
	_ =	sdelay $0x1  }
0x99: {  	s4 =	simm.s32 $_scs_section_size  }
0x9a: {  	s5 =	simm.s32 $_size__tile_overlayer_lowered;
	s6 =	simm.s32 $_tile_overlayer_lowered  }
0x9b: {  	s22 =	simm.s32 $0x1BFF;
	s21 =	sshll.u32 s6, $0x1;
	s3 =	sadd.s32 s4, s19  }
0x9c: {  	s7 =	simm.s32 $0x0;
	s20 =	sshll.u32 s5, $0x1;
	s5 =	sadd.s32 s21, s3  }
0x9d: {  	[timem:s7], [sflag:s22] =	dma.local [hbm:s5], s20  }
0x9e: {  	_ =	swait.ge [sflag:s22], s20  }
0x9f: {  	s4 =	ssub.s32 $0x0, s20;
	[sflag:s22] =	ssyncset.done $0x0  }
0xa0: {  	[sflag:s22] =	ssyncadd.s32 s4;
	_ =	sdelay $0x1  }
0xa1: {  	s23 =	simm.s32 $0x1B8B  }
0xa2: {  	_ =	swait.ge [sflag:s23], $0x1  }
0xa3: {  	[sflag:s23] =	ssyncset.done $0x0  }
0xa4: {  	s25 =	simm.s32 $0x1B8E;
	s24 =	sld [smem:$0x3FFE];
	[sflag:s23] =	ssyncadd.s32 $0xFFFFFFFF  }
0xa5: {  	s26 =	simm.s32 $execute0_lowered;
	[smem:$0x3FD2] =	sst s25  }
0xa6: {  	s5 =	sshll.u32 s26, $0x1;
	_ =	strace $0x8000004C;
	[dreg:$0x1] =	wrdreg $0xFFFFFFFF  }
0xa7: {  	s28 =	simm.s32 $_size_execute0_lowered;
	s3 =	sadd.s32 s3, s5;
	[dreg:$0x0] =	wrdreg $0x0  }
0xa8: {  	s5 =	sshll.u32 s28, $0x1;
	[dreg:$0x2] =	wrdreg s3  }
0xa9: {  	[dreg:$0x3] =	wrdreg s5  }
0xaa: {  	[dreg:$0x4] =	wrdreg $0xC0  }
0xab: {  	_ =	task [dreg:s7], $0x5FFFF  }
0xac: {  	[dreg:$0x1] =	wrdreg $0xFFFFFFFF  }
0xad: {  	[dreg:$0x0] =	wrdreg $0x60  }
0xae: {  	[dreg:$0x2] =	wrdreg s24  }
0xaf: {  	[dreg:$0x3] =	wrdreg s2  }
0xb0: {  	[dreg:$0x4] =	wrdreg $0x0  }
0xb1: {  	[dreg:$0x5] =	wrdreg $0x9  }
0xb2: {  	_ =	task.clear_ibuf [dreg:s7], $0x6FFFF;
	_ =	strace $0x9000004C  }
0xb3: {  	s29 =	simm.s32 $0x9;
	_ =	strace $0x8000004E  }
0xb4: {  	_ =	swait.ge [sflag:s29], $0x1  }
0xb5: {  	[sflag:s29] =	ssyncadd.s32 $0xFFFFFFFF  }
0xb6: {  	_ =	strace $0x9000004E  }
0xb7: {  	_ =	sfence  }
0xb8: {  	s30 =	sld [smem:$0x0];
	_ =	sdelay $0x2  }
0xb9: {  	s31 =	sshll.u32 s1, $0xD;
	s1 =	sshrl.u32 s1, $0x2  }
0xba: {  	s3 =	sand.u32 $0x4000, s31;
	s1 =	sadd.s32 s1, s30  }
0xbb: {  	s0 =	sor.u32 s3, s0;
	s1 =	sshll.u32 s1, $0x11  }
0xbc: {  	s0 =	sor.u32 s1, s0  }
0xbd: {  	s0 =	sadd.s32 $0x8F2B, s0  }
0xbe: {  	[sflag:s0] =	ssyncadd.remote.s32 $0x1  }
0xbf: {  	_ =	sfence.sel $0xFFFF  }
0xc0: {  	[dreg:$0x0] =	wrdreg $0xFFFFFFFF;
	(pc) =	sbr.abs _section_cstart, $3  }
0xc1: {  	[dreg:$0x1] =	wrdreg $0xFFFFFFFF  }
0xc2: {  	_ =	task.clear_ibuf [dreg:s7], $0x2FFFF;
	_ =	strace $0x9FFFFFFF  }
0xc3: {  	(tm) =	ssettm $0x7FFFFFFF  }
tec
execute0_lowered:
.L_overlay_start_1:
0x0: {  	(tag) =	ssettag $0x1  }
0x1: {  	s0 =	rddreg [dreg:$0x0]  }
0x2: {  	s1 =	rddreg [dreg:$0x1]  }
0x3: {  	s2 =	rddreg [dreg:$0x2]  }
0x4: {  	s3 =	srdreg.scid;
	s4 =	simm.s32 $0x0;
	s12 =	stileid.u32  }
0x5: {  	s28 =	simm.s32 $0x13880;
	s29 =	simm.s32 $0x7;
	s30 =	simm.s32 $0x1D880  }
0x6: {  	s31 =	simm.s32 $0x1D920;
	s3 =	sand.u32 $0x1, s3;
	[smem:$0x7FF] =	sst s4  }
0x7: {  	s8 =	smul.u32 $0x13800, s12;
	s5 =	sadd.s32 $0x57C600, s0;
	s6 =	sadd.s32 $0xE400, s0  }
0x8: {  	s7 =	smul.u32 $0x138800, s3;
	_ =	strace $0x8000004D;
	s9 =	sshll.u32 s3, $0x4  }
0x9: {  	s3 =	ssub.s32 $0x2, s3;
	s9 =	sor.u32 s12, s9;
	s12 =	smul.u32 $0x4E000, s12  }
0xa: {  	s25 =	sshrl.u32 s3, $0x1;
	s19 =	sadd.s32 s8, s2;
	s11 =	smul.u32 $0x2710, s9  }
0xb: {  	s7 =	sadd.s32 s8, s7;
	s3 =	ssub.s32 s3, s25;
	s9 =	smul.u32 $0x27100, s9  }
0xc: {  	s8 =	simm.s32 $0x1D970;
	s10 =	sshrl.u32 s7, $0x3;
	s7 =	sadd.s32 $0x4600, s0  }
0xd: {  	s18 =	sshrl.u32 s12, $0x2;
	s3 =	smax.u32 s3, $0x1;
	s12 =	simm.s32 $0x2  }
0xe: {  	s26 =	sshrl.u32 s11, $0x3;
	s9 =	sadd.s32 s5, s9;
	[dreg:$0xc] =	wrdreg s3  }
0xf: {  	s0 =	sadd.s32 s10, s0;
	s13 =	sadd.s32 s6, s26;
	[dreg:$0x6] =	wrdreg s9  }
0x10: {  	s14 =	sadd.s32 $0x50, s11;
	s10 =	sadd.s32 s7, s26;
	[dreg:$0x4] =	wrdreg s13  }
0x11: {  	s15 =	sshrl.u32 s14, $0x3;
	s0 =	sadd.s32 $0x4AC00, s0;
	[dreg:$0x5] =	wrdreg s10  }
0x12: {  	s3 =	simm.s32 $0x1D8D0;
	s16 =	sadd.s32 s6, s15;
	[dreg:$0xa] =	wrdreg s0  }
0x13: {  	s17 =	sshll.u32 s14, $0x4;
	s9 =	sadd.s32 s7, s15;
	[dreg:$0x7] =	wrdreg s16  }
0x14: {  	s14 =	sadd.s32 $0xA0, s11;
	s0 =	sshrl.u32 s19, $0x3;
	[dreg:$0x8] =	wrdreg s9  }
0x15: {  	s15 =	sadd.s32 $0xF0, s11;
	s9 =	sadd.s32 s5, s17;
	[dreg:$0x13] =	wrdreg s0  }
0x16: {  	s10 =	simm.s32 $0x1;
	[dreg:$0x9] =	wrdreg s9;
	s9 =	sadd.s32 s18, s2  }
0x17: {  	s11 =	simm.s32 $0x50;
	s20 =	sadd.s32 $0x2800, s9;
	[dreg:$0xb] =	wrdreg s9  }
0x18: {  	s13 =	simm.s32 $0x16080;
	s21 =	sadd.s32 $0x5000, s9;
	[dreg:$0xd] =	wrdreg s20  }
0x19: {  	s19 =	simm.s32 $0x6;
	s22 =	sadd.s32 $0x7800, s9;
	[dreg:$0xe] =	wrdreg s21  }
0x1a: {  	s0 =	simm.s32 $0x18880;
	s23 =	sadd.s32 $0xA000, s9;
	[dreg:$0xf] =	wrdreg s22  }
0x1b: {  	s16 =	simm.s32 $0x5;
	s24 =	sadd.s32 $0xC800, s9;
	[dreg:$0x10] =	wrdreg s23  }
0x1c: {  	s18 =	simm.s32 $0x3;
	s25 =	sadd.s32 $0xF000, s9;
	[dreg:$0x11] =	wrdreg s24  }
0x1d: {  	s26 =	sadd.s32 $0x11800, s9;
	s9 =	simm.s32 $0x1B080;
	[dreg:$0x12] =	wrdreg s25  }
0x1e: {  	v0 =	vimm.f32 $0.0e+00;
	[dreg:$0x14] =	wrdreg s26;
	s20 =	simm.s32 $0x4;
	s21 =	simm.s32 $0x0  }
.LBB2_1:
0x1f: {  	s17 =	simm.s32 $0x13980  }
0x20: {  	[tilespmem:s17+$0xFFFFFF00] =	vst v0  }
0x21: {  	[tilespmem:s17+$0xF0] =	vst v0  }
0x22: {  	[tilespmem:s17+$0xE0] =	vst v0  }
0x23: {  	[tilespmem:s17+$0xD0] =	vst v0  }
0x24: {  	[tilespmem:s17+$0xC0] =	vst v0  }
0x25: {  	[tilespmem:s17+$0xB0] =	vst v0  }
0x26: {  	[tilespmem:s17+$0xA0] =	vst v0  }
0x27: {  	[tilespmem:s17+$0x90] =	vst v0  }
0x28: {  	[tilespmem:s17+$0x80] =	vst v0  }
0x29: {  	[tilespmem:s17+$0x70] =	vst v0  }
0x2a: {  	[tilespmem:s17+$0x60] =	vst v0  }
0x2b: {  	[tilespmem:s17+$0x50] =	vst v0  }
0x2c: {  	[tilespmem:s17+$0x40] =	vst v0  }
0x2d: {  	[tilespmem:s17+$0x30] =	vst v0  }
0x2e: {  	[tilespmem:s17+$0x20] =	vst v0  }
0x2f: {  	[tilespmem:s17+$0x10] =	vst v0  }
0x30: {  	[tilespmem:s17+$0x0] =	vst v0  }
0x31: {  	[tilespmem:s17+$0xFFFFFFF0] =	vst v0  }
0x32: {  	[tilespmem:s17+$0xFFFFFFE0] =	vst v0  }
0x33: {  	[tilespmem:s17+$0xFFFFFFD0] =	vst v0  }
0x34: {  	[tilespmem:s17+$0xFFFFFFC0] =	vst v0  }
0x35: {  	[tilespmem:s17+$0xFFFFFFB0] =	vst v0  }
0x36: {  	[tilespmem:s17+$0xFFFFFFA0] =	vst v0  }
0x37: {  	[tilespmem:s17+$0xFFFFFF90] =	vst v0  }
0x38: {  	[tilespmem:s17+$0xFFFFFF80] =	vst v0  }
0x39: {  	[tilespmem:s17+$0xFFFFFF70] =	vst v0  }
0x3a: {  	[tilespmem:s17+$0xFFFFFF60] =	vst v0  }
0x3b: {  	[tilespmem:s17+$0xFFFFFF50] =	vst v0  }
0x3c: {  	[tilespmem:s17+$0xFFFFFF40] =	vst v0  }
0x3d: {  	[tilespmem:s17+$0xFFFFFF30] =	vst v0  }
0x3e: {  	s22 =	simm.s32 $0x0;
	[tilespmem:s17+$0xFFFFFF20] =	vst v0  }
.LBB2_2:
0x3f: {  	s22 =	sadd.s32 $0x4, s22;
	[tilespmem:s17+$0xFFFFFF10] =	vst v0;
	s17 =	sadd.s32 $0x200, s17  }
0x40: {  	[tilespmem:s17+$0xFFFFFF00] =	vst v0;
	p0 =	slt.u32 s22, $0x4C  }
0x41: {  	[tilespmem:s17+$0xF0] =	vst v0  }
0x42: {  	[tilespmem:s17+$0xE0] =	vst v0  }
0x43: {  	[tilespmem:s17+$0xD0] =	vst v0  }
0x44: {  	[tilespmem:s17+$0xC0] =	vst v0  }
0x45: {  	[tilespmem:s17+$0xB0] =	vst v0  }
0x46: {  	[tilespmem:s17+$0xA0] =	vst v0  }
0x47: {  	[tilespmem:s17+$0x90] =	vst v0  }
0x48: {  	[tilespmem:s17+$0x80] =	vst v0  }
0x49: {  	[tilespmem:s17+$0x70] =	vst v0  }
0x4a: {  	[tilespmem:s17+$0x60] =	vst v0  }
0x4b: {  	[tilespmem:s17+$0x50] =	vst v0  }
0x4c: {  	[tilespmem:s17+$0x40] =	vst v0  }
0x4d: {  	[tilespmem:s17+$0x30] =	vst v0  }
0x4e: {  	[tilespmem:s17+$0x20] =	vst v0  }
0x4f: {  	[tilespmem:s17+$0x10] =	vst v0  }
0x50: {  	[tilespmem:s17+$0x0] =	vst v0  }
0x51: {  	[tilespmem:s17+$0xFFFFFFF0] =	vst v0  }
0x52: {  	[tilespmem:s17+$0xFFFFFFE0] =	vst v0  }
0x53: {  	[tilespmem:s17+$0xFFFFFFD0] =	vst v0  }
0x54: {  	[tilespmem:s17+$0xFFFFFFC0] =	vst v0  }
0x55: {  	[tilespmem:s17+$0xFFFFFFB0] =	vst v0  }
0x56: {  	[tilespmem:s17+$0xFFFFFFA0] =	vst v0  }
0x57: {  	[tilespmem:s17+$0xFFFFFF90] =	vst v0  }
0x58: {  	[tilespmem:s17+$0xFFFFFF80] =	vst v0  }
0x59: {  	[tilespmem:s17+$0xFFFFFF70] =	vst v0  }
.Ltmp0:
0x5a: {  	[tilespmem:s17+$0xFFFFFF60] =	vst v0;
	(pc) =	sbr.rel @p0 .LBB2_2-.Ltmp0, $4  }
0x5b: {  	[tilespmem:s17+$0xFFFFFF50] =	vst v0  }
0x5c: {  	[tilespmem:s17+$0xFFFFFF40] =	vst v0  }
0x5d: {  	[tilespmem:s17+$0xFFFFFF30] =	vst v0  }
0x5e: {  	[tilespmem:s17+$0xFFFFFF20] =	vst v0  }
0x5f: {  	[tilespmem:s17+$0xFFFFFF10] =	vst v0  }
0x60: {  	s17 =	rddreg [dreg:$0xb]  }
0x61: {  	[spmem:s17] =	stream.linear.scatter [tilespmem:s28], [sflag:$0x7], $0x2800, $0x38;
	[tilespmem:$0x1D9C0] =	vst v63  }
0x62: {  	_ =	swait.ge [sflag:s29], $0x2800  }
0x63: {  	[sflag:s29] =	ssyncset.done $0x0  }
0x64: {  	s23 =	rddreg [dreg:$0xd];
	[sflag:s29] =	ssyncadd.s32 $0xFFFFD800  }
0x65: {  	[spmem:s23] =	stream.linear.scatter [tilespmem:s28], [sflag:$0x7], $0x2800, $0x38;
	[tilespmem:$0x1D9C0] =	vst v63  }
0x66: {  	_ =	swait.ge [sflag:s29], $0x2800  }
0x67: {  	[sflag:s29] =	ssyncset.done $0x0  }
0x68: {  	s24 =	rddreg [dreg:$0xe];
	[sflag:s29] =	ssyncadd.s32 $0xFFFFD800  }
0x69: {  	[spmem:s24] =	stream.linear.scatter [tilespmem:s28], [sflag:$0x7], $0x2800, $0x38;
	[tilespmem:$0x1D9C0] =	vst v63  }
0x6a: {  	_ =	swait.ge [sflag:s29], $0x2800  }
0x6b: {  	[sflag:s29] =	ssyncset.done $0x0  }
0x6c: {  	s25 =	rddreg [dreg:$0xf];
	[sflag:s29] =	ssyncadd.s32 $0xFFFFD800  }
0x6d: {  	[spmem:s25] =	stream.linear.scatter [tilespmem:s28], [sflag:$0x7], $0x2800, $0x38;
	[tilespmem:$0x1D9C0] =	vst v63  }
0x6e: {  	_ =	swait.ge [sflag:s29], $0x2800  }
0x6f: {  	[sflag:s29] =	ssyncset.done $0x0  }
0x70: {  	s26 =	rddreg [dreg:$0x10];
	[sflag:s29] =	ssyncadd.s32 $0xFFFFD800  }
0x71: {  	[spmem:s26] =	stream.linear.scatter [tilespmem:s28], [sflag:$0x7], $0x2800, $0x38;
	[tilespmem:$0x1D9C0] =	vst v63  }
0x72: {  	_ =	swait.ge [sflag:s29], $0x2800  }
0x73: {  	[sflag:s29] =	ssyncset.done $0x0  }
0x74: {  	s22 =	rddreg [dreg:$0x11];
	[sflag:s29] =	ssyncadd.s32 $0xFFFFD800  }
0x75: {  	[spmem:s22] =	stream.linear.scatter [tilespmem:s28], [sflag:$0x7], $0x2800, $0x38;
	[tilespmem:$0x1D9C0] =	vst v63  }
0x76: {  	_ =	swait.ge [sflag:s29], $0x2800  }
0x77: {  	[sflag:s29] =	ssyncset.done $0x0  }
0x78: {  	s23 =	rddreg [dreg:$0x12];
	[sflag:s29] =	ssyncadd.s32 $0xFFFFD800  }
0x79: {  	[spmem:s23] =	stream.linear.scatter [tilespmem:s28], [sflag:$0x7], $0x2800, $0x38;
	[tilespmem:$0x1D9C0] =	vst v63  }
0x7a: {  	_ =	swait.ge [sflag:s29], $0x2800  }
0x7b: {  	[sflag:s29] =	ssyncset.done $0x0  }
0x7c: {  	s24 =	rddreg [dreg:$0x14];
	[sflag:s29] =	ssyncadd.s32 $0xFFFFD800  }
0x7d: {  	[spmem:s24] =	stream.linear.scatter [tilespmem:s28], [sflag:$0x7], $0x2800, $0x38;
	[tilespmem:$0x1D9C0] =	vst v63  }
0x7e: {  	_ =	swait.ge [sflag:s29], $0x2800  }
0x7f: {  	[sflag:s29] =	ssyncset.done $0x0  }
0x80: {  	[sflag:s29] =	ssyncadd.s32 $0xFFFFD800  }
0x81: {  	[bflag:$0x0] =	sbarrier.arrive $0xFFFF  }
0x82: {  	s22 =	simm.s32 $0x0;
	s25 =	rddreg [dreg:$0x4]  }
0x83: {  	[tilespmem:s30], [sflag:$0x1] =	stream.linear.gather [hbm4b:s25+s22], $0x50, $0x38;
	[tilespmem:$0x1D9C0] =	vst v63  }
0x84: {  	s26 =	rddreg [dreg:$0x5]  }
0x85: {  	[tilespmem:s31], [sflag:$0x1] =	stream.linear.gather [hbm4b:s26+s22], $0x50, $0x38;
	[tilespmem:$0x1D9C0] =	vst v63  }
0x86: {  	s23 =	rddreg [dreg:$0x6]  }
0x87: {  	[tilespmem:s0], [sflag:$0x3] =	stream.linear.gather [hbm4b:s23+s22], $0x2800, $0x38;
	[tilespmem:$0x1D9C0] =	vst v63  }
0x88: {  	s24 =	rddreg [dreg:$0x7]  }
0x89: {  	[tilespmem:s3], [sflag:$0x2] =	stream.linear.gather [hbm4b:s24+s22], $0x50, $0x38;
	[tilespmem:$0x1D9C0] =	vst v63  }
0x8a: {  	s25 =	rddreg [dreg:$0x8]  }
0x8b: {  	[tilespmem:s8], [sflag:$0x2] =	stream.linear.gather [hbm4b:s25+s22], $0x50, $0x38;
	[tilespmem:$0x1D9C0] =	vst v63  }
0x8c: {  	s26 =	rddreg [dreg:$0x9]  }
0x8d: {  	[tilespmem:s9], [sflag:$0x4] =	stream.linear.gather [hbm4b:s26+s22], $0x2800, $0x38;
	[tilespmem:$0x1D9C0] =	vst v63  }
0x8e: {  	_ =	swait.ge [sflag:s10], $0x50  }
0x8f: {  	[sflag:s10] =	ssyncset.done $0x0  }
0x90: {  	[sflag:s10] =	ssyncadd.s32 $0xFFFFFFB0  }
0x91: {  	_ =	swait.ge [sflag:s10], $0x50  }
0x92: {  	[sflag:s10] =	ssyncset.done $0x0  }
0x93: {  	[sflag:s10] =	ssyncadd.s32 $0xFFFFFFB0  }
0x94: {  	[tilespmem:s28], [sflag:$0x5] =	stream.indirect.gather [hbm4b:s1+s11], $0x80, s30, s11, $0xb8;
	[tilespmem:$0x1D9C0] =	vst v63  }
.LBB2_4:
0x95: {  	_ =	swait.ge [sflag:s12], $0x50  }
0x96: {  	[sflag:s12] =	ssyncset.done $0x0  }
0x97: {  	[sflag:s12] =	ssyncadd.s32 $0xFFFFFFB0  }
0x98: {  	_ =	swait.ge [sflag:s12], $0x50  }
0x99: {  	[sflag:s12] =	ssyncset.done $0x0  }
0x9a: {  	[sflag:s12] =	ssyncadd.s32 $0xFFFFFFB0  }
0x9b: {  	[tilespmem:s13], [sflag:$0x6] =	stream.indirect.gather [hbm4b:s1+s11], $0x80, s3, s11, $0xb8;
	[tilespmem:$0x1D9C0] =	vst v63  }
0x9c: {  	_ =	swait.ge [sflag:s16], $0x2800  }
0x9d: {  	[sflag:s16] =	ssyncset.done $0x0  }
0x9e: {  	[sflag:s16] =	ssyncadd.s32 $0xFFFFD800  }
0x9f: {  	_ =	swait.ge [sflag:s18], $0x2800  }
0xa0: {  	[sflag:s18] =	ssyncset.done $0x0  }
0xa1: {  	s23 =	simm.s32 $0x13980;
	[sflag:s18] =	ssyncadd.s32 $0xFFFFD800  }
0xa2: {  	s24 =	simm.s32 $0x18980;
	v1 =	vld [tilespmem:s23+$0x80]  }
0xa3: {  	v2 =	vld [tilespmem:s24+$0x80]  }
0xa4: {  	v3 =	vld [tilespmem:s23+$0xFFFFFF80]  }
0xa5: {  	v4 =	vld [tilespmem:s24+$0xFFFFFF80]  }
0xa6: {  	v5 =	vld [tilespmem:s23+$0x0]  }
0xa7: {  	v6 =	vld [tilespmem:s24+$0x0]  }
0xa8: {  	v7 =	vld [tilespmem:s23+$0xFFFFFF00];
	v1 =	vmul.f32 v2, v1  }
0xa9: {  	v2 =	vld [tilespmem:s24+$0xFFFFFF00]  }
0xaa: {  	[tilespmem:s23+$0x80] =	vst v1;
	v1 =	vld [tilespmem:s23+$0x90]  }
0xab: {  	v3 =	vmul.f32 v4, v3;
	v4 =	vld [tilespmem:s24+$0x90]  }
0xac: {  	v8 =	vld [tilespmem:s23+$0xFFFFFF10]  }
0xad: {  	[tilespmem:s23+$0xFFFFFF80] =	vst v3;
	v3 =	vmul.f32 v6, v5;
	v5 =	vld [tilespmem:s23+$0xFFFFFF90]  }
0xae: {  	v6 =	vld [tilespmem:s24+$0xFFFFFF90];
	v2 =	vmul.f32 v2, v7  }
0xaf: {  	[tilespmem:s23+$0x0] =	vst v3;
	v3 =	vld [tilespmem:s23+$0x10]  }
0xb0: {  	v7 =	vld [tilespmem:s24+$0x10];
	[tilespmem:s23+$0xFFFFFF00] =	vst v2;
	v1 =	vmul.f32 v4, v1  }
0xb1: {  	v2 =	vld [tilespmem:s24+$0xFFFFFF10]  }
0xb2: {  	[tilespmem:s23+$0x90] =	vst v1;
	v1 =	vld [tilespmem:s23+$0xA0]  }
0xb3: {  	v4 =	vmul.f32 v6, v5;
	v5 =	vld [tilespmem:s24+$0xA0]  }
0xb4: {  	v6 =	vld [tilespmem:s23+$0xFFFFFF20]  }
0xb5: {  	[tilespmem:s23+$0xFFFFFF90] =	vst v4;
	v3 =	vmul.f32 v7, v3;
	v4 =	vld [tilespmem:s23+$0xFFFFFFA0]  }
0xb6: {  	v7 =	vld [tilespmem:s24+$0xFFFFFFA0];
	v2 =	vmul.f32 v2, v8  }
0xb7: {  	[tilespmem:s23+$0x10] =	vst v3;
	v3 =	vld [tilespmem:s23+$0x20]  }
0xb8: {  	v8 =	vld [tilespmem:s24+$0x20];
	[tilespmem:s23+$0xFFFFFF10] =	vst v2;
	v1 =	vmul.f32 v5, v1  }
0xb9: {  	v2 =	vld [tilespmem:s24+$0xFFFFFF20]  }
0xba: {  	[tilespmem:s23+$0xA0] =	vst v1;
	v1 =	vld [tilespmem:s23+$0xB0]  }
0xbb: {  	v4 =	vmul.f32 v7, v4;
	v5 =	vld [tilespmem:s24+$0xB0]  }
0xbc: {  	v7 =	vld [tilespmem:s23+$0xFFFFFF30]  }
0xbd: {  	[tilespmem:s23+$0xFFFFFFA0] =	vst v4;
	v3 =	vmul.f32 v8, v3;
	v4 =	vld [tilespmem:s23+$0xFFFFFFB0]  }
0xbe: {  	v8 =	vld [tilespmem:s24+$0xFFFFFFB0];
	v2 =	vmul.f32 v2, v6  }
0xbf: {  	[tilespmem:s23+$0x20] =	vst v3;
	v3 =	vld [tilespmem:s23+$0x30]  }
0xc0: {  	v6 =	vld [tilespmem:s24+$0x30];
	[tilespmem:s23+$0xFFFFFF20] =	vst v2;
	v1 =	vmul.f32 v5, v1  }
0xc1: {  	v2 =	vld [tilespmem:s24+$0xFFFFFF30]  }
0xc2: {  	[tilespmem:s23+$0xB0] =	vst v1;
	v1 =	vld [tilespmem:s23+$0xC0]  }
0xc3: {  	v4 =	vmul.f32 v8, v4;
	v5 =	vld [tilespmem:s24+$0xC0]  }
0xc4: {  	v8 =	vld [tilespmem:s23+$0xFFFFFF40]  }
0xc5: {  	[tilespmem:s23+$0xFFFFFFB0] =	vst v4;
	v3 =	vmul.f32 v6, v3;
	v4 =	vld [tilespmem:s23+$0xFFFFFFC0]  }
0xc6: {  	v6 =	vld [tilespmem:s24+$0xFFFFFFC0];
	v2 =	vmul.f32 v2, v7  }
0xc7: {  	[tilespmem:s23+$0x30] =	vst v3;
	v3 =	vld [tilespmem:s23+$0x40]  }
0xc8: {  	v7 =	vld [tilespmem:s24+$0x40];
	[tilespmem:s23+$0xFFFFFF30] =	vst v2;
	v1 =	vmul.f32 v5, v1  }
0xc9: {  	v2 =	vld [tilespmem:s24+$0xFFFFFF40]  }
0xca: {  	[tilespmem:s23+$0xC0] =	vst v1;
	v1 =	vld [tilespmem:s23+$0xD0]  }
0xcb: {  	v4 =	vmul.f32 v6, v4;
	v5 =	vld [tilespmem:s24+$0xD0]  }
0xcc: {  	v6 =	vld [tilespmem:s23+$0xFFFFFF50]  }
0xcd: {  	[tilespmem:s23+$0xFFFFFFC0] =	vst v4;
	v3 =	vmul.f32 v7, v3;
	v4 =	vld [tilespmem:s23+$0xFFFFFFD0]  }
0xce: {  	v7 =	vld [tilespmem:s24+$0xFFFFFFD0];
	v2 =	vmul.f32 v2, v8  }
0xcf: {  	[tilespmem:s23+$0x40] =	vst v3;
	v3 =	vld [tilespmem:s23+$0x50]  }
0xd0: {  	v8 =	vld [tilespmem:s24+$0x50];
	[tilespmem:s23+$0xFFFFFF40] =	vst v2;
	v1 =	vmul.f32 v5, v1  }
0xd1: {  	v2 =	vld [tilespmem:s24+$0xFFFFFF50]  }
0xd2: {  	[tilespmem:s23+$0xD0] =	vst v1;
	v1 =	vld [tilespmem:s23+$0xE0]  }
0xd3: {  	v4 =	vmul.f32 v7, v4;
	v5 =	vld [tilespmem:s24+$0xE0]  }
0xd4: {  	v7 =	vld [tilespmem:s23+$0xFFFFFF60]  }
0xd5: {  	[tilespmem:s23+$0xFFFFFFD0] =	vst v4;
	v3 =	vmul.f32 v8, v3;
	v4 =	vld [tilespmem:s23+$0xFFFFFFE0]  }
0xd6: {  	v8 =	vld [tilespmem:s24+$0xFFFFFFE0];
	v2 =	vmul.f32 v2, v6  }
0xd7: {  	[tilespmem:s23+$0x50] =	vst v3;
	v3 =	vld [tilespmem:s23+$0x60]  }
0xd8: {  	v6 =	vld [tilespmem:s24+$0x60];
	[tilespmem:s23+$0xFFFFFF50] =	vst v2;
	v1 =	vmul.f32 v5, v1  }
0xd9: {  	v5 =	vld [tilespmem:s24+$0xFFFFFF60]  }
0xda: {  	v9 =	vld [tilespmem:s23+$0xF0];
	[tilespmem:s23+$0xE0] =	vst v1  }
0xdb: {  	v2 =	vmul.f32 v8, v4;
	v8 =	vld [tilespmem:s24+$0xF0]  }
0xdc: {  	v1 =	vld [tilespmem:s23+$0xFFFFFF70]  }
0xdd: {  	[tilespmem:s23+$0xFFFFFFE0] =	vst v2;
	v3 =	vmul.f32 v6, v3;
	v2 =	vld [tilespmem:s23+$0xFFFFFFF0]  }
0xde: {  	v4 =	vld [tilespmem:s24+$0xFFFFFFF0];
	v5 =	vmul.f32 v5, v7  }
0xdf: {  	[tilespmem:s23+$0x60] =	vst v3;
	v3 =	vld [tilespmem:s23+$0x70]  }
0xe0: {  	[tilespmem:s23+$0xFFFFFF60] =	vst v5;
	v5 =	vld [tilespmem:s24+$0x70];
	v7 =	vmul.f32 v8, v9  }
0xe1: {  	s25 =	simm.s32 $0x0;
	s26 =	simm.s32 $0x13B80;
	v6 =	vld [tilespmem:s24+$0xFFFFFF70]  }
.LBB2_5:
0xe2: {  	v8 =	vld [tilespmem:s26+$0x80];
	[tilespmem:s23+$0xF0] =	vst v7;
	s24 =	sadd.s32 $0x200, s24  }
0xe3: {  	s25 =	sadd.s32 $0x4, s25;
	v7 =	vld [tilespmem:s24+$0x80];
	v2 =	vmul.f32 v4, v2  }
0xe4: {  	p0 =	slt.u32 s25, $0x4C;
	v4 =	vld [tilespmem:s24+$0xFFFFFF00]  }
0xe5: {  	v9 =	vld [tilespmem:s26+$0xFFFFFF80];
	[tilespmem:s23+$0xFFFFFFF0] =	vst v2;
	v2 =	vmul.f32 v5, v3  }
0xe6: {  	v3 =	vld [tilespmem:s24+$0xFFFFFF80];
	v1 =	vmul.f32 v6, v1  }
0xe7: {  	v5 =	vld [tilespmem:s26+$0x0];
	[tilespmem:s23+$0x70] =	vst v2  }
0xe8: {  	v2 =	vld [tilespmem:s24+$0x0];
	v6 =	vmul.f32 v7, v8;
	[tilespmem:s23+$0xFFFFFF70] =	vst v1;
	s23 =	smov.u32 s26  }
0xe9: {  	v1 =	vld [tilespmem:s26+$0xFFFFFF00]  }
0xea: {  	[tilespmem:s26+$0x80] =	vst v6;
	v6 =	vld [tilespmem:s26+$0x90]  }
0xeb: {  	v3 =	vmul.f32 v3, v9;
	v7 =	vld [tilespmem:s24+$0x90]  }
0xec: {  	v8 =	vld [tilespmem:s26+$0xFFFFFF10]  }
0xed: {  	[tilespmem:s26+$0xFFFFFF80] =	vst v3;
	v3 =	vld [tilespmem:s26+$0xFFFFFF90];
	v2 =	vmul.f32 v2, v5  }
0xee: {  	v1 =	vmul.f32 v4, v1;
	v4 =	vld [tilespmem:s24+$0xFFFFFF90]  }
0xef: {  	[tilespmem:s26+$0x0] =	vst v2;
	v2 =	vld [tilespmem:s26+$0x10]  }
0xf0: {  	[tilespmem:s26+$0xFFFFFF00] =	vst v1;
	v1 =	vld [tilespmem:s24+$0x10];
	v5 =	vmul.f32 v7, v6  }
0xf1: {  	v6 =	vld [tilespmem:s24+$0xFFFFFF10]  }
0xf2: {  	[tilespmem:s26+$0x90] =	vst v5;
	v5 =	vld [tilespmem:s26+$0xA0]  }
0xf3: {  	v3 =	vmul.f32 v4, v3;
	v4 =	vld [tilespmem:s24+$0xA0]  }
0xf4: {  	v7 =	vld [tilespmem:s26+$0xFFFFFF20]  }
0xf5: {  	[tilespmem:s26+$0xFFFFFF90] =	vst v3;
	v3 =	vld [tilespmem:s26+$0xFFFFFFA0];
	v1 =	vmul.f32 v1, v2  }
0xf6: {  	v2 =	vmul.f32 v6, v8;
	v6 =	vld [tilespmem:s24+$0xFFFFFFA0]  }
0xf7: {  	[tilespmem:s26+$0x10] =	vst v1;
	v1 =	vld [tilespmem:s26+$0x20]  }
0xf8: {  	[tilespmem:s26+$0xFFFFFF10] =	vst v2;
	v2 =	vld [tilespmem:s24+$0x20];
	v4 =	vmul.f32 v4, v5  }
0xf9: {  	v5 =	vld [tilespmem:s24+$0xFFFFFF20]  }
0xfa: {  	[tilespmem:s26+$0xA0] =	vst v4;
	v4 =	vld [tilespmem:s26+$0xB0]  }
0xfb: {  	v3 =	vmul.f32 v6, v3;
	v6 =	vld [tilespmem:s24+$0xB0]  }
0xfc: {  	v8 =	vld [tilespmem:s26+$0xFFFFFF30]  }
0xfd: {  	[tilespmem:s26+$0xFFFFFFA0] =	vst v3;
	v3 =	vld [tilespmem:s26+$0xFFFFFFB0];
	v1 =	vmul.f32 v2, v1  }
0xfe: {  	v2 =	vmul.f32 v5, v7;
	v5 =	vld [tilespmem:s24+$0xFFFFFFB0]  }
0xff: {  	[tilespmem:s26+$0x20] =	vst v1;
	v1 =	vld [tilespmem:s26+$0x30]  }
0x100: {  	[tilespmem:s26+$0xFFFFFF20] =	vst v2;
	v2 =	vld [tilespmem:s24+$0x30];
	v4 =	vmul.f32 v6, v4  }
0x101: {  	v6 =	vld [tilespmem:s24+$0xFFFFFF30]  }
0x102: {  	[tilespmem:s26+$0xB0] =	vst v4;
	v4 =	vld [tilespmem:s26+$0xC0]  }
0x103: {  	v3 =	vmul.f32 v5, v3;
	v5 =	vld [tilespmem:s24+$0xC0]  }
0x104: {  	v7 =	vld [tilespmem:s26+$0xFFFFFF40]  }
0x105: {  	[tilespmem:s26+$0xFFFFFFB0] =	vst v3;
	v3 =	vld [tilespmem:s26+$0xFFFFFFC0];
	v1 =	vmul.f32 v2, v1  }
0x106: {  	v2 =	vmul.f32 v6, v8;
	v6 =	vld [tilespmem:s24+$0xFFFFFFC0]  }
0x107: {  	[tilespmem:s26+$0x30] =	vst v1;
	v1 =	vld [tilespmem:s26+$0x40]  }
0x108: {  	[tilespmem:s26+$0xFFFFFF30] =	vst v2;
	v2 =	vld [tilespmem:s24+$0x40];
	v4 =	vmul.f32 v5, v4  }
0x109: {  	v5 =	vld [tilespmem:s24+$0xFFFFFF40]  }
0x10a: {  	[tilespmem:s26+$0xC0] =	vst v4;
	v4 =	vld [tilespmem:s26+$0xD0]  }
0x10b: {  	v3 =	vmul.f32 v6, v3;
	v6 =	vld [tilespmem:s24+$0xD0]  }
0x10c: {  	v8 =	vld [tilespmem:s26+$0xFFFFFF50]  }
0x10d: {  	[tilespmem:s26+$0xFFFFFFC0] =	vst v3;
	v3 =	vld [tilespmem:s26+$0xFFFFFFD0];
	v1 =	vmul.f32 v2, v1  }
0x10e: {  	v2 =	vmul.f32 v5, v7;
	v5 =	vld [tilespmem:s24+$0xFFFFFFD0]  }
0x10f: {  	[tilespmem:s26+$0x40] =	vst v1;
	v1 =	vld [tilespmem:s26+$0x50]  }
0x110: {  	[tilespmem:s26+$0xFFFFFF40] =	vst v2;
	v2 =	vld [tilespmem:s24+$0x50];
	v4 =	vmul.f32 v6, v4  }
0x111: {  	v6 =	vld [tilespmem:s24+$0xFFFFFF50]  }
0x112: {  	[tilespmem:s26+$0xD0] =	vst v4;
	v4 =	vld [tilespmem:s26+$0xE0]  }
0x113: {  	v3 =	vmul.f32 v5, v3;
	v5 =	vld [tilespmem:s24+$0xE0]  }
0x114: {  	v7 =	vld [tilespmem:s26+$0xFFFFFF60]  }
0x115: {  	[tilespmem:s26+$0xFFFFFFD0] =	vst v3;
	v3 =	vld [tilespmem:s26+$0xFFFFFFE0];
	v1 =	vmul.f32 v2, v1  }
0x116: {  	v2 =	vmul.f32 v6, v8;
	v6 =	vld [tilespmem:s24+$0xFFFFFFE0]  }
0x117: {  	[tilespmem:s26+$0x50] =	vst v1;
	v8 =	vld [tilespmem:s26+$0x60]  }
0x118: {  	[tilespmem:s26+$0xFFFFFF50] =	vst v2;
	v9 =	vld [tilespmem:s24+$0x60];
	v1 =	vmul.f32 v5, v4  }
0x119: {  	v4 =	vld [tilespmem:s24+$0xFFFFFF60]  }
0x11a: {  	[tilespmem:s26+$0xE0] =	vst v1;
	v10 =	vld [tilespmem:s26+$0xF0]  }
0x11b: {  	v2 =	vmul.f32 v6, v3;
	v6 =	vld [tilespmem:s24+$0xF0]  }
0x11c: {  	v1 =	vld [tilespmem:s26+$0xFFFFFF70]  }
.Ltmp1:
0x11d: {  	[tilespmem:s26+$0xFFFFFFE0] =	vst v2;
	v2 =	vld [tilespmem:s26+$0xFFFFFFF0];
	v3 =	vmul.f32 v9, v8;
	(pc) =	sbr.rel @p0 .LBB2_5-.Ltmp1, $4  }
0x11e: {  	v5 =	vmul.f32 v4, v7;
	v4 =	vld [tilespmem:s24+$0xFFFFFFF0]  }
0x11f: {  	[tilespmem:s26+$0x60] =	vst v3;
	v3 =	vld [tilespmem:s26+$0x70]  }
0x120: {  	[tilespmem:s26+$0xFFFFFF60] =	vst v5;
	v5 =	vld [tilespmem:s24+$0x70];
	v7 =	vmul.f32 v6, v10  }
0x121: {  	s26 =	sadd.s32 $0x200, s26;
	v6 =	vld [tilespmem:s24+$0xFFFFFF70]  }
0x122: {  	_ =	sdelay $0x1  }
0x123: {  	v2 =	vmul.f32 v4, v2  }
0x124: {  	[tilespmem:s23+$0xF0] =	vst v7;
	v3 =	vmul.f32 v5, v3  }
0x125: {  	[tilespmem:s23+$0xFFFFFFF0] =	vst v2;
	v1 =	vmul.f32 v6, v1  }
0x126: {  	[tilespmem:s23+$0x70] =	vst v3  }
0x127: {  	[tilespmem:s23+$0xFFFFFF70] =	vst v1;
	s23 =	smul.u32 $0xA0, s22  }
0x128: {  	[spmem:s2] =	stream.indirect.scatter.add.f32 [tilespmem:s28], [sflag:$0x7], $0x80, s31, s11, $0xb8;
	[tilespmem:$0x1D9C0] =	vst v63  }
0x129: {  	_ =	swait.ge [sflag:s29], $0x2800;
	s17 =	sadd.s32 s23, s14  }
0x12a: {  	[sflag:s29] =	ssyncset.done $0x0;
	s24 =	sshrl.u32 s17, $0x3  }
0x12b: {  	s17 =	sshll.u32 s17, $0x4;
	[sflag:s29] =	ssyncadd.s32 $0xFFFFD800;
	s25 =	sadd.s32 s6, s24  }
0x12c: {  	[tilespmem:s30], [sflag:$0x1] =	stream.linear.gather [hbm4b:s25+s4], $0x50, $0x38;
	[tilespmem:$0x1D9C0] =	vst v63  }
0x12d: {  	s24 =	sadd.s32 s7, s24;
	s17 =	sand.u32 $0x1FFFFF00, s17  }
0x12e: {  	[tilespmem:s31], [sflag:$0x1] =	stream.linear.gather [hbm4b:s24+s4], $0x50, $0x38;
	[tilespmem:$0x1D9C0] =	vst v63  }
0x12f: {  	s17 =	sadd.s32 s5, s17  }
0x130: {  	[tilespmem:s0], [sflag:$0x3] =	stream.linear.gather [hbm4b:s17+s4], $0x2800, $0x38;
	[tilespmem:$0x1D9C0] =	vst v63  }
0x131: {  	_ =	swait.ge [sflag:s10], $0x50  }
0x132: {  	[sflag:s10] =	ssyncset.done $0x0  }
0x133: {  	[sflag:s10] =	ssyncadd.s32 $0xFFFFFFB0  }
0x134: {  	_ =	swait.ge [sflag:s10], $0x50  }
0x135: {  	[sflag:s10] =	ssyncset.done $0x0  }
0x136: {  	[sflag:s10] =	ssyncadd.s32 $0xFFFFFFB0  }
0x137: {  	[tilespmem:s28], [sflag:$0x5] =	stream.indirect.gather [hbm4b:s1+s11], $0x80, s30, s11, $0xb8;
	[tilespmem:$0x1D9C0] =	vst v63  }
0x138: {  	_ =	swait.ge [sflag:s19], $0x2800  }
0x139: {  	[sflag:s19] =	ssyncset.done $0x0  }
0x13a: {  	[sflag:s19] =	ssyncadd.s32 $0xFFFFD800  }
0x13b: {  	_ =	swait.ge [sflag:s20], $0x2800  }
0x13c: {  	[sflag:s20] =	ssyncset.done $0x0  }
0x13d: {  	s24 =	simm.s32 $0x16270;
	[sflag:s20] =	ssyncadd.s32 $0xFFFFD800  }
0x13e: {  	s25 =	simm.s32 $0x1B270;
	v1 =	vld [tilespmem:s24+$0xFFFFFF90]  }
0x13f: {  	v2 =	vld [tilespmem:s25+$0xFFFFFF90]  }
0x140: {  	v3 =	vld [tilespmem:s24+$0xFFFFFE90]  }
0x141: {  	v4 =	vld [tilespmem:s25+$0xFFFFFE90]  }
0x142: {  	v5 =	vld [tilespmem:s24+$0xFFFFFF10]  }
0x143: {  	v6 =	vld [tilespmem:s25+$0xFFFFFF10]  }
0x144: {  	v7 =	vld [tilespmem:s24+$0xFFFFFE10];
	v1 =	vmul.f32 v2, v1  }
0x145: {  	v2 =	vld [tilespmem:s25+$0xFFFFFE10]  }
0x146: {  	[tilespmem:s24+$0xFFFFFF90] =	vst v1;
	v1 =	vld [tilespmem:s24+$0xFFFFFFA0]  }
0x147: {  	v3 =	vmul.f32 v4, v3;
	v4 =	vld [tilespmem:s25+$0xFFFFFFA0]  }
0x148: {  	v8 =	vld [tilespmem:s24+$0xFFFFFE20]  }
0x149: {  	[tilespmem:s24+$0xFFFFFE90] =	vst v3;
	v3 =	vmul.f32 v6, v5;
	v5 =	vld [tilespmem:s24+$0xFFFFFEA0]  }
0x14a: {  	v6 =	vld [tilespmem:s25+$0xFFFFFEA0];
	v2 =	vmul.f32 v2, v7  }
0x14b: {  	[tilespmem:s24+$0xFFFFFF10] =	vst v3;
	v3 =	vld [tilespmem:s24+$0xFFFFFF20]  }
0x14c: {  	v7 =	vld [tilespmem:s25+$0xFFFFFF20];
	[tilespmem:s24+$0xFFFFFE10] =	vst v2;
	v1 =	vmul.f32 v4, v1  }
0x14d: {  	v2 =	vld [tilespmem:s25+$0xFFFFFE20]  }
0x14e: {  	[tilespmem:s24+$0xFFFFFFA0] =	vst v1;
	v1 =	vld [tilespmem:s24+$0xFFFFFFB0]  }
0x14f: {  	v4 =	vmul.f32 v6, v5;
	v5 =	vld [tilespmem:s25+$0xFFFFFFB0]  }
0x150: {  	v6 =	vld [tilespmem:s24+$0xFFFFFE30]  }
0x151: {  	[tilespmem:s24+$0xFFFFFEA0] =	vst v4;
	v3 =	vmul.f32 v7, v3;
	v4 =	vld [tilespmem:s24+$0xFFFFFEB0]  }
0x152: {  	v7 =	vld [tilespmem:s25+$0xFFFFFEB0];
	v2 =	vmul.f32 v2, v8  }
0x153: {  	[tilespmem:s24+$0xFFFFFF20] =	vst v3;
	v3 =	vld [tilespmem:s24+$0xFFFFFF30]  }
0x154: {  	v8 =	vld [tilespmem:s25+$0xFFFFFF30];
	[tilespmem:s24+$0xFFFFFE20] =	vst v2;
	v1 =	vmul.f32 v5, v1  }
0x155: {  	v2 =	vld [tilespmem:s25+$0xFFFFFE30]  }
0x156: {  	[tilespmem:s24+$0xFFFFFFB0] =	vst v1;
	v1 =	vld [tilespmem:s24+$0xFFFFFFC0]  }
0x157: {  	v4 =	vmul.f32 v7, v4;
	v5 =	vld [tilespmem:s25+$0xFFFFFFC0]  }
0x158: {  	v7 =	vld [tilespmem:s24+$0xFFFFFE40]  }
0x159: {  	[tilespmem:s24+$0xFFFFFEB0] =	vst v4;
	v3 =	vmul.f32 v8, v3;
	v4 =	vld [tilespmem:s24+$0xFFFFFEC0]  }
0x15a: {  	v8 =	vld [tilespmem:s25+$0xFFFFFEC0];
	v2 =	vmul.f32 v2, v6  }
0x15b: {  	[tilespmem:s24+$0xFFFFFF30] =	vst v3;
	v3 =	vld [tilespmem:s24+$0xFFFFFF40]  }
0x15c: {  	v6 =	vld [tilespmem:s25+$0xFFFFFF40];
	[tilespmem:s24+$0xFFFFFE30] =	vst v2;
	v1 =	vmul.f32 v5, v1  }
0x15d: {  	v2 =	vld [tilespmem:s25+$0xFFFFFE40]  }
0x15e: {  	[tilespmem:s24+$0xFFFFFFC0] =	vst v1;
	v1 =	vld [tilespmem:s24+$0xFFFFFFD0]  }
0x15f: {  	v4 =	vmul.f32 v8, v4;
	v5 =	vld [tilespmem:s25+$0xFFFFFFD0]  }
0x160: {  	v8 =	vld [tilespmem:s24+$0xFFFFFE50]  }
0x161: {  	[tilespmem:s24+$0xFFFFFEC0] =	vst v4;
	v3 =	vmul.f32 v6, v3;
	v4 =	vld [tilespmem:s24+$0xFFFFFED0]  }
0x162: {  	v6 =	vld [tilespmem:s25+$0xFFFFFED0];
	v2 =	vmul.f32 v2, v7  }
0x163: {  	[tilespmem:s24+$0xFFFFFF40] =	vst v3;
	v3 =	vld [tilespmem:s24+$0xFFFFFF50]  }
0x164: {  	v7 =	vld [tilespmem:s25+$0xFFFFFF50];
	[tilespmem:s24+$0xFFFFFE40] =	vst v2;
	v1 =	vmul.f32 v5, v1  }
0x165: {  	v2 =	vld [tilespmem:s25+$0xFFFFFE50]  }
0x166: {  	[tilespmem:s24+$0xFFFFFFD0] =	vst v1;
	v1 =	vld [tilespmem:s24+$0xFFFFFFE0]  }
0x167: {  	v4 =	vmul.f32 v6, v4;
	v5 =	vld [tilespmem:s25+$0xFFFFFFE0]  }
0x168: {  	v6 =	vld [tilespmem:s24+$0xFFFFFE60]  }
0x169: {  	[tilespmem:s24+$0xFFFFFED0] =	vst v4;
	v3 =	vmul.f32 v7, v3;
	v4 =	vld [tilespmem:s24+$0xFFFFFEE0]  }
0x16a: {  	v7 =	vld [tilespmem:s25+$0xFFFFFEE0];
	v2 =	vmul.f32 v2, v8  }
0x16b: {  	[tilespmem:s24+$0xFFFFFF50] =	vst v3;
	v3 =	vld [tilespmem:s24+$0xFFFFFF60]  }
0x16c: {  	v8 =	vld [tilespmem:s25+$0xFFFFFF60];
	[tilespmem:s24+$0xFFFFFE50] =	vst v2;
	v1 =	vmul.f32 v5, v1  }
0x16d: {  	v2 =	vld [tilespmem:s25+$0xFFFFFE60]  }
0x16e: {  	[tilespmem:s24+$0xFFFFFFE0] =	vst v1;
	v1 =	vld [tilespmem:s24+$0xFFFFFFF0]  }
0x16f: {  	v4 =	vmul.f32 v7, v4;
	v5 =	vld [tilespmem:s25+$0xFFFFFFF0]  }
0x170: {  	v7 =	vld [tilespmem:s24+$0xFFFFFE70]  }
0x171: {  	[tilespmem:s24+$0xFFFFFEE0] =	vst v4;
	v3 =	vmul.f32 v8, v3;
	v4 =	vld [tilespmem:s24+$0xFFFFFEF0]  }
0x172: {  	v8 =	vld [tilespmem:s25+$0xFFFFFEF0];
	v2 =	vmul.f32 v2, v6  }
0x173: {  	[tilespmem:s24+$0xFFFFFF60] =	vst v3;
	v3 =	vld [tilespmem:s24+$0xFFFFFF70]  }
0x174: {  	v6 =	vld [tilespmem:s25+$0xFFFFFF70];
	[tilespmem:s24+$0xFFFFFE60] =	vst v2;
	v1 =	vmul.f32 v5, v1  }
0x175: {  	v5 =	vld [tilespmem:s25+$0xFFFFFE70]  }
0x176: {  	v9 =	vld [tilespmem:s24+$0x0];
	[tilespmem:s24+$0xFFFFFFF0] =	vst v1  }
0x177: {  	v2 =	vmul.f32 v8, v4;
	v8 =	vld [tilespmem:s25+$0x0]  }
0x178: {  	v1 =	vld [tilespmem:s24+$0xFFFFFE80]  }
0x179: {  	[tilespmem:s24+$0xFFFFFEF0] =	vst v2;
	v3 =	vmul.f32 v6, v3;
	v2 =	vld [tilespmem:s24+$0xFFFFFF00]  }
0x17a: {  	v4 =	vld [tilespmem:s25+$0xFFFFFF00];
	v5 =	vmul.f32 v5, v7  }
0x17b: {  	[tilespmem:s24+$0xFFFFFF70] =	vst v3;
	v3 =	vld [tilespmem:s24+$0xFFFFFF80]  }
0x17c: {  	[tilespmem:s24+$0xFFFFFE70] =	vst v5;
	v5 =	vld [tilespmem:s25+$0xFFFFFF80];
	v7 =	vmul.f32 v8, v9  }
0x17d: {  	s26 =	simm.s32 $0x0;
	s17 =	simm.s32 $0x16470;
	v6 =	vld [tilespmem:s25+$0xFFFFFE80]  }
.LBB2_7:
0x17e: {  	v8 =	vld [tilespmem:s17+$0xFFFFFF90];
	[tilespmem:s24+$0x0] =	vst v7;
	s25 =	sadd.s32 $0x200, s25  }
0x17f: {  	s26 =	sadd.s32 $0x4, s26;
	v7 =	vld [tilespmem:s25+$0xFFFFFF90];
	v2 =	vmul.f32 v4, v2  }
0x180: {  	p0 =	slt.u32 s26, $0x4C;
	v4 =	vld [tilespmem:s25+$0xFFFFFE10]  }
0x181: {  	v9 =	vld [tilespmem:s17+$0xFFFFFE90];
	[tilespmem:s24+$0xFFFFFF00] =	vst v2;
	v2 =	vmul.f32 v5, v3  }
0x182: {  	v3 =	vld [tilespmem:s25+$0xFFFFFE90];
	v1 =	vmul.f32 v6, v1  }
0x183: {  	v5 =	vld [tilespmem:s17+$0xFFFFFF10];
	[tilespmem:s24+$0xFFFFFF80] =	vst v2  }
0x184: {  	v2 =	vld [tilespmem:s25+$0xFFFFFF10];
	v6 =	vmul.f32 v7, v8;
	[tilespmem:s24+$0xFFFFFE80] =	vst v1;
	s24 =	smov.u32 s17  }
0x185: {  	v1 =	vld [tilespmem:s17+$0xFFFFFE10]  }
0x186: {  	[tilespmem:s17+$0xFFFFFF90] =	vst v6;
	v6 =	vld [tilespmem:s17+$0xFFFFFFA0]  }
0x187: {  	v3 =	vmul.f32 v3, v9;
	v7 =	vld [tilespmem:s25+$0xFFFFFFA0]  }
0x188: {  	v8 =	vld [tilespmem:s17+$0xFFFFFE20]  }
0x189: {  	[tilespmem:s17+$0xFFFFFE90] =	vst v3;
	v3 =	vld [tilespmem:s17+$0xFFFFFEA0];
	v2 =	vmul.f32 v2, v5  }
0x18a: {  	v1 =	vmul.f32 v4, v1;
	v4 =	vld [tilespmem:s25+$0xFFFFFEA0]  }
0x18b: {  	[tilespmem:s17+$0xFFFFFF10] =	vst v2;
	v2 =	vld [tilespmem:s17+$0xFFFFFF20]  }
0x18c: {  	[tilespmem:s17+$0xFFFFFE10] =	vst v1;
	v1 =	vld [tilespmem:s25+$0xFFFFFF20];
	v5 =	vmul.f32 v7, v6  }
0x18d: {  	v6 =	vld [tilespmem:s25+$0xFFFFFE20]  }
0x18e: {  	[tilespmem:s17+$0xFFFFFFA0] =	vst v5;
	v5 =	vld [tilespmem:s17+$0xFFFFFFB0]  }
0x18f: {  	v3 =	vmul.f32 v4, v3;
	v4 =	vld [tilespmem:s25+$0xFFFFFFB0]  }
0x190: {  	v7 =	vld [tilespmem:s17+$0xFFFFFE30]  }
0x191: {  	[tilespmem:s17+$0xFFFFFEA0] =	vst v3;
	v3 =	vld [tilespmem:s17+$0xFFFFFEB0];
	v1 =	vmul.f32 v1, v2  }
0x192: {  	v2 =	vmul.f32 v6, v8;
	v6 =	vld [tilespmem:s25+$0xFFFFFEB0]  }
0x193: {  	[tilespmem:s17+$0xFFFFFF20] =	vst v1;
	v1 =	vld [tilespmem:s17+$0xFFFFFF30]  }
0x194: {  	[tilespmem:s17+$0xFFFFFE20] =	vst v2;
	v2 =	vld [tilespmem:s25+$0xFFFFFF30];
	v4 =	vmul.f32 v4, v5  }
0x195: {  	v5 =	vld [tilespmem:s25+$0xFFFFFE30]  }
0x196: {  	[tilespmem:s17+$0xFFFFFFB0] =	vst v4;
	v4 =	vld [tilespmem:s17+$0xFFFFFFC0]  }
0x197: {  	v3 =	vmul.f32 v6, v3;
	v6 =	vld [tilespmem:s25+$0xFFFFFFC0]  }
0x198: {  	v8 =	vld [tilespmem:s17+$0xFFFFFE40]  }
0x199: {  	[tilespmem:s17+$0xFFFFFEB0] =	vst v3;
	v3 =	vld [tilespmem:s17+$0xFFFFFEC0];
	v1 =	vmul.f32 v2, v1  }
0x19a: {  	v2 =	vmul.f32 v5, v7;
	v5 =	vld [tilespmem:s25+$0xFFFFFEC0]  }
0x19b: {  	[tilespmem:s17+$0xFFFFFF30] =	vst v1;
	v1 =	vld [tilespmem:s17+$0xFFFFFF40]  }
0x19c: {  	[tilespmem:s17+$0xFFFFFE30] =	vst v2;
	v2 =	vld [tilespmem:s25+$0xFFFFFF40];
	v4 =	vmul.f32 v6, v4  }
0x19d: {  	v6 =	vld [tilespmem:s25+$0xFFFFFE40]  }
0x19e: {  	[tilespmem:s17+$0xFFFFFFC0] =	vst v4;
	v4 =	vld [tilespmem:s17+$0xFFFFFFD0]  }
0x19f: {  	v3 =	vmul.f32 v5, v3;
	v5 =	vld [tilespmem:s25+$0xFFFFFFD0]  }
0x1a0: {  	v7 =	vld [tilespmem:s17+$0xFFFFFE50]  }
0x1a1: {  	[tilespmem:s17+$0xFFFFFEC0] =	vst v3;
	v3 =	vld [tilespmem:s17+$0xFFFFFED0];
	v1 =	vmul.f32 v2, v1  }
0x1a2: {  	v2 =	vmul.f32 v6, v8;
	v6 =	vld [tilespmem:s25+$0xFFFFFED0]  }
0x1a3: {  	[tilespmem:s17+$0xFFFFFF40] =	vst v1;
	v1 =	vld [tilespmem:s17+$0xFFFFFF50]  }
0x1a4: {  	[tilespmem:s17+$0xFFFFFE40] =	vst v2;
	v2 =	vld [tilespmem:s25+$0xFFFFFF50];
	v4 =	vmul.f32 v5, v4  }
0x1a5: {  	v5 =	vld [tilespmem:s25+$0xFFFFFE50]  }
0x1a6: {  	[tilespmem:s17+$0xFFFFFFD0] =	vst v4;
	v4 =	vld [tilespmem:s17+$0xFFFFFFE0]  }
0x1a7: {  	v3 =	vmul.f32 v6, v3;
	v6 =	vld [tilespmem:s25+$0xFFFFFFE0]  }
0x1a8: {  	v8 =	vld [tilespmem:s17+$0xFFFFFE60]  }
0x1a9: {  	[tilespmem:s17+$0xFFFFFED0] =	vst v3;
	v3 =	vld [tilespmem:s17+$0xFFFFFEE0];
	v1 =	vmul.f32 v2, v1  }
0x1aa: {  	v2 =	vmul.f32 v5, v7;
	v5 =	vld [tilespmem:s25+$0xFFFFFEE0]  }
0x1ab: {  	[tilespmem:s17+$0xFFFFFF50] =	vst v1;
	v1 =	vld [tilespmem:s17+$0xFFFFFF60]  }
0x1ac: {  	[tilespmem:s17+$0xFFFFFE50] =	vst v2;
	v2 =	vld [tilespmem:s25+$0xFFFFFF60];
	v4 =	vmul.f32 v6, v4  }
0x1ad: {  	v6 =	vld [tilespmem:s25+$0xFFFFFE60]  }
0x1ae: {  	[tilespmem:s17+$0xFFFFFFE0] =	vst v4;
	v4 =	vld [tilespmem:s17+$0xFFFFFFF0]  }
0x1af: {  	v3 =	vmul.f32 v5, v3;
	v5 =	vld [tilespmem:s25+$0xFFFFFFF0]  }
0x1b0: {  	v7 =	vld [tilespmem:s17+$0xFFFFFE70]  }
0x1b1: {  	[tilespmem:s17+$0xFFFFFEE0] =	vst v3;
	v3 =	vld [tilespmem:s17+$0xFFFFFEF0];
	v1 =	vmul.f32 v2, v1  }
0x1b2: {  	v2 =	vmul.f32 v6, v8;
	v6 =	vld [tilespmem:s25+$0xFFFFFEF0]  }
0x1b3: {  	[tilespmem:s17+$0xFFFFFF60] =	vst v1;
	v8 =	vld [tilespmem:s17+$0xFFFFFF70]  }
0x1b4: {  	[tilespmem:s17+$0xFFFFFE60] =	vst v2;
	v9 =	vld [tilespmem:s25+$0xFFFFFF70];
	v1 =	vmul.f32 v5, v4  }
0x1b5: {  	v4 =	vld [tilespmem:s25+$0xFFFFFE70]  }
0x1b6: {  	[tilespmem:s17+$0xFFFFFFF0] =	vst v1;
	v10 =	vld [tilespmem:s17+$0x0]  }
0x1b7: {  	v2 =	vmul.f32 v6, v3;
	v6 =	vld [tilespmem:s25+$0x0]  }
0x1b8: {  	v1 =	vld [tilespmem:s17+$0xFFFFFE80]  }
.Ltmp2:
0x1b9: {  	[tilespmem:s17+$0xFFFFFEF0] =	vst v2;
	v2 =	vld [tilespmem:s17+$0xFFFFFF00];
	v3 =	vmul.f32 v9, v8;
	(pc) =	sbr.rel @p0 .LBB2_7-.Ltmp2, $4  }
0x1ba: {  	v5 =	vmul.f32 v4, v7;
	v4 =	vld [tilespmem:s25+$0xFFFFFF00]  }
0x1bb: {  	[tilespmem:s17+$0xFFFFFF70] =	vst v3;
	v3 =	vld [tilespmem:s17+$0xFFFFFF80]  }
0x1bc: {  	[tilespmem:s17+$0xFFFFFE70] =	vst v5;
	v5 =	vld [tilespmem:s25+$0xFFFFFF80];
	v7 =	vmul.f32 v6, v10  }
0x1bd: {  	s17 =	sadd.s32 $0x200, s17;
	v6 =	vld [tilespmem:s25+$0xFFFFFE80]  }
0x1be: {  	_ =	sdelay $0x1  }
0x1bf: {  	v2 =	vmul.f32 v4, v2  }
0x1c0: {  	[tilespmem:s24+$0x0] =	vst v7;
	v3 =	vmul.f32 v5, v3  }
0x1c1: {  	[tilespmem:s24+$0xFFFFFF00] =	vst v2;
	v1 =	vmul.f32 v6, v1  }
0x1c2: {  	p0 =	seq.s32 s22, $0x3D;
	[tilespmem:s24+$0xFFFFFF80] =	vst v3  }
.Ltmp3:
0x1c3: {  	[tilespmem:s24+$0xFFFFFE80] =	vst v1;
	(pc) =	sbr.rel @p0 .LBB2_10-.Ltmp3, $4  }
0x1c4: {  	[spmem:s2] =	stream.indirect.scatter.add.f32 [tilespmem:s13], [sflag:$0x7], $0x80, s8, s11, $0xb8;
	[tilespmem:$0x1D9C0] =	vst v63  }
0x1c5: {  	_ =	swait.ge [sflag:s29], $0x2800  }
0x1c6: {  	[sflag:s29] =	ssyncset.done $0x0  }
0x1c7: {  	[sflag:s29] =	ssyncadd.s32 $0xFFFFD800  }
0x1c8: {  	s17 =	sadd.s32 s23, s15  }
0x1c9: {  	s23 =	sshrl.u32 s17, $0x3  }
0x1ca: {  	s24 =	sadd.s32 s6, s23  }
0x1cb: {  	[tilespmem:s3], [sflag:$0x2] =	stream.linear.gather [hbm4b:s24+s4], $0x50, $0x38;
	[tilespmem:$0x1D9C0] =	vst v63  }
.Ltmp4:
0x1cc: {  	s17 =	sshll.u32 s17, $0x4;
	(pc) =	sbr.rel .LBB2_4-.Ltmp4, $4  }
0x1cd: {  	s23 =	sadd.s32 s7, s23;
	s17 =	sand.u32 $0x1FFFFF00, s17  }
0x1ce: {  	[tilespmem:s8], [sflag:$0x2] =	stream.linear.gather [hbm4b:s23+s4], $0x50, $0x38;
	[tilespmem:$0x1D9C0] =	vst v63  }
0x1cf: {  	s22 =	sadd.s32 $0x1, s22;
	s17 =	sadd.s32 s5, s17  }
0x1d0: {  	[tilespmem:s9], [sflag:$0x4] =	stream.linear.gather [hbm4b:s17+s4], $0x2800, $0x38;
	[tilespmem:$0x1D9C0] =	vst v63  }
.LBB2_10:
0x1d1: {  	_ =	swait.ge [sflag:s16], $0x2800  }
0x1d2: {  	[sflag:s16] =	ssyncset.done $0x0  }
0x1d3: {  	[sflag:s16] =	ssyncadd.s32 $0xFFFFD800  }
0x1d4: {  	_ =	swait.ge [sflag:s18], $0x2800  }
0x1d5: {  	[sflag:s18] =	ssyncset.done $0x0  }
0x1d6: {  	s22 =	simm.s32 $0x13980;
	[sflag:s18] =	ssyncadd.s32 $0xFFFFD800  }
0x1d7: {  	s23 =	simm.s32 $0x18980;
	v1 =	vld [tilespmem:s22+$0x80]  }
0x1d8: {  	v2 =	vld [tilespmem:s23+$0x80]  }
0x1d9: {  	v3 =	vld [tilespmem:s22+$0xFFFFFF80]  }
0x1da: {  	v4 =	vld [tilespmem:s23+$0xFFFFFF80]  }
0x1db: {  	v5 =	vld [tilespmem:s22+$0x0]  }
0x1dc: {  	v6 =	vld [tilespmem:s23+$0x0]  }
0x1dd: {  	v7 =	vld [tilespmem:s22+$0xFFFFFF00];
	v1 =	vmul.f32 v2, v1  }
0x1de: {  	v2 =	vld [tilespmem:s23+$0xFFFFFF00]  }
0x1df: {  	[tilespmem:s22+$0x80] =	vst v1;
	v1 =	vld [tilespmem:s22+$0x90]  }
0x1e0: {  	v3 =	vmul.f32 v4, v3;
	v4 =	vld [tilespmem:s23+$0x90]  }
0x1e1: {  	v8 =	vld [tilespmem:s22+$0xFFFFFF10]  }
0x1e2: {  	[tilespmem:s22+$0xFFFFFF80] =	vst v3;
	v3 =	vmul.f32 v6, v5;
	v5 =	vld [tilespmem:s22+$0xFFFFFF90]  }
0x1e3: {  	v6 =	vld [tilespmem:s23+$0xFFFFFF90];
	v2 =	vmul.f32 v2, v7  }
0x1e4: {  	[tilespmem:s22+$0x0] =	vst v3;
	v3 =	vld [tilespmem:s22+$0x10]  }
0x1e5: {  	v7 =	vld [tilespmem:s23+$0x10];
	[tilespmem:s22+$0xFFFFFF00] =	vst v2;
	v1 =	vmul.f32 v4, v1  }
0x1e6: {  	v2 =	vld [tilespmem:s23+$0xFFFFFF10]  }
0x1e7: {  	[tilespmem:s22+$0x90] =	vst v1;
	v1 =	vld [tilespmem:s22+$0xA0]  }
0x1e8: {  	v4 =	vmul.f32 v6, v5;
	v5 =	vld [tilespmem:s23+$0xA0]  }
0x1e9: {  	v6 =	vld [tilespmem:s22+$0xFFFFFF20]  }
0x1ea: {  	[tilespmem:s22+$0xFFFFFF90] =	vst v4;
	v3 =	vmul.f32 v7, v3;
	v4 =	vld [tilespmem:s22+$0xFFFFFFA0]  }
0x1eb: {  	v7 =	vld [tilespmem:s23+$0xFFFFFFA0];
	v2 =	vmul.f32 v2, v8  }
0x1ec: {  	[tilespmem:s22+$0x10] =	vst v3;
	v3 =	vld [tilespmem:s22+$0x20]  }
0x1ed: {  	v8 =	vld [tilespmem:s23+$0x20];
	[tilespmem:s22+$0xFFFFFF10] =	vst v2;
	v1 =	vmul.f32 v5, v1  }
0x1ee: {  	v2 =	vld [tilespmem:s23+$0xFFFFFF20]  }
0x1ef: {  	[tilespmem:s22+$0xA0] =	vst v1;
	v1 =	vld [tilespmem:s22+$0xB0]  }
0x1f0: {  	v4 =	vmul.f32 v7, v4;
	v5 =	vld [tilespmem:s23+$0xB0]  }
0x1f1: {  	v7 =	vld [tilespmem:s22+$0xFFFFFF30]  }
0x1f2: {  	[tilespmem:s22+$0xFFFFFFA0] =	vst v4;
	v3 =	vmul.f32 v8, v3;
	v4 =	vld [tilespmem:s22+$0xFFFFFFB0]  }
0x1f3: {  	v8 =	vld [tilespmem:s23+$0xFFFFFFB0];
	v2 =	vmul.f32 v2, v6  }
0x1f4: {  	[tilespmem:s22+$0x20] =	vst v3;
	v3 =	vld [tilespmem:s22+$0x30]  }
0x1f5: {  	v6 =	vld [tilespmem:s23+$0x30];
	[tilespmem:s22+$0xFFFFFF20] =	vst v2;
	v1 =	vmul.f32 v5, v1  }
0x1f6: {  	v2 =	vld [tilespmem:s23+$0xFFFFFF30]  }
0x1f7: {  	[tilespmem:s22+$0xB0] =	vst v1;
	v1 =	vld [tilespmem:s22+$0xC0]  }
0x1f8: {  	v4 =	vmul.f32 v8, v4;
	v5 =	vld [tilespmem:s23+$0xC0]  }
0x1f9: {  	v8 =	vld [tilespmem:s22+$0xFFFFFF40]  }
0x1fa: {  	[tilespmem:s22+$0xFFFFFFB0] =	vst v4;
	v3 =	vmul.f32 v6, v3;
	v4 =	vld [tilespmem:s22+$0xFFFFFFC0]  }
0x1fb: {  	v6 =	vld [tilespmem:s23+$0xFFFFFFC0];
	v2 =	vmul.f32 v2, v7  }
0x1fc: {  	[tilespmem:s22+$0x30] =	vst v3;
	v3 =	vld [tilespmem:s22+$0x40]  }
0x1fd: {  	v7 =	vld [tilespmem:s23+$0x40];
	[tilespmem:s22+$0xFFFFFF30] =	vst v2;
	v1 =	vmul.f32 v5, v1  }
0x1fe: {  	v2 =	vld [tilespmem:s23+$0xFFFFFF40]  }
0x1ff: {  	[tilespmem:s22+$0xC0] =	vst v1;
	v1 =	vld [tilespmem:s22+$0xD0]  }
0x200: {  	v4 =	vmul.f32 v6, v4;
	v5 =	vld [tilespmem:s23+$0xD0]  }
0x201: {  	v6 =	vld [tilespmem:s22+$0xFFFFFF50]  }
0x202: {  	[tilespmem:s22+$0xFFFFFFC0] =	vst v4;
	v3 =	vmul.f32 v7, v3;
	v4 =	vld [tilespmem:s22+$0xFFFFFFD0]  }
0x203: {  	v7 =	vld [tilespmem:s23+$0xFFFFFFD0];
	v2 =	vmul.f32 v2, v8  }
0x204: {  	[tilespmem:s22+$0x40] =	vst v3;
	v3 =	vld [tilespmem:s22+$0x50]  }
0x205: {  	v8 =	vld [tilespmem:s23+$0x50];
	[tilespmem:s22+$0xFFFFFF40] =	vst v2;
	v1 =	vmul.f32 v5, v1  }
0x206: {  	v2 =	vld [tilespmem:s23+$0xFFFFFF50]  }
0x207: {  	[tilespmem:s22+$0xD0] =	vst v1;
	v1 =	vld [tilespmem:s22+$0xE0]  }
0x208: {  	v4 =	vmul.f32 v7, v4;
	v5 =	vld [tilespmem:s23+$0xE0]  }
0x209: {  	v7 =	vld [tilespmem:s22+$0xFFFFFF60]  }
0x20a: {  	[tilespmem:s22+$0xFFFFFFD0] =	vst v4;
	v3 =	vmul.f32 v8, v3;
	v4 =	vld [tilespmem:s22+$0xFFFFFFE0]  }
0x20b: {  	v8 =	vld [tilespmem:s23+$0xFFFFFFE0];
	v2 =	vmul.f32 v2, v6  }
0x20c: {  	[tilespmem:s22+$0x50] =	vst v3;
	v3 =	vld [tilespmem:s22+$0x60]  }
0x20d: {  	v6 =	vld [tilespmem:s23+$0x60];
	[tilespmem:s22+$0xFFFFFF50] =	vst v2;
	v1 =	vmul.f32 v5, v1  }
0x20e: {  	v5 =	vld [tilespmem:s23+$0xFFFFFF60]  }
0x20f: {  	v9 =	vld [tilespmem:s22+$0xF0];
	[tilespmem:s22+$0xE0] =	vst v1  }
0x210: {  	v2 =	vmul.f32 v8, v4;
	v8 =	vld [tilespmem:s23+$0xF0]  }
0x211: {  	v1 =	vld [tilespmem:s22+$0xFFFFFF70]  }
0x212: {  	[tilespmem:s22+$0xFFFFFFE0] =	vst v2;
	v3 =	vmul.f32 v6, v3;
	v2 =	vld [tilespmem:s22+$0xFFFFFFF0]  }
0x213: {  	v4 =	vld [tilespmem:s23+$0xFFFFFFF0];
	v5 =	vmul.f32 v5, v7  }
0x214: {  	[tilespmem:s22+$0x60] =	vst v3;
	v3 =	vld [tilespmem:s22+$0x70]  }
0x215: {  	[tilespmem:s22+$0xFFFFFF60] =	vst v5;
	v5 =	vld [tilespmem:s23+$0x70];
	v7 =	vmul.f32 v8, v9  }
0x216: {  	s24 =	simm.s32 $0x0;
	s17 =	simm.s32 $0x13B80;
	v6 =	vld [tilespmem:s23+$0xFFFFFF70]  }
.LBB2_11:
0x217: {  	v8 =	vld [tilespmem:s17+$0x80];
	[tilespmem:s22+$0xF0] =	vst v7;
	s23 =	sadd.s32 $0x200, s23  }
0x218: {  	s24 =	sadd.s32 $0x4, s24;
	v7 =	vld [tilespmem:s23+$0x80];
	v2 =	vmul.f32 v4, v2  }
0x219: {  	p0 =	slt.u32 s24, $0x4C;
	v4 =	vld [tilespmem:s23+$0xFFFFFF00]  }
0x21a: {  	v9 =	vld [tilespmem:s17+$0xFFFFFF80];
	[tilespmem:s22+$0xFFFFFFF0] =	vst v2;
	v2 =	vmul.f32 v5, v3  }
0x21b: {  	v3 =	vld [tilespmem:s23+$0xFFFFFF80];
	v1 =	vmul.f32 v6, v1  }
0x21c: {  	v5 =	vld [tilespmem:s17+$0x0];
	[tilespmem:s22+$0x70] =	vst v2  }
0x21d: {  	v2 =	vld [tilespmem:s23+$0x0];
	v6 =	vmul.f32 v7, v8;
	[tilespmem:s22+$0xFFFFFF70] =	vst v1;
	s22 =	smov.u32 s17  }
0x21e: {  	v1 =	vld [tilespmem:s17+$0xFFFFFF00]  }
0x21f: {  	[tilespmem:s17+$0x80] =	vst v6;
	v6 =	vld [tilespmem:s17+$0x90]  }
0x220: {  	v3 =	vmul.f32 v3, v9;
	v7 =	vld [tilespmem:s23+$0x90]  }
0x221: {  	v8 =	vld [tilespmem:s17+$0xFFFFFF10]  }
0x222: {  	[tilespmem:s17+$0xFFFFFF80] =	vst v3;
	v3 =	vld [tilespmem:s17+$0xFFFFFF90];
	v2 =	vmul.f32 v2, v5  }
0x223: {  	v1 =	vmul.f32 v4, v1;
	v4 =	vld [tilespmem:s23+$0xFFFFFF90]  }
0x224: {  	[tilespmem:s17+$0x0] =	vst v2;
	v2 =	vld [tilespmem:s17+$0x10]  }
0x225: {  	[tilespmem:s17+$0xFFFFFF00] =	vst v1;
	v1 =	vld [tilespmem:s23+$0x10];
	v5 =	vmul.f32 v7, v6  }
0x226: {  	v6 =	vld [tilespmem:s23+$0xFFFFFF10]  }
0x227: {  	[tilespmem:s17+$0x90] =	vst v5;
	v5 =	vld [tilespmem:s17+$0xA0]  }
0x228: {  	v3 =	vmul.f32 v4, v3;
	v4 =	vld [tilespmem:s23+$0xA0]  }
0x229: {  	v7 =	vld [tilespmem:s17+$0xFFFFFF20]  }
0x22a: {  	[tilespmem:s17+$0xFFFFFF90] =	vst v3;
	v3 =	vld [tilespmem:s17+$0xFFFFFFA0];
	v1 =	vmul.f32 v1, v2  }
0x22b: {  	v2 =	vmul.f32 v6, v8;
	v6 =	vld [tilespmem:s23+$0xFFFFFFA0]  }
0x22c: {  	[tilespmem:s17+$0x10] =	vst v1;
	v1 =	vld [tilespmem:s17+$0x20]  }
0x22d: {  	[tilespmem:s17+$0xFFFFFF10] =	vst v2;
	v2 =	vld [tilespmem:s23+$0x20];
	v4 =	vmul.f32 v4, v5  }
0x22e: {  	v5 =	vld [tilespmem:s23+$0xFFFFFF20]  }
0x22f: {  	[tilespmem:s17+$0xA0] =	vst v4;
	v4 =	vld [tilespmem:s17+$0xB0]  }
0x230: {  	v3 =	vmul.f32 v6, v3;
	v6 =	vld [tilespmem:s23+$0xB0]  }
0x231: {  	v8 =	vld [tilespmem:s17+$0xFFFFFF30]  }
0x232: {  	[tilespmem:s17+$0xFFFFFFA0] =	vst v3;
	v3 =	vld [tilespmem:s17+$0xFFFFFFB0];
	v1 =	vmul.f32 v2, v1  }
0x233: {  	v2 =	vmul.f32 v5, v7;
	v5 =	vld [tilespmem:s23+$0xFFFFFFB0]  }
0x234: {  	[tilespmem:s17+$0x20] =	vst v1;
	v1 =	vld [tilespmem:s17+$0x30]  }
0x235: {  	[tilespmem:s17+$0xFFFFFF20] =	vst v2;
	v2 =	vld [tilespmem:s23+$0x30];
	v4 =	vmul.f32 v6, v4  }
0x236: {  	v6 =	vld [tilespmem:s23+$0xFFFFFF30]  }
0x237: {  	[tilespmem:s17+$0xB0] =	vst v4;
	v4 =	vld [tilespmem:s17+$0xC0]  }
0x238: {  	v3 =	vmul.f32 v5, v3;
	v5 =	vld [tilespmem:s23+$0xC0]  }
0x239: {  	v7 =	vld [tilespmem:s17+$0xFFFFFF40]  }
0x23a: {  	[tilespmem:s17+$0xFFFFFFB0] =	vst v3;
	v3 =	vld [tilespmem:s17+$0xFFFFFFC0];
	v1 =	vmul.f32 v2, v1  }
0x23b: {  	v2 =	vmul.f32 v6, v8;
	v6 =	vld [tilespmem:s23+$0xFFFFFFC0]  }
0x23c: {  	[tilespmem:s17+$0x30] =	vst v1;
	v1 =	vld [tilespmem:s17+$0x40]  }
0x23d: {  	[tilespmem:s17+$0xFFFFFF30] =	vst v2;
	v2 =	vld [tilespmem:s23+$0x40];
	v4 =	vmul.f32 v5, v4  }
0x23e: {  	v5 =	vld [tilespmem:s23+$0xFFFFFF40]  }
0x23f: {  	[tilespmem:s17+$0xC0] =	vst v4;
	v4 =	vld [tilespmem:s17+$0xD0]  }
0x240: {  	v3 =	vmul.f32 v6, v3;
	v6 =	vld [tilespmem:s23+$0xD0]  }
0x241: {  	v8 =	vld [tilespmem:s17+$0xFFFFFF50]  }
0x242: {  	[tilespmem:s17+$0xFFFFFFC0] =	vst v3;
	v3 =	vld [tilespmem:s17+$0xFFFFFFD0];
	v1 =	vmul.f32 v2, v1  }
0x243: {  	v2 =	vmul.f32 v5, v7;
	v5 =	vld [tilespmem:s23+$0xFFFFFFD0]  }
0x244: {  	[tilespmem:s17+$0x40] =	vst v1;
	v1 =	vld [tilespmem:s17+$0x50]  }
0x245: {  	[tilespmem:s17+$0xFFFFFF40] =	vst v2;
	v2 =	vld [tilespmem:s23+$0x50];
	v4 =	vmul.f32 v6, v4  }
0x246: {  	v6 =	vld [tilespmem:s23+$0xFFFFFF50]  }
0x247: {  	[tilespmem:s17+$0xD0] =	vst v4;
	v4 =	vld [tilespmem:s17+$0xE0]  }
0x248: {  	v3 =	vmul.f32 v5, v3;
	v5 =	vld [tilespmem:s23+$0xE0]  }
0x249: {  	v7 =	vld [tilespmem:s17+$0xFFFFFF60]  }
0x24a: {  	[tilespmem:s17+$0xFFFFFFD0] =	vst v3;
	v3 =	vld [tilespmem:s17+$0xFFFFFFE0];
	v1 =	vmul.f32 v2, v1  }
0x24b: {  	v2 =	vmul.f32 v6, v8;
	v6 =	vld [tilespmem:s23+$0xFFFFFFE0]  }
0x24c: {  	[tilespmem:s17+$0x50] =	vst v1;
	v8 =	vld [tilespmem:s17+$0x60]  }
0x24d: {  	[tilespmem:s17+$0xFFFFFF50] =	vst v2;
	v9 =	vld [tilespmem:s23+$0x60];
	v1 =	vmul.f32 v5, v4  }
0x24e: {  	v4 =	vld [tilespmem:s23+$0xFFFFFF60]  }
0x24f: {  	[tilespmem:s17+$0xE0] =	vst v1;
	v10 =	vld [tilespmem:s17+$0xF0]  }
0x250: {  	v2 =	vmul.f32 v6, v3;
	v6 =	vld [tilespmem:s23+$0xF0]  }
0x251: {  	v1 =	vld [tilespmem:s17+$0xFFFFFF70]  }
.Ltmp5:
0x252: {  	[tilespmem:s17+$0xFFFFFFE0] =	vst v2;
	v2 =	vld [tilespmem:s17+$0xFFFFFFF0];
	v3 =	vmul.f32 v9, v8;
	(pc) =	sbr.rel @p0 .LBB2_11-.Ltmp5, $4  }
0x253: {  	v5 =	vmul.f32 v4, v7;
	v4 =	vld [tilespmem:s23+$0xFFFFFFF0]  }
0x254: {  	[tilespmem:s17+$0x60] =	vst v3;
	v3 =	vld [tilespmem:s17+$0x70]  }
0x255: {  	[tilespmem:s17+$0xFFFFFF60] =	vst v5;
	v5 =	vld [tilespmem:s23+$0x70];
	v7 =	vmul.f32 v6, v10  }
0x256: {  	s17 =	sadd.s32 $0x200, s17;
	v6 =	vld [tilespmem:s23+$0xFFFFFF70]  }
0x257: {  	_ =	sdelay $0x1  }
0x258: {  	v2 =	vmul.f32 v4, v2  }
0x259: {  	[tilespmem:s22+$0xF0] =	vst v7;
	v3 =	vmul.f32 v5, v3  }
0x25a: {  	[tilespmem:s22+$0xFFFFFFF0] =	vst v2;
	v1 =	vmul.f32 v6, v1  }
0x25b: {  	[tilespmem:s22+$0x70] =	vst v3  }
0x25c: {  	[tilespmem:s22+$0xFFFFFF70] =	vst v1  }
0x25d: {  	[spmem:s2] =	stream.indirect.scatter.add.f32 [tilespmem:s28], [sflag:$0x7], $0x80, s31, s11, $0xb8;
	[tilespmem:$0x1D9C0] =	vst v63  }
0x25e: {  	_ =	swait.ge [sflag:s29], $0x2800  }
0x25f: {  	[sflag:s29] =	ssyncset.done $0x0  }
0x260: {  	[sflag:s29] =	ssyncadd.s32 $0xFFFFD800  }
0x261: {  	s17 =	stileid.u32;
	[bflag:$0x0] =	sbarrier.arrive $0xFFFF  }
0x262: {  	s17 =	sshll.u32 s17, $0x6;
	s25 =	rddreg [dreg:$0xa]  }
0x263: {  	s17 =	sor.u32 $0x1C07, s17;
	s23 =	rddreg [dreg:$0x13]  }
0x264: {  	[hbm:s25], [sflag:s17] =	dma.local [spmem:s23], $0x2800  }
0x265: {  	_ =	swait.ge [sflag:s29], $0x2800  }
0x266: {  	s21 =	sadd.s32 $0x1, s21;
	s26 =	rddreg [dreg:$0xc]  }
0x267: {  	p0 =	sne.s32 s21, s26  }
.Ltmp6:
0x268: {  	_ = 	snop;
	(pc) =	sbr.rel @p0 .LBB2_1-.Ltmp6, $3  }
0x269: {  	_ =	sdelay $0x1  }
0x26a: {  	[sflag:s29] =	ssyncset.done $0x0  }
0x26b: {  	[sflag:s29] =	ssyncadd.s32 $0xFFFFD800  }
0x26c: {  	_ =	sfence.sel $0x180000  }
0x26d: {  	[bflag:$0x0] =	sbarrier.arrive $0xFFFF  }
0x26e: {  	_ =	strace $0x9000004D  }
0x26f: {  	s0 =	stileid.u32;
	[bflag:$0x2] =	sbarrier.arrive $0xFFFF  }
0x270: {  	p0 =	sne.s32 s0, $0x0;
	s0 =	rddreg [dreg:$0x3]  }
0x271: {  	s0 =	sadd.s32 @!p0 $0x100000, s0  }
0x272: {  	[sflag:s0] =	ssyncadd.tile.s32 @!p0 $0x1;
	_ =	shalt  }
.Lfunc_end2:
_tile_overlayer_lowered:
.L_overlay_start_2:
0x273: {  	(tag) =	ssettag $0x2  }
0x274: {  	s0 =	rddreg [dreg:$0x0];
	s2 =	stileid.u32  }
0x275: {  	s1 =	rddreg [dreg:$0x1];
	p0 =	sne.s32 s2, $0x0  }
0x276: {  	s3 =	rddreg [dreg:$0x2];
	[bflag:$0x3] =	sbarrier.arrive $0xFFFF;
	s2 =	simm.s32 @!p0 $0x1C07  }
0x277: {  	[timem:s3], [sflag:s2] =	dma.local @!p0 [hbm:s0], s1  }
0x278: {  	s0 =	simm.s32 @!p0 $0x7  }
0x279: {  	_ =	swait.ge @!p0 [sflag:s0], s1  }
0x27a: {  	s1 =	ssub.s32 @!p0 $0x0, s1;
	[sflag:s0] =	ssyncset.done @!p0 $0x0  }
0x27b: {  	[sflag:s0] =	ssyncadd.s32 @!p0 s1  }
0x27c: {  	[bflag:$0x3] =	sbarrier.arrive $0xFFFF  }
0x27d: {  	_ =	shalt  }

</sc_bundles>
